<compile_context>
chip_gen: v7x
topology: tpu7x:2x2x1
jax: 0.10.2.dev20260603
libtpu: 0.0.44.dev20260713+nightly
codegen_flags: <defaults>
</compile_context>

<pallas_src>
import functools

import jax
import jax.numpy as jnp
from jax import lax
from jax.experimental import pallas as pl
from jax.experimental.pallas import tpu as pltpu
from jax.experimental.pallas import tpu_sc as plsc

N = 10000
K = 16
D = 128
M = N * K
BN = 80
BM = BN * K
GRID = N // BN

_NW = 32
_L = 16
_CPW = D // _NW
_CH = 3200
_UNROLL = 8
_NCHUNK = M // _CH


def _sc_gather(table_t, idx_t):
    mesh = plsc.VectorSubcoreMesh(core_axis_name="c", subcore_axis_name="s")

    @functools.partial(
        pl.kernel,
        out_type=jax.ShapeDtypeStruct((D, M), jnp.float32),
        mesh=mesh,
        compiler_params=pltpu.CompilerParams(needs_layout_passes=False),
        scratch_types=[
            pltpu.VMEM((_CPW, N), jnp.float32),
            pltpu.VMEM((2, _CPW, _CH), jnp.int32),
            pltpu.VMEM((2, _CPW, _CH), jnp.float32),
            pltpu.SemaphoreType.DMA,
            pltpu.SemaphoreType.DMA,
        ],
    )
    def run(table_hbm, idx_hbm, out_hbm, table_v, idx_v, out_v,
            idx_sem, out_sem):
        nc = lax.axis_size("c")
        wid = lax.axis_index("s") * nc + lax.axis_index("c")
        c0 = wid * _CPW
        pltpu.sync_copy(table_hbm.at[pl.ds(c0, _CPW), :], table_v)

        def idx_dma(g, b):
            return pltpu.async_copy(
                idx_hbm.at[pl.ds(c0, _CPW), pl.ds(g * _CH, _CH)],
                idx_v.at[b], idx_sem)

        def out_dma(g, b):
            return pltpu.async_copy(
                out_v.at[b],
                out_hbm.at[pl.ds(c0, _CPW), pl.ds(g * _CH, _CH)], out_sem)

        idx_dma(0, 0)

        def pair_body(go, _):
            for b in range(2):
                g = go * 2 + b
                pltpu.make_async_copy(
                    idx_hbm.at[pl.ds(c0, _CPW), pl.ds(0, _CH)],
                    idx_v.at[b], idx_sem).wait()

                @pl.when(g + 1 < _NCHUNK)
                def _(g=g, b=b):
                    idx_dma(g + 1, 1 - b)

                @pl.when(g >= 2)
                def _(b=b):
                    pltpu.make_async_copy(
                        out_v.at[b],
                        out_hbm.at[pl.ds(c0, _CPW), pl.ds(0, _CH)],
                        out_sem).wait()

                for j in range(_CPW):
                    col_j = jnp.full((_L,), j, dtype=jnp.int32)

                    def inner(i, _, b=b, j=j, col_j=col_j):
                        base = i * (_L * _UNROLL)
                        for u in range(_UNROLL):
                            off = base + u * _L
                            rows = idx_v[b, j, pl.ds(off, _L)]
                            out_v[b, j, pl.ds(off, _L)] = plsc.load_gather(
                                table_v, [col_j, rows])
                        return 0

                    lax.fori_loop(0, _CH // (_L * _UNROLL), inner, 0)

                out_dma(g, b)
            return 0

        lax.fori_loop(0, _NCHUNK // 2, pair_body, 0)
        for _ in range(2):
            pltpu.make_async_copy(
                out_v.at[0],
                out_hbm.at[pl.ds(c0, _CPW), pl.ds(0, _CH)], out_sem).wait()

    return run(table_t, idx_t)


def _silu(x):
    return x * jax.nn.sigmoid(x)


def _ln(x, g, b):
    mu = jnp.mean(x, axis=-1, keepdims=True)
    var = jnp.mean((x - mu) ** 2, axis=-1, keepdims=True)
    return (x - mu) * jax.lax.rsqrt(var + 1e-5) * g + b


def _node_block_kernel(nodes_ref, g_ref, edges_ref, mask_ref,
                       w0a_ref, w0b_ref, w0c_ref, b0_ref,
                       w1_ref, b1_ref, w2_ref, b2_ref, w3_ref, b3_ref,
                       wf0_ref, bf0_ref, wf1_ref, bf1_ref,
                       ln1g_ref, ln1b_ref, ln2g_ref, ln2b_ref,
                       out_ref):
    nodes_blk = nodes_ref[...]
    g_blk = g_ref[...]
    edges_blk = edges_ref[...]
    mask_blk = mask_ref[...]

    row_of = lax.broadcasted_iota(jnp.int32, (BM, BN), 0) // K
    col_of = lax.broadcasted_iota(jnp.int32, (BM, BN), 1)
    R = (row_of == col_of).astype(jnp.float32)

    p = jnp.dot(nodes_blk, w0a_ref[...], preferred_element_type=jnp.float32)
    h = jnp.dot(R, p, preferred_element_type=jnp.float32)
    h += lax.dot_general(g_blk, w0b_ref[...], (((0,), (0,)), ((), ())),
                         preferred_element_type=jnp.float32)
    h += jnp.dot(edges_blk, w0c_ref[...], preferred_element_type=jnp.float32)
    h = _silu(h + b0_ref[...])
    h = _silu(jnp.dot(h, w1_ref[...], preferred_element_type=jnp.float32) + b1_ref[...])
    h = _silu(jnp.dot(h, w2_ref[...], preferred_element_type=jnp.float32) + b2_ref[...])
    h = jnp.dot(h, w3_ref[...], preferred_element_type=jnp.float32) + b3_ref[...]

    hm = h * mask_blk
    nodes1 = jnp.dot(R.T, hm, preferred_element_type=jnp.float32)

    x = _ln(nodes_blk + nodes1, ln1g_ref[...], ln1b_ref[...])
    y = _silu(jnp.dot(x, wf0_ref[...], preferred_element_type=jnp.float32) + bf0_ref[...])
    y = jnp.dot(y, wf1_ref[...], preferred_element_type=jnp.float32) + bf1_ref[...]
    out_ref[...] = _ln(y + x, ln2g_ref[...], ln2b_ref[...])


def _edge_block_kernel(nodes_ref, g_ref, edges_ref,
                       w0a_ref, w0b_ref, w0c_ref, b0_ref,
                       w1_ref, b1_ref, w2_ref, b2_ref, w3_ref, b3_ref,
                       elng_ref, elnb_ref,
                       out_ref):
    nodes_blk = nodes_ref[...]
    g_blk = g_ref[...]
    edges_blk = edges_ref[...]

    row_of = lax.broadcasted_iota(jnp.int32, (BM, BN), 0) // K
    col_of = lax.broadcasted_iota(jnp.int32, (BM, BN), 1)
    R = (row_of == col_of).astype(jnp.float32)

    p = jnp.dot(nodes_blk, w0a_ref[...], preferred_element_type=jnp.float32)
    h = jnp.dot(R, p, preferred_element_type=jnp.float32)
    h += lax.dot_general(g_blk, w0b_ref[...], (((0,), (0,)), ((), ())),
                         preferred_element_type=jnp.float32)
    h += jnp.dot(edges_blk, w0c_ref[...], preferred_element_type=jnp.float32)
    h = _silu(h + b0_ref[...])
    h = _silu(jnp.dot(h, w1_ref[...], preferred_element_type=jnp.float32) + b1_ref[...])
    h = _silu(jnp.dot(h, w2_ref[...], preferred_element_type=jnp.float32) + b2_ref[...])
    h = jnp.dot(h, w3_ref[...], preferred_element_type=jnp.float32) + b3_ref[...]

    out_ref[...] = _ln(edges_blk + h, elng_ref[...], elnb_ref[...])


def _full_spec(shape):
    return pl.BlockSpec(shape, lambda i: tuple(0 for _ in shape))


def _node_pass(nodes2d, g, edges2d, mask_col,
               w0a, w0b, w0c, b0, w1, b1, w2, b2, w3, b3,
               wf0, bf0, wf1, bf1, ln1g, ln1b, ln2g, ln2b):
    in_specs = [
        pl.BlockSpec((BN, D), lambda i: (i, 0)),
        pl.BlockSpec((D, BM), lambda i: (0, i)),
        pl.BlockSpec((BM, D), lambda i: (i, 0)),
        pl.BlockSpec((BM, 1), lambda i: (i, 0)),
        _full_spec((D, D)), _full_spec((D, D)), _full_spec((D, D)),
        _full_spec((1, D)),
        _full_spec((D, D)), _full_spec((1, D)),
        _full_spec((D, D)), _full_spec((1, D)),
        _full_spec((D, D)), _full_spec((1, D)),
        _full_spec((D, 4 * D)), _full_spec((1, 4 * D)),
        _full_spec((4 * D, D)), _full_spec((1, D)),
        _full_spec((1, D)), _full_spec((1, D)),
        _full_spec((1, D)), _full_spec((1, D)),
    ]
    return pl.pallas_call(
        _node_block_kernel,
        grid=(GRID,),
        in_specs=in_specs,
        out_specs=pl.BlockSpec((BN, D), lambda i: (i, 0)),
        out_shape=jax.ShapeDtypeStruct((N, D), jnp.float32),
    )(nodes2d, g, edges2d, mask_col,
      w0a, w0b, w0c, b0, w1, b1, w2, b2, w3, b3,
      wf0, bf0, wf1, bf1, ln1g, ln1b, ln2g, ln2b)


def _edge_pass(nodes2d, g, edges2d,
               w0a, w0b, w0c, b0, w1, b1, w2, b2, w3, b3, elng, elnb):
    in_specs = [
        pl.BlockSpec((BN, D), lambda i: (i, 0)),
        pl.BlockSpec((D, BM), lambda i: (0, i)),
        pl.BlockSpec((BM, D), lambda i: (i, 0)),
        _full_spec((D, D)), _full_spec((D, D)), _full_spec((D, D)),
        _full_spec((1, D)),
        _full_spec((D, D)), _full_spec((1, D)),
        _full_spec((D, D)), _full_spec((1, D)),
        _full_spec((D, D)), _full_spec((1, D)),
        _full_spec((1, D)), _full_spec((1, D)),
    ]
    return pl.pallas_call(
        _edge_block_kernel,
        grid=(GRID,),
        in_specs=in_specs,
        out_specs=pl.BlockSpec((BM, D), lambda i: (i, 0)),
        out_shape=jax.ShapeDtypeStruct((M, D), jnp.float32),
    )(nodes2d, g, edges2d,
      w0a, w0b, w0c, b0, w1, b1, w2, b2, w3, b3, elng, elnb)


def kernel(nodes, edges, nbrs, nbr_mask,
           node_W0, node_b0, node_W1, node_b1, node_W2, node_b2, node_W3, node_b3,
           ffn_W0, ffn_b0, ffn_W1, ffn_b1,
           edge_W0, edge_b0, edge_W1, edge_b1, edge_W2, edge_b2, edge_W3, edge_b3,
           ln1_g, ln1_b, ln2_g, ln2_b, eln_g, eln_b):
    Z = nodes.shape[0]
    nodes2d = nodes.reshape(N, D)
    edges2d = edges.reshape(M, D)
    nbrs2d = nbrs.reshape(M, D)
    mask_col = nbr_mask.reshape(M, 1)

    def row(v):
        return v.reshape(1, -1)

    nbrs_t = jnp.transpose(nbrs2d)
    g1 = _sc_gather(jnp.transpose(nodes2d), nbrs_t)

    nodes2 = _node_pass(
        nodes2d, g1, edges2d, mask_col,
        node_W0[0:D], node_W0[D:2 * D], node_W0[2 * D:3 * D], row(node_b0),
        node_W1, row(node_b1), node_W2, row(node_b2), node_W3, row(node_b3),
        ffn_W0, row(ffn_b0), ffn_W1, row(ffn_b1),
        row(ln1_g), row(ln1_b), row(ln2_g), row(ln2_b))

    g2 = _sc_gather(jnp.transpose(nodes2), nbrs_t)

    edges_out = _edge_pass(
        nodes2, g2, edges2d,
        edge_W0[0:D], edge_W0[D:2 * D], edge_W0[2 * D:3 * D], row(edge_b0),
        edge_W1, row(edge_b1), edge_W2, row(edge_b2), edge_W3, row(edge_b3),
        row(eln_g), row(eln_b))

    return (nodes2.reshape(Z, N, D), edges_out.reshape(Z, N, K, D))

# --- scband reference (transcript-rebuilt; emitter-appended) ---
"""Pipeline reference for scband-mpnn-49220325212322 (READ-ONLY COPY).

The authoritative reference and input builder live on the scoring server;
editing this copy changes nothing except your own understanding.
"""

import jax, jax.numpy as jnp
import numpy as np


def _mlp(x, Ws, bs):
    n = len(Ws)
    for i in range(n):
        x = x @ Ws[i] + bs[i]
        if i < n - 1:
            x = jax.nn.silu(x)
    return x


def _ln(x, g, b):
    mu = jnp.mean(x, axis=-1, keepdims=True)
    var = jnp.mean((x - mu) ** 2, axis=-1, keepdims=True)
    return (x - mu) / jnp.sqrt(var + 1e-5) * g + b


def _create_msg(nodes, edges, nbrs):
    Z, N, K, D = edges.shape
    nodes_i = jnp.broadcast_to(nodes[:, :, None, :], (Z, N, K, D))
    nodes_j = jnp.take_along_axis(nodes_i, nbrs, axis=1)
    return jnp.concatenate([nodes_i, nodes_j, edges], axis=-1)


def setup_inputs(seed: int = 0):
    key = jax.random.key(seed)
    Z, N, K, D = 1, 10000, 16, 128
    ks = [jax.random.fold_in(key, i) for i in range(64)]

    def w(k, shape):
        return jax.random.normal(k, shape, dtype=jnp.float32) * 0.05

    inp = {}
    inp['nodes'] = jax.random.normal(ks[0], (Z, N, D), dtype=jnp.float32)
    inp['edges'] = jax.random.normal(ks[1], (Z, N, K, D), dtype=jnp.float32)
    inp['nbrs'] = jax.random.randint(ks[2], (Z, N, K, D), 0, N, dtype=jnp.int32)
    inp['nbr_mask'] = jnp.ones((Z, N, K), dtype=jnp.float32)
    # node_mlp: 3D -> D -> D -> D -> D (num_hidden=2 => 2 extra hidden layers)
    node_dims = [(3 * D, D), (D, D), (D, D), (D, D)]
    for i, (di, do) in enumerate(node_dims):
        inp[f'node_W{i}'] = w(ks[3 + i], (di, do))
        inp[f'node_b{i}'] = jnp.zeros((do,), dtype=jnp.float32)
    # ffn: D -> 4D -> D (num_hidden=0 => single hidden layer)
    inp['ffn_W0'] = w(ks[10], (D, 4 * D))
    inp['ffn_b0'] = jnp.zeros((4 * D,), dtype=jnp.float32)
    inp['ffn_W1'] = w(ks[11], (4 * D, D))
    inp['ffn_b1'] = jnp.zeros((D,), dtype=jnp.float32)
    # edge_mlp: 3D -> D -> D -> D -> D
    for i, (di, do) in enumerate(node_dims):
        inp[f'edge_W{i}'] = w(ks[12 + i], (di, do))
        inp[f'edge_b{i}'] = jnp.zeros((do,), dtype=jnp.float32)
    # layer norms
    for nm in ['ln1', 'ln2', 'eln']:
        inp[f'{nm}_g'] = jnp.ones((D,), dtype=jnp.float32)
        inp[f'{nm}_b'] = jnp.zeros((D,), dtype=jnp.float32)
    return inp


def reference(nodes, edges, nbrs, nbr_mask,
              node_W0, node_b0, node_W1, node_b1, node_W2, node_b2, node_W3, node_b3,
              ffn_W0, ffn_b0, ffn_W1, ffn_b1,
              edge_W0, edge_b0, edge_W1, edge_b1, edge_W2, edge_b2, edge_W3, edge_b3,
              ln1_g, ln1_b, ln2_g, ln2_b, eln_g, eln_b):
    node_Ws = [node_W0, node_W1, node_W2, node_W3]
    node_bs = [node_b0, node_b1, node_b2, node_b3]
    edge_Ws = [edge_W0, edge_W1, edge_W2, edge_W3]
    edge_bs = [edge_b0, edge_b1, edge_b2, edge_b3]
    # node message passing
    msg = _create_msg(nodes, edges, nbrs)
    h = _mlp(msg, node_Ws, node_bs)
    nodes1 = jnp.sum(h * nbr_mask[..., None], axis=2)
    nodes = _ln(nodes + nodes1, ln1_g, ln1_b)
    nodes = _ln(_mlp(nodes, [ffn_W0, ffn_W1], [ffn_b0, ffn_b1]) + nodes, ln2_g, ln2_b)
    # edge update
    msg2 = _create_msg(nodes, edges, nbrs)
    edges = _ln(edges + _mlp(msg2, edge_Ws, edge_bs), eln_g, eln_b)
    return (nodes, edges)

if __name__ == "__main__":
    import jax
    _d = setup_inputs()
    print(jax.jit(kernel)(*tuple(_d.values())))

</pallas_src>

<mosaic_0001>
#map = affine_map<(d0, d1) -> (0, 0)>
module attributes {stable_mosaic.version = 14 : i64} {
  func.func @run(%arg0: i32, %arg1: i32, %arg2: memref<128x10000xf32, #tpu.memory_space<hbm>>, %arg3: memref<128x160000xi32, #tpu.memory_space<hbm>>, %arg4: memref<128x160000xf32, #tpu.memory_space<hbm>>, %arg5: memref<4x10000xf32, #tpu.memory_space<vmem>>, %arg6: memref<2x4x3200xi32, #tpu.memory_space<vmem>>, %arg7: memref<2x4x3200xf32, #tpu.memory_space<vmem>>, %arg8: memref<!tpu.dma_semaphore, #tpu.memory_space<semaphore_mem>>, %arg9: memref<!tpu.dma_semaphore, #tpu.memory_space<semaphore_mem>>) attributes {dimension_semantics = [#tpu.dimension_semantics<core_parallel>, #tpu.dimension_semantics<subcore_parallel>], iteration_bounds = array<i64: 2, 16>, scalar_prefetch = 0 : i64, scratch_operands = 5 : i64, tpu.core_type = #tpu.core_type<sc_vector_subcore>, window_params = [{transform_indices = #map}, {transform_indices = #map}, {transform_indices = #map}]} {
    %mul3A = arith.constant 2 : i32
    %mul3A_0 = arith.muli %arg1, %mul3A : i32
    %add3A = arith.addi %mul3A_0, %arg0 : i32
    %mul3A_1 = arith.constant 4 : i32
    %mul3A_2 = arith.muli %add3A, %mul3A_1 : i32
    "tpu.region"() ({
      %run_scoped3A = tpu.sem_alloc : memref<!tpu.dma_semaphore, #tpu.memory_space<semaphore_mem>>
      %dma_start3A_46 = arith.constant 0 : i32
      %dma_start3A_47 = tpu.memref_slice %arg2[%mul3A_2, %dma_start3A_46] : memref<128x10000xf32, #tpu.memory_space<hbm>> -> memref<4x10000xf32, #tpu.memory_space<hbm>>
      %dma_start3A_48 = arith.constant 0 : i32
      %dma_start3A_49 = tpu.memref_slice %arg2[%mul3A_2, %dma_start3A_48] : memref<128x10000xf32, #tpu.memory_space<hbm>> -> memref<4x10000xf32, #tpu.memory_space<hbm>>
      tpu.enqueue_dma source(%dma_start3A_49 : memref<4x10000xf32, #tpu.memory_space<hbm>>) target(%arg5 : memref<4x10000xf32, #tpu.memory_space<vmem>>) target_semaphore(%run_scoped3A : memref<!tpu.dma_semaphore, #tpu.memory_space<semaphore_mem>>)
      %dma_wait3A_50 = arith.constant 0 : i32
      %dma_wait3A_51 = tpu.memref_slice %arg2[%mul3A_2, %dma_wait3A_50] : memref<128x10000xf32, #tpu.memory_space<hbm>> -> memref<4x10000xf32, #tpu.memory_space<hbm>>
      %dma_wait3A_52 = arith.constant 0 : i32
      %dma_wait3A_53 = tpu.memref_slice %arg2[%mul3A_2, %dma_wait3A_52] : memref<128x10000xf32, #tpu.memory_space<hbm>> -> memref<4x10000xf32, #tpu.memory_space<hbm>>
      tpu.wait_dma2 semaphore(%run_scoped3A : memref<!tpu.dma_semaphore, #tpu.memory_space<semaphore_mem>>) src(%dma_wait3A_53 : memref<4x10000xf32, #tpu.memory_space<hbm>>) dst(%arg5 : memref<4x10000xf32, #tpu.memory_space<vmem>>)
      tpu.yield
    }) : () -> ()
    %dma_start3A = arith.constant 0 : i32
    %dma_start3A_3 = arith.constant 0 : i32
    %dma_start3A_4 = arith.constant 0 : i32
    %dma_start3A_5 = tpu.memref_slice %arg6[%dma_start3A, %dma_start3A_3, %dma_start3A_4] : memref<2x4x3200xi32, #tpu.memory_space<vmem>> -> memref<1x4x3200xi32, #tpu.memory_space<vmem>>
    %dma_start3A_6 = tpu.memref_squeeze %dma_start3A_5 : memref<1x4x3200xi32, #tpu.memory_space<vmem>> -> memref<4x3200xi32, #tpu.memory_space<vmem>>
    %dma_start3A_7 = arith.constant 0 : i32
    %dma_start3A_8 = tpu.memref_slice %arg3[%mul3A_2, %dma_start3A_7] : memref<128x160000xi32, #tpu.memory_space<hbm>> -> memref<4x3200xi32, #tpu.memory_space<hbm>>
    %dma_start3A_9 = arith.constant 0 : i32
    %dma_start3A_10 = arith.constant 0 : i32
    %dma_start3A_11 = tpu.memref_slice %arg6[%dma_start3A, %dma_start3A_9, %dma_start3A_10] : memref<2x4x3200xi32, #tpu.memory_space<vmem>> -> memref<1x4x3200xi32, #tpu.memory_space<vmem>>
    %dma_start3A_12 = tpu.memref_squeeze %dma_start3A_11 : memref<1x4x3200xi32, #tpu.memory_space<vmem>> -> memref<4x3200xi32, #tpu.memory_space<vmem>>
    %dma_start3A_13 = arith.constant 0 : i32
    %dma_start3A_14 = tpu.memref_slice %arg3[%mul3A_2, %dma_start3A_13] : memref<128x160000xi32, #tpu.memory_space<hbm>> -> memref<4x3200xi32, #tpu.memory_space<hbm>>
    tpu.enqueue_dma source(%dma_start3A_14 : memref<4x3200xi32, #tpu.memory_space<hbm>>) target(%dma_start3A_12 : memref<4x3200xi32, #tpu.memory_space<vmem>>) target_semaphore(%arg8 : memref<!tpu.dma_semaphore, #tpu.memory_space<semaphore_mem>>)
    %scan3A = arith.constant 0 : i32
    %scan3A_15 = arith.constant 0 : i32
    %scan3A_16 = arith.constant 25 : i32
    %scan3A_17 = arith.addi %scan3A_15, %scan3A_16 : i32
    %scan3A_18 = arith.constant 1 : i32
    %scan3A_19 = scf.for %scan3A_46 = %scan3A_15 to %scan3A_17 step %scan3A_18 iter_args(%scan3A_47 = %scan3A) -> (i32)  : i32 {
      %mul3A_48 = arith.constant 2 : i32
      %mul3A_49 = arith.muli %scan3A_46, %mul3A_48 : i32
      %add3A_50 = arith.constant 0 : i32
      %add3A_51 = arith.addi %mul3A_49, %add3A_50 : i32
      %dma_wait3A_52 = arith.constant 0 : i32
      %dma_wait3A_53 = arith.constant 0 : i32
      %dma_wait3A_54 = arith.constant 0 : i32
      %dma_wait3A_55 = tpu.memref_slice %arg6[%dma_wait3A_52, %dma_wait3A_53, %dma_wait3A_54] : memref<2x4x3200xi32, #tpu.memory_space<vmem>> -> memref<1x4x3200xi32, #tpu.memory_space<vmem>>
      %dma_wait3A_56 = tpu.memref_squeeze %dma_wait3A_55 : memref<1x4x3200xi32, #tpu.memory_space<vmem>> -> memref<4x3200xi32, #tpu.memory_space<vmem>>
      %dma_wait3A_57 = arith.constant 0 : i32
      %dma_wait3A_58 = tpu.memref_slice %arg3[%mul3A_2, %dma_wait3A_57] : memref<128x160000xi32, #tpu.memory_space<hbm>> -> memref<4x3200xi32, #tpu.memory_space<hbm>>
      %dma_wait3A_59 = arith.constant 0 : i32
      %dma_wait3A_60 = arith.constant 0 : i32
      %dma_wait3A_61 = tpu.memref_slice %arg6[%dma_wait3A_52, %dma_wait3A_59, %dma_wait3A_60] : memref<2x4x3200xi32, #tpu.memory_space<vmem>> -> memref<1x4x3200xi32, #tpu.memory_space<vmem>>
      %dma_wait3A_62 = tpu.memref_squeeze %dma_wait3A_61 : memref<1x4x3200xi32, #tpu.memory_space<vmem>> -> memref<4x3200xi32, #tpu.memory_space<vmem>>
      %dma_wait3A_63 = arith.constant 0 : i32
      %dma_wait3A_64 = tpu.memref_slice %arg3[%mul3A_2, %dma_wait3A_63] : memref<128x160000xi32, #tpu.memory_space<hbm>> -> memref<4x3200xi32, #tpu.memory_space<hbm>>
      tpu.wait_dma2 semaphore(%arg8 : memref<!tpu.dma_semaphore, #tpu.memory_space<semaphore_mem>>) src(%dma_wait3A_64 : memref<4x3200xi32, #tpu.memory_space<hbm>>) dst(%dma_wait3A_62 : memref<4x3200xi32, #tpu.memory_space<vmem>>)
      %add3A_65 = arith.constant 1 : i32
      %add3A_66 = arith.addi %add3A_51, %add3A_65 : i32
      %lt3A = arith.constant 50 : i32
      %lt3A_67 = arith.cmpi slt, %add3A_66, %lt3A : i32
      %convert_element_type3A = arith.extui %lt3A_67 : i1 to i32
      %cond3A = arith.constant 0 : i32
      %cond3A_68 = arith.cmpi ne, %convert_element_type3A, %cond3A : i32
      scf.if %cond3A_68 {
        %add3A_200 = arith.constant 1 : i32
        %add3A_201 = arith.addi %add3A_51, %add3A_200 : i32
        %mul3A_202 = arith.constant 3200 : i32
        %mul3A_203 = arith.muli %add3A_201, %mul3A_202 : i32
        %dma_start3A_204 = arith.constant 1 : i32
        %dma_start3A_205 = arith.constant 0 : i32
        %dma_start3A_206 = arith.constant 0 : i32
        %dma_start3A_207 = tpu.memref_slice %arg6[%dma_start3A_204, %dma_start3A_205, %dma_start3A_206] : memref<2x4x3200xi32, #tpu.memory_space<vmem>> -> memref<1x4x3200xi32, #tpu.memory_space<vmem>>
        %dma_start3A_208 = tpu.memref_squeeze %dma_start3A_207 : memref<1x4x3200xi32, #tpu.memory_space<vmem>> -> memref<4x3200xi32, #tpu.memory_space<vmem>>
        %dma_start3A_209 = tpu.memref_slice %arg3[%mul3A_2, %mul3A_203] : memref<128x160000xi32, #tpu.memory_space<hbm>> -> memref<4x3200xi32, #tpu.memory_space<hbm>>
        %dma_start3A_210 = arith.constant 0 : i32
        %dma_start3A_211 = arith.constant 0 : i32
        %dma_start3A_212 = tpu.memref_slice %arg6[%dma_start3A_204, %dma_start3A_210, %dma_start3A_211] : memref<2x4x3200xi32, #tpu.memory_space<vmem>> -> memref<1x4x3200xi32, #tpu.memory_space<vmem>>
        %dma_start3A_213 = tpu.memref_squeeze %dma_start3A_212 : memref<1x4x3200xi32, #tpu.memory_space<vmem>> -> memref<4x3200xi32, #tpu.memory_space<vmem>>
        %dma_start3A_214 = tpu.memref_slice %arg3[%mul3A_2, %mul3A_203] : memref<128x160000xi32, #tpu.memory_space<hbm>> -> memref<4x3200xi32, #tpu.memory_space<hbm>>
        tpu.enqueue_dma source(%dma_start3A_214 : memref<4x3200xi32, #tpu.memory_space<hbm>>) target(%dma_start3A_213 : memref<4x3200xi32, #tpu.memory_space<vmem>>) target_semaphore(%arg8 : memref<!tpu.dma_semaphore, #tpu.memory_space<semaphore_mem>>)
      } else {
      }
      %ge3A = arith.constant 2 : i32
      %ge3A_69 = arith.cmpi sge, %add3A_51, %ge3A : i32
      %convert_element_type3A_70 = arith.extui %ge3A_69 : i1 to i32
      %cond3A_71 = arith.constant 0 : i32
      %cond3A_72 = arith.cmpi ne, %convert_element_type3A_70, %cond3A_71 : i32
      scf.if %cond3A_72 {
        %dma_wait3A_200 = arith.constant 0 : i32
        %dma_wait3A_201 = arith.constant 0 : i32
        %dma_wait3A_202 = arith.constant 0 : i32
        %dma_wait3A_203 = tpu.memref_slice %arg7[%dma_wait3A_200, %dma_wait3A_201, %dma_wait3A_202] : memref<2x4x3200xf32, #tpu.memory_space<vmem>> -> memref<1x4x3200xf32, #tpu.memory_space<vmem>>
        %dma_wait3A_204 = tpu.memref_squeeze %dma_wait3A_203 : memref<1x4x3200xf32, #tpu.memory_space<vmem>> -> memref<4x3200xf32, #tpu.memory_space<vmem>>
        %dma_wait3A_205 = arith.constant 0 : i32
        %dma_wait3A_206 = tpu.memref_slice %arg4[%mul3A_2, %dma_wait3A_205] : memref<128x160000xf32, #tpu.memory_space<hbm>> -> memref<4x3200xf32, #tpu.memory_space<hbm>>
        %dma_wait3A_207 = arith.constant 0 : i32
        %dma_wait3A_208 = tpu.memref_slice %arg4[%mul3A_2, %dma_wait3A_207] : memref<128x160000xf32, #tpu.memory_space<hbm>> -> memref<4x3200xf32, #tpu.memory_space<hbm>>
        %dma_wait3A_209 = arith.constant 0 : i32
        %dma_wait3A_210 = arith.constant 0 : i32
        %dma_wait3A_211 = tpu.memref_slice %arg7[%dma_wait3A_200, %dma_wait3A_209, %dma_wait3A_210] : memref<2x4x3200xf32, #tpu.memory_space<vmem>> -> memref<1x4x3200xf32, #tpu.memory_space<vmem>>
        %dma_wait3A_212 = tpu.memref_squeeze %dma_wait3A_211 : memref<1x4x3200xf32, #tpu.memory_space<vmem>> -> memref<4x3200xf32, #tpu.memory_space<vmem>>
        tpu.wait_dma2 semaphore(%arg9 : memref<!tpu.dma_semaphore, #tpu.memory_space<semaphore_mem>>) src(%dma_wait3A_212 : memref<4x3200xf32, #tpu.memory_space<vmem>>) dst(%dma_wait3A_208 : memref<4x3200xf32, #tpu.memory_space<hbm>>)
      } else {
      }
      %broadcast_in_dim3A = arith.constant 0 : i32
      %broadcast_in_dim3A_73 = vector.broadcast %broadcast_in_dim3A : i32 to vector<16xi32>
      %scan3A_74 = arith.constant 0 : i32
      %scan3A_75 = arith.constant 0 : i32
      %scan3A_76 = arith.constant 25 : i32
      %scan3A_77 = arith.addi %scan3A_75, %scan3A_76 : i32
      %scan3A_78 = arith.constant 1 : i32
      %scan3A_79 = scf.for %scan3A_200 = %scan3A_75 to %scan3A_77 step %scan3A_78 iter_args(%scan3A_201 = %scan3A_74) -> (i32)  : i32 {
        %mul3A_202 = arith.constant 128 : i32
        %mul3A_203 = arith.muli %scan3A_200, %mul3A_202 : i32
        %add3A_204 = arith.constant 0 : i32
        %add3A_205 = arith.addi %mul3A_203, %add3A_204 : i32
        %get3A = arith.constant 0 : i32
        %get3A_206 = arith.constant 0 : i32
        %get3A_207 = arith.index_cast %get3A : i32 to index
        %get3A_208 = arith.index_cast %get3A_206 : i32 to index
        %get3A_209 = arith.index_cast %add3A_205 : i32 to index
        %get3A_210 = tpu.vector_load %arg6[%get3A_207, %get3A_208, %get3A_209] {strides = array<i32>} : memref<2x4x3200xi32, #tpu.memory_space<vmem>>, vector<16xi32>,
        %gather3A = tpu.vector_load_idx %arg5[%broadcast_in_dim3A_73, %get3A_210] : memref<4x10000xf32, #tpu.memory_space<vmem>>[vector<16xi32>, vector<16xi32>], vector<16xf32>,
        %swap3A = arith.constant 0 : i32
        %swap3A_211 = arith.constant 0 : i32
        %swap3A_212 = arith.index_cast %swap3A : i32 to index
        %swap3A_213 = arith.index_cast %swap3A_211 : i32 to index
        %swap3A_214 = arith.index_cast %add3A_205 : i32 to index
        %swap3A_215 = tpu.vector_load %arg7[%swap3A_212, %swap3A_213, %swap3A_214] {strides = array<i32>} : memref<2x4x3200xf32, #tpu.memory_space<vmem>>, vector<16xf32>,
        tpu.vector_store %arg7[%swap3A_212, %swap3A_213, %swap3A_214], %gather3A {strides = array<i32>} : memref<2x4x3200xf32, #tpu.memory_space<vmem>>, vector<16xf32>,
        %add3A_216 = arith.constant 16 : i32
        %add3A_217 = arith.addi %mul3A_203, %add3A_216 : i32
        %get3A_218 = arith.constant 0 : i32
        %get3A_219 = arith.constant 0 : i32
        %get3A_220 = arith.index_cast %get3A_218 : i32 to index
        %get3A_221 = arith.index_cast %get3A_219 : i32 to index
        %get3A_222 = arith.index_cast %add3A_217 : i32 to index
        %get3A_223 = tpu.vector_load %arg6[%get3A_220, %get3A_221, %get3A_222] {strides = array<i32>} : memref<2x4x3200xi32, #tpu.memory_space<vmem>>, vector<16xi32>,
        %gather3A_224 = tpu.vector_load_idx %arg5[%broadcast_in_dim3A_73, %get3A_223] : memref<4x10000xf32, #tpu.memory_space<vmem>>[vector<16xi32>, vector<16xi32>], vector<16xf32>,
        %swap3A_225 = arith.constant 0 : i32
        %swap3A_226 = arith.constant 0 : i32
        %swap3A_227 = arith.index_cast %swap3A_225 : i32 to index
        %swap3A_228 = arith.index_cast %swap3A_226 : i32 to index
        %swap3A_229 = arith.index_cast %add3A_217 : i32 to index
        %swap3A_230 = tpu.vector_load %arg7[%swap3A_227, %swap3A_228, %swap3A_229] {strides = array<i32>} : memref<2x4x3200xf32, #tpu.memory_space<vmem>>, vector<16xf32>,
        tpu.vector_store %arg7[%swap3A_227, %swap3A_228, %swap3A_229], %gather3A_224 {strides = array<i32>} : memref<2x4x3200xf32, #tpu.memory_space<vmem>>, vector<16xf32>,
        %add3A_231 = arith.constant 32 : i32
        %add3A_232 = arith.addi %mul3A_203, %add3A_231 : i32
        %get3A_233 = arith.constant 0 : i32
        %get3A_234 = arith.constant 0 : i32
        %get3A_235 = arith.index_cast %get3A_233 : i32 to index
        %get3A_236 = arith.index_cast %get3A_234 : i32 to index
        %get3A_237 = arith.index_cast %add3A_232 : i32 to index
        %get3A_238 = tpu.vector_load %arg6[%get3A_235, %get3A_236, %get3A_237] {strides = array<i32>} : memref<2x4x3200xi32, #tpu.memory_space<vmem>>, vector<16xi32>,
        %gather3A_239 = tpu.vector_load_idx %arg5[%broadcast_in_dim3A_73, %get3A_238] : memref<4x10000xf32, #tpu.memory_space<vmem>>[vector<16xi32>, vector<16xi32>], vector<16xf32>,
        %swap3A_240 = arith.constant 0 : i32
        %swap3A_241 = arith.constant 0 : i32
        %swap3A_242 = arith.index_cast %swap3A_240 : i32 to index
        %swap3A_243 = arith.index_cast %swap3A_241 : i32 to index
        %swap3A_244 = arith.index_cast %add3A_232 : i32 to index
        %swap3A_245 = tpu.vector_load %arg7[%swap3A_242, %swap3A_243, %swap3A_244] {strides = array<i32>} : memref<2x4x3200xf32, #tpu.memory_space<vmem>>, vector<16xf32>,
        tpu.vector_store %arg7[%swap3A_242, %swap3A_243, %swap3A_244], %gather3A_239 {strides = array<i32>} : memref<2x4x3200xf32, #tpu.memory_space<vmem>>, vector<16xf32>,
        %add3A_246 = arith.constant 48 : i32
        %add3A_247 = arith.addi %mul3A_203, %add3A_246 : i32
        %get3A_248 = arith.constant 0 : i32
        %get3A_249 = arith.constant 0 : i32
        %get3A_250 = arith.index_cast %get3A_248 : i32 to index
        %get3A_251 = arith.index_cast %get3A_249 : i32 to index
        %get3A_252 = arith.index_cast %add3A_247 : i32 to index
        %get3A_253 = tpu.vector_load %arg6[%get3A_250, %get3A_251, %get3A_252] {strides = array<i32>} : memref<2x4x3200xi32, #tpu.memory_space<vmem>>, vector<16xi32>,
        %gather3A_254 = tpu.vector_load_idx %arg5[%broadcast_in_dim3A_73, %get3A_253] : memref<4x10000xf32, #tpu.memory_space<vmem>>[vector<16xi32>, vector<16xi32>], vector<16xf32>,
        %swap3A_255 = arith.constant 0 : i32
        %swap3A_256 = arith.constant 0 : i32
        %swap3A_257 = arith.index_cast %swap3A_255 : i32 to index
        %swap3A_258 = arith.index_cast %swap3A_256 : i32 to index
        %swap3A_259 = arith.index_cast %add3A_247 : i32 to index
        %swap3A_260 = tpu.vector_load %arg7[%swap3A_257, %swap3A_258, %swap3A_259] {strides = array<i32>} : memref<2x4x3200xf32, #tpu.memory_space<vmem>>, vector<16xf32>,
        tpu.vector_store %arg7[%swap3A_257, %swap3A_258, %swap3A_259], %gather3A_254 {strides = array<i32>} : memref<2x4x3200xf32, #tpu.memory_space<vmem>>, vector<16xf32>,
        %add3A_261 = arith.constant 64 : i32
        %add3A_262 = arith.addi %mul3A_203, %add3A_261 : i32
        %get3A_263 = arith.constant 0 : i32
        %get3A_264 = arith.constant 0 : i32
        %get3A_265 = arith.index_cast %get3A_263 : i32 to index
        %get3A_266 = arith.index_cast %get3A_264 : i32 to index
        %get3A_267 = arith.index_cast %add3A_262 : i32 to index
        %get3A_268 = tpu.vector_load %arg6[%get3A_265, %get3A_266, %get3A_267] {strides = array<i32>} : memref<2x4x3200xi32, #tpu.memory_space<vmem>>, vector<16xi32>,
        %gather3A_269 = tpu.vector_load_idx %arg5[%broadcast_in_dim3A_73, %get3A_268] : memref<4x10000xf32, #tpu.memory_space<vmem>>[vector<16xi32>, vector<16xi32>], vector<16xf32>,
        %swap3A_270 = arith.constant 0 : i32
        %swap3A_271 = arith.constant 0 : i32
        %swap3A_272 = arith.index_cast %swap3A_270 : i32 to index
        %swap3A_273 = arith.index_cast %swap3A_271 : i32 to index
        %swap3A_274 = arith.index_cast %add3A_262 : i32 to index
        %swap3A_275 = tpu.vector_load %arg7[%swap3A_272, %swap3A_273, %swap3A_274] {strides = array<i32>} : memref<2x4x3200xf32, #tpu.memory_space<vmem>>, vector<16xf32>,
        tpu.vector_store %arg7[%swap3A_272, %swap3A_273, %swap3A_274], %gather3A_269 {strides = array<i32>} : memref<2x4x3200xf32, #tpu.memory_space<vmem>>, vector<16xf32>,
        %add3A_276 = arith.constant 80 : i32
        %add3A_277 = arith.addi %mul3A_203, %add3A_276 : i32
        %get3A_278 = arith.constant 0 : i32
        %get3A_279 = arith.constant 0 : i32
        %get3A_280 = arith.index_cast %get3A_278 : i32 to index
        %get3A_281 = arith.index_cast %get3A_279 : i32 to index
        %get3A_282 = arith.index_cast %add3A_277 : i32 to index
        %get3A_283 = tpu.vector_load %arg6[%get3A_280, %get3A_281, %get3A_282] {strides = array<i32>} : memref<2x4x3200xi32, #tpu.memory_space<vmem>>, vector<16xi32>,
        %gather3A_284 = tpu.vector_load_idx %arg5[%broadcast_in_dim3A_73, %get3A_283] : memref<4x10000xf32, #tpu.memory_space<vmem>>[vector<16xi32>, vector<16xi32>], vector<16xf32>,
        %swap3A_285 = arith.constant 0 : i32
        %swap3A_286 = arith.constant 0 : i32
        %swap3A_287 = arith.index_cast %swap3A_285 : i32 to index
        %swap3A_288 = arith.index_cast %swap3A_286 : i32 to index
        %swap3A_289 = arith.index_cast %add3A_277 : i32 to index
        %swap3A_290 = tpu.vector_load %arg7[%swap3A_287, %swap3A_288, %swap3A_289] {strides = array<i32>} : memref<2x4x3200xf32, #tpu.memory_space<vmem>>, vector<16xf32>,
        tpu.vector_store %arg7[%swap3A_287, %swap3A_288, %swap3A_289], %gather3A_284 {strides = array<i32>} : memref<2x4x3200xf32, #tpu.memory_space<vmem>>, vector<16xf32>,
        %add3A_291 = arith.constant 96 : i32
        %add3A_292 = arith.addi %mul3A_203, %add3A_291 : i32
        %get3A_293 = arith.constant 0 : i32
        %get3A_294 = arith.constant 0 : i32
        %get3A_295 = arith.index_cast %get3A_293 : i32 to index
        %get3A_296 = arith.index_cast %get3A_294 : i32 to index
        %get3A_297 = arith.index_cast %add3A_292 : i32 to index
        %get3A_298 = tpu.vector_load %arg6[%get3A_295, %get3A_296, %get3A_297] {strides = array<i32>} : memref<2x4x3200xi32, #tpu.memory_space<vmem>>, vector<16xi32>,
        %gather3A_299 = tpu.vector_load_idx %arg5[%broadcast_in_dim3A_73, %get3A_298] : memref<4x10000xf32, #tpu.memory_space<vmem>>[vector<16xi32>, vector<16xi32>], vector<16xf32>,
        %swap3A_300 = arith.constant 0 : i32
        %swap3A_301 = arith.constant 0 : i32
        %swap3A_302 = arith.index_cast %swap3A_300 : i32 to index
        %swap3A_303 = arith.index_cast %swap3A_301 : i32 to index
        %swap3A_304 = arith.index_cast %add3A_292 : i32 to index
        %swap3A_305 = tpu.vector_load %arg7[%swap3A_302, %swap3A_303, %swap3A_304] {strides = array<i32>} : memref<2x4x3200xf32, #tpu.memory_space<vmem>>, vector<16xf32>,
        tpu.vector_store %arg7[%swap3A_302, %swap3A_303, %swap3A_304], %gather3A_299 {strides = array<i32>} : memref<2x4x3200xf32, #tpu.memory_space<vmem>>, vector<16xf32>,
        %add3A_306 = arith.constant 112 : i32
        %add3A_307 = arith.addi %mul3A_203, %add3A_306 : i32
        %get3A_308 = arith.constant 0 : i32
        %get3A_309 = arith.constant 0 : i32
        %get3A_310 = arith.index_cast %get3A_308 : i32 to index
        %get3A_311 = arith.index_cast %get3A_309 : i32 to index
        %get3A_312 = arith.index_cast %add3A_307 : i32 to index
        %get3A_313 = tpu.vector_load %arg6[%get3A_310, %get3A_311, %get3A_312] {strides = array<i32>} : memref<2x4x3200xi32, #tpu.memory_space<vmem>>, vector<16xi32>,
        %gather3A_314 = tpu.vector_load_idx %arg5[%broadcast_in_dim3A_73, %get3A_313] : memref<4x10000xf32, #tpu.memory_space<vmem>>[vector<16xi32>, vector<16xi32>], vector<16xf32>,
        %swap3A_315 = arith.constant 0 : i32
        %swap3A_316 = arith.constant 0 : i32
        %swap3A_317 = arith.index_cast %swap3A_315 : i32 to index
        %swap3A_318 = arith.index_cast %swap3A_316 : i32 to index
        %swap3A_319 = arith.index_cast %add3A_307 : i32 to index
        %swap3A_320 = tpu.vector_load %arg7[%swap3A_317, %swap3A_318, %swap3A_319] {strides = array<i32>} : memref<2x4x3200xf32, #tpu.memory_space<vmem>>, vector<16xf32>,
        tpu.vector_store %arg7[%swap3A_317, %swap3A_318, %swap3A_319], %gather3A_314 {strides = array<i32>} : memref<2x4x3200xf32, #tpu.memory_space<vmem>>, vector<16xf32>,
        %scan3A_321 = arith.constant 0 : i32
        scf.yield %scan3A_321 : i32
      }
      %scan3A_80 = arith.constant 25 : i32
      %broadcast_in_dim3A_81 = arith.constant 1 : i32
      %broadcast_in_dim3A_82 = vector.broadcast %broadcast_in_dim3A_81 : i32 to vector<16xi32>
      %scan3A_83 = arith.constant 0 : i32
      %scan3A_84 = arith.constant 0 : i32
      %scan3A_85 = arith.constant 25 : i32
      %scan3A_86 = arith.addi %scan3A_84, %scan3A_85 : i32
      %scan3A_87 = arith.constant 1 : i32
      %scan3A_88 = scf.for %scan3A_200 = %scan3A_84 to %scan3A_86 step %scan3A_87 iter_args(%scan3A_201 = %scan3A_83) -> (i32)  : i32 {
        %mul3A_202 = arith.constant 128 : i32
        %mul3A_203 = arith.muli %scan3A_200, %mul3A_202 : i32
        %add3A_204 = arith.constant 0 : i32
        %add3A_205 = arith.addi %mul3A_203, %add3A_204 : i32
        %get3A = arith.constant 0 : i32
        %get3A_206 = arith.constant 1 : i32
        %get3A_207 = arith.index_cast %get3A : i32 to index
        %get3A_208 = arith.index_cast %get3A_206 : i32 to index
        %get3A_209 = arith.index_cast %add3A_205 : i32 to index
        %get3A_210 = tpu.vector_load %arg6[%get3A_207, %get3A_208, %get3A_209] {strides = array<i32>} : memref<2x4x3200xi32, #tpu.memory_space<vmem>>, vector<16xi32>,
        %gather3A = tpu.vector_load_idx %arg5[%broadcast_in_dim3A_82, %get3A_210] : memref<4x10000xf32, #tpu.memory_space<vmem>>[vector<16xi32>, vector<16xi32>], vector<16xf32>,
        %swap3A = arith.constant 0 : i32
        %swap3A_211 = arith.constant 1 : i32
        %swap3A_212 = arith.index_cast %swap3A : i32 to index
        %swap3A_213 = arith.index_cast %swap3A_211 : i32 to index
        %swap3A_214 = arith.index_cast %add3A_205 : i32 to index
        %swap3A_215 = tpu.vector_load %arg7[%swap3A_212, %swap3A_213, %swap3A_214] {strides = array<i32>} : memref<2x4x3200xf32, #tpu.memory_space<vmem>>, vector<16xf32>,
        tpu.vector_store %arg7[%swap3A_212, %swap3A_213, %swap3A_214], %gather3A {strides = array<i32>} : memref<2x4x3200xf32, #tpu.memory_space<vmem>>, vector<16xf32>,
        %add3A_216 = arith.constant 16 : i32
        %add3A_217 = arith.addi %mul3A_203, %add3A_216 : i32
        %get3A_218 = arith.constant 0 : i32
        %get3A_219 = arith.constant 1 : i32
        %get3A_220 = arith.index_cast %get3A_218 : i32 to index
        %get3A_221 = arith.index_cast %get3A_219 : i32 to index
        %get3A_222 = arith.index_cast %add3A_217 : i32 to index
        %get3A_223 = tpu.vector_load %arg6[%get3A_220, %get3A_221, %get3A_222] {strides = array<i32>} : memref<2x4x3200xi32, #tpu.memory_space<vmem>>, vector<16xi32>,
        %gather3A_224 = tpu.vector_load_idx %arg5[%broadcast_in_dim3A_82, %get3A_223] : memref<4x10000xf32, #tpu.memory_space<vmem>>[vector<16xi32>, vector<16xi32>], vector<16xf32>,
        %swap3A_225 = arith.constant 0 : i32
        %swap3A_226 = arith.constant 1 : i32
        %swap3A_227 = arith.index_cast %swap3A_225 : i32 to index
        %swap3A_228 = arith.index_cast %swap3A_226 : i32 to index
        %swap3A_229 = arith.index_cast %add3A_217 : i32 to index
        %swap3A_230 = tpu.vector_load %arg7[%swap3A_227, %swap3A_228, %swap3A_229] {strides = array<i32>} : memref<2x4x3200xf32, #tpu.memory_space<vmem>>, vector<16xf32>,
        tpu.vector_store %arg7[%swap3A_227, %swap3A_228, %swap3A_229], %gather3A_224 {strides = array<i32>} : memref<2x4x3200xf32, #tpu.memory_space<vmem>>, vector<16xf32>,
        %add3A_231 = arith.constant 32 : i32
        %add3A_232 = arith.addi %mul3A_203, %add3A_231 : i32
        %get3A_233 = arith.constant 0 : i32
        %get3A_234 = arith.constant 1 : i32
        %get3A_235 = arith.index_cast %get3A_233 : i32 to index
        %get3A_236 = arith.index_cast %get3A_234 : i32 to index
        %get3A_237 = arith.index_cast %add3A_232 : i32 to index
        %get3A_238 = tpu.vector_load %arg6[%get3A_235, %get3A_236, %get3A_237] {strides = array<i32>} : memref<2x4x3200xi32, #tpu.memory_space<vmem>>, vector<16xi32>,
        %gather3A_239 = tpu.vector_load_idx %arg5[%broadcast_in_dim3A_82, %get3A_238] : memref<4x10000xf32, #tpu.memory_space<vmem>>[vector<16xi32>, vector<16xi32>], vector<16xf32>,
        %swap3A_240 = arith.constant 0 : i32
        %swap3A_241 = arith.constant 1 : i32
        %swap3A_242 = arith.index_cast %swap3A_240 : i32 to index
        %swap3A_243 = arith.index_cast %swap3A_241 : i32 to index
        %swap3A_244 = arith.index_cast %add3A_232 : i32 to index
        %swap3A_245 = tpu.vector_load %arg7[%swap3A_242, %swap3A_243, %swap3A_244] {strides = array<i32>} : memref<2x4x3200xf32, #tpu.memory_space<vmem>>, vector<16xf32>,
        tpu.vector_store %arg7[%swap3A_242, %swap3A_243, %swap3A_244], %gather3A_239 {strides = array<i32>} : memref<2x4x3200xf32, #tpu.memory_space<vmem>>, vector<16xf32>,
        %add3A_246 = arith.constant 48 : i32
        %add3A_247 = arith.addi %mul3A_203, %add3A_246 : i32
        %get3A_248 = arith.constant 0 : i32
        %get3A_249 = arith.constant 1 : i32
        %get3A_250 = arith.index_cast %get3A_248 : i32 to index
        %get3A_251 = arith.index_cast %get3A_249 : i32 to index
        %get3A_252 = arith.index_cast %add3A_247 : i32 to index
        %get3A_253 = tpu.vector_load %arg6[%get3A_250, %get3A_251, %get3A_252] {strides = array<i32>} : memref<2x4x3200xi32, #tpu.memory_space<vmem>>, vector<16xi32>,
        %gather3A_254 = tpu.vector_load_idx %arg5[%broadcast_in_dim3A_82, %get3A_253] : memref<4x10000xf32, #tpu.memory_space<vmem>>[vector<16xi32>, vector<16xi32>], vector<16xf32>,
        %swap3A_255 = arith.constant 0 : i32
        %swap3A_256 = arith.constant 1 : i32
        %swap3A_257 = arith.index_cast %swap3A_255 : i32 to index
        %swap3A_258 = arith.index_cast %swap3A_256 : i32 to index
        %swap3A_259 = arith.index_cast %add3A_247 : i32 to index
        %swap3A_260 = tpu.vector_load %arg7[%swap3A_257, %swap3A_258, %swap3A_259] {strides = array<i32>} : memref<2x4x3200xf32, #tpu.memory_space<vmem>>, vector<16xf32>,
        tpu.vector_store %arg7[%swap3A_257, %swap3A_258, %swap3A_259], %gather3A_254 {strides = array<i32>} : memref<2x4x3200xf32, #tpu.memory_space<vmem>>, vector<16xf32>,
        %add3A_261 = arith.constant 64 : i32
        %add3A_262 = arith.addi %mul3A_203, %add3A_261 : i32
        %get3A_263 = arith.constant 0 : i32
        %get3A_264 = arith.constant 1 : i32
        %get3A_265 = arith.index_cast %get3A_263 : i32 to index
        %get3A_266 = arith.index_cast %get3A_264 : i32 to index
        %get3A_267 = arith.index_cast %add3A_262 : i32 to index
        %get3A_268 = tpu.vector_load %arg6[%get3A_265, %get3A_266, %get3A_267] {strides = array<i32>} : memref<2x4x3200xi32, #tpu.memory_space<vmem>>, vector<16xi32>,
        %gather3A_269 = tpu.vector_load_idx %arg5[%broadcast_in_dim3A_82, %get3A_268] : memref<4x10000xf32, #tpu.memory_space<vmem>>[vector<16xi32>, vector<16xi32>], vector<16xf32>,
        %swap3A_270 = arith.constant 0 : i32
        %swap3A_271 = arith.constant 1 : i32
        %swap3A_272 = arith.index_cast %swap3A_270 : i32 to index
        %swap3A_273 = arith.index_cast %swap3A_271 : i32 to index
        %swap3A_274 = arith.index_cast %add3A_262 : i32 to index
        %swap3A_275 = tpu.vector_load %arg7[%swap3A_272, %swap3A_273, %swap3A_274] {strides = array<i32>} : memref<2x4x3200xf32, #tpu.memory_space<vmem>>, vector<16xf32>,
        tpu.vector_store %arg7[%swap3A_272, %swap3A_273, %swap3A_274], %gather3A_269 {strides = array<i32>} : memref<2x4x3200xf32, #tpu.memory_space<vmem>>, vector<16xf32>,
        %add3A_276 = arith.constant 80 : i32
        %add3A_277 = arith.addi %mul3A_203, %add3A_276 : i32
        %get3A_278 = arith.constant 0 : i32
        %get3A_279 = arith.constant 1 : i32
        %get3A_280 = arith.index_cast %get3A_278 : i32 to index
        %get3A_281 = arith.index_cast %get3A_279 : i32 to index
        %get3A_282 = arith.index_cast %add3A_277 : i32 to index
        %get3A_283 = tpu.vector_load %arg6[%get3A_280, %get3A_281, %get3A_282] {strides = array<i32>} : memref<2x4x3200xi32, #tpu.memory_space<vmem>>, vector<16xi32>,
        %gather3A_284 = tpu.vector_load_idx %arg5[%broadcast_in_dim3A_82, %get3A_283] : memref<4x10000xf32, #tpu.memory_space<vmem>>[vector<16xi32>, vector<16xi32>], vector<16xf32>,
        %swap3A_285 = arith.constant 0 : i32
        %swap3A_286 = arith.constant 1 : i32
        %swap3A_287 = arith.index_cast %swap3A_285 : i32 to index
        %swap3A_288 = arith.index_cast %swap3A_286 : i32 to index
        %swap3A_289 = arith.index_cast %add3A_277 : i32 to index
        %swap3A_290 = tpu.vector_load %arg7[%swap3A_287, %swap3A_288, %swap3A_289] {strides = array<i32>} : memref<2x4x3200xf32, #tpu.memory_space<vmem>>, vector<16xf32>,
        tpu.vector_store %arg7[%swap3A_287, %swap3A_288, %swap3A_289], %gather3A_284 {strides = array<i32>} : memref<2x4x3200xf32, #tpu.memory_space<vmem>>, vector<16xf32>,
        %add3A_291 = arith.constant 96 : i32
        %add3A_292 = arith.addi %mul3A_203, %add3A_291 : i32
        %get3A_293 = arith.constant 0 : i32
        %get3A_294 = arith.constant 1 : i32
        %get3A_295 = arith.index_cast %get3A_293 : i32 to index
        %get3A_296 = arith.index_cast %get3A_294 : i32 to index
        %get3A_297 = arith.index_cast %add3A_292 : i32 to index
        %get3A_298 = tpu.vector_load %arg6[%get3A_295, %get3A_296, %get3A_297] {strides = array<i32>} : memref<2x4x3200xi32, #tpu.memory_space<vmem>>, vector<16xi32>,
        %gather3A_299 = tpu.vector_load_idx %arg5[%broadcast_in_dim3A_82, %get3A_298] : memref<4x10000xf32, #tpu.memory_space<vmem>>[vector<16xi32>, vector<16xi32>], vector<16xf32>,
        %swap3A_300 = arith.constant 0 : i32
        %swap3A_301 = arith.constant 1 : i32
        %swap3A_302 = arith.index_cast %swap3A_300 : i32 to index
        %swap3A_303 = arith.index_cast %swap3A_301 : i32 to index
        %swap3A_304 = arith.index_cast %add3A_292 : i32 to index
        %swap3A_305 = tpu.vector_load %arg7[%swap3A_302, %swap3A_303, %swap3A_304] {strides = array<i32>} : memref<2x4x3200xf32, #tpu.memory_space<vmem>>, vector<16xf32>,
        tpu.vector_store %arg7[%swap3A_302, %swap3A_303, %swap3A_304], %gather3A_299 {strides = array<i32>} : memref<2x4x3200xf32, #tpu.memory_space<vmem>>, vector<16xf32>,
        %add3A_306 = arith.constant 112 : i32
        %add3A_307 = arith.addi %mul3A_203, %add3A_306 : i32
        %get3A_308 = arith.constant 0 : i32
        %get3A_309 = arith.constant 1 : i32
        %get3A_310 = arith.index_cast %get3A_308 : i32 to index
        %get3A_311 = arith.index_cast %get3A_309 : i32 to index
        %get3A_312 = arith.index_cast %add3A_307 : i32 to index
        %get3A_313 = tpu.vector_load %arg6[%get3A_310, %get3A_311, %get3A_312] {strides = array<i32>} : memref<2x4x3200xi32, #tpu.memory_space<vmem>>, vector<16xi32>,
        %gather3A_314 = tpu.vector_load_idx %arg5[%broadcast_in_dim3A_82, %get3A_313] : memref<4x10000xf32, #tpu.memory_space<vmem>>[vector<16xi32>, vector<16xi32>], vector<16xf32>,
        %swap3A_315 = arith.constant 0 : i32
        %swap3A_316 = arith.constant 1 : i32
        %swap3A_317 = arith.index_cast %swap3A_315 : i32 to index
        %swap3A_318 = arith.index_cast %swap3A_316 : i32 to index
        %swap3A_319 = arith.index_cast %add3A_307 : i32 to index
        %swap3A_320 = tpu.vector_load %arg7[%swap3A_317, %swap3A_318, %swap3A_319] {strides = array<i32>} : memref<2x4x3200xf32, #tpu.memory_space<vmem>>, vector<16xf32>,
        tpu.vector_store %arg7[%swap3A_317, %swap3A_318, %swap3A_319], %gather3A_314 {strides = array<i32>} : memref<2x4x3200xf32, #tpu.memory_space<vmem>>, vector<16xf32>,
        %scan3A_321 = arith.constant 0 : i32
        scf.yield %scan3A_321 : i32
      }
      %scan3A_89 = arith.constant 25 : i32
      %broadcast_in_dim3A_90 = arith.constant 2 : i32
      %broadcast_in_dim3A_91 = vector.broadcast %broadcast_in_dim3A_90 : i32 to vector<16xi32>
      %scan3A_92 = arith.constant 0 : i32
      %scan3A_93 = arith.constant 0 : i32
      %scan3A_94 = arith.constant 25 : i32
      %scan3A_95 = arith.addi %scan3A_93, %scan3A_94 : i32
      %scan3A_96 = arith.constant 1 : i32
      %scan3A_97 = scf.for %scan3A_200 = %scan3A_93 to %scan3A_95 step %scan3A_96 iter_args(%scan3A_201 = %scan3A_92) -> (i32)  : i32 {
        %mul3A_202 = arith.constant 128 : i32
        %mul3A_203 = arith.muli %scan3A_200, %mul3A_202 : i32
        %add3A_204 = arith.constant 0 : i32
        %add3A_205 = arith.addi %mul3A_203, %add3A_204 : i32
        %get3A = arith.constant 0 : i32
        %get3A_206 = arith.constant 2 : i32
        %get3A_207 = arith.index_cast %get3A : i32 to index
        %get3A_208 = arith.index_cast %get3A_206 : i32 to index
        %get3A_209 = arith.index_cast %add3A_205 : i32 to index
        %get3A_210 = tpu.vector_load %arg6[%get3A_207, %get3A_208, %get3A_209] {strides = array<i32>} : memref<2x4x3200xi32, #tpu.memory_space<vmem>>, vector<16xi32>,
        %gather3A = tpu.vector_load_idx %arg5[%broadcast_in_dim3A_91, %get3A_210] : memref<4x10000xf32, #tpu.memory_space<vmem>>[vector<16xi32>, vector<16xi32>], vector<16xf32>,
        %swap3A = arith.constant 0 : i32
        %swap3A_211 = arith.constant 2 : i32
        %swap3A_212 = arith.index_cast %swap3A : i32 to index
        %swap3A_213 = arith.index_cast %swap3A_211 : i32 to index
        %swap3A_214 = arith.index_cast %add3A_205 : i32 to index
        %swap3A_215 = tpu.vector_load %arg7[%swap3A_212, %swap3A_213, %swap3A_214] {strides = array<i32>} : memref<2x4x3200xf32, #tpu.memory_space<vmem>>, vector<16xf32>,
        tpu.vector_store %arg7[%swap3A_212, %swap3A_213, %swap3A_214], %gather3A {strides = array<i32>} : memref<2x4x3200xf32, #tpu.memory_space<vmem>>, vector<16xf32>,
        %add3A_216 = arith.constant 16 : i32
        %add3A_217 = arith.addi %mul3A_203, %add3A_216 : i32
        %get3A_218 = arith.constant 0 : i32
        %get3A_219 = arith.constant 2 : i32
        %get3A_220 = arith.index_cast %get3A_218 : i32 to index
        %get3A_221 = arith.index_cast %get3A_219 : i32 to index
        %get3A_222 = arith.index_cast %add3A_217 : i32 to index
        %get3A_223 = tpu.vector_load %arg6[%get3A_220, %get3A_221, %get3A_222] {strides = array<i32>} : memref<2x4x3200xi32, #tpu.memory_space<vmem>>, vector<16xi32>,
        %gather3A_224 = tpu.vector_load_idx %arg5[%broadcast_in_dim3A_91, %get3A_223] : memref<4x10000xf32, #tpu.memory_space<vmem>>[vector<16xi32>, vector<16xi32>], vector<16xf32>,
        %swap3A_225 = arith.constant 0 : i32
        %swap3A_226 = arith.constant 2 : i32
        %swap3A_227 = arith.index_cast %swap3A_225 : i32 to index
        %swap3A_228 = arith.index_cast %swap3A_226 : i32 to index
        %swap3A_229 = arith.index_cast %add3A_217 : i32 to index
        %swap3A_230 = tpu.vector_load %arg7[%swap3A_227, %swap3A_228, %swap3A_229] {strides = array<i32>} : memref<2x4x3200xf32, #tpu.memory_space<vmem>>, vector<16xf32>,
        tpu.vector_store %arg7[%swap3A_227, %swap3A_228, %swap3A_229], %gather3A_224 {strides = array<i32>} : memref<2x4x3200xf32, #tpu.memory_space<vmem>>, vector<16xf32>,
        %add3A_231 = arith.constant 32 : i32
        %add3A_232 = arith.addi %mul3A_203, %add3A_231 : i32
        %get3A_233 = arith.constant 0 : i32
        %get3A_234 = arith.constant 2 : i32
        %get3A_235 = arith.index_cast %get3A_233 : i32 to index
        %get3A_236 = arith.index_cast %get3A_234 : i32 to index
        %get3A_237 = arith.index_cast %add3A_232 : i32 to index
        %get3A_238 = tpu.vector_load %arg6[%get3A_235, %get3A_236, %get3A_237] {strides = array<i32>} : memref<2x4x3200xi32, #tpu.memory_space<vmem>>, vector<16xi32>,
        %gather3A_239 = tpu.vector_load_idx %arg5[%broadcast_in_dim3A_91, %get3A_238] : memref<4x10000xf32, #tpu.memory_space<vmem>>[vector<16xi32>, vector<16xi32>], vector<16xf32>,
        %swap3A_240 = arith.constant 0 : i32
        %swap3A_241 = arith.constant 2 : i32
        %swap3A_242 = arith.index_cast %swap3A_240 : i32 to index
        %swap3A_243 = arith.index_cast %swap3A_241 : i32 to index
        %swap3A_244 = arith.index_cast %add3A_232 : i32 to index
        %swap3A_245 = tpu.vector_load %arg7[%swap3A_242, %swap3A_243, %swap3A_244] {strides = array<i32>} : memref<2x4x3200xf32, #tpu.memory_space<vmem>>, vector<16xf32>,
        tpu.vector_store %arg7[%swap3A_242, %swap3A_243, %swap3A_244], %gather3A_239 {strides = array<i32>} : memref<2x4x3200xf32, #tpu.memory_space<vmem>>, vector<16xf32>,
        %add3A_246 = arith.constant 48 : i32
        %add3A_247 = arith.addi %mul3A_203, %add3A_246 : i32
        %get3A_248 = arith.constant 0 : i32
        %get3A_249 = arith.constant 2 : i32
        %get3A_250 = arith.index_cast %get3A_248 : i32 to index
        %get3A_251 = arith.index_cast %get3A_249 : i32 to index
        %get3A_252 = arith.index_cast %add3A_247 : i32 to index
        %get3A_253 = tpu.vector_load %arg6[%get3A_250, %get3A_251, %get3A_252] {strides = array<i32>} : memref<2x4x3200xi32, #tpu.memory_space<vmem>>, vector<16xi32>,
        %gather3A_254 = tpu.vector_load_idx %arg5[%broadcast_in_dim3A_91, %get3A_253] : memref<4x10000xf32, #tpu.memory_space<vmem>>[vector<16xi32>, vector<16xi32>], vector<16xf32>,
        %swap3A_255 = arith.constant 0 : i32
        %swap3A_256 = arith.constant 2 : i32
        %swap3A_257 = arith.index_cast %swap3A_255 : i32 to index
        %swap3A_258 = arith.index_cast %swap3A_256 : i32 to index
        %swap3A_259 = arith.index_cast %add3A_247 : i32 to index
        %swap3A_260 = tpu.vector_load %arg7[%swap3A_257, %swap3A_258, %swap3A_259] {strides = array<i32>} : memref<2x4x3200xf32, #tpu.memory_space<vmem>>, vector<16xf32>,
        tpu.vector_store %arg7[%swap3A_257, %swap3A_258, %swap3A_259], %gather3A_254 {strides = array<i32>} : memref<2x4x3200xf32, #tpu.memory_space<vmem>>, vector<16xf32>,
        %add3A_261 = arith.constant 64 : i32
        %add3A_262 = arith.addi %mul3A_203, %add3A_261 : i32
        %get3A_263 = arith.constant 0 : i32
        %get3A_264 = arith.constant 2 : i32
        %get3A_265 = arith.index_cast %get3A_263 : i32 to index
        %get3A_266 = arith.index_cast %get3A_264 : i32 to index
        %get3A_267 = arith.index_cast %add3A_262 : i32 to index
        %get3A_268 = tpu.vector_load %arg6[%get3A_265, %get3A_266, %get3A_267] {strides = array<i32>} : memref<2x4x3200xi32, #tpu.memory_space<vmem>>, vector<16xi32>,
        %gather3A_269 = tpu.vector_load_idx %arg5[%broadcast_in_dim3A_91, %get3A_268] : memref<4x10000xf32, #tpu.memory_space<vmem>>[vector<16xi32>, vector<16xi32>], vector<16xf32>,
        %swap3A_270 = arith.constant 0 : i32
        %swap3A_271 = arith.constant 2 : i32
        %swap3A_272 = arith.index_cast %swap3A_270 : i32 to index
        %swap3A_273 = arith.index_cast %swap3A_271 : i32 to index
        %swap3A_274 = arith.index_cast %add3A_262 : i32 to index
        %swap3A_275 = tpu.vector_load %arg7[%swap3A_272, %swap3A_273, %swap3A_274] {strides = array<i32>} : memref<2x4x3200xf32, #tpu.memory_space<vmem>>, vector<16xf32>,
        tpu.vector_store %arg7[%swap3A_272, %swap3A_273, %swap3A_274], %gather3A_269 {strides = array<i32>} : memref<2x4x3200xf32, #tpu.memory_space<vmem>>, vector<16xf32>,
        %add3A_276 = arith.constant 80 : i32
        %add3A_277 = arith.addi %mul3A_203, %add3A_276 : i32
        %get3A_278 = arith.constant 0 : i32
        %get3A_279 = arith.constant 2 : i32
        %get3A_280 = arith.index_cast %get3A_278 : i32 to index
        %get3A_281 = arith.index_cast %get3A_279 : i32 to index
        %get3A_282 = arith.index_cast %add3A_277 : i32 to index
        %get3A_283 = tpu.vector_load %arg6[%get3A_280, %get3A_281, %get3A_282] {strides = array<i32>} : memref<2x4x3200xi32, #tpu.memory_space<vmem>>, vector<16xi32>,
        %gather3A_284 = tpu.vector_load_idx %arg5[%broadcast_in_dim3A_91, %get3A_283] : memref<4x10000xf32, #tpu.memory_space<vmem>>[vector<16xi32>, vector<16xi32>], vector<16xf32>,
        %swap3A_285 = arith.constant 0 : i32
        %swap3A_286 = arith.constant 2 : i32
        %swap3A_287 = arith.index_cast %swap3A_285 : i32 to index
        %swap3A_288 = arith.index_cast %swap3A_286 : i32 to index
        %swap3A_289 = arith.index_cast %add3A_277 : i32 to index
        %swap3A_290 = tpu.vector_load %arg7[%swap3A_287, %swap3A_288, %swap3A_289] {strides = array<i32>} : memref<2x4x3200xf32, #tpu.memory_space<vmem>>, vector<16xf32>,
        tpu.vector_store %arg7[%swap3A_287, %swap3A_288, %swap3A_289], %gather3A_284 {strides = array<i32>} : memref<2x4x3200xf32, #tpu.memory_space<vmem>>, vector<16xf32>,
        %add3A_291 = arith.constant 96 : i32
        %add3A_292 = arith.addi %mul3A_203, %add3A_291 : i32
        %get3A_293 = arith.constant 0 : i32
        %get3A_294 = arith.constant 2 : i32
        %get3A_295 = arith.index_cast %get3A_293 : i32 to index
        %get3A_296 = arith.index_cast %get3A_294 : i32 to index
        %get3A_297 = arith.index_cast %add3A_292 : i32 to index
        %get3A_298 = tpu.vector_load %arg6[%get3A_295, %get3A_296, %get3A_297] {strides = array<i32>} : memref<2x4x3200xi32, #tpu.memory_space<vmem>>, vector<16xi32>,
        %gather3A_299 = tpu.vector_load_idx %arg5[%broadcast_in_dim3A_91, %get3A_298] : memref<4x10000xf32, #tpu.memory_space<vmem>>[vector<16xi32>, vector<16xi32>], vector<16xf32>,
        %swap3A_300 = arith.constant 0 : i32
        %swap3A_301 = arith.constant 2 : i32
        %swap3A_302 = arith.index_cast %swap3A_300 : i32 to index
        %swap3A_303 = arith.index_cast %swap3A_301 : i32 to index
        %swap3A_304 = arith.index_cast %add3A_292 : i32 to index
        %swap3A_305 = tpu.vector_load %arg7[%swap3A_302, %swap3A_303, %swap3A_304] {strides = array<i32>} : memref<2x4x3200xf32, #tpu.memory_space<vmem>>, vector<16xf32>,
        tpu.vector_store %arg7[%swap3A_302, %swap3A_303, %swap3A_304], %gather3A_299 {strides = array<i32>} : memref<2x4x3200xf32, #tpu.memory_space<vmem>>, vector<16xf32>,
        %add3A_306 = arith.constant 112 : i32
        %add3A_307 = arith.addi %mul3A_203, %add3A_306 : i32
        %get3A_308 = arith.constant 0 : i32
        %get3A_309 = arith.constant 2 : i32
        %get3A_310 = arith.index_cast %get3A_308 : i32 to index
        %get3A_311 = arith.index_cast %get3A_309 : i32 to index
        %get3A_312 = arith.index_cast %add3A_307 : i32 to index
        %get3A_313 = tpu.vector_load %arg6[%get3A_310, %get3A_311, %get3A_312] {strides = array<i32>} : memref<2x4x3200xi32, #tpu.memory_space<vmem>>, vector<16xi32>,
        %gather3A_314 = tpu.vector_load_idx %arg5[%broadcast_in_dim3A_91, %get3A_313] : memref<4x10000xf32, #tpu.memory_space<vmem>>[vector<16xi32>, vector<16xi32>], vector<16xf32>,
        %swap3A_315 = arith.constant 0 : i32
        %swap3A_316 = arith.constant 2 : i32
        %swap3A_317 = arith.index_cast %swap3A_315 : i32 to index
        %swap3A_318 = arith.index_cast %swap3A_316 : i32 to index
        %swap3A_319 = arith.index_cast %add3A_307 : i32 to index
        %swap3A_320 = tpu.vector_load %arg7[%swap3A_317, %swap3A_318, %swap3A_319] {strides = array<i32>} : memref<2x4x3200xf32, #tpu.memory_space<vmem>>, vector<16xf32>,
        tpu.vector_store %arg7[%swap3A_317, %swap3A_318, %swap3A_319], %gather3A_314 {strides = array<i32>} : memref<2x4x3200xf32, #tpu.memory_space<vmem>>, vector<16xf32>,
        %scan3A_321 = arith.constant 0 : i32
        scf.yield %scan3A_321 : i32
      }
      %scan3A_98 = arith.constant 25 : i32
      %broadcast_in_dim3A_99 = arith.constant 3 : i32
      %broadcast_in_dim3A_100 = vector.broadcast %broadcast_in_dim3A_99 : i32 to vector<16xi32>
      %scan3A_101 = arith.constant 0 : i32
      %scan3A_102 = arith.constant 0 : i32
      %scan3A_103 = arith.constant 25 : i32
      %scan3A_104 = arith.addi %scan3A_102, %scan3A_103 : i32
      %scan3A_105 = arith.constant 1 : i32
      %scan3A_106 = scf.for %scan3A_200 = %scan3A_102 to %scan3A_104 step %scan3A_105 iter_args(%scan3A_201 = %scan3A_101) -> (i32)  : i32 {
        %mul3A_202 = arith.constant 128 : i32
        %mul3A_203 = arith.muli %scan3A_200, %mul3A_202 : i32
        %add3A_204 = arith.constant 0 : i32
        %add3A_205 = arith.addi %mul3A_203, %add3A_204 : i32
        %get3A = arith.constant 0 : i32
        %get3A_206 = arith.constant 3 : i32
        %get3A_207 = arith.index_cast %get3A : i32 to index
        %get3A_208 = arith.index_cast %get3A_206 : i32 to index
        %get3A_209 = arith.index_cast %add3A_205 : i32 to index
        %get3A_210 = tpu.vector_load %arg6[%get3A_207, %get3A_208, %get3A_209] {strides = array<i32>} : memref<2x4x3200xi32, #tpu.memory_space<vmem>>, vector<16xi32>,
        %gather3A = tpu.vector_load_idx %arg5[%broadcast_in_dim3A_100, %get3A_210] : memref<4x10000xf32, #tpu.memory_space<vmem>>[vector<16xi32>, vector<16xi32>], vector<16xf32>,
        %swap3A = arith.constant 0 : i32
        %swap3A_211 = arith.constant 3 : i32
        %swap3A_212 = arith.index_cast %swap3A : i32 to index
        %swap3A_213 = arith.index_cast %swap3A_211 : i32 to index
        %swap3A_214 = arith.index_cast %add3A_205 : i32 to index
        %swap3A_215 = tpu.vector_load %arg7[%swap3A_212, %swap3A_213, %swap3A_214] {strides = array<i32>} : memref<2x4x3200xf32, #tpu.memory_space<vmem>>, vector<16xf32>,
        tpu.vector_store %arg7[%swap3A_212, %swap3A_213, %swap3A_214], %gather3A {strides = array<i32>} : memref<2x4x3200xf32, #tpu.memory_space<vmem>>, vector<16xf32>,
        %add3A_216 = arith.constant 16 : i32
        %add3A_217 = arith.addi %mul3A_203, %add3A_216 : i32
        %get3A_218 = arith.constant 0 : i32
        %get3A_219 = arith.constant 3 : i32
        %get3A_220 = arith.index_cast %get3A_218 : i32 to index
        %get3A_221 = arith.index_cast %get3A_219 : i32 to index
        %get3A_222 = arith.index_cast %add3A_217 : i32 to index
        %get3A_223 = tpu.vector_load %arg6[%get3A_220, %get3A_221, %get3A_222] {strides = array<i32>} : memref<2x4x3200xi32, #tpu.memory_space<vmem>>, vector<16xi32>,
        %gather3A_224 = tpu.vector_load_idx %arg5[%broadcast_in_dim3A_100, %get3A_223] : memref<4x10000xf32, #tpu.memory_space<vmem>>[vector<16xi32>, vector<16xi32>], vector<16xf32>,
        %swap3A_225 = arith.constant 0 : i32
        %swap3A_226 = arith.constant 3 : i32
        %swap3A_227 = arith.index_cast %swap3A_225 : i32 to index
        %swap3A_228 = arith.index_cast %swap3A_226 : i32 to index
        %swap3A_229 = arith.index_cast %add3A_217 : i32 to index
        %swap3A_230 = tpu.vector_load %arg7[%swap3A_227, %swap3A_228, %swap3A_229] {strides = array<i32>} : memref<2x4x3200xf32, #tpu.memory_space<vmem>>, vector<16xf32>,
        tpu.vector_store %arg7[%swap3A_227, %swap3A_228, %swap3A_229], %gather3A_224 {strides = array<i32>} : memref<2x4x3200xf32, #tpu.memory_space<vmem>>, vector<16xf32>,
        %add3A_231 = arith.constant 32 : i32
        %add3A_232 = arith.addi %mul3A_203, %add3A_231 : i32
        %get3A_233 = arith.constant 0 : i32
        %get3A_234 = arith.constant 3 : i32
        %get3A_235 = arith.index_cast %get3A_233 : i32 to index
        %get3A_236 = arith.index_cast %get3A_234 : i32 to index
        %get3A_237 = arith.index_cast %add3A_232 : i32 to index
        %get3A_238 = tpu.vector_load %arg6[%get3A_235, %get3A_236, %get3A_237] {strides = array<i32>} : memref<2x4x3200xi32, #tpu.memory_space<vmem>>, vector<16xi32>,
        %gather3A_239 = tpu.vector_load_idx %arg5[%broadcast_in_dim3A_100, %get3A_238] : memref<4x10000xf32, #tpu.memory_space<vmem>>[vector<16xi32>, vector<16xi32>], vector<16xf32>,
        %swap3A_240 = arith.constant 0 : i32
        %swap3A_241 = arith.constant 3 : i32
        %swap3A_242 = arith.index_cast %swap3A_240 : i32 to index
        %swap3A_243 = arith.index_cast %swap3A_241 : i32 to index
        %swap3A_244 = arith.index_cast %add3A_232 : i32 to index
        %swap3A_245 = tpu.vector_load %arg7[%swap3A_242, %swap3A_243, %swap3A_244] {strides = array<i32>} : memref<2x4x3200xf32, #tpu.memory_space<vmem>>, vector<16xf32>,
        tpu.vector_store %arg7[%swap3A_242, %swap3A_243, %swap3A_244], %gather3A_239 {strides = array<i32>} : memref<2x4x3200xf32, #tpu.memory_space<vmem>>, vector<16xf32>,
        %add3A_246 = arith.constant 48 : i32
        %add3A_247 = arith.addi %mul3A_203, %add3A_246 : i32
        %get3A_248 = arith.constant 0 : i32
        %get3A_249 = arith.constant 3 : i32
        %get3A_250 = arith.index_cast %get3A_248 : i32 to index
        %get3A_251 = arith.index_cast %get3A_249 : i32 to index
        %get3A_252 = arith.index_cast %add3A_247 : i32 to index
        %get3A_253 = tpu.vector_load %arg6[%get3A_250, %get3A_251, %get3A_252] {strides = array<i32>} : memref<2x4x3200xi32, #tpu.memory_space<vmem>>, vector<16xi32>,
        %gather3A_254 = tpu.vector_load_idx %arg5[%broadcast_in_dim3A_100, %get3A_253] : memref<4x10000xf32, #tpu.memory_space<vmem>>[vector<16xi32>, vector<16xi32>], vector<16xf32>,
        %swap3A_255 = arith.constant 0 : i32
        %swap3A_256 = arith.constant 3 : i32
        %swap3A_257 = arith.index_cast %swap3A_255 : i32 to index
        %swap3A_258 = arith.index_cast %swap3A_256 : i32 to index
        %swap3A_259 = arith.index_cast %add3A_247 : i32 to index
        %swap3A_260 = tpu.vector_load %arg7[%swap3A_257, %swap3A_258, %swap3A_259] {strides = array<i32>} : memref<2x4x3200xf32, #tpu.memory_space<vmem>>, vector<16xf32>,
        tpu.vector_store %arg7[%swap3A_257, %swap3A_258, %swap3A_259], %gather3A_254 {strides = array<i32>} : memref<2x4x3200xf32, #tpu.memory_space<vmem>>, vector<16xf32>,
        %add3A_261 = arith.constant 64 : i32
        %add3A_262 = arith.addi %mul3A_203, %add3A_261 : i32
        %get3A_263 = arith.constant 0 : i32
        %get3A_264 = arith.constant 3 : i32
        %get3A_265 = arith.index_cast %get3A_263 : i32 to index
        %get3A_266 = arith.index_cast %get3A_264 : i32 to index
        %get3A_267 = arith.index_cast %add3A_262 : i32 to index
        %get3A_268 = tpu.vector_load %arg6[%get3A_265, %get3A_266, %get3A_267] {strides = array<i32>} : memref<2x4x3200xi32, #tpu.memory_space<vmem>>, vector<16xi32>,
        %gather3A_269 = tpu.vector_load_idx %arg5[%broadcast_in_dim3A_100, %get3A_268] : memref<4x10000xf32, #tpu.memory_space<vmem>>[vector<16xi32>, vector<16xi32>], vector<16xf32>,
        %swap3A_270 = arith.constant 0 : i32
        %swap3A_271 = arith.constant 3 : i32
        %swap3A_272 = arith.index_cast %swap3A_270 : i32 to index
        %swap3A_273 = arith.index_cast %swap3A_271 : i32 to index
        %swap3A_274 = arith.index_cast %add3A_262 : i32 to index
        %swap3A_275 = tpu.vector_load %arg7[%swap3A_272, %swap3A_273, %swap3A_274] {strides = array<i32>} : memref<2x4x3200xf32, #tpu.memory_space<vmem>>, vector<16xf32>,
        tpu.vector_store %arg7[%swap3A_272, %swap3A_273, %swap3A_274], %gather3A_269 {strides = array<i32>} : memref<2x4x3200xf32, #tpu.memory_space<vmem>>, vector<16xf32>,
        %add3A_276 = arith.constant 80 : i32
        %add3A_277 = arith.addi %mul3A_203, %add3A_276 : i32
        %get3A_278 = arith.constant 0 : i32
        %get3A_279 = arith.constant 3 : i32
        %get3A_280 = arith.index_cast %get3A_278 : i32 to index
        %get3A_281 = arith.index_cast %get3A_279 : i32 to index
        %get3A_282 = arith.index_cast %add3A_277 : i32 to index
        %get3A_283 = tpu.vector_load %arg6[%get3A_280, %get3A_281, %get3A_282] {strides = array<i32>} : memref<2x4x3200xi32, #tpu.memory_space<vmem>>, vector<16xi32>,
        %gather3A_284 = tpu.vector_load_idx %arg5[%broadcast_in_dim3A_100, %get3A_283] : memref<4x10000xf32, #tpu.memory_space<vmem>>[vector<16xi32>, vector<16xi32>], vector<16xf32>,
        %swap3A_285 = arith.constant 0 : i32
        %swap3A_286 = arith.constant 3 : i32
        %swap3A_287 = arith.index_cast %swap3A_285 : i32 to index
        %swap3A_288 = arith.index_cast %swap3A_286 : i32 to index
        %swap3A_289 = arith.index_cast %add3A_277 : i32 to index
        %swap3A_290 = tpu.vector_load %arg7[%swap3A_287, %swap3A_288, %swap3A_289] {strides = array<i32>} : memref<2x4x3200xf32, #tpu.memory_space<vmem>>, vector<16xf32>,
        tpu.vector_store %arg7[%swap3A_287, %swap3A_288, %swap3A_289], %gather3A_284 {strides = array<i32>} : memref<2x4x3200xf32, #tpu.memory_space<vmem>>, vector<16xf32>,
        %add3A_291 = arith.constant 96 : i32
        %add3A_292 = arith.addi %mul3A_203, %add3A_291 : i32
        %get3A_293 = arith.constant 0 : i32
        %get3A_294 = arith.constant 3 : i32
        %get3A_295 = arith.index_cast %get3A_293 : i32 to index
        %get3A_296 = arith.index_cast %get3A_294 : i32 to index
        %get3A_297 = arith.index_cast %add3A_292 : i32 to index
        %get3A_298 = tpu.vector_load %arg6[%get3A_295, %get3A_296, %get3A_297] {strides = array<i32>} : memref<2x4x3200xi32, #tpu.memory_space<vmem>>, vector<16xi32>,
        %gather3A_299 = tpu.vector_load_idx %arg5[%broadcast_in_dim3A_100, %get3A_298] : memref<4x10000xf32, #tpu.memory_space<vmem>>[vector<16xi32>, vector<16xi32>], vector<16xf32>,
        %swap3A_300 = arith.constant 0 : i32
        %swap3A_301 = arith.constant 3 : i32
        %swap3A_302 = arith.index_cast %swap3A_300 : i32 to index
        %swap3A_303 = arith.index_cast %swap3A_301 : i32 to index
        %swap3A_304 = arith.index_cast %add3A_292 : i32 to index
        %swap3A_305 = tpu.vector_load %arg7[%swap3A_302, %swap3A_303, %swap3A_304] {strides = array<i32>} : memref<2x4x3200xf32, #tpu.memory_space<vmem>>, vector<16xf32>,
        tpu.vector_store %arg7[%swap3A_302, %swap3A_303, %swap3A_304], %gather3A_299 {strides = array<i32>} : memref<2x4x3200xf32, #tpu.memory_space<vmem>>, vector<16xf32>,
        %add3A_306 = arith.constant 112 : i32
        %add3A_307 = arith.addi %mul3A_203, %add3A_306 : i32
        %get3A_308 = arith.constant 0 : i32
        %get3A_309 = arith.constant 3 : i32
        %get3A_310 = arith.index_cast %get3A_308 : i32 to index
        %get3A_311 = arith.index_cast %get3A_309 : i32 to index
        %get3A_312 = arith.index_cast %add3A_307 : i32 to index
        %get3A_313 = tpu.vector_load %arg6[%get3A_310, %get3A_311, %get3A_312] {strides = array<i32>} : memref<2x4x3200xi32, #tpu.memory_space<vmem>>, vector<16xi32>,
        %gather3A_314 = tpu.vector_load_idx %arg5[%broadcast_in_dim3A_100, %get3A_313] : memref<4x10000xf32, #tpu.memory_space<vmem>>[vector<16xi32>, vector<16xi32>], vector<16xf32>,
        %swap3A_315 = arith.constant 0 : i32
        %swap3A_316 = arith.constant 3 : i32
        %swap3A_317 = arith.index_cast %swap3A_315 : i32 to index
        %swap3A_318 = arith.index_cast %swap3A_316 : i32 to index
        %swap3A_319 = arith.index_cast %add3A_307 : i32 to index
        %swap3A_320 = tpu.vector_load %arg7[%swap3A_317, %swap3A_318, %swap3A_319] {strides = array<i32>} : memref<2x4x3200xf32, #tpu.memory_space<vmem>>, vector<16xf32>,
        tpu.vector_store %arg7[%swap3A_317, %swap3A_318, %swap3A_319], %gather3A_314 {strides = array<i32>} : memref<2x4x3200xf32, #tpu.memory_space<vmem>>, vector<16xf32>,
        %scan3A_321 = arith.constant 0 : i32
        scf.yield %scan3A_321 : i32
      }
      %scan3A_107 = arith.constant 25 : i32
      %mul3A_108 = arith.constant 3200 : i32
      %mul3A_109 = arith.muli %add3A_51, %mul3A_108 : i32
      %dma_start3A_110 = arith.constant 0 : i32
      %dma_start3A_111 = arith.constant 0 : i32
      %dma_start3A_112 = arith.constant 0 : i32
      %dma_start3A_113 = tpu.memref_slice %arg7[%dma_start3A_110, %dma_start3A_111, %dma_start3A_112] : memref<2x4x3200xf32, #tpu.memory_space<vmem>> -> memref<1x4x3200xf32, #tpu.memory_space<vmem>>
      %dma_start3A_114 = tpu.memref_squeeze %dma_start3A_113 : memref<1x4x3200xf32, #tpu.memory_space<vmem>> -> memref<4x3200xf32, #tpu.memory_space<vmem>>
      %dma_start3A_115 = tpu.memref_slice %arg4[%mul3A_2, %mul3A_109] : memref<128x160000xf32, #tpu.memory_space<hbm>> -> memref<4x3200xf32, #tpu.memory_space<hbm>>
      %dma_start3A_116 = tpu.memref_slice %arg4[%mul3A_2, %mul3A_109] : memref<128x160000xf32, #tpu.memory_space<hbm>> -> memref<4x3200xf32, #tpu.memory_space<hbm>>
      %dma_start3A_117 = arith.constant 0 : i32
      %dma_start3A_118 = arith.constant 0 : i32
      %dma_start3A_119 = tpu.memref_slice %arg7[%dma_start3A_110, %dma_start3A_117, %dma_start3A_118] : memref<2x4x3200xf32, #tpu.memory_space<vmem>> -> memref<1x4x3200xf32, #tpu.memory_space<vmem>>
      %dma_start3A_120 = tpu.memref_squeeze %dma_start3A_119 : memref<1x4x3200xf32, #tpu.memory_space<vmem>> -> memref<4x3200xf32, #tpu.memory_space<vmem>>
      tpu.enqueue_dma source(%dma_start3A_120 : memref<4x3200xf32, #tpu.memory_space<vmem>>) target(%dma_start3A_116 : memref<4x3200xf32, #tpu.memory_space<hbm>>) target_semaphore(%arg9 : memref<!tpu.dma_semaphore, #tpu.memory_space<semaphore_mem>>)
      %mul3A_121 = arith.constant 2 : i32
      %mul3A_122 = arith.muli %scan3A_46, %mul3A_121 : i32
      %add3A_123 = arith.constant 1 : i32
      %add3A_124 = arith.addi %mul3A_122, %add3A_123 : i32
      %dma_wait3A_125 = arith.constant 1 : i32
      %dma_wait3A_126 = arith.constant 0 : i32
      %dma_wait3A_127 = arith.constant 0 : i32
      %dma_wait3A_128 = tpu.memref_slice %arg6[%dma_wait3A_125, %dma_wait3A_126, %dma_wait3A_127] : memref<2x4x3200xi32, #tpu.memory_space<vmem>> -> memref<1x4x3200xi32, #tpu.memory_space<vmem>>
      %dma_wait3A_129 = tpu.memref_squeeze %dma_wait3A_128 : memref<1x4x3200xi32, #tpu.memory_space<vmem>> -> memref<4x3200xi32, #tpu.memory_space<vmem>>
      %dma_wait3A_130 = arith.constant 0 : i32
      %dma_wait3A_131 = tpu.memref_slice %arg3[%mul3A_2, %dma_wait3A_130] : memref<128x160000xi32, #tpu.memory_space<hbm>> -> memref<4x3200xi32, #tpu.memory_space<hbm>>
      %dma_wait3A_132 = arith.constant 0 : i32
      %dma_wait3A_133 = arith.constant 0 : i32
      %dma_wait3A_134 = tpu.memref_slice %arg6[%dma_wait3A_125, %dma_wait3A_132, %dma_wait3A_133] : memref<2x4x3200xi32, #tpu.memory_space<vmem>> -> memref<1x4x3200xi32, #tpu.memory_space<vmem>>
      %dma_wait3A_135 = tpu.memref_squeeze %dma_wait3A_134 : memref<1x4x3200xi32, #tpu.memory_space<vmem>> -> memref<4x3200xi32, #tpu.memory_space<vmem>>
      %dma_wait3A_136 = arith.constant 0 : i32
      %dma_wait3A_137 = tpu.memref_slice %arg3[%mul3A_2, %dma_wait3A_136] : memref<128x160000xi32, #tpu.memory_space<hbm>> -> memref<4x3200xi32, #tpu.memory_space<hbm>>
      tpu.wait_dma2 semaphore(%arg8 : memref<!tpu.dma_semaphore, #tpu.memory_space<semaphore_mem>>) src(%dma_wait3A_137 : memref<4x3200xi32, #tpu.memory_space<hbm>>) dst(%dma_wait3A_135 : memref<4x3200xi32, #tpu.memory_space<vmem>>)
      %add3A_138 = arith.constant 1 : i32
      %add3A_139 = arith.addi %add3A_124, %add3A_138 : i32
      %lt3A_140 = arith.constant 50 : i32
      %lt3A_141 = arith.cmpi slt, %add3A_139, %lt3A_140 : i32
      %convert_element_type3A_142 = arith.extui %lt3A_141 : i1 to i32
      %cond3A_143 = arith.constant 0 : i32
      %cond3A_144 = arith.cmpi ne, %convert_element_type3A_142, %cond3A_143 : i32
      scf.if %cond3A_144 {
        %add3A_200 = arith.constant 1 : i32
        %add3A_201 = arith.addi %add3A_124, %add3A_200 : i32
        %mul3A_202 = arith.constant 3200 : i32
        %mul3A_203 = arith.muli %add3A_201, %mul3A_202 : i32
        %dma_start3A_204 = arith.constant 0 : i32
        %dma_start3A_205 = arith.constant 0 : i32
        %dma_start3A_206 = arith.constant 0 : i32
        %dma_start3A_207 = tpu.memref_slice %arg6[%dma_start3A_204, %dma_start3A_205, %dma_start3A_206] : memref<2x4x3200xi32, #tpu.memory_space<vmem>> -> memref<1x4x3200xi32, #tpu.memory_space<vmem>>
        %dma_start3A_208 = tpu.memref_squeeze %dma_start3A_207 : memref<1x4x3200xi32, #tpu.memory_space<vmem>> -> memref<4x3200xi32, #tpu.memory_space<vmem>>
        %dma_start3A_209 = tpu.memref_slice %arg3[%mul3A_2, %mul3A_203] : memref<128x160000xi32, #tpu.memory_space<hbm>> -> memref<4x3200xi32, #tpu.memory_space<hbm>>
        %dma_start3A_210 = arith.constant 0 : i32
        %dma_start3A_211 = arith.constant 0 : i32
        %dma_start3A_212 = tpu.memref_slice %arg6[%dma_start3A_204, %dma_start3A_210, %dma_start3A_211] : memref<2x4x3200xi32, #tpu.memory_space<vmem>> -> memref<1x4x3200xi32, #tpu.memory_space<vmem>>
        %dma_start3A_213 = tpu.memref_squeeze %dma_start3A_212 : memref<1x4x3200xi32, #tpu.memory_space<vmem>> -> memref<4x3200xi32, #tpu.memory_space<vmem>>
        %dma_start3A_214 = tpu.memref_slice %arg3[%mul3A_2, %mul3A_203] : memref<128x160000xi32, #tpu.memory_space<hbm>> -> memref<4x3200xi32, #tpu.memory_space<hbm>>
        tpu.enqueue_dma source(%dma_start3A_214 : memref<4x3200xi32, #tpu.memory_space<hbm>>) target(%dma_start3A_213 : memref<4x3200xi32, #tpu.memory_space<vmem>>) target_semaphore(%arg8 : memref<!tpu.dma_semaphore, #tpu.memory_space<semaphore_mem>>)
      } else {
      }
      %ge3A_145 = arith.constant 2 : i32
      %ge3A_146 = arith.cmpi sge, %add3A_124, %ge3A_145 : i32
      %convert_element_type3A_147 = arith.extui %ge3A_146 : i1 to i32
      %cond3A_148 = arith.constant 0 : i32
      %cond3A_149 = arith.cmpi ne, %convert_element_type3A_147, %cond3A_148 : i32
      scf.if %cond3A_149 {
        %dma_wait3A_200 = arith.constant 1 : i32
        %dma_wait3A_201 = arith.constant 0 : i32
        %dma_wait3A_202 = arith.constant 0 : i32
        %dma_wait3A_203 = tpu.memref_slice %arg7[%dma_wait3A_200, %dma_wait3A_201, %dma_wait3A_202] : memref<2x4x3200xf32, #tpu.memory_space<vmem>> -> memref<1x4x3200xf32, #tpu.memory_space<vmem>>
        %dma_wait3A_204 = tpu.memref_squeeze %dma_wait3A_203 : memref<1x4x3200xf32, #tpu.memory_space<vmem>> -> memref<4x3200xf32, #tpu.memory_space<vmem>>
        %dma_wait3A_205 = arith.constant 0 : i32
        %dma_wait3A_206 = tpu.memref_slice %arg4[%mul3A_2, %dma_wait3A_205] : memref<128x160000xf32, #tpu.memory_space<hbm>> -> memref<4x3200xf32, #tpu.memory_space<hbm>>
        %dma_wait3A_207 = arith.constant 0 : i32
        %dma_wait3A_208 = tpu.memref_slice %arg4[%mul3A_2, %dma_wait3A_207] : memref<128x160000xf32, #tpu.memory_space<hbm>> -> memref<4x3200xf32, #tpu.memory_space<hbm>>
        %dma_wait3A_209 = arith.constant 0 : i32
        %dma_wait3A_210 = arith.constant 0 : i32
        %dma_wait3A_211 = tpu.memref_slice %arg7[%dma_wait3A_200, %dma_wait3A_209, %dma_wait3A_210] : memref<2x4x3200xf32, #tpu.memory_space<vmem>> -> memref<1x4x3200xf32, #tpu.memory_space<vmem>>
        %dma_wait3A_212 = tpu.memref_squeeze %dma_wait3A_211 : memref<1x4x3200xf32, #tpu.memory_space<vmem>> -> memref<4x3200xf32, #tpu.memory_space<vmem>>
        tpu.wait_dma2 semaphore(%arg9 : memref<!tpu.dma_semaphore, #tpu.memory_space<semaphore_mem>>) src(%dma_wait3A_212 : memref<4x3200xf32, #tpu.memory_space<vmem>>) dst(%dma_wait3A_208 : memref<4x3200xf32, #tpu.memory_space<hbm>>)
      } else {
      }
      %broadcast_in_dim3A_150 = arith.constant 0 : i32
      %broadcast_in_dim3A_151 = vector.broadcast %broadcast_in_dim3A_150 : i32 to vector<16xi32>
      %scan3A_152 = arith.constant 0 : i32
      %scan3A_153 = arith.constant 0 : i32
      %scan3A_154 = arith.constant 25 : i32
      %scan3A_155 = arith.addi %scan3A_153, %scan3A_154 : i32
      %scan3A_156 = arith.constant 1 : i32
      %scan3A_157 = scf.for %scan3A_200 = %scan3A_153 to %scan3A_155 step %scan3A_156 iter_args(%scan3A_201 = %scan3A_152) -> (i32)  : i32 {
        %mul3A_202 = arith.constant 128 : i32
        %mul3A_203 = arith.muli %scan3A_200, %mul3A_202 : i32
        %add3A_204 = arith.constant 0 : i32
        %add3A_205 = arith.addi %mul3A_203, %add3A_204 : i32
        %get3A = arith.constant 1 : i32
        %get3A_206 = arith.constant 0 : i32
        %get3A_207 = arith.index_cast %get3A : i32 to index
        %get3A_208 = arith.index_cast %get3A_206 : i32 to index
        %get3A_209 = arith.index_cast %add3A_205 : i32 to index
        %get3A_210 = tpu.vector_load %arg6[%get3A_207, %get3A_208, %get3A_209] {strides = array<i32>} : memref<2x4x3200xi32, #tpu.memory_space<vmem>>, vector<16xi32>,
        %gather3A = tpu.vector_load_idx %arg5[%broadcast_in_dim3A_151, %get3A_210] : memref<4x10000xf32, #tpu.memory_space<vmem>>[vector<16xi32>, vector<16xi32>], vector<16xf32>,
        %swap3A = arith.constant 1 : i32
        %swap3A_211 = arith.constant 0 : i32
        %swap3A_212 = arith.index_cast %swap3A : i32 to index
        %swap3A_213 = arith.index_cast %swap3A_211 : i32 to index
        %swap3A_214 = arith.index_cast %add3A_205 : i32 to index
        %swap3A_215 = tpu.vector_load %arg7[%swap3A_212, %swap3A_213, %swap3A_214] {strides = array<i32>} : memref<2x4x3200xf32, #tpu.memory_space<vmem>>, vector<16xf32>,
        tpu.vector_store %arg7[%swap3A_212, %swap3A_213, %swap3A_214], %gather3A {strides = array<i32>} : memref<2x4x3200xf32, #tpu.memory_space<vmem>>, vector<16xf32>,
        %add3A_216 = arith.constant 16 : i32
        %add3A_217 = arith.addi %mul3A_203, %add3A_216 : i32
        %get3A_218 = arith.constant 1 : i32
        %get3A_219 = arith.constant 0 : i32
        %get3A_220 = arith.index_cast %get3A_218 : i32 to index
        %get3A_221 = arith.index_cast %get3A_219 : i32 to index
        %get3A_222 = arith.index_cast %add3A_217 : i32 to index
        %get3A_223 = tpu.vector_load %arg6[%get3A_220, %get3A_221, %get3A_222] {strides = array<i32>} : memref<2x4x3200xi32, #tpu.memory_space<vmem>>, vector<16xi32>,
        %gather3A_224 = tpu.vector_load_idx %arg5[%broadcast_in_dim3A_151, %get3A_223] : memref<4x10000xf32, #tpu.memory_space<vmem>>[vector<16xi32>, vector<16xi32>], vector<16xf32>,
        %swap3A_225 = arith.constant 1 : i32
        %swap3A_226 = arith.constant 0 : i32
        %swap3A_227 = arith.index_cast %swap3A_225 : i32 to index
        %swap3A_228 = arith.index_cast %swap3A_226 : i32 to index
        %swap3A_229 = arith.index_cast %add3A_217 : i32 to index
        %swap3A_230 = tpu.vector_load %arg7[%swap3A_227, %swap3A_228, %swap3A_229] {strides = array<i32>} : memref<2x4x3200xf32, #tpu.memory_space<vmem>>, vector<16xf32>,
        tpu.vector_store %arg7[%swap3A_227, %swap3A_228, %swap3A_229], %gather3A_224 {strides = array<i32>} : memref<2x4x3200xf32, #tpu.memory_space<vmem>>, vector<16xf32>,
        %add3A_231 = arith.constant 32 : i32
        %add3A_232 = arith.addi %mul3A_203, %add3A_231 : i32
        %get3A_233 = arith.constant 1 : i32
        %get3A_234 = arith.constant 0 : i32
        %get3A_235 = arith.index_cast %get3A_233 : i32 to index
        %get3A_236 = arith.index_cast %get3A_234 : i32 to index
        %get3A_237 = arith.index_cast %add3A_232 : i32 to index
        %get3A_238 = tpu.vector_load %arg6[%get3A_235, %get3A_236, %get3A_237] {strides = array<i32>} : memref<2x4x3200xi32, #tpu.memory_space<vmem>>, vector<16xi32>,
        %gather3A_239 = tpu.vector_load_idx %arg5[%broadcast_in_dim3A_151, %get3A_238] : memref<4x10000xf32, #tpu.memory_space<vmem>>[vector<16xi32>, vector<16xi32>], vector<16xf32>,
        %swap3A_240 = arith.constant 1 : i32
        %swap3A_241 = arith.constant 0 : i32
        %swap3A_242 = arith.index_cast %swap3A_240 : i32 to index
        %swap3A_243 = arith.index_cast %swap3A_241 : i32 to index
        %swap3A_244 = arith.index_cast %add3A_232 : i32 to index
        %swap3A_245 = tpu.vector_load %arg7[%swap3A_242, %swap3A_243, %swap3A_244] {strides = array<i32>} : memref<2x4x3200xf32, #tpu.memory_space<vmem>>, vector<16xf32>,
        tpu.vector_store %arg7[%swap3A_242, %swap3A_243, %swap3A_244], %gather3A_239 {strides = array<i32>} : memref<2x4x3200xf32, #tpu.memory_space<vmem>>, vector<16xf32>,
        %add3A_246 = arith.constant 48 : i32
        %add3A_247 = arith.addi %mul3A_203, %add3A_246 : i32
        %get3A_248 = arith.constant 1 : i32
        %get3A_249 = arith.constant 0 : i32
        %get3A_250 = arith.index_cast %get3A_248 : i32 to index
        %get3A_251 = arith.index_cast %get3A_249 : i32 to index
        %get3A_252 = arith.index_cast %add3A_247 : i32 to index
        %get3A_253 = tpu.vector_load %arg6[%get3A_250, %get3A_251, %get3A_252] {strides = array<i32>} : memref<2x4x3200xi32, #tpu.memory_space<vmem>>, vector<16xi32>,
        %gather3A_254 = tpu.vector_load_idx %arg5[%broadcast_in_dim3A_151, %get3A_253] : memref<4x10000xf32, #tpu.memory_space<vmem>>[vector<16xi32>, vector<16xi32>], vector<16xf32>,
        %swap3A_255 = arith.constant 1 : i32
        %swap3A_256 = arith.constant 0 : i32
        %swap3A_257 = arith.index_cast %swap3A_255 : i32 to index
        %swap3A_258 = arith.index_cast %swap3A_256 : i32 to index
        %swap3A_259 = arith.index_cast %add3A_247 : i32 to index
        %swap3A_260 = tpu.vector_load %arg7[%swap3A_257, %swap3A_258, %swap3A_259] {strides = array<i32>} : memref<2x4x3200xf32, #tpu.memory_space<vmem>>, vector<16xf32>,
        tpu.vector_store %arg7[%swap3A_257, %swap3A_258, %swap3A_259], %gather3A_254 {strides = array<i32>} : memref<2x4x3200xf32, #tpu.memory_space<vmem>>, vector<16xf32>,
        %add3A_261 = arith.constant 64 : i32
        %add3A_262 = arith.addi %mul3A_203, %add3A_261 : i32
        %get3A_263 = arith.constant 1 : i32
        %get3A_264 = arith.constant 0 : i32
        %get3A_265 = arith.index_cast %get3A_263 : i32 to index
        %get3A_266 = arith.index_cast %get3A_264 : i32 to index
        %get3A_267 = arith.index_cast %add3A_262 : i32 to index
        %get3A_268 = tpu.vector_load %arg6[%get3A_265, %get3A_266, %get3A_267] {strides = array<i32>} : memref<2x4x3200xi32, #tpu.memory_space<vmem>>, vector<16xi32>,
        %gather3A_269 = tpu.vector_load_idx %arg5[%broadcast_in_dim3A_151, %get3A_268] : memref<4x10000xf32, #tpu.memory_space<vmem>>[vector<16xi32>, vector<16xi32>], vector<16xf32>,
        %swap3A_270 = arith.constant 1 : i32
        %swap3A_271 = arith.constant 0 : i32
        %swap3A_272 = arith.index_cast %swap3A_270 : i32 to index
        %swap3A_273 = arith.index_cast %swap3A_271 : i32 to index
        %swap3A_274 = arith.index_cast %add3A_262 : i32 to index
        %swap3A_275 = tpu.vector_load %arg7[%swap3A_272, %swap3A_273, %swap3A_274] {strides = array<i32>} : memref<2x4x3200xf32, #tpu.memory_space<vmem>>, vector<16xf32>,
        tpu.vector_store %arg7[%swap3A_272, %swap3A_273, %swap3A_274], %gather3A_269 {strides = array<i32>} : memref<2x4x3200xf32, #tpu.memory_space<vmem>>, vector<16xf32>,
        %add3A_276 = arith.constant 80 : i32
        %add3A_277 = arith.addi %mul3A_203, %add3A_276 : i32
        %get3A_278 = arith.constant 1 : i32
        %get3A_279 = arith.constant 0 : i32
        %get3A_280 = arith.index_cast %get3A_278 : i32 to index
        %get3A_281 = arith.index_cast %get3A_279 : i32 to index
        %get3A_282 = arith.index_cast %add3A_277 : i32 to index
        %get3A_283 = tpu.vector_load %arg6[%get3A_280, %get3A_281, %get3A_282] {strides = array<i32>} : memref<2x4x3200xi32, #tpu.memory_space<vmem>>, vector<16xi32>,
        %gather3A_284 = tpu.vector_load_idx %arg5[%broadcast_in_dim3A_151, %get3A_283] : memref<4x10000xf32, #tpu.memory_space<vmem>>[vector<16xi32>, vector<16xi32>], vector<16xf32>,
        %swap3A_285 = arith.constant 1 : i32
        %swap3A_286 = arith.constant 0 : i32
        %swap3A_287 = arith.index_cast %swap3A_285 : i32 to index
        %swap3A_288 = arith.index_cast %swap3A_286 : i32 to index
        %swap3A_289 = arith.index_cast %add3A_277 : i32 to index
        %swap3A_290 = tpu.vector_load %arg7[%swap3A_287, %swap3A_288, %swap3A_289] {strides = array<i32>} : memref<2x4x3200xf32, #tpu.memory_space<vmem>>, vector<16xf32>,
        tpu.vector_store %arg7[%swap3A_287, %swap3A_288, %swap3A_289], %gather3A_284 {strides = array<i32>} : memref<2x4x3200xf32, #tpu.memory_space<vmem>>, vector<16xf32>,
        %add3A_291 = arith.constant 96 : i32
        %add3A_292 = arith.addi %mul3A_203, %add3A_291 : i32
        %get3A_293 = arith.constant 1 : i32
        %get3A_294 = arith.constant 0 : i32
        %get3A_295 = arith.index_cast %get3A_293 : i32 to index
        %get3A_296 = arith.index_cast %get3A_294 : i32 to index
        %get3A_297 = arith.index_cast %add3A_292 : i32 to index
        %get3A_298 = tpu.vector_load %arg6[%get3A_295, %get3A_296, %get3A_297] {strides = array<i32>} : memref<2x4x3200xi32, #tpu.memory_space<vmem>>, vector<16xi32>,
        %gather3A_299 = tpu.vector_load_idx %arg5[%broadcast_in_dim3A_151, %get3A_298] : memref<4x10000xf32, #tpu.memory_space<vmem>>[vector<16xi32>, vector<16xi32>], vector<16xf32>,
        %swap3A_300 = arith.constant 1 : i32
        %swap3A_301 = arith.constant 0 : i32
        %swap3A_302 = arith.index_cast %swap3A_300 : i32 to index
        %swap3A_303 = arith.index_cast %swap3A_301 : i32 to index
        %swap3A_304 = arith.index_cast %add3A_292 : i32 to index
        %swap3A_305 = tpu.vector_load %arg7[%swap3A_302, %swap3A_303, %swap3A_304] {strides = array<i32>} : memref<2x4x3200xf32, #tpu.memory_space<vmem>>, vector<16xf32>,
        tpu.vector_store %arg7[%swap3A_302, %swap3A_303, %swap3A_304], %gather3A_299 {strides = array<i32>} : memref<2x4x3200xf32, #tpu.memory_space<vmem>>, vector<16xf32>,
        %add3A_306 = arith.constant 112 : i32
        %add3A_307 = arith.addi %mul3A_203, %add3A_306 : i32
        %get3A_308 = arith.constant 1 : i32
        %get3A_309 = arith.constant 0 : i32
        %get3A_310 = arith.index_cast %get3A_308 : i32 to index
        %get3A_311 = arith.index_cast %get3A_309 : i32 to index
        %get3A_312 = arith.index_cast %add3A_307 : i32 to index
        %get3A_313 = tpu.vector_load %arg6[%get3A_310, %get3A_311, %get3A_312] {strides = array<i32>} : memref<2x4x3200xi32, #tpu.memory_space<vmem>>, vector<16xi32>,
        %gather3A_314 = tpu.vector_load_idx %arg5[%broadcast_in_dim3A_151, %get3A_313] : memref<4x10000xf32, #tpu.memory_space<vmem>>[vector<16xi32>, vector<16xi32>], vector<16xf32>,
        %swap3A_315 = arith.constant 1 : i32
        %swap3A_316 = arith.constant 0 : i32
        %swap3A_317 = arith.index_cast %swap3A_315 : i32 to index
        %swap3A_318 = arith.index_cast %swap3A_316 : i32 to index
        %swap3A_319 = arith.index_cast %add3A_307 : i32 to index
        %swap3A_320 = tpu.vector_load %arg7[%swap3A_317, %swap3A_318, %swap3A_319] {strides = array<i32>} : memref<2x4x3200xf32, #tpu.memory_space<vmem>>, vector<16xf32>,
        tpu.vector_store %arg7[%swap3A_317, %swap3A_318, %swap3A_319], %gather3A_314 {strides = array<i32>} : memref<2x4x3200xf32, #tpu.memory_space<vmem>>, vector<16xf32>,
        %scan3A_321 = arith.constant 0 : i32
        scf.yield %scan3A_321 : i32
      }
      %scan3A_158 = arith.constant 25 : i32
      %broadcast_in_dim3A_159 = arith.constant 1 : i32
      %broadcast_in_dim3A_160 = vector.broadcast %broadcast_in_dim3A_159 : i32 to vector<16xi32>
      %scan3A_161 = arith.constant 0 : i32
      %scan3A_162 = arith.constant 0 : i32
      %scan3A_163 = arith.constant 25 : i32
      %scan3A_164 = arith.addi %scan3A_162, %scan3A_163 : i32
      %scan3A_165 = arith.constant 1 : i32
      %scan3A_166 = scf.for %scan3A_200 = %scan3A_162 to %scan3A_164 step %scan3A_165 iter_args(%scan3A_201 = %scan3A_161) -> (i32)  : i32 {
        %mul3A_202 = arith.constant 128 : i32
        %mul3A_203 = arith.muli %scan3A_200, %mul3A_202 : i32
        %add3A_204 = arith.constant 0 : i32
        %add3A_205 = arith.addi %mul3A_203, %add3A_204 : i32
        %get3A = arith.constant 1 : i32
        %get3A_206 = arith.constant 1 : i32
        %get3A_207 = arith.index_cast %get3A : i32 to index
        %get3A_208 = arith.index_cast %get3A_206 : i32 to index
        %get3A_209 = arith.index_cast %add3A_205 : i32 to index
        %get3A_210 = tpu.vector_load %arg6[%get3A_207, %get3A_208, %get3A_209] {strides = array<i32>} : memref<2x4x3200xi32, #tpu.memory_space<vmem>>, vector<16xi32>,
        %gather3A = tpu.vector_load_idx %arg5[%broadcast_in_dim3A_160, %get3A_210] : memref<4x10000xf32, #tpu.memory_space<vmem>>[vector<16xi32>, vector<16xi32>], vector<16xf32>,
        %swap3A = arith.constant 1 : i32
        %swap3A_211 = arith.constant 1 : i32
        %swap3A_212 = arith.index_cast %swap3A : i32 to index
        %swap3A_213 = arith.index_cast %swap3A_211 : i32 to index
        %swap3A_214 = arith.index_cast %add3A_205 : i32 to index
        %swap3A_215 = tpu.vector_load %arg7[%swap3A_212, %swap3A_213, %swap3A_214] {strides = array<i32>} : memref<2x4x3200xf32, #tpu.memory_space<vmem>>, vector<16xf32>,
        tpu.vector_store %arg7[%swap3A_212, %swap3A_213, %swap3A_214], %gather3A {strides = array<i32>} : memref<2x4x3200xf32, #tpu.memory_space<vmem>>, vector<16xf32>,
        %add3A_216 = arith.constant 16 : i32
        %add3A_217 = arith.addi %mul3A_203, %add3A_216 : i32
        %get3A_218 = arith.constant 1 : i32
        %get3A_219 = arith.constant 1 : i32
        %get3A_220 = arith.index_cast %get3A_218 : i32 to index
        %get3A_221 = arith.index_cast %get3A_219 : i32 to index
        %get3A_222 = arith.index_cast %add3A_217 : i32 to index
        %get3A_223 = tpu.vector_load %arg6[%get3A_220, %get3A_221, %get3A_222] {strides = array<i32>} : memref<2x4x3200xi32, #tpu.memory_space<vmem>>, vector<16xi32>,
        %gather3A_224 = tpu.vector_load_idx %arg5[%broadcast_in_dim3A_160, %get3A_223] : memref<4x10000xf32, #tpu.memory_space<vmem>>[vector<16xi32>, vector<16xi32>], vector<16xf32>,
        %swap3A_225 = arith.constant 1 : i32
        %swap3A_226 = arith.constant 1 : i32
        %swap3A_227 = arith.index_cast %swap3A_225 : i32 to index
        %swap3A_228 = arith.index_cast %swap3A_226 : i32 to index
        %swap3A_229 = arith.index_cast %add3A_217 : i32 to index
        %swap3A_230 = tpu.vector_load %arg7[%swap3A_227, %swap3A_228, %swap3A_229] {strides = array<i32>} : memref<2x4x3200xf32, #tpu.memory_space<vmem>>, vector<16xf32>,
        tpu.vector_store %arg7[%swap3A_227, %swap3A_228, %swap3A_229], %gather3A_224 {strides = array<i32>} : memref<2x4x3200xf32, #tpu.memory_space<vmem>>, vector<16xf32>,
        %add3A_231 = arith.constant 32 : i32
        %add3A_232 = arith.addi %mul3A_203, %add3A_231 : i32
        %get3A_233 = arith.constant 1 : i32
        %get3A_234 = arith.constant 1 : i32
        %get3A_235 = arith.index_cast %get3A_233 : i32 to index
        %get3A_236 = arith.index_cast %get3A_234 : i32 to index
        %get3A_237 = arith.index_cast %add3A_232 : i32 to index
        %get3A_238 = tpu.vector_load %arg6[%get3A_235, %get3A_236, %get3A_237] {strides = array<i32>} : memref<2x4x3200xi32, #tpu.memory_space<vmem>>, vector<16xi32>,
        %gather3A_239 = tpu.vector_load_idx %arg5[%broadcast_in_dim3A_160, %get3A_238] : memref<4x10000xf32, #tpu.memory_space<vmem>>[vector<16xi32>, vector<16xi32>], vector<16xf32>,
        %swap3A_240 = arith.constant 1 : i32
        %swap3A_241 = arith.constant 1 : i32
        %swap3A_242 = arith.index_cast %swap3A_240 : i32 to index
        %swap3A_243 = arith.index_cast %swap3A_241 : i32 to index
        %swap3A_244 = arith.index_cast %add3A_232 : i32 to index
        %swap3A_245 = tpu.vector_load %arg7[%swap3A_242, %swap3A_243, %swap3A_244] {strides = array<i32>} : memref<2x4x3200xf32, #tpu.memory_space<vmem>>, vector<16xf32>,
        tpu.vector_store %arg7[%swap3A_242, %swap3A_243, %swap3A_244], %gather3A_239 {strides = array<i32>} : memref<2x4x3200xf32, #tpu.memory_space<vmem>>, vector<16xf32>,
        %add3A_246 = arith.constant 48 : i32
        %add3A_247 = arith.addi %mul3A_203, %add3A_246 : i32
        %get3A_248 = arith.constant 1 : i32
        %get3A_249 = arith.constant 1 : i32
        %get3A_250 = arith.index_cast %get3A_248 : i32 to index
        %get3A_251 = arith.index_cast %get3A_249 : i32 to index
        %get3A_252 = arith.index_cast %add3A_247 : i32 to index
        %get3A_253 = tpu.vector_load %arg6[%get3A_250, %get3A_251, %get3A_252] {strides = array<i32>} : memref<2x4x3200xi32, #tpu.memory_space<vmem>>, vector<16xi32>,
        %gather3A_254 = tpu.vector_load_idx %arg5[%broadcast_in_dim3A_160, %get3A_253] : memref<4x10000xf32, #tpu.memory_space<vmem>>[vector<16xi32>, vector<16xi32>], vector<16xf32>,
        %swap3A_255 = arith.constant 1 : i32
        %swap3A_256 = arith.constant 1 : i32
        %swap3A_257 = arith.index_cast %swap3A_255 : i32 to index
        %swap3A_258 = arith.index_cast %swap3A_256 : i32 to index
        %swap3A_259 = arith.index_cast %add3A_247 : i32 to index
        %swap3A_260 = tpu.vector_load %arg7[%swap3A_257, %swap3A_258, %swap3A_259] {strides = array<i32>} : memref<2x4x3200xf32, #tpu.memory_space<vmem>>, vector<16xf32>,
        tpu.vector_store %arg7[%swap3A_257, %swap3A_258, %swap3A_259], %gather3A_254 {strides = array<i32>} : memref<2x4x3200xf32, #tpu.memory_space<vmem>>, vector<16xf32>,
        %add3A_261 = arith.constant 64 : i32
        %add3A_262 = arith.addi %mul3A_203, %add3A_261 : i32
        %get3A_263 = arith.constant 1 : i32
        %get3A_264 = arith.constant 1 : i32
        %get3A_265 = arith.index_cast %get3A_263 : i32 to index
        %get3A_266 = arith.index_cast %get3A_264 : i32 to index
        %get3A_267 = arith.index_cast %add3A_262 : i32 to index
        %get3A_268 = tpu.vector_load %arg6[%get3A_265, %get3A_266, %get3A_267] {strides = array<i32>} : memref<2x4x3200xi32, #tpu.memory_space<vmem>>, vector<16xi32>,
        %gather3A_269 = tpu.vector_load_idx %arg5[%broadcast_in_dim3A_160, %get3A_268] : memref<4x10000xf32, #tpu.memory_space<vmem>>[vector<16xi32>, vector<16xi32>], vector<16xf32>,
        %swap3A_270 = arith.constant 1 : i32
        %swap3A_271 = arith.constant 1 : i32
        %swap3A_272 = arith.index_cast %swap3A_270 : i32 to index
        %swap3A_273 = arith.index_cast %swap3A_271 : i32 to index
        %swap3A_274 = arith.index_cast %add3A_262 : i32 to index
        %swap3A_275 = tpu.vector_load %arg7[%swap3A_272, %swap3A_273, %swap3A_274] {strides = array<i32>} : memref<2x4x3200xf32, #tpu.memory_space<vmem>>, vector<16xf32>,
        tpu.vector_store %arg7[%swap3A_272, %swap3A_273, %swap3A_274], %gather3A_269 {strides = array<i32>} : memref<2x4x3200xf32, #tpu.memory_space<vmem>>, vector<16xf32>,
        %add3A_276 = arith.constant 80 : i32
        %add3A_277 = arith.addi %mul3A_203, %add3A_276 : i32
        %get3A_278 = arith.constant 1 : i32
        %get3A_279 = arith.constant 1 : i32
        %get3A_280 = arith.index_cast %get3A_278 : i32 to index
        %get3A_281 = arith.index_cast %get3A_279 : i32 to index
        %get3A_282 = arith.index_cast %add3A_277 : i32 to index
        %get3A_283 = tpu.vector_load %arg6[%get3A_280, %get3A_281, %get3A_282] {strides = array<i32>} : memref<2x4x3200xi32, #tpu.memory_space<vmem>>, vector<16xi32>,
        %gather3A_284 = tpu.vector_load_idx %arg5[%broadcast_in_dim3A_160, %get3A_283] : memref<4x10000xf32, #tpu.memory_space<vmem>>[vector<16xi32>, vector<16xi32>], vector<16xf32>,
        %swap3A_285 = arith.constant 1 : i32
        %swap3A_286 = arith.constant 1 : i32
        %swap3A_287 = arith.index_cast %swap3A_285 : i32 to index
        %swap3A_288 = arith.index_cast %swap3A_286 : i32 to index
        %swap3A_289 = arith.index_cast %add3A_277 : i32 to index
        %swap3A_290 = tpu.vector_load %arg7[%swap3A_287, %swap3A_288, %swap3A_289] {strides = array<i32>} : memref<2x4x3200xf32, #tpu.memory_space<vmem>>, vector<16xf32>,
        tpu.vector_store %arg7[%swap3A_287, %swap3A_288, %swap3A_289], %gather3A_284 {strides = array<i32>} : memref<2x4x3200xf32, #tpu.memory_space<vmem>>, vector<16xf32>,
        %add3A_291 = arith.constant 96 : i32
        %add3A_292 = arith.addi %mul3A_203, %add3A_291 : i32
        %get3A_293 = arith.constant 1 : i32
        %get3A_294 = arith.constant 1 : i32
        %get3A_295 = arith.index_cast %get3A_293 : i32 to index
        %get3A_296 = arith.index_cast %get3A_294 : i32 to index
        %get3A_297 = arith.index_cast %add3A_292 : i32 to index
        %get3A_298 = tpu.vector_load %arg6[%get3A_295, %get3A_296, %get3A_297] {strides = array<i32>} : memref<2x4x3200xi32, #tpu.memory_space<vmem>>, vector<16xi32>,
        %gather3A_299 = tpu.vector_load_idx %arg5[%broadcast_in_dim3A_160, %get3A_298] : memref<4x10000xf32, #tpu.memory_space<vmem>>[vector<16xi32>, vector<16xi32>], vector<16xf32>,
        %swap3A_300 = arith.constant 1 : i32
        %swap3A_301 = arith.constant 1 : i32
        %swap3A_302 = arith.index_cast %swap3A_300 : i32 to index
        %swap3A_303 = arith.index_cast %swap3A_301 : i32 to index
        %swap3A_304 = arith.index_cast %add3A_292 : i32 to index
        %swap3A_305 = tpu.vector_load %arg7[%swap3A_302, %swap3A_303, %swap3A_304] {strides = array<i32>} : memref<2x4x3200xf32, #tpu.memory_space<vmem>>, vector<16xf32>,
        tpu.vector_store %arg7[%swap3A_302, %swap3A_303, %swap3A_304], %gather3A_299 {strides = array<i32>} : memref<2x4x3200xf32, #tpu.memory_space<vmem>>, vector<16xf32>,
        %add3A_306 = arith.constant 112 : i32
        %add3A_307 = arith.addi %mul3A_203, %add3A_306 : i32
        %get3A_308 = arith.constant 1 : i32
        %get3A_309 = arith.constant 1 : i32
        %get3A_310 = arith.index_cast %get3A_308 : i32 to index
        %get3A_311 = arith.index_cast %get3A_309 : i32 to index
        %get3A_312 = arith.index_cast %add3A_307 : i32 to index
        %get3A_313 = tpu.vector_load %arg6[%get3A_310, %get3A_311, %get3A_312] {strides = array<i32>} : memref<2x4x3200xi32, #tpu.memory_space<vmem>>, vector<16xi32>,
        %gather3A_314 = tpu.vector_load_idx %arg5[%broadcast_in_dim3A_160, %get3A_313] : memref<4x10000xf32, #tpu.memory_space<vmem>>[vector<16xi32>, vector<16xi32>], vector<16xf32>,
        %swap3A_315 = arith.constant 1 : i32
        %swap3A_316 = arith.constant 1 : i32
        %swap3A_317 = arith.index_cast %swap3A_315 : i32 to index
        %swap3A_318 = arith.index_cast %swap3A_316 : i32 to index
        %swap3A_319 = arith.index_cast %add3A_307 : i32 to index
        %swap3A_320 = tpu.vector_load %arg7[%swap3A_317, %swap3A_318, %swap3A_319] {strides = array<i32>} : memref<2x4x3200xf32, #tpu.memory_space<vmem>>, vector<16xf32>,
        tpu.vector_store %arg7[%swap3A_317, %swap3A_318, %swap3A_319], %gather3A_314 {strides = array<i32>} : memref<2x4x3200xf32, #tpu.memory_space<vmem>>, vector<16xf32>,
        %scan3A_321 = arith.constant 0 : i32
        scf.yield %scan3A_321 : i32
      }
      %scan3A_167 = arith.constant 25 : i32
      %broadcast_in_dim3A_168 = arith.constant 2 : i32
      %broadcast_in_dim3A_169 = vector.broadcast %broadcast_in_dim3A_168 : i32 to vector<16xi32>
      %scan3A_170 = arith.constant 0 : i32
      %scan3A_171 = arith.constant 0 : i32
      %scan3A_172 = arith.constant 25 : i32
      %scan3A_173 = arith.addi %scan3A_171, %scan3A_172 : i32
      %scan3A_174 = arith.constant 1 : i32
      %scan3A_175 = scf.for %scan3A_200 = %scan3A_171 to %scan3A_173 step %scan3A_174 iter_args(%scan3A_201 = %scan3A_170) -> (i32)  : i32 {
        %mul3A_202 = arith.constant 128 : i32
        %mul3A_203 = arith.muli %scan3A_200, %mul3A_202 : i32
        %add3A_204 = arith.constant 0 : i32
        %add3A_205 = arith.addi %mul3A_203, %add3A_204 : i32
        %get3A = arith.constant 1 : i32
        %get3A_206 = arith.constant 2 : i32
        %get3A_207 = arith.index_cast %get3A : i32 to index
        %get3A_208 = arith.index_cast %get3A_206 : i32 to index
        %get3A_209 = arith.index_cast %add3A_205 : i32 to index
        %get3A_210 = tpu.vector_load %arg6[%get3A_207, %get3A_208, %get3A_209] {strides = array<i32>} : memref<2x4x3200xi32, #tpu.memory_space<vmem>>, vector<16xi32>,
        %gather3A = tpu.vector_load_idx %arg5[%broadcast_in_dim3A_169, %get3A_210] : memref<4x10000xf32, #tpu.memory_space<vmem>>[vector<16xi32>, vector<16xi32>], vector<16xf32>,
        %swap3A = arith.constant 1 : i32
        %swap3A_211 = arith.constant 2 : i32
        %swap3A_212 = arith.index_cast %swap3A : i32 to index
        %swap3A_213 = arith.index_cast %swap3A_211 : i32 to index
        %swap3A_214 = arith.index_cast %add3A_205 : i32 to index
        %swap3A_215 = tpu.vector_load %arg7[%swap3A_212, %swap3A_213, %swap3A_214] {strides = array<i32>} : memref<2x4x3200xf32, #tpu.memory_space<vmem>>, vector<16xf32>,
        tpu.vector_store %arg7[%swap3A_212, %swap3A_213, %swap3A_214], %gather3A {strides = array<i32>} : memref<2x4x3200xf32, #tpu.memory_space<vmem>>, vector<16xf32>,
        %add3A_216 = arith.constant 16 : i32
        %add3A_217 = arith.addi %mul3A_203, %add3A_216 : i32
        %get3A_218 = arith.constant 1 : i32
        %get3A_219 = arith.constant 2 : i32
        %get3A_220 = arith.index_cast %get3A_218 : i32 to index
        %get3A_221 = arith.index_cast %get3A_219 : i32 to index
        %get3A_222 = arith.index_cast %add3A_217 : i32 to index
        %get3A_223 = tpu.vector_load %arg6[%get3A_220, %get3A_221, %get3A_222] {strides = array<i32>} : memref<2x4x3200xi32, #tpu.memory_space<vmem>>, vector<16xi32>,
        %gather3A_224 = tpu.vector_load_idx %arg5[%broadcast_in_dim3A_169, %get3A_223] : memref<4x10000xf32, #tpu.memory_space<vmem>>[vector<16xi32>, vector<16xi32>], vector<16xf32>,
        %swap3A_225 = arith.constant 1 : i32
        %swap3A_226 = arith.constant 2 : i32
        %swap3A_227 = arith.index_cast %swap3A_225 : i32 to index
        %swap3A_228 = arith.index_cast %swap3A_226 : i32 to index
        %swap3A_229 = arith.index_cast %add3A_217 : i32 to index
        %swap3A_230 = tpu.vector_load %arg7[%swap3A_227, %swap3A_228, %swap3A_229] {strides = array<i32>} : memref<2x4x3200xf32, #tpu.memory_space<vmem>>, vector<16xf32>,
        tpu.vector_store %arg7[%swap3A_227, %swap3A_228, %swap3A_229], %gather3A_224 {strides = array<i32>} : memref<2x4x3200xf32, #tpu.memory_space<vmem>>, vector<16xf32>,
        %add3A_231 = arith.constant 32 : i32
        %add3A_232 = arith.addi %mul3A_203, %add3A_231 : i32
        %get3A_233 = arith.constant 1 : i32
        %get3A_234 = arith.constant 2 : i32
        %get3A_235 = arith.index_cast %get3A_233 : i32 to index
        %get3A_236 = arith.index_cast %get3A_234 : i32 to index
        %get3A_237 = arith.index_cast %add3A_232 : i32 to index
        %get3A_238 = tpu.vector_load %arg6[%get3A_235, %get3A_236, %get3A_237] {strides = array<i32>} : memref<2x4x3200xi32, #tpu.memory_space<vmem>>, vector<16xi32>,
        %gather3A_239 = tpu.vector_load_idx %arg5[%broadcast_in_dim3A_169, %get3A_238] : memref<4x10000xf32, #tpu.memory_space<vmem>>[vector<16xi32>, vector<16xi32>], vector<16xf32>,
        %swap3A_240 = arith.constant 1 : i32
        %swap3A_241 = arith.constant 2 : i32
        %swap3A_242 = arith.index_cast %swap3A_240 : i32 to index
        %swap3A_243 = arith.index_cast %swap3A_241 : i32 to index
        %swap3A_244 = arith.index_cast %add3A_232 : i32 to index
        %swap3A_245 = tpu.vector_load %arg7[%swap3A_242, %swap3A_243, %swap3A_244] {strides = array<i32>} : memref<2x4x3200xf32, #tpu.memory_space<vmem>>, vector<16xf32>,
        tpu.vector_store %arg7[%swap3A_242, %swap3A_243, %swap3A_244], %gather3A_239 {strides = array<i32>} : memref<2x4x3200xf32, #tpu.memory_space<vmem>>, vector<16xf32>,
        %add3A_246 = arith.constant 48 : i32
        %add3A_247 = arith.addi %mul3A_203, %add3A_246 : i32
        %get3A_248 = arith.constant 1 : i32
        %get3A_249 = arith.constant 2 : i32
        %get3A_250 = arith.index_cast %get3A_248 : i32 to index
        %get3A_251 = arith.index_cast %get3A_249 : i32 to index
        %get3A_252 = arith.index_cast %add3A_247 : i32 to index
        %get3A_253 = tpu.vector_load %arg6[%get3A_250, %get3A_251, %get3A_252] {strides = array<i32>} : memref<2x4x3200xi32, #tpu.memory_space<vmem>>, vector<16xi32>,
        %gather3A_254 = tpu.vector_load_idx %arg5[%broadcast_in_dim3A_169, %get3A_253] : memref<4x10000xf32, #tpu.memory_space<vmem>>[vector<16xi32>, vector<16xi32>], vector<16xf32>,
        %swap3A_255 = arith.constant 1 : i32
        %swap3A_256 = arith.constant 2 : i32
        %swap3A_257 = arith.index_cast %swap3A_255 : i32 to index
        %swap3A_258 = arith.index_cast %swap3A_256 : i32 to index
        %swap3A_259 = arith.index_cast %add3A_247 : i32 to index
        %swap3A_260 = tpu.vector_load %arg7[%swap3A_257, %swap3A_258, %swap3A_259] {strides = array<i32>} : memref<2x4x3200xf32, #tpu.memory_space<vmem>>, vector<16xf32>,
        tpu.vector_store %arg7[%swap3A_257, %swap3A_258, %swap3A_259], %gather3A_254 {strides = array<i32>} : memref<2x4x3200xf32, #tpu.memory_space<vmem>>, vector<16xf32>,
        %add3A_261 = arith.constant 64 : i32
        %add3A_262 = arith.addi %mul3A_203, %add3A_261 : i32
        %get3A_263 = arith.constant 1 : i32
        %get3A_264 = arith.constant 2 : i32
        %get3A_265 = arith.index_cast %get3A_263 : i32 to index
        %get3A_266 = arith.index_cast %get3A_264 : i32 to index
        %get3A_267 = arith.index_cast %add3A_262 : i32 to index
        %get3A_268 = tpu.vector_load %arg6[%get3A_265, %get3A_266, %get3A_267] {strides = array<i32>} : memref<2x4x3200xi32, #tpu.memory_space<vmem>>, vector<16xi32>,
        %gather3A_269 = tpu.vector_load_idx %arg5[%broadcast_in_dim3A_169, %get3A_268] : memref<4x10000xf32, #tpu.memory_space<vmem>>[vector<16xi32>, vector<16xi32>], vector<16xf32>,
        %swap3A_270 = arith.constant 1 : i32
        %swap3A_271 = arith.constant 2 : i32
        %swap3A_272 = arith.index_cast %swap3A_270 : i32 to index
        %swap3A_273 = arith.index_cast %swap3A_271 : i32 to index
        %swap3A_274 = arith.index_cast %add3A_262 : i32 to index
        %swap3A_275 = tpu.vector_load %arg7[%swap3A_272, %swap3A_273, %swap3A_274] {strides = array<i32>} : memref<2x4x3200xf32, #tpu.memory_space<vmem>>, vector<16xf32>,
        tpu.vector_store %arg7[%swap3A_272, %swap3A_273, %swap3A_274], %gather3A_269 {strides = array<i32>} : memref<2x4x3200xf32, #tpu.memory_space<vmem>>, vector<16xf32>,
        %add3A_276 = arith.constant 80 : i32
        %add3A_277 = arith.addi %mul3A_203, %add3A_276 : i32
        %get3A_278 = arith.constant 1 : i32
        %get3A_279 = arith.constant 2 : i32
        %get3A_280 = arith.index_cast %get3A_278 : i32 to index
        %get3A_281 = arith.index_cast %get3A_279 : i32 to index
        %get3A_282 = arith.index_cast %add3A_277 : i32 to index
        %get3A_283 = tpu.vector_load %arg6[%get3A_280, %get3A_281, %get3A_282] {strides = array<i32>} : memref<2x4x3200xi32, #tpu.memory_space<vmem>>, vector<16xi32>,
        %gather3A_284 = tpu.vector_load_idx %arg5[%broadcast_in_dim3A_169, %get3A_283] : memref<4x10000xf32, #tpu.memory_space<vmem>>[vector<16xi32>, vector<16xi32>], vector<16xf32>,
        %swap3A_285 = arith.constant 1 : i32
        %swap3A_286 = arith.constant 2 : i32
        %swap3A_287 = arith.index_cast %swap3A_285 : i32 to index
        %swap3A_288 = arith.index_cast %swap3A_286 : i32 to index
        %swap3A_289 = arith.index_cast %add3A_277 : i32 to index
        %swap3A_290 = tpu.vector_load %arg7[%swap3A_287, %swap3A_288, %swap3A_289] {strides = array<i32>} : memref<2x4x3200xf32, #tpu.memory_space<vmem>>, vector<16xf32>,
        tpu.vector_store %arg7[%swap3A_287, %swap3A_288, %swap3A_289], %gather3A_284 {strides = array<i32>} : memref<2x4x3200xf32, #tpu.memory_space<vmem>>, vector<16xf32>,
        %add3A_291 = arith.constant 96 : i32
        %add3A_292 = arith.addi %mul3A_203, %add3A_291 : i32
        %get3A_293 = arith.constant 1 : i32
        %get3A_294 = arith.constant 2 : i32
        %get3A_295 = arith.index_cast %get3A_293 : i32 to index
        %get3A_296 = arith.index_cast %get3A_294 : i32 to index
        %get3A_297 = arith.index_cast %add3A_292 : i32 to index
        %get3A_298 = tpu.vector_load %arg6[%get3A_295, %get3A_296, %get3A_297] {strides = array<i32>} : memref<2x4x3200xi32, #tpu.memory_space<vmem>>, vector<16xi32>,
        %gather3A_299 = tpu.vector_load_idx %arg5[%broadcast_in_dim3A_169, %get3A_298] : memref<4x10000xf32, #tpu.memory_space<vmem>>[vector<16xi32>, vector<16xi32>], vector<16xf32>,
        %swap3A_300 = arith.constant 1 : i32
        %swap3A_301 = arith.constant 2 : i32
        %swap3A_302 = arith.index_cast %swap3A_300 : i32 to index
        %swap3A_303 = arith.index_cast %swap3A_301 : i32 to index
        %swap3A_304 = arith.index_cast %add3A_292 : i32 to index
        %swap3A_305 = tpu.vector_load %arg7[%swap3A_302, %swap3A_303, %swap3A_304] {strides = array<i32>} : memref<2x4x3200xf32, #tpu.memory_space<vmem>>, vector<16xf32>,
        tpu.vector_store %arg7[%swap3A_302, %swap3A_303, %swap3A_304], %gather3A_299 {strides = array<i32>} : memref<2x4x3200xf32, #tpu.memory_space<vmem>>, vector<16xf32>,
        %add3A_306 = arith.constant 112 : i32
        %add3A_307 = arith.addi %mul3A_203, %add3A_306 : i32
        %get3A_308 = arith.constant 1 : i32
        %get3A_309 = arith.constant 2 : i32
        %get3A_310 = arith.index_cast %get3A_308 : i32 to index
        %get3A_311 = arith.index_cast %get3A_309 : i32 to index
        %get3A_312 = arith.index_cast %add3A_307 : i32 to index
        %get3A_313 = tpu.vector_load %arg6[%get3A_310, %get3A_311, %get3A_312] {strides = array<i32>} : memref<2x4x3200xi32, #tpu.memory_space<vmem>>, vector<16xi32>,
        %gather3A_314 = tpu.vector_load_idx %arg5[%broadcast_in_dim3A_169, %get3A_313] : memref<4x10000xf32, #tpu.memory_space<vmem>>[vector<16xi32>, vector<16xi32>], vector<16xf32>,
        %swap3A_315 = arith.constant 1 : i32
        %swap3A_316 = arith.constant 2 : i32
        %swap3A_317 = arith.index_cast %swap3A_315 : i32 to index
        %swap3A_318 = arith.index_cast %swap3A_316 : i32 to index
        %swap3A_319 = arith.index_cast %add3A_307 : i32 to index
        %swap3A_320 = tpu.vector_load %arg7[%swap3A_317, %swap3A_318, %swap3A_319] {strides = array<i32>} : memref<2x4x3200xf32, #tpu.memory_space<vmem>>, vector<16xf32>,
        tpu.vector_store %arg7[%swap3A_317, %swap3A_318, %swap3A_319], %gather3A_314 {strides = array<i32>} : memref<2x4x3200xf32, #tpu.memory_space<vmem>>, vector<16xf32>,
        %scan3A_321 = arith.constant 0 : i32
        scf.yield %scan3A_321 : i32
      }
      %scan3A_176 = arith.constant 25 : i32
      %broadcast_in_dim3A_177 = arith.constant 3 : i32
      %broadcast_in_dim3A_178 = vector.broadcast %broadcast_in_dim3A_177 : i32 to vector<16xi32>
      %scan3A_179 = arith.constant 0 : i32
      %scan3A_180 = arith.constant 0 : i32
      %scan3A_181 = arith.constant 25 : i32
      %scan3A_182 = arith.addi %scan3A_180, %scan3A_181 : i32
      %scan3A_183 = arith.constant 1 : i32
      %scan3A_184 = scf.for %scan3A_200 = %scan3A_180 to %scan3A_182 step %scan3A_183 iter_args(%scan3A_201 = %scan3A_179) -> (i32)  : i32 {
        %mul3A_202 = arith.constant 128 : i32
        %mul3A_203 = arith.muli %scan3A_200, %mul3A_202 : i32
        %add3A_204 = arith.constant 0 : i32
        %add3A_205 = arith.addi %mul3A_203, %add3A_204 : i32
        %get3A = arith.constant 1 : i32
        %get3A_206 = arith.constant 3 : i32
        %get3A_207 = arith.index_cast %get3A : i32 to index
        %get3A_208 = arith.index_cast %get3A_206 : i32 to index
        %get3A_209 = arith.index_cast %add3A_205 : i32 to index
        %get3A_210 = tpu.vector_load %arg6[%get3A_207, %get3A_208, %get3A_209] {strides = array<i32>} : memref<2x4x3200xi32, #tpu.memory_space<vmem>>, vector<16xi32>,
        %gather3A = tpu.vector_load_idx %arg5[%broadcast_in_dim3A_178, %get3A_210] : memref<4x10000xf32, #tpu.memory_space<vmem>>[vector<16xi32>, vector<16xi32>], vector<16xf32>,
        %swap3A = arith.constant 1 : i32
        %swap3A_211 = arith.constant 3 : i32
        %swap3A_212 = arith.index_cast %swap3A : i32 to index
        %swap3A_213 = arith.index_cast %swap3A_211 : i32 to index
        %swap3A_214 = arith.index_cast %add3A_205 : i32 to index
        %swap3A_215 = tpu.vector_load %arg7[%swap3A_212, %swap3A_213, %swap3A_214] {strides = array<i32>} : memref<2x4x3200xf32, #tpu.memory_space<vmem>>, vector<16xf32>,
        tpu.vector_store %arg7[%swap3A_212, %swap3A_213, %swap3A_214], %gather3A {strides = array<i32>} : memref<2x4x3200xf32, #tpu.memory_space<vmem>>, vector<16xf32>,
        %add3A_216 = arith.constant 16 : i32
        %add3A_217 = arith.addi %mul3A_203, %add3A_216 : i32
        %get3A_218 = arith.constant 1 : i32
        %get3A_219 = arith.constant 3 : i32
        %get3A_220 = arith.index_cast %get3A_218 : i32 to index
        %get3A_221 = arith.index_cast %get3A_219 : i32 to index
        %get3A_222 = arith.index_cast %add3A_217 : i32 to index
        %get3A_223 = tpu.vector_load %arg6[%get3A_220, %get3A_221, %get3A_222] {strides = array<i32>} : memref<2x4x3200xi32, #tpu.memory_space<vmem>>, vector<16xi32>,
        %gather3A_224 = tpu.vector_load_idx %arg5[%broadcast_in_dim3A_178, %get3A_223] : memref<4x10000xf32, #tpu.memory_space<vmem>>[vector<16xi32>, vector<16xi32>], vector<16xf32>,
        %swap3A_225 = arith.constant 1 : i32
        %swap3A_226 = arith.constant 3 : i32
        %swap3A_227 = arith.index_cast %swap3A_225 : i32 to index
        %swap3A_228 = arith.index_cast %swap3A_226 : i32 to index
        %swap3A_229 = arith.index_cast %add3A_217 : i32 to index
        %swap3A_230 = tpu.vector_load %arg7[%swap3A_227, %swap3A_228, %swap3A_229] {strides = array<i32>} : memref<2x4x3200xf32, #tpu.memory_space<vmem>>, vector<16xf32>,
        tpu.vector_store %arg7[%swap3A_227, %swap3A_228, %swap3A_229], %gather3A_224 {strides = array<i32>} : memref<2x4x3200xf32, #tpu.memory_space<vmem>>, vector<16xf32>,
        %add3A_231 = arith.constant 32 : i32
        %add3A_232 = arith.addi %mul3A_203, %add3A_231 : i32
        %get3A_233 = arith.constant 1 : i32
        %get3A_234 = arith.constant 3 : i32
        %get3A_235 = arith.index_cast %get3A_233 : i32 to index
        %get3A_236 = arith.index_cast %get3A_234 : i32 to index
        %get3A_237 = arith.index_cast %add3A_232 : i32 to index
        %get3A_238 = tpu.vector_load %arg6[%get3A_235, %get3A_236, %get3A_237] {strides = array<i32>} : memref<2x4x3200xi32, #tpu.memory_space<vmem>>, vector<16xi32>,
        %gather3A_239 = tpu.vector_load_idx %arg5[%broadcast_in_dim3A_178, %get3A_238] : memref<4x10000xf32, #tpu.memory_space<vmem>>[vector<16xi32>, vector<16xi32>], vector<16xf32>,
        %swap3A_240 = arith.constant 1 : i32
        %swap3A_241 = arith.constant 3 : i32
        %swap3A_242 = arith.index_cast %swap3A_240 : i32 to index
        %swap3A_243 = arith.index_cast %swap3A_241 : i32 to index
        %swap3A_244 = arith.index_cast %add3A_232 : i32 to index
        %swap3A_245 = tpu.vector_load %arg7[%swap3A_242, %swap3A_243, %swap3A_244] {strides = array<i32>} : memref<2x4x3200xf32, #tpu.memory_space<vmem>>, vector<16xf32>,
        tpu.vector_store %arg7[%swap3A_242, %swap3A_243, %swap3A_244], %gather3A_239 {strides = array<i32>} : memref<2x4x3200xf32, #tpu.memory_space<vmem>>, vector<16xf32>,
        %add3A_246 = arith.constant 48 : i32
        %add3A_247 = arith.addi %mul3A_203, %add3A_246 : i32
        %get3A_248 = arith.constant 1 : i32
        %get3A_249 = arith.constant 3 : i32
        %get3A_250 = arith.index_cast %get3A_248 : i32 to index
        %get3A_251 = arith.index_cast %get3A_249 : i32 to index
        %get3A_252 = arith.index_cast %add3A_247 : i32 to index
        %get3A_253 = tpu.vector_load %arg6[%get3A_250, %get3A_251, %get3A_252] {strides = array<i32>} : memref<2x4x3200xi32, #tpu.memory_space<vmem>>, vector<16xi32>,
        %gather3A_254 = tpu.vector_load_idx %arg5[%broadcast_in_dim3A_178, %get3A_253] : memref<4x10000xf32, #tpu.memory_space<vmem>>[vector<16xi32>, vector<16xi32>], vector<16xf32>,
        %swap3A_255 = arith.constant 1 : i32
        %swap3A_256 = arith.constant 3 : i32
        %swap3A_257 = arith.index_cast %swap3A_255 : i32 to index
        %swap3A_258 = arith.index_cast %swap3A_256 : i32 to index
        %swap3A_259 = arith.index_cast %add3A_247 : i32 to index
        %swap3A_260 = tpu.vector_load %arg7[%swap3A_257, %swap3A_258, %swap3A_259] {strides = array<i32>} : memref<2x4x3200xf32, #tpu.memory_space<vmem>>, vector<16xf32>,
        tpu.vector_store %arg7[%swap3A_257, %swap3A_258, %swap3A_259], %gather3A_254 {strides = array<i32>} : memref<2x4x3200xf32, #tpu.memory_space<vmem>>, vector<16xf32>,
        %add3A_261 = arith.constant 64 : i32
        %add3A_262 = arith.addi %mul3A_203, %add3A_261 : i32
        %get3A_263 = arith.constant 1 : i32
        %get3A_264 = arith.constant 3 : i32
        %get3A_265 = arith.index_cast %get3A_263 : i32 to index
        %get3A_266 = arith.index_cast %get3A_264 : i32 to index
        %get3A_267 = arith.index_cast %add3A_262 : i32 to index
        %get3A_268 = tpu.vector_load %arg6[%get3A_265, %get3A_266, %get3A_267] {strides = array<i32>} : memref<2x4x3200xi32, #tpu.memory_space<vmem>>, vector<16xi32>,
        %gather3A_269 = tpu.vector_load_idx %arg5[%broadcast_in_dim3A_178, %get3A_268] : memref<4x10000xf32, #tpu.memory_space<vmem>>[vector<16xi32>, vector<16xi32>], vector<16xf32>,
        %swap3A_270 = arith.constant 1 : i32
        %swap3A_271 = arith.constant 3 : i32
        %swap3A_272 = arith.index_cast %swap3A_270 : i32 to index
        %swap3A_273 = arith.index_cast %swap3A_271 : i32 to index
        %swap3A_274 = arith.index_cast %add3A_262 : i32 to index
        %swap3A_275 = tpu.vector_load %arg7[%swap3A_272, %swap3A_273, %swap3A_274] {strides = array<i32>} : memref<2x4x3200xf32, #tpu.memory_space<vmem>>, vector<16xf32>,
        tpu.vector_store %arg7[%swap3A_272, %swap3A_273, %swap3A_274], %gather3A_269 {strides = array<i32>} : memref<2x4x3200xf32, #tpu.memory_space<vmem>>, vector<16xf32>,
        %add3A_276 = arith.constant 80 : i32
        %add3A_277 = arith.addi %mul3A_203, %add3A_276 : i32
        %get3A_278 = arith.constant 1 : i32
        %get3A_279 = arith.constant 3 : i32
        %get3A_280 = arith.index_cast %get3A_278 : i32 to index
        %get3A_281 = arith.index_cast %get3A_279 : i32 to index
        %get3A_282 = arith.index_cast %add3A_277 : i32 to index
        %get3A_283 = tpu.vector_load %arg6[%get3A_280, %get3A_281, %get3A_282] {strides = array<i32>} : memref<2x4x3200xi32, #tpu.memory_space<vmem>>, vector<16xi32>,
        %gather3A_284 = tpu.vector_load_idx %arg5[%broadcast_in_dim3A_178, %get3A_283] : memref<4x10000xf32, #tpu.memory_space<vmem>>[vector<16xi32>, vector<16xi32>], vector<16xf32>,
        %swap3A_285 = arith.constant 1 : i32
        %swap3A_286 = arith.constant 3 : i32
        %swap3A_287 = arith.index_cast %swap3A_285 : i32 to index
        %swap3A_288 = arith.index_cast %swap3A_286 : i32 to index
        %swap3A_289 = arith.index_cast %add3A_277 : i32 to index
        %swap3A_290 = tpu.vector_load %arg7[%swap3A_287, %swap3A_288, %swap3A_289] {strides = array<i32>} : memref<2x4x3200xf32, #tpu.memory_space<vmem>>, vector<16xf32>,
        tpu.vector_store %arg7[%swap3A_287, %swap3A_288, %swap3A_289], %gather3A_284 {strides = array<i32>} : memref<2x4x3200xf32, #tpu.memory_space<vmem>>, vector<16xf32>,
        %add3A_291 = arith.constant 96 : i32
        %add3A_292 = arith.addi %mul3A_203, %add3A_291 : i32
        %get3A_293 = arith.constant 1 : i32
        %get3A_294 = arith.constant 3 : i32
        %get3A_295 = arith.index_cast %get3A_293 : i32 to index
        %get3A_296 = arith.index_cast %get3A_294 : i32 to index
        %get3A_297 = arith.index_cast %add3A_292 : i32 to index
        %get3A_298 = tpu.vector_load %arg6[%get3A_295, %get3A_296, %get3A_297] {strides = array<i32>} : memref<2x4x3200xi32, #tpu.memory_space<vmem>>, vector<16xi32>,
        %gather3A_299 = tpu.vector_load_idx %arg5[%broadcast_in_dim3A_178, %get3A_298] : memref<4x10000xf32, #tpu.memory_space<vmem>>[vector<16xi32>, vector<16xi32>], vector<16xf32>,
        %swap3A_300 = arith.constant 1 : i32
        %swap3A_301 = arith.constant 3 : i32
        %swap3A_302 = arith.index_cast %swap3A_300 : i32 to index
        %swap3A_303 = arith.index_cast %swap3A_301 : i32 to index
        %swap3A_304 = arith.index_cast %add3A_292 : i32 to index
        %swap3A_305 = tpu.vector_load %arg7[%swap3A_302, %swap3A_303, %swap3A_304] {strides = array<i32>} : memref<2x4x3200xf32, #tpu.memory_space<vmem>>, vector<16xf32>,
        tpu.vector_store %arg7[%swap3A_302, %swap3A_303, %swap3A_304], %gather3A_299 {strides = array<i32>} : memref<2x4x3200xf32, #tpu.memory_space<vmem>>, vector<16xf32>,
        %add3A_306 = arith.constant 112 : i32
        %add3A_307 = arith.addi %mul3A_203, %add3A_306 : i32
        %get3A_308 = arith.constant 1 : i32
        %get3A_309 = arith.constant 3 : i32
        %get3A_310 = arith.index_cast %get3A_308 : i32 to index
        %get3A_311 = arith.index_cast %get3A_309 : i32 to index
        %get3A_312 = arith.index_cast %add3A_307 : i32 to index
        %get3A_313 = tpu.vector_load %arg6[%get3A_310, %get3A_311, %get3A_312] {strides = array<i32>} : memref<2x4x3200xi32, #tpu.memory_space<vmem>>, vector<16xi32>,
        %gather3A_314 = tpu.vector_load_idx %arg5[%broadcast_in_dim3A_178, %get3A_313] : memref<4x10000xf32, #tpu.memory_space<vmem>>[vector<16xi32>, vector<16xi32>], vector<16xf32>,
        %swap3A_315 = arith.constant 1 : i32
        %swap3A_316 = arith.constant 3 : i32
        %swap3A_317 = arith.index_cast %swap3A_315 : i32 to index
        %swap3A_318 = arith.index_cast %swap3A_316 : i32 to index
        %swap3A_319 = arith.index_cast %add3A_307 : i32 to index
        %swap3A_320 = tpu.vector_load %arg7[%swap3A_317, %swap3A_318, %swap3A_319] {strides = array<i32>} : memref<2x4x3200xf32, #tpu.memory_space<vmem>>, vector<16xf32>,
        tpu.vector_store %arg7[%swap3A_317, %swap3A_318, %swap3A_319], %gather3A_314 {strides = array<i32>} : memref<2x4x3200xf32, #tpu.memory_space<vmem>>, vector<16xf32>,
        %scan3A_321 = arith.constant 0 : i32
        scf.yield %scan3A_321 : i32
      }
      %scan3A_185 = arith.constant 25 : i32
      %mul3A_186 = arith.constant 3200 : i32
      %mul3A_187 = arith.muli %add3A_124, %mul3A_186 : i32
      %dma_start3A_188 = arith.constant 1 : i32
      %dma_start3A_189 = arith.constant 0 : i32
      %dma_start3A_190 = arith.constant 0 : i32
      %dma_start3A_191 = tpu.memref_slice %arg7[%dma_start3A_188, %dma_start3A_189, %dma_start3A_190] : memref<2x4x3200xf32, #tpu.memory_space<vmem>> -> memref<1x4x3200xf32, #tpu.memory_space<vmem>>
      %dma_start3A_192 = tpu.memref_squeeze %dma_start3A_191 : memref<1x4x3200xf32, #tpu.memory_space<vmem>> -> memref<4x3200xf32, #tpu.memory_space<vmem>>
      %dma_start3A_193 = tpu.memref_slice %arg4[%mul3A_2, %mul3A_187] : memref<128x160000xf32, #tpu.memory_space<hbm>> -> memref<4x3200xf32, #tpu.memory_space<hbm>>
      %dma_start3A_194 = tpu.memref_slice %arg4[%mul3A_2, %mul3A_187] : memref<128x160000xf32, #tpu.memory_space<hbm>> -> memref<4x3200xf32, #tpu.memory_space<hbm>>
      %dma_start3A_195 = arith.constant 0 : i32
      %dma_start3A_196 = arith.constant 0 : i32
      %dma_start3A_197 = tpu.memref_slice %arg7[%dma_start3A_188, %dma_start3A_195, %dma_start3A_196] : memref<2x4x3200xf32, #tpu.memory_space<vmem>> -> memref<1x4x3200xf32, #tpu.memory_space<vmem>>
      %dma_start3A_198 = tpu.memref_squeeze %dma_start3A_197 : memref<1x4x3200xf32, #tpu.memory_space<vmem>> -> memref<4x3200xf32, #tpu.memory_space<vmem>>
      tpu.enqueue_dma source(%dma_start3A_198 : memref<4x3200xf32, #tpu.memory_space<vmem>>) target(%dma_start3A_194 : memref<4x3200xf32, #tpu.memory_space<hbm>>) target_semaphore(%arg9 : memref<!tpu.dma_semaphore, #tpu.memory_space<semaphore_mem>>)
      %scan3A_199 = arith.constant 0 : i32
      scf.yield %scan3A_199 : i32
    }
    %scan3A_20 = arith.constant 25 : i32
    %dma_wait3A = arith.constant 0 : i32
    %dma_wait3A_21 = arith.constant 0 : i32
    %dma_wait3A_22 = arith.constant 0 : i32
    %dma_wait3A_23 = tpu.memref_slice %arg7[%dma_wait3A, %dma_wait3A_21, %dma_wait3A_22] : memref<2x4x3200xf32, #tpu.memory_space<vmem>> -> memref<1x4x3200xf32, #tpu.memory_space<vmem>>
    %dma_wait3A_24 = tpu.memref_squeeze %dma_wait3A_23 : memref<1x4x3200xf32, #tpu.memory_space<vmem>> -> memref<4x3200xf32, #tpu.memory_space<vmem>>
    %dma_wait3A_25 = arith.constant 0 : i32
    %dma_wait3A_26 = tpu.memref_slice %arg4[%mul3A_2, %dma_wait3A_25] : memref<128x160000xf32, #tpu.memory_space<hbm>> -> memref<4x3200xf32, #tpu.memory_space<hbm>>
    %dma_wait3A_27 = arith.constant 0 : i32
    %dma_wait3A_28 = tpu.memref_slice %arg4[%mul3A_2, %dma_wait3A_27] : memref<128x160000xf32, #tpu.memory_space<hbm>> -> memref<4x3200xf32, #tpu.memory_space<hbm>>
    %dma_wait3A_29 = arith.constant 0 : i32
    %dma_wait3A_30 = arith.constant 0 : i32
    %dma_wait3A_31 = tpu.memref_slice %arg7[%dma_wait3A, %dma_wait3A_29, %dma_wait3A_30] : memref<2x4x3200xf32, #tpu.memory_space<vmem>> -> memref<1x4x3200xf32, #tpu.memory_space<vmem>>
    %dma_wait3A_32 = tpu.memref_squeeze %dma_wait3A_31 : memref<1x4x3200xf32, #tpu.memory_space<vmem>> -> memref<4x3200xf32, #tpu.memory_space<vmem>>
    tpu.wait_dma2 semaphore(%arg9 : memref<!tpu.dma_semaphore, #tpu.memory_space<semaphore_mem>>) src(%dma_wait3A_32 : memref<4x3200xf32, #tpu.memory_space<vmem>>) dst(%dma_wait3A_28 : memref<4x3200xf32, #tpu.memory_space<hbm>>)
    %dma_wait3A_33 = arith.constant 0 : i32
    %dma_wait3A_34 = arith.constant 0 : i32
    %dma_wait3A_35 = arith.constant 0 : i32
    %dma_wait3A_36 = tpu.memref_slice %arg7[%dma_wait3A_33, %dma_wait3A_34, %dma_wait3A_35] : memref<2x4x3200xf32, #tpu.memory_space<vmem>> -> memref<1x4x3200xf32, #tpu.memory_space<vmem>>
    %dma_wait3A_37 = tpu.memref_squeeze %dma_wait3A_36 : memref<1x4x3200xf32, #tpu.memory_space<vmem>> -> memref<4x3200xf32, #tpu.memory_space<vmem>>
    %dma_wait3A_38 = arith.constant 0 : i32
    %dma_wait3A_39 = tpu.memref_slice %arg4[%mul3A_2, %dma_wait3A_38] : memref<128x160000xf32, #tpu.memory_space<hbm>> -> memref<4x3200xf32, #tpu.memory_space<hbm>>
    %dma_wait3A_40 = arith.constant 0 : i32
    %dma_wait3A_41 = tpu.memref_slice %arg4[%mul3A_2, %dma_wait3A_40] : memref<128x160000xf32, #tpu.memory_space<hbm>> -> memref<4x3200xf32, #tpu.memory_space<hbm>>
    %dma_wait3A_42 = arith.constant 0 : i32
    %dma_wait3A_43 = arith.constant 0 : i32
    %dma_wait3A_44 = tpu.memref_slice %arg7[%dma_wait3A_33, %dma_wait3A_42, %dma_wait3A_43] : memref<2x4x3200xf32, #tpu.memory_space<vmem>> -> memref<1x4x3200xf32, #tpu.memory_space<vmem>>
    %dma_wait3A_45 = tpu.memref_squeeze %dma_wait3A_44 : memref<1x4x3200xf32, #tpu.memory_space<vmem>> -> memref<4x3200xf32, #tpu.memory_space<vmem>>
    tpu.wait_dma2 semaphore(%arg9 : memref<!tpu.dma_semaphore, #tpu.memory_space<semaphore_mem>>) src(%dma_wait3A_45 : memref<4x3200xf32, #tpu.memory_space<vmem>>) dst(%dma_wait3A_41 : memref<4x3200xf32, #tpu.memory_space<hbm>>)
    return
  }
}

#map = affine_map<(d0, d1) -> (0, 0)>
module attributes {stable_mosaic.version = 14 : i64} {
  func.func @run(%arg0: i32, %arg1: i32, %arg2: memref<128x10000xf32, #tpu.memory_space<hbm>>, %arg3: memref<128x160000xi32, #tpu.memory_space<hbm>>, %arg4: memref<128x160000xf32, #tpu.memory_space<hbm>>, %arg5: memref<4x10000xf32, #tpu.memory_space<vmem>>, %arg6: memref<2x4x3200xi32, #tpu.memory_space<vmem>>, %arg7: memref<2x4x3200xf32, #tpu.memory_space<vmem>>, %arg8: memref<!tpu.dma_semaphore, #tpu.memory_space<semaphore_mem>>, %arg9: memref<!tpu.dma_semaphore, #tpu.memory_space<semaphore_mem>>) attributes {dimension_semantics = [#tpu.dimension_semantics<core_parallel>, #tpu.dimension_semantics<subcore_parallel>], iteration_bounds = array<i64: 2, 16>, scalar_prefetch = 0 : i64, scratch_operands = 5 : i64, tpu.core_type = #tpu.core_type<sc_vector_subcore>, window_params = [{transform_indices = #map}, {transform_indices = #map}, {transform_indices = #map}]} {
    %mul3A = arith.constant 2 : i32
    %mul3A_0 = arith.muli %arg1, %mul3A : i32
    %add3A = arith.addi %mul3A_0, %arg0 : i32
    %mul3A_1 = arith.constant 4 : i32
    %mul3A_2 = arith.muli %add3A, %mul3A_1 : i32
    "tpu.region"() ({
      %run_scoped3A = tpu.sem_alloc : memref<!tpu.dma_semaphore, #tpu.memory_space<semaphore_mem>>
      %dma_start3A_46 = arith.constant 0 : i32
      %dma_start3A_47 = tpu.memref_slice %arg2[%mul3A_2, %dma_start3A_46] : memref<128x10000xf32, #tpu.memory_space<hbm>> -> memref<4x10000xf32, #tpu.memory_space<hbm>>
      %dma_start3A_48 = arith.constant 0 : i32
      %dma_start3A_49 = tpu.memref_slice %arg2[%mul3A_2, %dma_start3A_48] : memref<128x10000xf32, #tpu.memory_space<hbm>> -> memref<4x10000xf32, #tpu.memory_space<hbm>>
      tpu.enqueue_dma source(%dma_start3A_49 : memref<4x10000xf32, #tpu.memory_space<hbm>>) target(%arg5 : memref<4x10000xf32, #tpu.memory_space<vmem>>) target_semaphore(%run_scoped3A : memref<!tpu.dma_semaphore, #tpu.memory_space<semaphore_mem>>)
      %dma_wait3A_50 = arith.constant 0 : i32
      %dma_wait3A_51 = tpu.memref_slice %arg2[%mul3A_2, %dma_wait3A_50] : memref<128x10000xf32, #tpu.memory_space<hbm>> -> memref<4x10000xf32, #tpu.memory_space<hbm>>
      %dma_wait3A_52 = arith.constant 0 : i32
      %dma_wait3A_53 = tpu.memref_slice %arg2[%mul3A_2, %dma_wait3A_52] : memref<128x10000xf32, #tpu.memory_space<hbm>> -> memref<4x10000xf32, #tpu.memory_space<hbm>>
      tpu.wait_dma2 semaphore(%run_scoped3A : memref<!tpu.dma_semaphore, #tpu.memory_space<semaphore_mem>>) src(%dma_wait3A_53 : memref<4x10000xf32, #tpu.memory_space<hbm>>) dst(%arg5 : memref<4x10000xf32, #tpu.memory_space<vmem>>)
      tpu.yield
    }) : () -> ()
    %dma_start3A = arith.constant 0 : i32
    %dma_start3A_3 = arith.constant 0 : i32
    %dma_start3A_4 = arith.constant 0 : i32
    %dma_start3A_5 = tpu.memref_slice %arg6[%dma_start3A, %dma_start3A_3, %dma_start3A_4] : memref<2x4x3200xi32, #tpu.memory_space<vmem>> -> memref<1x4x3200xi32, #tpu.memory_space<vmem>>
    %dma_start3A_6 = tpu.memref_squeeze %dma_start3A_5 : memref<1x4x3200xi32, #tpu.memory_space<vmem>> -> memref<4x3200xi32, #tpu.memory_space<vmem>>
    %dma_start3A_7 = arith.constant 0 : i32
    %dma_start3A_8 = tpu.memref_slice %arg3[%mul3A_2, %dma_start3A_7] : memref<128x160000xi32, #tpu.memory_space<hbm>> -> memref<4x3200xi32, #tpu.memory_space<hbm>>
    %dma_start3A_9 = arith.constant 0 : i32
    %dma_start3A_10 = arith.constant 0 : i32
    %dma_start3A_11 = tpu.memref_slice %arg6[%dma_start3A, %dma_start3A_9, %dma_start3A_10] : memref<2x4x3200xi32, #tpu.memory_space<vmem>> -> memref<1x4x3200xi32, #tpu.memory_space<vmem>>
    %dma_start3A_12 = tpu.memref_squeeze %dma_start3A_11 : memref<1x4x3200xi32, #tpu.memory_space<vmem>> -> memref<4x3200xi32, #tpu.memory_space<vmem>>
    %dma_start3A_13 = arith.constant 0 : i32
    %dma_start3A_14 = tpu.memref_slice %arg3[%mul3A_2, %dma_start3A_13] : memref<128x160000xi32, #tpu.memory_space<hbm>> -> memref<4x3200xi32, #tpu.memory_space<hbm>>
    tpu.enqueue_dma source(%dma_start3A_14 : memref<4x3200xi32, #tpu.memory_space<hbm>>) target(%dma_start3A_12 : memref<4x3200xi32, #tpu.memory_space<vmem>>) target_semaphore(%arg8 : memref<!tpu.dma_semaphore, #tpu.memory_space<semaphore_mem>>)
    %scan3A = arith.constant 0 : i32
    %scan3A_15 = arith.constant 0 : i32
    %scan3A_16 = arith.constant 25 : i32
    %scan3A_17 = arith.addi %scan3A_15, %scan3A_16 : i32
    %scan3A_18 = arith.constant 1 : i32
    %scan3A_19 = scf.for %scan3A_46 = %scan3A_15 to %scan3A_17 step %scan3A_18 iter_args(%scan3A_47 = %scan3A) -> (i32)  : i32 {
      %mul3A_48 = arith.constant 2 : i32
      %mul3A_49 = arith.muli %scan3A_46, %mul3A_48 : i32
      %add3A_50 = arith.constant 0 : i32
      %add3A_51 = arith.addi %mul3A_49, %add3A_50 : i32
      %dma_wait3A_52 = arith.constant 0 : i32
      %dma_wait3A_53 = arith.constant 0 : i32
      %dma_wait3A_54 = arith.constant 0 : i32
      %dma_wait3A_55 = tpu.memref_slice %arg6[%dma_wait3A_52, %dma_wait3A_53, %dma_wait3A_54] : memref<2x4x3200xi32, #tpu.memory_space<vmem>> -> memref<1x4x3200xi32, #tpu.memory_space<vmem>>
      %dma_wait3A_56 = tpu.memref_squeeze %dma_wait3A_55 : memref<1x4x3200xi32, #tpu.memory_space<vmem>> -> memref<4x3200xi32, #tpu.memory_space<vmem>>
      %dma_wait3A_57 = arith.constant 0 : i32
      %dma_wait3A_58 = tpu.memref_slice %arg3[%mul3A_2, %dma_wait3A_57] : memref<128x160000xi32, #tpu.memory_space<hbm>> -> memref<4x3200xi32, #tpu.memory_space<hbm>>
      %dma_wait3A_59 = arith.constant 0 : i32
      %dma_wait3A_60 = arith.constant 0 : i32
      %dma_wait3A_61 = tpu.memref_slice %arg6[%dma_wait3A_52, %dma_wait3A_59, %dma_wait3A_60] : memref<2x4x3200xi32, #tpu.memory_space<vmem>> -> memref<1x4x3200xi32, #tpu.memory_space<vmem>>
      %dma_wait3A_62 = tpu.memref_squeeze %dma_wait3A_61 : memref<1x4x3200xi32, #tpu.memory_space<vmem>> -> memref<4x3200xi32, #tpu.memory_space<vmem>>
      %dma_wait3A_63 = arith.constant 0 : i32
      %dma_wait3A_64 = tpu.memref_slice %arg3[%mul3A_2, %dma_wait3A_63] : memref<128x160000xi32, #tpu.memory_space<hbm>> -> memref<4x3200xi32, #tpu.memory_space<hbm>>
      tpu.wait_dma2 semaphore(%arg8 : memref<!tpu.dma_semaphore, #tpu.memory_space<semaphore_mem>>) src(%dma_wait3A_64 : memref<4x3200xi32, #tpu.memory_space<hbm>>) dst(%dma_wait3A_62 : memref<4x3200xi32, #tpu.memory_space<vmem>>)
      %add3A_65 = arith.constant 1 : i32
      %add3A_66 = arith.addi %add3A_51, %add3A_65 : i32
      %lt3A = arith.constant 50 : i32
      %lt3A_67 = arith.cmpi slt, %add3A_66, %lt3A : i32
      %convert_element_type3A = arith.extui %lt3A_67 : i1 to i32
      %cond3A = arith.constant 0 : i32
      %cond3A_68 = arith.cmpi ne, %convert_element_type3A, %cond3A : i32
      scf.if %cond3A_68 {
        %add3A_200 = arith.constant 1 : i32
        %add3A_201 = arith.addi %add3A_51, %add3A_200 : i32
        %mul3A_202 = arith.constant 3200 : i32
        %mul3A_203 = arith.muli %add3A_201, %mul3A_202 : i32
        %dma_start3A_204 = arith.constant 1 : i32
        %dma_start3A_205 = arith.constant 0 : i32
        %dma_start3A_206 = arith.constant 0 : i32
        %dma_start3A_207 = tpu.memref_slice %arg6[%dma_start3A_204, %dma_start3A_205, %dma_start3A_206] : memref<2x4x3200xi32, #tpu.memory_space<vmem>> -> memref<1x4x3200xi32, #tpu.memory_space<vmem>>
        %dma_start3A_208 = tpu.memref_squeeze %dma_start3A_207 : memref<1x4x3200xi32, #tpu.memory_space<vmem>> -> memref<4x3200xi32, #tpu.memory_space<vmem>>
        %dma_start3A_209 = tpu.memref_slice %arg3[%mul3A_2, %mul3A_203] : memref<128x160000xi32, #tpu.memory_space<hbm>> -> memref<4x3200xi32, #tpu.memory_space<hbm>>
        %dma_start3A_210 = arith.constant 0 : i32
        %dma_start3A_211 = arith.constant 0 : i32
        %dma_start3A_212 = tpu.memref_slice %arg6[%dma_start3A_204, %dma_start3A_210, %dma_start3A_211] : memref<2x4x3200xi32, #tpu.memory_space<vmem>> -> memref<1x4x3200xi32, #tpu.memory_space<vmem>>
        %dma_start3A_213 = tpu.memref_squeeze %dma_start3A_212 : memref<1x4x3200xi32, #tpu.memory_space<vmem>> -> memref<4x3200xi32, #tpu.memory_space<vmem>>
        %dma_start3A_214 = tpu.memref_slice %arg3[%mul3A_2, %mul3A_203] : memref<128x160000xi32, #tpu.memory_space<hbm>> -> memref<4x3200xi32, #tpu.memory_space<hbm>>
        tpu.enqueue_dma source(%dma_start3A_214 : memref<4x3200xi32, #tpu.memory_space<hbm>>) target(%dma_start3A_213 : memref<4x3200xi32, #tpu.memory_space<vmem>>) target_semaphore(%arg8 : memref<!tpu.dma_semaphore, #tpu.memory_space<semaphore_mem>>)
      } else {
      }
      %ge3A = arith.constant 2 : i32
      %ge3A_69 = arith.cmpi sge, %add3A_51, %ge3A : i32
      %convert_element_type3A_70 = arith.extui %ge3A_69 : i1 to i32
      %cond3A_71 = arith.constant 0 : i32
      %cond3A_72 = arith.cmpi ne, %convert_element_type3A_70, %cond3A_71 : i32
      scf.if %cond3A_72 {
        %dma_wait3A_200 = arith.constant 0 : i32
        %dma_wait3A_201 = arith.constant 0 : i32
        %dma_wait3A_202 = arith.constant 0 : i32
        %dma_wait3A_203 = tpu.memref_slice %arg7[%dma_wait3A_200, %dma_wait3A_201, %dma_wait3A_202] : memref<2x4x3200xf32, #tpu.memory_space<vmem>> -> memref<1x4x3200xf32, #tpu.memory_space<vmem>>
        %dma_wait3A_204 = tpu.memref_squeeze %dma_wait3A_203 : memref<1x4x3200xf32, #tpu.memory_space<vmem>> -> memref<4x3200xf32, #tpu.memory_space<vmem>>
        %dma_wait3A_205 = arith.constant 0 : i32
        %dma_wait3A_206 = tpu.memref_slice %arg4[%mul3A_2, %dma_wait3A_205] : memref<128x160000xf32, #tpu.memory_space<hbm>> -> memref<4x3200xf32, #tpu.memory_space<hbm>>
        %dma_wait3A_207 = arith.constant 0 : i32
        %dma_wait3A_208 = tpu.memref_slice %arg4[%mul3A_2, %dma_wait3A_207] : memref<128x160000xf32, #tpu.memory_space<hbm>> -> memref<4x3200xf32, #tpu.memory_space<hbm>>
        %dma_wait3A_209 = arith.constant 0 : i32
        %dma_wait3A_210 = arith.constant 0 : i32
        %dma_wait3A_211 = tpu.memref_slice %arg7[%dma_wait3A_200, %dma_wait3A_209, %dma_wait3A_210] : memref<2x4x3200xf32, #tpu.memory_space<vmem>> -> memref<1x4x3200xf32, #tpu.memory_space<vmem>>
        %dma_wait3A_212 = tpu.memref_squeeze %dma_wait3A_211 : memref<1x4x3200xf32, #tpu.memory_space<vmem>> -> memref<4x3200xf32, #tpu.memory_space<vmem>>
        tpu.wait_dma2 semaphore(%arg9 : memref<!tpu.dma_semaphore, #tpu.memory_space<semaphore_mem>>) src(%dma_wait3A_212 : memref<4x3200xf32, #tpu.memory_space<vmem>>) dst(%dma_wait3A_208 : memref<4x3200xf32, #tpu.memory_space<hbm>>)
      } else {
      }
      %broadcast_in_dim3A = arith.constant 0 : i32
      %broadcast_in_dim3A_73 = vector.broadcast %broadcast_in_dim3A : i32 to vector<16xi32>
      %scan3A_74 = arith.constant 0 : i32
      %scan3A_75 = arith.constant 0 : i32
      %scan3A_76 = arith.constant 25 : i32
      %scan3A_77 = arith.addi %scan3A_75, %scan3A_76 : i32
      %scan3A_78 = arith.constant 1 : i32
      %scan3A_79 = scf.for %scan3A_200 = %scan3A_75 to %scan3A_77 step %scan3A_78 iter_args(%scan3A_201 = %scan3A_74) -> (i32)  : i32 {
        %mul3A_202 = arith.constant 128 : i32
        %mul3A_203 = arith.muli %scan3A_200, %mul3A_202 : i32
        %add3A_204 = arith.constant 0 : i32
        %add3A_205 = arith.addi %mul3A_203, %add3A_204 : i32
        %get3A = arith.constant 0 : i32
        %get3A_206 = arith.constant 0 : i32
        %get3A_207 = arith.index_cast %get3A : i32 to index
        %get3A_208 = arith.index_cast %get3A_206 : i32 to index
        %get3A_209 = arith.index_cast %add3A_205 : i32 to index
        %get3A_210 = tpu.vector_load %arg6[%get3A_207, %get3A_208, %get3A_209] {strides = array<i32>} : memref<2x4x3200xi32, #tpu.memory_space<vmem>>, vector<16xi32>,
        %gather3A = tpu.vector_load_idx %arg5[%broadcast_in_dim3A_73, %get3A_210] : memref<4x10000xf32, #tpu.memory_space<vmem>>[vector<16xi32>, vector<16xi32>], vector<16xf32>,
        %swap3A = arith.constant 0 : i32
        %swap3A_211 = arith.constant 0 : i32
        %swap3A_212 = arith.index_cast %swap3A : i32 to index
        %swap3A_213 = arith.index_cast %swap3A_211 : i32 to index
        %swap3A_214 = arith.index_cast %add3A_205 : i32 to index
        %swap3A_215 = tpu.vector_load %arg7[%swap3A_212, %swap3A_213, %swap3A_214] {strides = array<i32>} : memref<2x4x3200xf32, #tpu.memory_space<vmem>>, vector<16xf32>,
        tpu.vector_store %arg7[%swap3A_212, %swap3A_213, %swap3A_214], %gather3A {strides = array<i32>} : memref<2x4x3200xf32, #tpu.memory_space<vmem>>, vector<16xf32>,
        %add3A_216 = arith.constant 16 : i32
        %add3A_217 = arith.addi %mul3A_203, %add3A_216 : i32
        %get3A_218 = arith.constant 0 : i32
        %get3A_219 = arith.constant 0 : i32
        %get3A_220 = arith.index_cast %get3A_218 : i32 to index
        %get3A_221 = arith.index_cast %get3A_219 : i32 to index
        %get3A_222 = arith.index_cast %add3A_217 : i32 to index
        %get3A_223 = tpu.vector_load %arg6[%get3A_220, %get3A_221, %get3A_222] {strides = array<i32>} : memref<2x4x3200xi32, #tpu.memory_space<vmem>>, vector<16xi32>,
        %gather3A_224 = tpu.vector_load_idx %arg5[%broadcast_in_dim3A_73, %get3A_223] : memref<4x10000xf32, #tpu.memory_space<vmem>>[vector<16xi32>, vector<16xi32>], vector<16xf32>,
        %swap3A_225 = arith.constant 0 : i32
        %swap3A_226 = arith.constant 0 : i32
        %swap3A_227 = arith.index_cast %swap3A_225 : i32 to index
        %swap3A_228 = arith.index_cast %swap3A_226 : i32 to index
        %swap3A_229 = arith.index_cast %add3A_217 : i32 to index
        %swap3A_230 = tpu.vector_load %arg7[%swap3A_227, %swap3A_228, %swap3A_229] {strides = array<i32>} : memref<2x4x3200xf32, #tpu.memory_space<vmem>>, vector<16xf32>,
        tpu.vector_store %arg7[%swap3A_227, %swap3A_228, %swap3A_229], %gather3A_224 {strides = array<i32>} : memref<2x4x3200xf32, #tpu.memory_space<vmem>>, vector<16xf32>,
        %add3A_231 = arith.constant 32 : i32
        %add3A_232 = arith.addi %mul3A_203, %add3A_231 : i32
        %get3A_233 = arith.constant 0 : i32
        %get3A_234 = arith.constant 0 : i32
        %get3A_235 = arith.index_cast %get3A_233 : i32 to index
        %get3A_236 = arith.index_cast %get3A_234 : i32 to index
        %get3A_237 = arith.index_cast %add3A_232 : i32 to index
        %get3A_238 = tpu.vector_load %arg6[%get3A_235, %get3A_236, %get3A_237] {strides = array<i32>} : memref<2x4x3200xi32, #tpu.memory_space<vmem>>, vector<16xi32>,
        %gather3A_239 = tpu.vector_load_idx %arg5[%broadcast_in_dim3A_73, %get3A_238] : memref<4x10000xf32, #tpu.memory_space<vmem>>[vector<16xi32>, vector<16xi32>], vector<16xf32>,
        %swap3A_240 = arith.constant 0 : i32
        %swap3A_241 = arith.constant 0 : i32
        %swap3A_242 = arith.index_cast %swap3A_240 : i32 to index
        %swap3A_243 = arith.index_cast %swap3A_241 : i32 to index
        %swap3A_244 = arith.index_cast %add3A_232 : i32 to index
        %swap3A_245 = tpu.vector_load %arg7[%swap3A_242, %swap3A_243, %swap3A_244] {strides = array<i32>} : memref<2x4x3200xf32, #tpu.memory_space<vmem>>, vector<16xf32>,
        tpu.vector_store %arg7[%swap3A_242, %swap3A_243, %swap3A_244], %gather3A_239 {strides = array<i32>} : memref<2x4x3200xf32, #tpu.memory_space<vmem>>, vector<16xf32>,
        %add3A_246 = arith.constant 48 : i32
        %add3A_247 = arith.addi %mul3A_203, %add3A_246 : i32
        %get3A_248 = arith.constant 0 : i32
        %get3A_249 = arith.constant 0 : i32
        %get3A_250 = arith.index_cast %get3A_248 : i32 to index
        %get3A_251 = arith.index_cast %get3A_249 : i32 to index
        %get3A_252 = arith.index_cast %add3A_247 : i32 to index
        %get3A_253 = tpu.vector_load %arg6[%get3A_250, %get3A_251, %get3A_252] {strides = array<i32>} : memref<2x4x3200xi32, #tpu.memory_space<vmem>>, vector<16xi32>,
        %gather3A_254 = tpu.vector_load_idx %arg5[%broadcast_in_dim3A_73, %get3A_253] : memref<4x10000xf32, #tpu.memory_space<vmem>>[vector<16xi32>, vector<16xi32>], vector<16xf32>,
        %swap3A_255 = arith.constant 0 : i32
        %swap3A_256 = arith.constant 0 : i32
        %swap3A_257 = arith.index_cast %swap3A_255 : i32 to index
        %swap3A_258 = arith.index_cast %swap3A_256 : i32 to index
        %swap3A_259 = arith.index_cast %add3A_247 : i32 to index
        %swap3A_260 = tpu.vector_load %arg7[%swap3A_257, %swap3A_258, %swap3A_259] {strides = array<i32>} : memref<2x4x3200xf32, #tpu.memory_space<vmem>>, vector<16xf32>,
        tpu.vector_store %arg7[%swap3A_257, %swap3A_258, %swap3A_259], %gather3A_254 {strides = array<i32>} : memref<2x4x3200xf32, #tpu.memory_space<vmem>>, vector<16xf32>,
        %add3A_261 = arith.constant 64 : i32
        %add3A_262 = arith.addi %mul3A_203, %add3A_261 : i32
        %get3A_263 = arith.constant 0 : i32
        %get3A_264 = arith.constant 0 : i32
        %get3A_265 = arith.index_cast %get3A_263 : i32 to index
        %get3A_266 = arith.index_cast %get3A_264 : i32 to index
        %get3A_267 = arith.index_cast %add3A_262 : i32 to index
        %get3A_268 = tpu.vector_load %arg6[%get3A_265, %get3A_266, %get3A_267] {strides = array<i32>} : memref<2x4x3200xi32, #tpu.memory_space<vmem>>, vector<16xi32>,
        %gather3A_269 = tpu.vector_load_idx %arg5[%broadcast_in_dim3A_73, %get3A_268] : memref<4x10000xf32, #tpu.memory_space<vmem>>[vector<16xi32>, vector<16xi32>], vector<16xf32>,
        %swap3A_270 = arith.constant 0 : i32
        %swap3A_271 = arith.constant 0 : i32
        %swap3A_272 = arith.index_cast %swap3A_270 : i32 to index
        %swap3A_273 = arith.index_cast %swap3A_271 : i32 to index
        %swap3A_274 = arith.index_cast %add3A_262 : i32 to index
        %swap3A_275 = tpu.vector_load %arg7[%swap3A_272, %swap3A_273, %swap3A_274] {strides = array<i32>} : memref<2x4x3200xf32, #tpu.memory_space<vmem>>, vector<16xf32>,
        tpu.vector_store %arg7[%swap3A_272, %swap3A_273, %swap3A_274], %gather3A_269 {strides = array<i32>} : memref<2x4x3200xf32, #tpu.memory_space<vmem>>, vector<16xf32>,
        %add3A_276 = arith.constant 80 : i32
        %add3A_277 = arith.addi %mul3A_203, %add3A_276 : i32
        %get3A_278 = arith.constant 0 : i32
        %get3A_279 = arith.constant 0 : i32
        %get3A_280 = arith.index_cast %get3A_278 : i32 to index
        %get3A_281 = arith.index_cast %get3A_279 : i32 to index
        %get3A_282 = arith.index_cast %add3A_277 : i32 to index
        %get3A_283 = tpu.vector_load %arg6[%get3A_280, %get3A_281, %get3A_282] {strides = array<i32>} : memref<2x4x3200xi32, #tpu.memory_space<vmem>>, vector<16xi32>,
        %gather3A_284 = tpu.vector_load_idx %arg5[%broadcast_in_dim3A_73, %get3A_283] : memref<4x10000xf32, #tpu.memory_space<vmem>>[vector<16xi32>, vector<16xi32>], vector<16xf32>,
        %swap3A_285 = arith.constant 0 : i32
        %swap3A_286 = arith.constant 0 : i32
        %swap3A_287 = arith.index_cast %swap3A_285 : i32 to index
        %swap3A_288 = arith.index_cast %swap3A_286 : i32 to index
        %swap3A_289 = arith.index_cast %add3A_277 : i32 to index
        %swap3A_290 = tpu.vector_load %arg7[%swap3A_287, %swap3A_288, %swap3A_289] {strides = array<i32>} : memref<2x4x3200xf32, #tpu.memory_space<vmem>>, vector<16xf32>,
        tpu.vector_store %arg7[%swap3A_287, %swap3A_288, %swap3A_289], %gather3A_284 {strides = array<i32>} : memref<2x4x3200xf32, #tpu.memory_space<vmem>>, vector<16xf32>,
        %add3A_291 = arith.constant 96 : i32
        %add3A_292 = arith.addi %mul3A_203, %add3A_291 : i32
        %get3A_293 = arith.constant 0 : i32
        %get3A_294 = arith.constant 0 : i32
        %get3A_295 = arith.index_cast %get3A_293 : i32 to index
        %get3A_296 = arith.index_cast %get3A_294 : i32 to index
        %get3A_297 = arith.index_cast %add3A_292 : i32 to index
        %get3A_298 = tpu.vector_load %arg6[%get3A_295, %get3A_296, %get3A_297] {strides = array<i32>} : memref<2x4x3200xi32, #tpu.memory_space<vmem>>, vector<16xi32>,
        %gather3A_299 = tpu.vector_load_idx %arg5[%broadcast_in_dim3A_73, %get3A_298] : memref<4x10000xf32, #tpu.memory_space<vmem>>[vector<16xi32>, vector<16xi32>], vector<16xf32>,
        %swap3A_300 = arith.constant 0 : i32
        %swap3A_301 = arith.constant 0 : i32
        %swap3A_302 = arith.index_cast %swap3A_300 : i32 to index
        %swap3A_303 = arith.index_cast %swap3A_301 : i32 to index
        %swap3A_304 = arith.index_cast %add3A_292 : i32 to index
        %swap3A_305 = tpu.vector_load %arg7[%swap3A_302, %swap3A_303, %swap3A_304] {strides = array<i32>} : memref<2x4x3200xf32, #tpu.memory_space<vmem>>, vector<16xf32>,
        tpu.vector_store %arg7[%swap3A_302, %swap3A_303, %swap3A_304], %gather3A_299 {strides = array<i32>} : memref<2x4x3200xf32, #tpu.memory_space<vmem>>, vector<16xf32>,
        %add3A_306 = arith.constant 112 : i32
        %add3A_307 = arith.addi %mul3A_203, %add3A_306 : i32
        %get3A_308 = arith.constant 0 : i32
        %get3A_309 = arith.constant 0 : i32
        %get3A_310 = arith.index_cast %get3A_308 : i32 to index
        %get3A_311 = arith.index_cast %get3A_309 : i32 to index
        %get3A_312 = arith.index_cast %add3A_307 : i32 to index
        %get3A_313 = tpu.vector_load %arg6[%get3A_310, %get3A_311, %get3A_312] {strides = array<i32>} : memref<2x4x3200xi32, #tpu.memory_space<vmem>>, vector<16xi32>,
        %gather3A_314 = tpu.vector_load_idx %arg5[%broadcast_in_dim3A_73, %get3A_313] : memref<4x10000xf32, #tpu.memory_space<vmem>>[vector<16xi32>, vector<16xi32>], vector<16xf32>,
        %swap3A_315 = arith.constant 0 : i32
        %swap3A_316 = arith.constant 0 : i32
        %swap3A_317 = arith.index_cast %swap3A_315 : i32 to index
        %swap3A_318 = arith.index_cast %swap3A_316 : i32 to index
        %swap3A_319 = arith.index_cast %add3A_307 : i32 to index
        %swap3A_320 = tpu.vector_load %arg7[%swap3A_317, %swap3A_318, %swap3A_319] {strides = array<i32>} : memref<2x4x3200xf32, #tpu.memory_space<vmem>>, vector<16xf32>,
        tpu.vector_store %arg7[%swap3A_317, %swap3A_318, %swap3A_319], %gather3A_314 {strides = array<i32>} : memref<2x4x3200xf32, #tpu.memory_space<vmem>>, vector<16xf32>,
        %scan3A_321 = arith.constant 0 : i32
        scf.yield %scan3A_321 : i32
      }
      %scan3A_80 = arith.constant 25 : i32
      %broadcast_in_dim3A_81 = arith.constant 1 : i32
      %broadcast_in_dim3A_82 = vector.broadcast %broadcast_in_dim3A_81 : i32 to vector<16xi32>
      %scan3A_83 = arith.constant 0 : i32
      %scan3A_84 = arith.constant 0 : i32
      %scan3A_85 = arith.constant 25 : i32
      %scan3A_86 = arith.addi %scan3A_84, %scan3A_85 : i32
      %scan3A_87 = arith.constant 1 : i32
      %scan3A_88 = scf.for %scan3A_200 = %scan3A_84 to %scan3A_86 step %scan3A_87 iter_args(%scan3A_201 = %scan3A_83) -> (i32)  : i32 {
        %mul3A_202 = arith.constant 128 : i32
        %mul3A_203 = arith.muli %scan3A_200, %mul3A_202 : i32
        %add3A_204 = arith.constant 0 : i32
        %add3A_205 = arith.addi %mul3A_203, %add3A_204 : i32
        %get3A = arith.constant 0 : i32
        %get3A_206 = arith.constant 1 : i32
        %get3A_207 = arith.index_cast %get3A : i32 to index
        %get3A_208 = arith.index_cast %get3A_206 : i32 to index
        %get3A_209 = arith.index_cast %add3A_205 : i32 to index
        %get3A_210 = tpu.vector_load %arg6[%get3A_207, %get3A_208, %get3A_209] {strides = array<i32>} : memref<2x4x3200xi32, #tpu.memory_space<vmem>>, vector<16xi32>,
        %gather3A = tpu.vector_load_idx %arg5[%broadcast_in_dim3A_82, %get3A_210] : memref<4x10000xf32, #tpu.memory_space<vmem>>[vector<16xi32>, vector<16xi32>], vector<16xf32>,
        %swap3A = arith.constant 0 : i32
        %swap3A_211 = arith.constant 1 : i32
        %swap3A_212 = arith.index_cast %swap3A : i32 to index
        %swap3A_213 = arith.index_cast %swap3A_211 : i32 to index
        %swap3A_214 = arith.index_cast %add3A_205 : i32 to index
        %swap3A_215 = tpu.vector_load %arg7[%swap3A_212, %swap3A_213, %swap3A_214] {strides = array<i32>} : memref<2x4x3200xf32, #tpu.memory_space<vmem>>, vector<16xf32>,
        tpu.vector_store %arg7[%swap3A_212, %swap3A_213, %swap3A_214], %gather3A {strides = array<i32>} : memref<2x4x3200xf32, #tpu.memory_space<vmem>>, vector<16xf32>,
        %add3A_216 = arith.constant 16 : i32
        %add3A_217 = arith.addi %mul3A_203, %add3A_216 : i32
        %get3A_218 = arith.constant 0 : i32
        %get3A_219 = arith.constant 1 : i32
        %get3A_220 = arith.index_cast %get3A_218 : i32 to index
        %get3A_221 = arith.index_cast %get3A_219 : i32 to index
        %get3A_222 = arith.index_cast %add3A_217 : i32 to index
        %get3A_223 = tpu.vector_load %arg6[%get3A_220, %get3A_221, %get3A_222] {strides = array<i32>} : memref<2x4x3200xi32, #tpu.memory_space<vmem>>, vector<16xi32>,
        %gather3A_224 = tpu.vector_load_idx %arg5[%broadcast_in_dim3A_82, %get3A_223] : memref<4x10000xf32, #tpu.memory_space<vmem>>[vector<16xi32>, vector<16xi32>], vector<16xf32>,
        %swap3A_225 = arith.constant 0 : i32
        %swap3A_226 = arith.constant 1 : i32
        %swap3A_227 = arith.index_cast %swap3A_225 : i32 to index
        %swap3A_228 = arith.index_cast %swap3A_226 : i32 to index
        %swap3A_229 = arith.index_cast %add3A_217 : i32 to index
        %swap3A_230 = tpu.vector_load %arg7[%swap3A_227, %swap3A_228, %swap3A_229] {strides = array<i32>} : memref<2x4x3200xf32, #tpu.memory_space<vmem>>, vector<16xf32>,
        tpu.vector_store %arg7[%swap3A_227, %swap3A_228, %swap3A_229], %gather3A_224 {strides = array<i32>} : memref<2x4x3200xf32, #tpu.memory_space<vmem>>, vector<16xf32>,
        %add3A_231 = arith.constant 32 : i32
        %add3A_232 = arith.addi %mul3A_203, %add3A_231 : i32
        %get3A_233 = arith.constant 0 : i32
        %get3A_234 = arith.constant 1 : i32
        %get3A_235 = arith.index_cast %get3A_233 : i32 to index
        %get3A_236 = arith.index_cast %get3A_234 : i32 to index
        %get3A_237 = arith.index_cast %add3A_232 : i32 to index
        %get3A_238 = tpu.vector_load %arg6[%get3A_235, %get3A_236, %get3A_237] {strides = array<i32>} : memref<2x4x3200xi32, #tpu.memory_space<vmem>>, vector<16xi32>,
        %gather3A_239 = tpu.vector_load_idx %arg5[%broadcast_in_dim3A_82, %get3A_238] : memref<4x10000xf32, #tpu.memory_space<vmem>>[vector<16xi32>, vector<16xi32>], vector<16xf32>,
        %swap3A_240 = arith.constant 0 : i32
        %swap3A_241 = arith.constant 1 : i32
        %swap3A_242 = arith.index_cast %swap3A_240 : i32 to index
        %swap3A_243 = arith.index_cast %swap3A_241 : i32 to index
        %swap3A_244 = arith.index_cast %add3A_232 : i32 to index
        %swap3A_245 = tpu.vector_load %arg7[%swap3A_242, %swap3A_243, %swap3A_244] {strides = array<i32>} : memref<2x4x3200xf32, #tpu.memory_space<vmem>>, vector<16xf32>,
        tpu.vector_store %arg7[%swap3A_242, %swap3A_243, %swap3A_244], %gather3A_239 {strides = array<i32>} : memref<2x4x3200xf32, #tpu.memory_space<vmem>>, vector<16xf32>,
        %add3A_246 = arith.constant 48 : i32
        %add3A_247 = arith.addi %mul3A_203, %add3A_246 : i32
        %get3A_248 = arith.constant 0 : i32
        %get3A_249 = arith.constant 1 : i32
        %get3A_250 = arith.index_cast %get3A_248 : i32 to index
        %get3A_251 = arith.index_cast %get3A_249 : i32 to index
        %get3A_252 = arith.index_cast %add3A_247 : i32 to index
        %get3A_253 = tpu.vector_load %arg6[%get3A_250, %get3A_251, %get3A_252] {strides = array<i32>} : memref<2x4x3200xi32, #tpu.memory_space<vmem>>, vector<16xi32>,
        %gather3A_254 = tpu.vector_load_idx %arg5[%broadcast_in_dim3A_82, %get3A_253] : memref<4x10000xf32, #tpu.memory_space<vmem>>[vector<16xi32>, vector<16xi32>], vector<16xf32>,
        %swap3A_255 = arith.constant 0 : i32
        %swap3A_256 = arith.constant 1 : i32
        %swap3A_257 = arith.index_cast %swap3A_255 : i32 to index
        %swap3A_258 = arith.index_cast %swap3A_256 : i32 to index
        %swap3A_259 = arith.index_cast %add3A_247 : i32 to index
        %swap3A_260 = tpu.vector_load %arg7[%swap3A_257, %swap3A_258, %swap3A_259] {strides = array<i32>} : memref<2x4x3200xf32, #tpu.memory_space<vmem>>, vector<16xf32>,
        tpu.vector_store %arg7[%swap3A_257, %swap3A_258, %swap3A_259], %gather3A_254 {strides = array<i32>} : memref<2x4x3200xf32, #tpu.memory_space<vmem>>, vector<16xf32>,
        %add3A_261 = arith.constant 64 : i32
        %add3A_262 = arith.addi %mul3A_203, %add3A_261 : i32
        %get3A_263 = arith.constant 0 : i32
        %get3A_264 = arith.constant 1 : i32
        %get3A_265 = arith.index_cast %get3A_263 : i32 to index
        %get3A_266 = arith.index_cast %get3A_264 : i32 to index
        %get3A_267 = arith.index_cast %add3A_262 : i32 to index
        %get3A_268 = tpu.vector_load %arg6[%get3A_265, %get3A_266, %get3A_267] {strides = array<i32>} : memref<2x4x3200xi32, #tpu.memory_space<vmem>>, vector<16xi32>,
        %gather3A_269 = tpu.vector_load_idx %arg5[%broadcast_in_dim3A_82, %get3A_268] : memref<4x10000xf32, #tpu.memory_space<vmem>>[vector<16xi32>, vector<16xi32>], vector<16xf32>,
        %swap3A_270 = arith.constant 0 : i32
        %swap3A_271 = arith.constant 1 : i32
        %swap3A_272 = arith.index_cast %swap3A_270 : i32 to index
        %swap3A_273 = arith.index_cast %swap3A_271 : i32 to index
        %swap3A_274 = arith.index_cast %add3A_262 : i32 to index
        %swap3A_275 = tpu.vector_load %arg7[%swap3A_272, %swap3A_273, %swap3A_274] {strides = array<i32>} : memref<2x4x3200xf32, #tpu.memory_space<vmem>>, vector<16xf32>,
        tpu.vector_store %arg7[%swap3A_272, %swap3A_273, %swap3A_274], %gather3A_269 {strides = array<i32>} : memref<2x4x3200xf32, #tpu.memory_space<vmem>>, vector<16xf32>,
        %add3A_276 = arith.constant 80 : i32
        %add3A_277 = arith.addi %mul3A_203, %add3A_276 : i32
        %get3A_278 = arith.constant 0 : i32
        %get3A_279 = arith.constant 1 : i32
        %get3A_280 = arith.index_cast %get3A_278 : i32 to index
        %get3A_281 = arith.index_cast %get3A_279 : i32 to index
        %get3A_282 = arith.index_cast %add3A_277 : i32 to index
        %get3A_283 = tpu.vector_load %arg6[%get3A_280, %get3A_281, %get3A_282] {strides = array<i32>} : memref<2x4x3200xi32, #tpu.memory_space<vmem>>, vector<16xi32>,
        %gather3A_284 = tpu.vector_load_idx %arg5[%broadcast_in_dim3A_82, %get3A_283] : memref<4x10000xf32, #tpu.memory_space<vmem>>[vector<16xi32>, vector<16xi32>], vector<16xf32>,
        %swap3A_285 = arith.constant 0 : i32
        %swap3A_286 = arith.constant 1 : i32
        %swap3A_287 = arith.index_cast %swap3A_285 : i32 to index
        %swap3A_288 = arith.index_cast %swap3A_286 : i32 to index
        %swap3A_289 = arith.index_cast %add3A_277 : i32 to index
        %swap3A_290 = tpu.vector_load %arg7[%swap3A_287, %swap3A_288, %swap3A_289] {strides = array<i32>} : memref<2x4x3200xf32, #tpu.memory_space<vmem>>, vector<16xf32>,
        tpu.vector_store %arg7[%swap3A_287, %swap3A_288, %swap3A_289], %gather3A_284 {strides = array<i32>} : memref<2x4x3200xf32, #tpu.memory_space<vmem>>, vector<16xf32>,
        %add3A_291 = arith.constant 96 : i32
        %add3A_292 = arith.addi %mul3A_203, %add3A_291 : i32
        %get3A_293 = arith.constant 0 : i32
        %get3A_294 = arith.constant 1 : i32
        %get3A_295 = arith.index_cast %get3A_293 : i32 to index
        %get3A_296 = arith.index_cast %get3A_294 : i32 to index
        %get3A_297 = arith.index_cast %add3A_292 : i32 to index
        %get3A_298 = tpu.vector_load %arg6[%get3A_295, %get3A_296, %get3A_297] {strides = array<i32>} : memref<2x4x3200xi32, #tpu.memory_space<vmem>>, vector<16xi32>,
        %gather3A_299 = tpu.vector_load_idx %arg5[%broadcast_in_dim3A_82, %get3A_298] : memref<4x10000xf32, #tpu.memory_space<vmem>>[vector<16xi32>, vector<16xi32>], vector<16xf32>,
        %swap3A_300 = arith.constant 0 : i32
        %swap3A_301 = arith.constant 1 : i32
        %swap3A_302 = arith.index_cast %swap3A_300 : i32 to index
        %swap3A_303 = arith.index_cast %swap3A_301 : i32 to index
        %swap3A_304 = arith.index_cast %add3A_292 : i32 to index
        %swap3A_305 = tpu.vector_load %arg7[%swap3A_302, %swap3A_303, %swap3A_304] {strides = array<i32>} : memref<2x4x3200xf32, #tpu.memory_space<vmem>>, vector<16xf32>,
        tpu.vector_store %arg7[%swap3A_302, %swap3A_303, %swap3A_304], %gather3A_299 {strides = array<i32>} : memref<2x4x3200xf32, #tpu.memory_space<vmem>>, vector<16xf32>,
        %add3A_306 = arith.constant 112 : i32
        %add3A_307 = arith.addi %mul3A_203, %add3A_306 : i32
        %get3A_308 = arith.constant 0 : i32
        %get3A_309 = arith.constant 1 : i32
        %get3A_310 = arith.index_cast %get3A_308 : i32 to index
        %get3A_311 = arith.index_cast %get3A_309 : i32 to index
        %get3A_312 = arith.index_cast %add3A_307 : i32 to index
        %get3A_313 = tpu.vector_load %arg6[%get3A_310, %get3A_311, %get3A_312] {strides = array<i32>} : memref<2x4x3200xi32, #tpu.memory_space<vmem>>, vector<16xi32>,
        %gather3A_314 = tpu.vector_load_idx %arg5[%broadcast_in_dim3A_82, %get3A_313] : memref<4x10000xf32, #tpu.memory_space<vmem>>[vector<16xi32>, vector<16xi32>], vector<16xf32>,
        %swap3A_315 = arith.constant 0 : i32
        %swap3A_316 = arith.constant 1 : i32
        %swap3A_317 = arith.index_cast %swap3A_315 : i32 to index
        %swap3A_318 = arith.index_cast %swap3A_316 : i32 to index
        %swap3A_319 = arith.index_cast %add3A_307 : i32 to index
        %swap3A_320 = tpu.vector_load %arg7[%swap3A_317, %swap3A_318, %swap3A_319] {strides = array<i32>} : memref<2x4x3200xf32, #tpu.memory_space<vmem>>, vector<16xf32>,
        tpu.vector_store %arg7[%swap3A_317, %swap3A_318, %swap3A_319], %gather3A_314 {strides = array<i32>} : memref<2x4x3200xf32, #tpu.memory_space<vmem>>, vector<16xf32>,
        %scan3A_321 = arith.constant 0 : i32
        scf.yield %scan3A_321 : i32
      }
      %scan3A_89 = arith.constant 25 : i32
      %broadcast_in_dim3A_90 = arith.constant 2 : i32
      %broadcast_in_dim3A_91 = vector.broadcast %broadcast_in_dim3A_90 : i32 to vector<16xi32>
      %scan3A_92 = arith.constant 0 : i32
      %scan3A_93 = arith.constant 0 : i32
      %scan3A_94 = arith.constant 25 : i32
      %scan3A_95 = arith.addi %scan3A_93, %scan3A_94 : i32
      %scan3A_96 = arith.constant 1 : i32
      %scan3A_97 = scf.for %scan3A_200 = %scan3A_93 to %scan3A_95 step %scan3A_96 iter_args(%scan3A_201 = %scan3A_92) -> (i32)  : i32 {
        %mul3A_202 = arith.constant 128 : i32
        %mul3A_203 = arith.muli %scan3A_200, %mul3A_202 : i32
        %add3A_204 = arith.constant 0 : i32
        %add3A_205 = arith.addi %mul3A_203, %add3A_204 : i32
        %get3A = arith.constant 0 : i32
        %get3A_206 = arith.constant 2 : i32
        %get3A_207 = arith.index_cast %get3A : i32 to index
        %get3A_208 = arith.index_cast %get3A_206 : i32 to index
        %get3A_209 = arith.index_cast %add3A_205 : i32 to index
        %get3A_210 = tpu.vector_load %arg6[%get3A_207, %get3A_208, %get3A_209] {strides = array<i32>} : memref<2x4x3200xi32, #tpu.memory_space<vmem>>, vector<16xi32>,
        %gather3A = tpu.vector_load_idx %arg5[%broadcast_in_dim3A_91, %get3A_210] : memref<4x10000xf32, #tpu.memory_space<vmem>>[vector<16xi32>, vector<16xi32>], vector<16xf32>,
        %swap3A = arith.constant 0 : i32
        %swap3A_211 = arith.constant 2 : i32
        %swap3A_212 = arith.index_cast %swap3A : i32 to index
        %swap3A_213 = arith.index_cast %swap3A_211 : i32 to index
        %swap3A_214 = arith.index_cast %add3A_205 : i32 to index
        %swap3A_215 = tpu.vector_load %arg7[%swap3A_212, %swap3A_213, %swap3A_214] {strides = array<i32>} : memref<2x4x3200xf32, #tpu.memory_space<vmem>>, vector<16xf32>,
        tpu.vector_store %arg7[%swap3A_212, %swap3A_213, %swap3A_214], %gather3A {strides = array<i32>} : memref<2x4x3200xf32, #tpu.memory_space<vmem>>, vector<16xf32>,
        %add3A_216 = arith.constant 16 : i32
        %add3A_217 = arith.addi %mul3A_203, %add3A_216 : i32
        %get3A_218 = arith.constant 0 : i32
        %get3A_219 = arith.constant 2 : i32
        %get3A_220 = arith.index_cast %get3A_218 : i32 to index
        %get3A_221 = arith.index_cast %get3A_219 : i32 to index
        %get3A_222 = arith.index_cast %add3A_217 : i32 to index
        %get3A_223 = tpu.vector_load %arg6[%get3A_220, %get3A_221, %get3A_222] {strides = array<i32>} : memref<2x4x3200xi32, #tpu.memory_space<vmem>>, vector<16xi32>,
        %gather3A_224 = tpu.vector_load_idx %arg5[%broadcast_in_dim3A_91, %get3A_223] : memref<4x10000xf32, #tpu.memory_space<vmem>>[vector<16xi32>, vector<16xi32>], vector<16xf32>,
        %swap3A_225 = arith.constant 0 : i32
        %swap3A_226 = arith.constant 2 : i32
        %swap3A_227 = arith.index_cast %swap3A_225 : i32 to index
        %swap3A_228 = arith.index_cast %swap3A_226 : i32 to index
        %swap3A_229 = arith.index_cast %add3A_217 : i32 to index
        %swap3A_230 = tpu.vector_load %arg7[%swap3A_227, %swap3A_228, %swap3A_229] {strides = array<i32>} : memref<2x4x3200xf32, #tpu.memory_space<vmem>>, vector<16xf32>,
        tpu.vector_store %arg7[%swap3A_227, %swap3A_228, %swap3A_229], %gather3A_224 {strides = array<i32>} : memref<2x4x3200xf32, #tpu.memory_space<vmem>>, vector<16xf32>,
        %add3A_231 = arith.constant 32 : i32
        %add3A_232 = arith.addi %mul3A_203, %add3A_231 : i32
        %get3A_233 = arith.constant 0 : i32
        %get3A_234 = arith.constant 2 : i32
        %get3A_235 = arith.index_cast %get3A_233 : i32 to index
        %get3A_236 = arith.index_cast %get3A_234 : i32 to index
        %get3A_237 = arith.index_cast %add3A_232 : i32 to index
        %get3A_238 = tpu.vector_load %arg6[%get3A_235, %get3A_236, %get3A_237] {strides = array<i32>} : memref<2x4x3200xi32, #tpu.memory_space<vmem>>, vector<16xi32>,
        %gather3A_239 = tpu.vector_load_idx %arg5[%broadcast_in_dim3A_91, %get3A_238] : memref<4x10000xf32, #tpu.memory_space<vmem>>[vector<16xi32>, vector<16xi32>], vector<16xf32>,
        %swap3A_240 = arith.constant 0 : i32
        %swap3A_241 = arith.constant 2 : i32
        %swap3A_242 = arith.index_cast %swap3A_240 : i32 to index
        %swap3A_243 = arith.index_cast %swap3A_241 : i32 to index
        %swap3A_244 = arith.index_cast %add3A_232 : i32 to index
        %swap3A_245 = tpu.vector_load %arg7[%swap3A_242, %swap3A_243, %swap3A_244] {strides = array<i32>} : memref<2x4x3200xf32, #tpu.memory_space<vmem>>, vector<16xf32>,
        tpu.vector_store %arg7[%swap3A_242, %swap3A_243, %swap3A_244], %gather3A_239 {strides = array<i32>} : memref<2x4x3200xf32, #tpu.memory_space<vmem>>, vector<16xf32>,
        %add3A_246 = arith.constant 48 : i32
        %add3A_247 = arith.addi %mul3A_203, %add3A_246 : i32
        %get3A_248 = arith.constant 0 : i32
        %get3A_249 = arith.constant 2 : i32
        %get3A_250 = arith.index_cast %get3A_248 : i32 to index
        %get3A_251 = arith.index_cast %get3A_249 : i32 to index
        %get3A_252 = arith.index_cast %add3A_247 : i32 to index
        %get3A_253 = tpu.vector_load %arg6[%get3A_250, %get3A_251, %get3A_252] {strides = array<i32>} : memref<2x4x3200xi32, #tpu.memory_space<vmem>>, vector<16xi32>,
        %gather3A_254 = tpu.vector_load_idx %arg5[%broadcast_in_dim3A_91, %get3A_253] : memref<4x10000xf32, #tpu.memory_space<vmem>>[vector<16xi32>, vector<16xi32>], vector<16xf32>,
        %swap3A_255 = arith.constant 0 : i32
        %swap3A_256 = arith.constant 2 : i32
        %swap3A_257 = arith.index_cast %swap3A_255 : i32 to index
        %swap3A_258 = arith.index_cast %swap3A_256 : i32 to index
        %swap3A_259 = arith.index_cast %add3A_247 : i32 to index
        %swap3A_260 = tpu.vector_load %arg7[%swap3A_257, %swap3A_258, %swap3A_259] {strides = array<i32>} : memref<2x4x3200xf32, #tpu.memory_space<vmem>>, vector<16xf32>,
        tpu.vector_store %arg7[%swap3A_257, %swap3A_258, %swap3A_259], %gather3A_254 {strides = array<i32>} : memref<2x4x3200xf32, #tpu.memory_space<vmem>>, vector<16xf32>,
        %add3A_261 = arith.constant 64 : i32
        %add3A_262 = arith.addi %mul3A_203, %add3A_261 : i32
        %get3A_263 = arith.constant 0 : i32
        %get3A_264 = arith.constant 2 : i32
        %get3A_265 = arith.index_cast %get3A_263 : i32 to index
        %get3A_266 = arith.index_cast %get3A_264 : i32 to index
        %get3A_267 = arith.index_cast %add3A_262 : i32 to index
        %get3A_268 = tpu.vector_load %arg6[%get3A_265, %get3A_266, %get3A_267] {strides = array<i32>} : memref<2x4x3200xi32, #tpu.memory_space<vmem>>, vector<16xi32>,
        %gather3A_269 = tpu.vector_load_idx %arg5[%broadcast_in_dim3A_91, %get3A_268] : memref<4x10000xf32, #tpu.memory_space<vmem>>[vector<16xi32>, vector<16xi32>], vector<16xf32>,
        %swap3A_270 = arith.constant 0 : i32
        %swap3A_271 = arith.constant 2 : i32
        %swap3A_272 = arith.index_cast %swap3A_270 : i32 to index
        %swap3A_273 = arith.index_cast %swap3A_271 : i32 to index
        %swap3A_274 = arith.index_cast %add3A_262 : i32 to index
        %swap3A_275 = tpu.vector_load %arg7[%swap3A_272, %swap3A_273, %swap3A_274] {strides = array<i32>} : memref<2x4x3200xf32, #tpu.memory_space<vmem>>, vector<16xf32>,
        tpu.vector_store %arg7[%swap3A_272, %swap3A_273, %swap3A_274], %gather3A_269 {strides = array<i32>} : memref<2x4x3200xf32, #tpu.memory_space<vmem>>, vector<16xf32>,
        %add3A_276 = arith.constant 80 : i32
        %add3A_277 = arith.addi %mul3A_203, %add3A_276 : i32
        %get3A_278 = arith.constant 0 : i32
        %get3A_279 = arith.constant 2 : i32
        %get3A_280 = arith.index_cast %get3A_278 : i32 to index
        %get3A_281 = arith.index_cast %get3A_279 : i32 to index
        %get3A_282 = arith.index_cast %add3A_277 : i32 to index
        %get3A_283 = tpu.vector_load %arg6[%get3A_280, %get3A_281, %get3A_282] {strides = array<i32>} : memref<2x4x3200xi32, #tpu.memory_space<vmem>>, vector<16xi32>,
        %gather3A_284 = tpu.vector_load_idx %arg5[%broadcast_in_dim3A_91, %get3A_283] : memref<4x10000xf32, #tpu.memory_space<vmem>>[vector<16xi32>, vector<16xi32>], vector<16xf32>,
        %swap3A_285 = arith.constant 0 : i32
        %swap3A_286 = arith.constant 2 : i32
        %swap3A_287 = arith.index_cast %swap3A_285 : i32 to index
        %swap3A_288 = arith.index_cast %swap3A_286 : i32 to index
        %swap3A_289 = arith.index_cast %add3A_277 : i32 to index
        %swap3A_290 = tpu.vector_load %arg7[%swap3A_287, %swap3A_288, %swap3A_289] {strides = array<i32>} : memref<2x4x3200xf32, #tpu.memory_space<vmem>>, vector<16xf32>,
        tpu.vector_store %arg7[%swap3A_287, %swap3A_288, %swap3A_289], %gather3A_284 {strides = array<i32>} : memref<2x4x3200xf32, #tpu.memory_space<vmem>>, vector<16xf32>,
        %add3A_291 = arith.constant 96 : i32
        %add3A_292 = arith.addi %mul3A_203, %add3A_291 : i32
        %get3A_293 = arith.constant 0 : i32
        %get3A_294 = arith.constant 2 : i32
        %get3A_295 = arith.index_cast %get3A_293 : i32 to index
        %get3A_296 = arith.index_cast %get3A_294 : i32 to index
        %get3A_297 = arith.index_cast %add3A_292 : i32 to index
        %get3A_298 = tpu.vector_load %arg6[%get3A_295, %get3A_296, %get3A_297] {strides = array<i32>} : memref<2x4x3200xi32, #tpu.memory_space<vmem>>, vector<16xi32>,
        %gather3A_299 = tpu.vector_load_idx %arg5[%broadcast_in_dim3A_91, %get3A_298] : memref<4x10000xf32, #tpu.memory_space<vmem>>[vector<16xi32>, vector<16xi32>], vector<16xf32>,
        %swap3A_300 = arith.constant 0 : i32
        %swap3A_301 = arith.constant 2 : i32
        %swap3A_302 = arith.index_cast %swap3A_300 : i32 to index
        %swap3A_303 = arith.index_cast %swap3A_301 : i32 to index
        %swap3A_304 = arith.index_cast %add3A_292 : i32 to index
        %swap3A_305 = tpu.vector_load %arg7[%swap3A_302, %swap3A_303, %swap3A_304] {strides = array<i32>} : memref<2x4x3200xf32, #tpu.memory_space<vmem>>, vector<16xf32>,
        tpu.vector_store %arg7[%swap3A_302, %swap3A_303, %swap3A_304], %gather3A_299 {strides = array<i32>} : memref<2x4x3200xf32, #tpu.memory_space<vmem>>, vector<16xf32>,
        %add3A_306 = arith.constant 112 : i32
        %add3A_307 = arith.addi %mul3A_203, %add3A_306 : i32
        %get3A_308 = arith.constant 0 : i32
        %get3A_309 = arith.constant 2 : i32
        %get3A_310 = arith.index_cast %get3A_308 : i32 to index
        %get3A_311 = arith.index_cast %get3A_309 : i32 to index
        %get3A_312 = arith.index_cast %add3A_307 : i32 to index
        %get3A_313 = tpu.vector_load %arg6[%get3A_310, %get3A_311, %get3A_312] {strides = array<i32>} : memref<2x4x3200xi32, #tpu.memory_space<vmem>>, vector<16xi32>,
        %gather3A_314 = tpu.vector_load_idx %arg5[%broadcast_in_dim3A_91, %get3A_313] : memref<4x10000xf32, #tpu.memory_space<vmem>>[vector<16xi32>, vector<16xi32>], vector<16xf32>,
        %swap3A_315 = arith.constant 0 : i32
        %swap3A_316 = arith.constant 2 : i32
        %swap3A_317 = arith.index_cast %swap3A_315 : i32 to index
        %swap3A_318 = arith.index_cast %swap3A_316 : i32 to index
        %swap3A_319 = arith.index_cast %add3A_307 : i32 to index
        %swap3A_320 = tpu.vector_load %arg7[%swap3A_317, %swap3A_318, %swap3A_319] {strides = array<i32>} : memref<2x4x3200xf32, #tpu.memory_space<vmem>>, vector<16xf32>,
        tpu.vector_store %arg7[%swap3A_317, %swap3A_318, %swap3A_319], %gather3A_314 {strides = array<i32>} : memref<2x4x3200xf32, #tpu.memory_space<vmem>>, vector<16xf32>,
        %scan3A_321 = arith.constant 0 : i32
        scf.yield %scan3A_321 : i32
      }
      %scan3A_98 = arith.constant 25 : i32
      %broadcast_in_dim3A_99 = arith.constant 3 : i32
      %broadcast_in_dim3A_100 = vector.broadcast %broadcast_in_dim3A_99 : i32 to vector<16xi32>
      %scan3A_101 = arith.constant 0 : i32
      %scan3A_102 = arith.constant 0 : i32
      %scan3A_103 = arith.constant 25 : i32
      %scan3A_104 = arith.addi %scan3A_102, %scan3A_103 : i32
      %scan3A_105 = arith.constant 1 : i32
      %scan3A_106 = scf.for %scan3A_200 = %scan3A_102 to %scan3A_104 step %scan3A_105 iter_args(%scan3A_201 = %scan3A_101) -> (i32)  : i32 {
        %mul3A_202 = arith.constant 128 : i32
        %mul3A_203 = arith.muli %scan3A_200, %mul3A_202 : i32
        %add3A_204 = arith.constant 0 : i32
        %add3A_205 = arith.addi %mul3A_203, %add3A_204 : i32
        %get3A = arith.constant 0 : i32
        %get3A_206 = arith.constant 3 : i32
        %get3A_207 = arith.index_cast %get3A : i32 to index
        %get3A_208 = arith.index_cast %get3A_206 : i32 to index
        %get3A_209 = arith.index_cast %add3A_205 : i32 to index
        %get3A_210 = tpu.vector_load %arg6[%get3A_207, %get3A_208, %get3A_209] {strides = array<i32>} : memref<2x4x3200xi32, #tpu.memory_space<vmem>>, vector<16xi32>,
        %gather3A = tpu.vector_load_idx %arg5[%broadcast_in_dim3A_100, %get3A_210] : memref<4x10000xf32, #tpu.memory_space<vmem>>[vector<16xi32>, vector<16xi32>], vector<16xf32>,
        %swap3A = arith.constant 0 : i32
        %swap3A_211 = arith.constant 3 : i32
        %swap3A_212 = arith.index_cast %swap3A : i32 to index
        %swap3A_213 = arith.index_cast %swap3A_211 : i32 to index
        %swap3A_214 = arith.index_cast %add3A_205 : i32 to index
        %swap3A_215 = tpu.vector_load %arg7[%swap3A_212, %swap3A_213, %swap3A_214] {strides = array<i32>} : memref<2x4x3200xf32, #tpu.memory_space<vmem>>, vector<16xf32>,
        tpu.vector_store %arg7[%swap3A_212, %swap3A_213, %swap3A_214], %gather3A {strides = array<i32>} : memref<2x4x3200xf32, #tpu.memory_space<vmem>>, vector<16xf32>,
        %add3A_216 = arith.constant 16 : i32
        %add3A_217 = arith.addi %mul3A_203, %add3A_216 : i32
        %get3A_218 = arith.constant 0 : i32
        %get3A_219 = arith.constant 3 : i32
        %get3A_220 = arith.index_cast %get3A_218 : i32 to index
        %get3A_221 = arith.index_cast %get3A_219 : i32 to index
        %get3A_222 = arith.index_cast %add3A_217 : i32 to index
        %get3A_223 = tpu.vector_load %arg6[%get3A_220, %get3A_221, %get3A_222] {strides = array<i32>} : memref<2x4x3200xi32, #tpu.memory_space<vmem>>, vector<16xi32>,
        %gather3A_224 = tpu.vector_load_idx %arg5[%broadcast_in_dim3A_100, %get3A_223] : memref<4x10000xf32, #tpu.memory_space<vmem>>[vector<16xi32>, vector<16xi32>], vector<16xf32>,
        %swap3A_225 = arith.constant 0 : i32
        %swap3A_226 = arith.constant 3 : i32
        %swap3A_227 = arith.index_cast %swap3A_225 : i32 to index
        %swap3A_228 = arith.index_cast %swap3A_226 : i32 to index
        %swap3A_229 = arith.index_cast %add3A_217 : i32 to index
        %swap3A_230 = tpu.vector_load %arg7[%swap3A_227, %swap3A_228, %swap3A_229] {strides = array<i32>} : memref<2x4x3200xf32, #tpu.memory_space<vmem>>, vector<16xf32>,
        tpu.vector_store %arg7[%swap3A_227, %swap3A_228, %swap3A_229], %gather3A_224 {strides = array<i32>} : memref<2x4x3200xf32, #tpu.memory_space<vmem>>, vector<16xf32>,
        %add3A_231 = arith.constant 32 : i32
        %add3A_232 = arith.addi %mul3A_203, %add3A_231 : i32
        %get3A_233 = arith.constant 0 : i32
        %get3A_234 = arith.constant 3 : i32
        %get3A_235 = arith.index_cast %get3A_233 : i32 to index
        %get3A_236 = arith.index_cast %get3A_234 : i32 to index
        %get3A_237 = arith.index_cast %add3A_232 : i32 to index
        %get3A_238 = tpu.vector_load %arg6[%get3A_235, %get3A_236, %get3A_237] {strides = array<i32>} : memref<2x4x3200xi32, #tpu.memory_space<vmem>>, vector<16xi32>,
        %gather3A_239 = tpu.vector_load_idx %arg5[%broadcast_in_dim3A_100, %get3A_238] : memref<4x10000xf32, #tpu.memory_space<vmem>>[vector<16xi32>, vector<16xi32>], vector<16xf32>,
        %swap3A_240 = arith.constant 0 : i32
        %swap3A_241 = arith.constant 3 : i32
        %swap3A_242 = arith.index_cast %swap3A_240 : i32 to index
        %swap3A_243 = arith.index_cast %swap3A_241 : i32 to index
        %swap3A_244 = arith.index_cast %add3A_232 : i32 to index
        %swap3A_245 = tpu.vector_load %arg7[%swap3A_242, %swap3A_243, %swap3A_244] {strides = array<i32>} : memref<2x4x3200xf32, #tpu.memory_space<vmem>>, vector<16xf32>,
        tpu.vector_store %arg7[%swap3A_242, %swap3A_243, %swap3A_244], %gather3A_239 {strides = array<i32>} : memref<2x4x3200xf32, #tpu.memory_space<vmem>>, vector<16xf32>,
        %add3A_246 = arith.constant 48 : i32
        %add3A_247 = arith.addi %mul3A_203, %add3A_246 : i32
        %get3A_248 = arith.constant 0 : i32
        %get3A_249 = arith.constant 3 : i32
        %get3A_250 = arith.index_cast %get3A_248 : i32 to index
        %get3A_251 = arith.index_cast %get3A_249 : i32 to index
        %get3A_252 = arith.index_cast %add3A_247 : i32 to index
        %get3A_253 = tpu.vector_load %arg6[%get3A_250, %get3A_251, %get3A_252] {strides = array<i32>} : memref<2x4x3200xi32, #tpu.memory_space<vmem>>, vector<16xi32>,
        %gather3A_254 = tpu.vector_load_idx %arg5[%broadcast_in_dim3A_100, %get3A_253] : memref<4x10000xf32, #tpu.memory_space<vmem>>[vector<16xi32>, vector<16xi32>], vector<16xf32>,
        %swap3A_255 = arith.constant 0 : i32
        %swap3A_256 = arith.constant 3 : i32
        %swap3A_257 = arith.index_cast %swap3A_255 : i32 to index
        %swap3A_258 = arith.index_cast %swap3A_256 : i32 to index
        %swap3A_259 = arith.index_cast %add3A_247 : i32 to index
        %swap3A_260 = tpu.vector_load %arg7[%swap3A_257, %swap3A_258, %swap3A_259] {strides = array<i32>} : memref<2x4x3200xf32, #tpu.memory_space<vmem>>, vector<16xf32>,
        tpu.vector_store %arg7[%swap3A_257, %swap3A_258, %swap3A_259], %gather3A_254 {strides = array<i32>} : memref<2x4x3200xf32, #tpu.memory_space<vmem>>, vector<16xf32>,
        %add3A_261 = arith.constant 64 : i32
        %add3A_262 = arith.addi %mul3A_203, %add3A_261 : i32
        %get3A_263 = arith.constant 0 : i32
        %get3A_264 = arith.constant 3 : i32
        %get3A_265 = arith.index_cast %get3A_263 : i32 to index
        %get3A_266 = arith.index_cast %get3A_264 : i32 to index
        %get3A_267 = arith.index_cast %add3A_262 : i32 to index
        %get3A_268 = tpu.vector_load %arg6[%get3A_265, %get3A_266, %get3A_267] {strides = array<i32>} : memref<2x4x3200xi32, #tpu.memory_space<vmem>>, vector<16xi32>,
        %gather3A_269 = tpu.vector_load_idx %arg5[%broadcast_in_dim3A_100, %get3A_268] : memref<4x10000xf32, #tpu.memory_space<vmem>>[vector<16xi32>, vector<16xi32>], vector<16xf32>,
        %swap3A_270 = arith.constant 0 : i32
        %swap3A_271 = arith.constant 3 : i32
        %swap3A_272 = arith.index_cast %swap3A_270 : i32 to index
        %swap3A_273 = arith.index_cast %swap3A_271 : i32 to index
        %swap3A_274 = arith.index_cast %add3A_262 : i32 to index
        %swap3A_275 = tpu.vector_load %arg7[%swap3A_272, %swap3A_273, %swap3A_274] {strides = array<i32>} : memref<2x4x3200xf32, #tpu.memory_space<vmem>>, vector<16xf32>,
        tpu.vector_store %arg7[%swap3A_272, %swap3A_273, %swap3A_274], %gather3A_269 {strides = array<i32>} : memref<2x4x3200xf32, #tpu.memory_space<vmem>>, vector<16xf32>,
        %add3A_276 = arith.constant 80 : i32
        %add3A_277 = arith.addi %mul3A_203, %add3A_276 : i32
        %get3A_278 = arith.constant 0 : i32
        %get3A_279 = arith.constant 3 : i32
        %get3A_280 = arith.index_cast %get3A_278 : i32 to index
        %get3A_281 = arith.index_cast %get3A_279 : i32 to index
        %get3A_282 = arith.index_cast %add3A_277 : i32 to index
        %get3A_283 = tpu.vector_load %arg6[%get3A_280, %get3A_281, %get3A_282] {strides = array<i32>} : memref<2x4x3200xi32, #tpu.memory_space<vmem>>, vector<16xi32>,
        %gather3A_284 = tpu.vector_load_idx %arg5[%broadcast_in_dim3A_100, %get3A_283] : memref<4x10000xf32, #tpu.memory_space<vmem>>[vector<16xi32>, vector<16xi32>], vector<16xf32>,
        %swap3A_285 = arith.constant 0 : i32
        %swap3A_286 = arith.constant 3 : i32
        %swap3A_287 = arith.index_cast %swap3A_285 : i32 to index
        %swap3A_288 = arith.index_cast %swap3A_286 : i32 to index
        %swap3A_289 = arith.index_cast %add3A_277 : i32 to index
        %swap3A_290 = tpu.vector_load %arg7[%swap3A_287, %swap3A_288, %swap3A_289] {strides = array<i32>} : memref<2x4x3200xf32, #tpu.memory_space<vmem>>, vector<16xf32>,
        tpu.vector_store %arg7[%swap3A_287, %swap3A_288, %swap3A_289], %gather3A_284 {strides = array<i32>} : memref<2x4x3200xf32, #tpu.memory_space<vmem>>, vector<16xf32>,
        %add3A_291 = arith.constant 96 : i32
        %add3A_292 = arith.addi %mul3A_203, %add3A_291 : i32
        %get3A_293 = arith.constant 0 : i32
        %get3A_294 = arith.constant 3 : i32
        %get3A_295 = arith.index_cast %get3A_293 : i32 to index
        %get3A_296 = arith.index_cast %get3A_294 : i32 to index
        %get3A_297 = arith.index_cast %add3A_292 : i32 to index
        %get3A_298 = tpu.vector_load %arg6[%get3A_295, %get3A_296, %get3A_297] {strides = array<i32>} : memref<2x4x3200xi32, #tpu.memory_space<vmem>>, vector<16xi32>,
        %gather3A_299 = tpu.vector_load_idx %arg5[%broadcast_in_dim3A_100, %get3A_298] : memref<4x10000xf32, #tpu.memory_space<vmem>>[vector<16xi32>, vector<16xi32>], vector<16xf32>,
        %swap3A_300 = arith.constant 0 : i32
        %swap3A_301 = arith.constant 3 : i32
        %swap3A_302 = arith.index_cast %swap3A_300 : i32 to index
        %swap3A_303 = arith.index_cast %swap3A_301 : i32 to index
        %swap3A_304 = arith.index_cast %add3A_292 : i32 to index
        %swap3A_305 = tpu.vector_load %arg7[%swap3A_302, %swap3A_303, %swap3A_304] {strides = array<i32>} : memref<2x4x3200xf32, #tpu.memory_space<vmem>>, vector<16xf32>,
        tpu.vector_store %arg7[%swap3A_302, %swap3A_303, %swap3A_304], %gather3A_299 {strides = array<i32>} : memref<2x4x3200xf32, #tpu.memory_space<vmem>>, vector<16xf32>,
        %add3A_306 = arith.constant 112 : i32
        %add3A_307 = arith.addi %mul3A_203, %add3A_306 : i32
        %get3A_308 = arith.constant 0 : i32
        %get3A_309 = arith.constant 3 : i32
        %get3A_310 = arith.index_cast %get3A_308 : i32 to index
        %get3A_311 = arith.index_cast %get3A_309 : i32 to index
        %get3A_312 = arith.index_cast %add3A_307 : i32 to index
        %get3A_313 = tpu.vector_load %arg6[%get3A_310, %get3A_311, %get3A_312] {strides = array<i32>} : memref<2x4x3200xi32, #tpu.memory_space<vmem>>, vector<16xi32>,
        %gather3A_314 = tpu.vector_load_idx %arg5[%broadcast_in_dim3A_100, %get3A_313] : memref<4x10000xf32, #tpu.memory_space<vmem>>[vector<16xi32>, vector<16xi32>], vector<16xf32>,
        %swap3A_315 = arith.constant 0 : i32
        %swap3A_316 = arith.constant 3 : i32
        %swap3A_317 = arith.index_cast %swap3A_315 : i32 to index
        %swap3A_318 = arith.index_cast %swap3A_316 : i32 to index
        %swap3A_319 = arith.index_cast %add3A_307 : i32 to index
        %swap3A_320 = tpu.vector_load %arg7[%swap3A_317, %swap3A_318, %swap3A_319] {strides = array<i32>} : memref<2x4x3200xf32, #tpu.memory_space<vmem>>, vector<16xf32>,
        tpu.vector_store %arg7[%swap3A_317, %swap3A_318, %swap3A_319], %gather3A_314 {strides = array<i32>} : memref<2x4x3200xf32, #tpu.memory_space<vmem>>, vector<16xf32>,
        %scan3A_321 = arith.constant 0 : i32
        scf.yield %scan3A_321 : i32
      }
      %scan3A_107 = arith.constant 25 : i32
      %mul3A_108 = arith.constant 3200 : i32
      %mul3A_109 = arith.muli %add3A_51, %mul3A_108 : i32
      %dma_start3A_110 = arith.constant 0 : i32
      %dma_start3A_111 = arith.constant 0 : i32
      %dma_start3A_112 = arith.constant 0 : i32
      %dma_start3A_113 = tpu.memref_slice %arg7[%dma_start3A_110, %dma_start3A_111, %dma_start3A_112] : memref<2x4x3200xf32, #tpu.memory_space<vmem>> -> memref<1x4x3200xf32, #tpu.memory_space<vmem>>
      %dma_start3A_114 = tpu.memref_squeeze %dma_start3A_113 : memref<1x4x3200xf32, #tpu.memory_space<vmem>> -> memref<4x3200xf32, #tpu.memory_space<vmem>>
      %dma_start3A_115 = tpu.memref_slice %arg4[%mul3A_2, %mul3A_109] : memref<128x160000xf32, #tpu.memory_space<hbm>> -> memref<4x3200xf32, #tpu.memory_space<hbm>>
      %dma_start3A_116 = tpu.memref_slice %arg4[%mul3A_2, %mul3A_109] : memref<128x160000xf32, #tpu.memory_space<hbm>> -> memref<4x3200xf32, #tpu.memory_space<hbm>>
      %dma_start3A_117 = arith.constant 0 : i32
      %dma_start3A_118 = arith.constant 0 : i32
      %dma_start3A_119 = tpu.memref_slice %arg7[%dma_start3A_110, %dma_start3A_117, %dma_start3A_118] : memref<2x4x3200xf32, #tpu.memory_space<vmem>> -> memref<1x4x3200xf32, #tpu.memory_space<vmem>>
      %dma_start3A_120 = tpu.memref_squeeze %dma_start3A_119 : memref<1x4x3200xf32, #tpu.memory_space<vmem>> -> memref<4x3200xf32, #tpu.memory_space<vmem>>
      tpu.enqueue_dma source(%dma_start3A_120 : memref<4x3200xf32, #tpu.memory_space<vmem>>) target(%dma_start3A_116 : memref<4x3200xf32, #tpu.memory_space<hbm>>) target_semaphore(%arg9 : memref<!tpu.dma_semaphore, #tpu.memory_space<semaphore_mem>>)
      %mul3A_121 = arith.constant 2 : i32
      %mul3A_122 = arith.muli %scan3A_46, %mul3A_121 : i32
      %add3A_123 = arith.constant 1 : i32
      %add3A_124 = arith.addi %mul3A_122, %add3A_123 : i32
      %dma_wait3A_125 = arith.constant 1 : i32
      %dma_wait3A_126 = arith.constant 0 : i32
      %dma_wait3A_127 = arith.constant 0 : i32
      %dma_wait3A_128 = tpu.memref_slice %arg6[%dma_wait3A_125, %dma_wait3A_126, %dma_wait3A_127] : memref<2x4x3200xi32, #tpu.memory_space<vmem>> -> memref<1x4x3200xi32, #tpu.memory_space<vmem>>
      %dma_wait3A_129 = tpu.memref_squeeze %dma_wait3A_128 : memref<1x4x3200xi32, #tpu.memory_space<vmem>> -> memref<4x3200xi32, #tpu.memory_space<vmem>>
      %dma_wait3A_130 = arith.constant 0 : i32
      %dma_wait3A_131 = tpu.memref_slice %arg3[%mul3A_2, %dma_wait3A_130] : memref<128x160000xi32, #tpu.memory_space<hbm>> -> memref<4x3200xi32, #tpu.memory_space<hbm>>
      %dma_wait3A_132 = arith.constant 0 : i32
      %dma_wait3A_133 = arith.constant 0 : i32
      %dma_wait3A_134 = tpu.memref_slice %arg6[%dma_wait3A_125, %dma_wait3A_132, %dma_wait3A_133] : memref<2x4x3200xi32, #tpu.memory_space<vmem>> -> memref<1x4x3200xi32, #tpu.memory_space<vmem>>
      %dma_wait3A_135 = tpu.memref_squeeze %dma_wait3A_134 : memref<1x4x3200xi32, #tpu.memory_space<vmem>> -> memref<4x3200xi32, #tpu.memory_space<vmem>>
      %dma_wait3A_136 = arith.constant 0 : i32
      %dma_wait3A_137 = tpu.memref_slice %arg3[%mul3A_2, %dma_wait3A_136] : memref<128x160000xi32, #tpu.memory_space<hbm>> -> memref<4x3200xi32, #tpu.memory_space<hbm>>
      tpu.wait_dma2 semaphore(%arg8 : memref<!tpu.dma_semaphore, #tpu.memory_space<semaphore_mem>>) src(%dma_wait3A_137 : memref<4x3200xi32, #tpu.memory_space<hbm>>) dst(%dma_wait3A_135 : memref<4x3200xi32, #tpu.memory_space<vmem>>)
      %add3A_138 = arith.constant 1 : i32
      %add3A_139 = arith.addi %add3A_124, %add3A_138 : i32
      %lt3A_140 = arith.constant 50 : i32
      %lt3A_141 = arith.cmpi slt, %add3A_139, %lt3A_140 : i32
      %convert_element_type3A_142 = arith.extui %lt3A_141 : i1 to i32
      %cond3A_143 = arith.constant 0 : i32
      %cond3A_144 = arith.cmpi ne, %convert_element_type3A_142, %cond3A_143 : i32
      scf.if %cond3A_144 {
        %add3A_200 = arith.constant 1 : i32
        %add3A_201 = arith.addi %add3A_124, %add3A_200 : i32
        %mul3A_202 = arith.constant 3200 : i32
        %mul3A_203 = arith.muli %add3A_201, %mul3A_202 : i32
        %dma_start3A_204 = arith.constant 0 : i32
        %dma_start3A_205 = arith.constant 0 : i32
        %dma_start3A_206 = arith.constant 0 : i32
        %dma_start3A_207 = tpu.memref_slice %arg6[%dma_start3A_204, %dma_start3A_205, %dma_start3A_206] : memref<2x4x3200xi32, #tpu.memory_space<vmem>> -> memref<1x4x3200xi32, #tpu.memory_space<vmem>>
        %dma_start3A_208 = tpu.memref_squeeze %dma_start3A_207 : memref<1x4x3200xi32, #tpu.memory_space<vmem>> -> memref<4x3200xi32, #tpu.memory_space<vmem>>
        %dma_start3A_209 = tpu.memref_slice %arg3[%mul3A_2, %mul3A_203] : memref<128x160000xi32, #tpu.memory_space<hbm>> -> memref<4x3200xi32, #tpu.memory_space<hbm>>
        %dma_start3A_210 = arith.constant 0 : i32
        %dma_start3A_211 = arith.constant 0 : i32
        %dma_start3A_212 = tpu.memref_slice %arg6[%dma_start3A_204, %dma_start3A_210, %dma_start3A_211] : memref<2x4x3200xi32, #tpu.memory_space<vmem>> -> memref<1x4x3200xi32, #tpu.memory_space<vmem>>
        %dma_start3A_213 = tpu.memref_squeeze %dma_start3A_212 : memref<1x4x3200xi32, #tpu.memory_space<vmem>> -> memref<4x3200xi32, #tpu.memory_space<vmem>>
        %dma_start3A_214 = tpu.memref_slice %arg3[%mul3A_2, %mul3A_203] : memref<128x160000xi32, #tpu.memory_space<hbm>> -> memref<4x3200xi32, #tpu.memory_space<hbm>>
        tpu.enqueue_dma source(%dma_start3A_214 : memref<4x3200xi32, #tpu.memory_space<hbm>>) target(%dma_start3A_213 : memref<4x3200xi32, #tpu.memory_space<vmem>>) target_semaphore(%arg8 : memref<!tpu.dma_semaphore, #tpu.memory_space<semaphore_mem>>)
      } else {
      }
      %ge3A_145 = arith.constant 2 : i32
      %ge3A_146 = arith.cmpi sge, %add3A_124, %ge3A_145 : i32
      %convert_element_type3A_147 = arith.extui %ge3A_146 : i1 to i32
      %cond3A_148 = arith.constant 0 : i32
      %cond3A_149 = arith.cmpi ne, %convert_element_type3A_147, %cond3A_148 : i32
      scf.if %cond3A_149 {
        %dma_wait3A_200 = arith.constant 1 : i32
        %dma_wait3A_201 = arith.constant 0 : i32
        %dma_wait3A_202 = arith.constant 0 : i32
        %dma_wait3A_203 = tpu.memref_slice %arg7[%dma_wait3A_200, %dma_wait3A_201, %dma_wait3A_202] : memref<2x4x3200xf32, #tpu.memory_space<vmem>> -> memref<1x4x3200xf32, #tpu.memory_space<vmem>>
        %dma_wait3A_204 = tpu.memref_squeeze %dma_wait3A_203 : memref<1x4x3200xf32, #tpu.memory_space<vmem>> -> memref<4x3200xf32, #tpu.memory_space<vmem>>
        %dma_wait3A_205 = arith.constant 0 : i32
        %dma_wait3A_206 = tpu.memref_slice %arg4[%mul3A_2, %dma_wait3A_205] : memref<128x160000xf32, #tpu.memory_space<hbm>> -> memref<4x3200xf32, #tpu.memory_space<hbm>>
        %dma_wait3A_207 = arith.constant 0 : i32
        %dma_wait3A_208 = tpu.memref_slice %arg4[%mul3A_2, %dma_wait3A_207] : memref<128x160000xf32, #tpu.memory_space<hbm>> -> memref<4x3200xf32, #tpu.memory_space<hbm>>
        %dma_wait3A_209 = arith.constant 0 : i32
        %dma_wait3A_210 = arith.constant 0 : i32
        %dma_wait3A_211 = tpu.memref_slice %arg7[%dma_wait3A_200, %dma_wait3A_209, %dma_wait3A_210] : memref<2x4x3200xf32, #tpu.memory_space<vmem>> -> memref<1x4x3200xf32, #tpu.memory_space<vmem>>
        %dma_wait3A_212 = tpu.memref_squeeze %dma_wait3A_211 : memref<1x4x3200xf32, #tpu.memory_space<vmem>> -> memref<4x3200xf32, #tpu.memory_space<vmem>>
        tpu.wait_dma2 semaphore(%arg9 : memref<!tpu.dma_semaphore, #tpu.memory_space<semaphore_mem>>) src(%dma_wait3A_212 : memref<4x3200xf32, #tpu.memory_space<vmem>>) dst(%dma_wait3A_208 : memref<4x3200xf32, #tpu.memory_space<hbm>>)
      } else {
      }
      %broadcast_in_dim3A_150 = arith.constant 0 : i32
      %broadcast_in_dim3A_151 = vector.broadcast %broadcast_in_dim3A_150 : i32 to vector<16xi32>
      %scan3A_152 = arith.constant 0 : i32
      %scan3A_153 = arith.constant 0 : i32
      %scan3A_154 = arith.constant 25 : i32
      %scan3A_155 = arith.addi %scan3A_153, %scan3A_154 : i32
      %scan3A_156 = arith.constant 1 : i32
      %scan3A_157 = scf.for %scan3A_200 = %scan3A_153 to %scan3A_155 step %scan3A_156 iter_args(%scan3A_201 = %scan3A_152) -> (i32)  : i32 {
        %mul3A_202 = arith.constant 128 : i32
        %mul3A_203 = arith.muli %scan3A_200, %mul3A_202 : i32
        %add3A_204 = arith.constant 0 : i32
        %add3A_205 = arith.addi %mul3A_203, %add3A_204 : i32
        %get3A = arith.constant 1 : i32
        %get3A_206 = arith.constant 0 : i32
        %get3A_207 = arith.index_cast %get3A : i32 to index
        %get3A_208 = arith.index_cast %get3A_206 : i32 to index
        %get3A_209 = arith.index_cast %add3A_205 : i32 to index
        %get3A_210 = tpu.vector_load %arg6[%get3A_207, %get3A_208, %get3A_209] {strides = array<i32>} : memref<2x4x3200xi32, #tpu.memory_space<vmem>>, vector<16xi32>,
        %gather3A = tpu.vector_load_idx %arg5[%broadcast_in_dim3A_151, %get3A_210] : memref<4x10000xf32, #tpu.memory_space<vmem>>[vector<16xi32>, vector<16xi32>], vector<16xf32>,
        %swap3A = arith.constant 1 : i32
        %swap3A_211 = arith.constant 0 : i32
        %swap3A_212 = arith.index_cast %swap3A : i32 to index
        %swap3A_213 = arith.index_cast %swap3A_211 : i32 to index
        %swap3A_214 = arith.index_cast %add3A_205 : i32 to index
        %swap3A_215 = tpu.vector_load %arg7[%swap3A_212, %swap3A_213, %swap3A_214] {strides = array<i32>} : memref<2x4x3200xf32, #tpu.memory_space<vmem>>, vector<16xf32>,
        tpu.vector_store %arg7[%swap3A_212, %swap3A_213, %swap3A_214], %gather3A {strides = array<i32>} : memref<2x4x3200xf32, #tpu.memory_space<vmem>>, vector<16xf32>,
        %add3A_216 = arith.constant 16 : i32
        %add3A_217 = arith.addi %mul3A_203, %add3A_216 : i32
        %get3A_218 = arith.constant 1 : i32
        %get3A_219 = arith.constant 0 : i32
        %get3A_220 = arith.index_cast %get3A_218 : i32 to index
        %get3A_221 = arith.index_cast %get3A_219 : i32 to index
        %get3A_222 = arith.index_cast %add3A_217 : i32 to index
        %get3A_223 = tpu.vector_load %arg6[%get3A_220, %get3A_221, %get3A_222] {strides = array<i32>} : memref<2x4x3200xi32, #tpu.memory_space<vmem>>, vector<16xi32>,
        %gather3A_224 = tpu.vector_load_idx %arg5[%broadcast_in_dim3A_151, %get3A_223] : memref<4x10000xf32, #tpu.memory_space<vmem>>[vector<16xi32>, vector<16xi32>], vector<16xf32>,
        %swap3A_225 = arith.constant 1 : i32
        %swap3A_226 = arith.constant 0 : i32
        %swap3A_227 = arith.index_cast %swap3A_225 : i32 to index
        %swap3A_228 = arith.index_cast %swap3A_226 : i32 to index
        %swap3A_229 = arith.index_cast %add3A_217 : i32 to index
        %swap3A_230 = tpu.vector_load %arg7[%swap3A_227, %swap3A_228, %swap3A_229] {strides = array<i32>} : memref<2x4x3200xf32, #tpu.memory_space<vmem>>, vector<16xf32>,
        tpu.vector_store %arg7[%swap3A_227, %swap3A_228, %swap3A_229], %gather3A_224 {strides = array<i32>} : memref<2x4x3200xf32, #tpu.memory_space<vmem>>, vector<16xf32>,
        %add3A_231 = arith.constant 32 : i32
        %add3A_232 = arith.addi %mul3A_203, %add3A_231 : i32
        %get3A_233 = arith.constant 1 : i32
        %get3A_234 = arith.constant 0 : i32
        %get3A_235 = arith.index_cast %get3A_233 : i32 to index
        %get3A_236 = arith.index_cast %get3A_234 : i32 to index
        %get3A_237 = arith.index_cast %add3A_232 : i32 to index
        %get3A_238 = tpu.vector_load %arg6[%get3A_235, %get3A_236, %get3A_237] {strides = array<i32>} : memref<2x4x3200xi32, #tpu.memory_space<vmem>>, vector<16xi32>,
        %gather3A_239 = tpu.vector_load_idx %arg5[%broadcast_in_dim3A_151, %get3A_238] : memref<4x10000xf32, #tpu.memory_space<vmem>>[vector<16xi32>, vector<16xi32>], vector<16xf32>,
        %swap3A_240 = arith.constant 1 : i32
        %swap3A_241 = arith.constant 0 : i32
        %swap3A_242 = arith.index_cast %swap3A_240 : i32 to index
        %swap3A_243 = arith.index_cast %swap3A_241 : i32 to index
        %swap3A_244 = arith.index_cast %add3A_232 : i32 to index
        %swap3A_245 = tpu.vector_load %arg7[%swap3A_242, %swap3A_243, %swap3A_244] {strides = array<i32>} : memref<2x4x3200xf32, #tpu.memory_space<vmem>>, vector<16xf32>,
        tpu.vector_store %arg7[%swap3A_242, %swap3A_243, %swap3A_244], %gather3A_239 {strides = array<i32>} : memref<2x4x3200xf32, #tpu.memory_space<vmem>>, vector<16xf32>,
        %add3A_246 = arith.constant 48 : i32
        %add3A_247 = arith.addi %mul3A_203, %add3A_246 : i32
        %get3A_248 = arith.constant 1 : i32
        %get3A_249 = arith.constant 0 : i32
        %get3A_250 = arith.index_cast %get3A_248 : i32 to index
        %get3A_251 = arith.index_cast %get3A_249 : i32 to index
        %get3A_252 = arith.index_cast %add3A_247 : i32 to index
        %get3A_253 = tpu.vector_load %arg6[%get3A_250, %get3A_251, %get3A_252] {strides = array<i32>} : memref<2x4x3200xi32, #tpu.memory_space<vmem>>, vector<16xi32>,
        %gather3A_254 = tpu.vector_load_idx %arg5[%broadcast_in_dim3A_151, %get3A_253] : memref<4x10000xf32, #tpu.memory_space<vmem>>[vector<16xi32>, vector<16xi32>], vector<16xf32>,
        %swap3A_255 = arith.constant 1 : i32
        %swap3A_256 = arith.constant 0 : i32
        %swap3A_257 = arith.index_cast %swap3A_255 : i32 to index
        %swap3A_258 = arith.index_cast %swap3A_256 : i32 to index
        %swap3A_259 = arith.index_cast %add3A_247 : i32 to index
        %swap3A_260 = tpu.vector_load %arg7[%swap3A_257, %swap3A_258, %swap3A_259] {strides = array<i32>} : memref<2x4x3200xf32, #tpu.memory_space<vmem>>, vector<16xf32>,
        tpu.vector_store %arg7[%swap3A_257, %swap3A_258, %swap3A_259], %gather3A_254 {strides = array<i32>} : memref<2x4x3200xf32, #tpu.memory_space<vmem>>, vector<16xf32>,
        %add3A_261 = arith.constant 64 : i32
        %add3A_262 = arith.addi %mul3A_203, %add3A_261 : i32
        %get3A_263 = arith.constant 1 : i32
        %get3A_264 = arith.constant 0 : i32
        %get3A_265 = arith.index_cast %get3A_263 : i32 to index
        %get3A_266 = arith.index_cast %get3A_264 : i32 to index
        %get3A_267 = arith.index_cast %add3A_262 : i32 to index
        %get3A_268 = tpu.vector_load %arg6[%get3A_265, %get3A_266, %get3A_267] {strides = array<i32>} : memref<2x4x3200xi32, #tpu.memory_space<vmem>>, vector<16xi32>,
        %gather3A_269 = tpu.vector_load_idx %arg5[%broadcast_in_dim3A_151, %get3A_268] : memref<4x10000xf32, #tpu.memory_space<vmem>>[vector<16xi32>, vector<16xi32>], vector<16xf32>,
        %swap3A_270 = arith.constant 1 : i32
        %swap3A_271 = arith.constant 0 : i32
        %swap3A_272 = arith.index_cast %swap3A_270 : i32 to index
        %swap3A_273 = arith.index_cast %swap3A_271 : i32 to index
        %swap3A_274 = arith.index_cast %add3A_262 : i32 to index
        %swap3A_275 = tpu.vector_load %arg7[%swap3A_272, %swap3A_273, %swap3A_274] {strides = array<i32>} : memref<2x4x3200xf32, #tpu.memory_space<vmem>>, vector<16xf32>,
        tpu.vector_store %arg7[%swap3A_272, %swap3A_273, %swap3A_274], %gather3A_269 {strides = array<i32>} : memref<2x4x3200xf32, #tpu.memory_space<vmem>>, vector<16xf32>,
        %add3A_276 = arith.constant 80 : i32
        %add3A_277 = arith.addi %mul3A_203, %add3A_276 : i32
        %get3A_278 = arith.constant 1 : i32
        %get3A_279 = arith.constant 0 : i32
        %get3A_280 = arith.index_cast %get3A_278 : i32 to index
        %get3A_281 = arith.index_cast %get3A_279 : i32 to index
        %get3A_282 = arith.index_cast %add3A_277 : i32 to index
        %get3A_283 = tpu.vector_load %arg6[%get3A_280, %get3A_281, %get3A_282] {strides = array<i32>} : memref<2x4x3200xi32, #tpu.memory_space<vmem>>, vector<16xi32>,
        %gather3A_284 = tpu.vector_load_idx %arg5[%broadcast_in_dim3A_151, %get3A_283] : memref<4x10000xf32, #tpu.memory_space<vmem>>[vector<16xi32>, vector<16xi32>], vector<16xf32>,
        %swap3A_285 = arith.constant 1 : i32
        %swap3A_286 = arith.constant 0 : i32
        %swap3A_287 = arith.index_cast %swap3A_285 : i32 to index
        %swap3A_288 = arith.index_cast %swap3A_286 : i32 to index
        %swap3A_289 = arith.index_cast %add3A_277 : i32 to index
        %swap3A_290 = tpu.vector_load %arg7[%swap3A_287, %swap3A_288, %swap3A_289] {strides = array<i32>} : memref<2x4x3200xf32, #tpu.memory_space<vmem>>, vector<16xf32>,
        tpu.vector_store %arg7[%swap3A_287, %swap3A_288, %swap3A_289], %gather3A_284 {strides = array<i32>} : memref<2x4x3200xf32, #tpu.memory_space<vmem>>, vector<16xf32>,
        %add3A_291 = arith.constant 96 : i32
        %add3A_292 = arith.addi %mul3A_203, %add3A_291 : i32
        %get3A_293 = arith.constant 1 : i32
        %get3A_294 = arith.constant 0 : i32
        %get3A_295 = arith.index_cast %get3A_293 : i32 to index
        %get3A_296 = arith.index_cast %get3A_294 : i32 to index
        %get3A_297 = arith.index_cast %add3A_292 : i32 to index
        %get3A_298 = tpu.vector_load %arg6[%get3A_295, %get3A_296, %get3A_297] {strides = array<i32>} : memref<2x4x3200xi32, #tpu.memory_space<vmem>>, vector<16xi32>,
        %gather3A_299 = tpu.vector_load_idx %arg5[%broadcast_in_dim3A_151, %get3A_298] : memref<4x10000xf32, #tpu.memory_space<vmem>>[vector<16xi32>, vector<16xi32>], vector<16xf32>,
        %swap3A_300 = arith.constant 1 : i32
        %swap3A_301 = arith.constant 0 : i32
        %swap3A_302 = arith.index_cast %swap3A_300 : i32 to index
        %swap3A_303 = arith.index_cast %swap3A_301 : i32 to index
        %swap3A_304 = arith.index_cast %add3A_292 : i32 to index
        %swap3A_305 = tpu.vector_load %arg7[%swap3A_302, %swap3A_303, %swap3A_304] {strides = array<i32>} : memref<2x4x3200xf32, #tpu.memory_space<vmem>>, vector<16xf32>,
        tpu.vector_store %arg7[%swap3A_302, %swap3A_303, %swap3A_304], %gather3A_299 {strides = array<i32>} : memref<2x4x3200xf32, #tpu.memory_space<vmem>>, vector<16xf32>,
        %add3A_306 = arith.constant 112 : i32
        %add3A_307 = arith.addi %mul3A_203, %add3A_306 : i32
        %get3A_308 = arith.constant 1 : i32
        %get3A_309 = arith.constant 0 : i32
        %get3A_310 = arith.index_cast %get3A_308 : i32 to index
        %get3A_311 = arith.index_cast %get3A_309 : i32 to index
        %get3A_312 = arith.index_cast %add3A_307 : i32 to index
        %get3A_313 = tpu.vector_load %arg6[%get3A_310, %get3A_311, %get3A_312] {strides = array<i32>} : memref<2x4x3200xi32, #tpu.memory_space<vmem>>, vector<16xi32>,
        %gather3A_314 = tpu.vector_load_idx %arg5[%broadcast_in_dim3A_151, %get3A_313] : memref<4x10000xf32, #tpu.memory_space<vmem>>[vector<16xi32>, vector<16xi32>], vector<16xf32>,
        %swap3A_315 = arith.constant 1 : i32
        %swap3A_316 = arith.constant 0 : i32
        %swap3A_317 = arith.index_cast %swap3A_315 : i32 to index
        %swap3A_318 = arith.index_cast %swap3A_316 : i32 to index
        %swap3A_319 = arith.index_cast %add3A_307 : i32 to index
        %swap3A_320 = tpu.vector_load %arg7[%swap3A_317, %swap3A_318, %swap3A_319] {strides = array<i32>} : memref<2x4x3200xf32, #tpu.memory_space<vmem>>, vector<16xf32>,
        tpu.vector_store %arg7[%swap3A_317, %swap3A_318, %swap3A_319], %gather3A_314 {strides = array<i32>} : memref<2x4x3200xf32, #tpu.memory_space<vmem>>, vector<16xf32>,
        %scan3A_321 = arith.constant 0 : i32
        scf.yield %scan3A_321 : i32
      }
      %scan3A_158 = arith.constant 25 : i32
      %broadcast_in_dim3A_159 = arith.constant 1 : i32
      %broadcast_in_dim3A_160 = vector.broadcast %broadcast_in_dim3A_159 : i32 to vector<16xi32>
      %scan3A_161 = arith.constant 0 : i32
      %scan3A_162 = arith.constant 0 : i32
      %scan3A_163 = arith.constant 25 : i32
      %scan3A_164 = arith.addi %scan3A_162, %scan3A_163 : i32
      %scan3A_165 = arith.constant 1 : i32
      %scan3A_166 = scf.for %scan3A_200 = %scan3A_162 to %scan3A_164 step %scan3A_165 iter_args(%scan3A_201 = %scan3A_161) -> (i32)  : i32 {
        %mul3A_202 = arith.constant 128 : i32
        %mul3A_203 = arith.muli %scan3A_200, %mul3A_202 : i32
        %add3A_204 = arith.constant 0 : i32
        %add3A_205 = arith.addi %mul3A_203, %add3A_204 : i32
        %get3A = arith.constant 1 : i32
        %get3A_206 = arith.constant 1 : i32
        %get3A_207 = arith.index_cast %get3A : i32 to index
        %get3A_208 = arith.index_cast %get3A_206 : i32 to index
        %get3A_209 = arith.index_cast %add3A_205 : i32 to index
        %get3A_210 = tpu.vector_load %arg6[%get3A_207, %get3A_208, %get3A_209] {strides = array<i32>} : memref<2x4x3200xi32, #tpu.memory_space<vmem>>, vector<16xi32>,
        %gather3A = tpu.vector_load_idx %arg5[%broadcast_in_dim3A_160, %get3A_210] : memref<4x10000xf32, #tpu.memory_space<vmem>>[vector<16xi32>, vector<16xi32>], vector<16xf32>,
        %swap3A = arith.constant 1 : i32
        %swap3A_211 = arith.constant 1 : i32
        %swap3A_212 = arith.index_cast %swap3A : i32 to index
        %swap3A_213 = arith.index_cast %swap3A_211 : i32 to index
        %swap3A_214 = arith.index_cast %add3A_205 : i32 to index
        %swap3A_215 = tpu.vector_load %arg7[%swap3A_212, %swap3A_213, %swap3A_214] {strides = array<i32>} : memref<2x4x3200xf32, #tpu.memory_space<vmem>>, vector<16xf32>,
        tpu.vector_store %arg7[%swap3A_212, %swap3A_213, %swap3A_214], %gather3A {strides = array<i32>} : memref<2x4x3200xf32, #tpu.memory_space<vmem>>, vector<16xf32>,
        %add3A_216 = arith.constant 16 : i32
        %add3A_217 = arith.addi %mul3A_203, %add3A_216 : i32
        %get3A_218 = arith.constant 1 : i32
        %get3A_219 = arith.constant 1 : i32
        %get3A_220 = arith.index_cast %get3A_218 : i32 to index
        %get3A_221 = arith.index_cast %get3A_219 : i32 to index
        %get3A_222 = arith.index_cast %add3A_217 : i32 to index
        %get3A_223 = tpu.vector_load %arg6[%get3A_220, %get3A_221, %get3A_222] {strides = array<i32>} : memref<2x4x3200xi32, #tpu.memory_space<vmem>>, vector<16xi32>,
        %gather3A_224 = tpu.vector_load_idx %arg5[%broadcast_in_dim3A_160, %get3A_223] : memref<4x10000xf32, #tpu.memory_space<vmem>>[vector<16xi32>, vector<16xi32>], vector<16xf32>,
        %swap3A_225 = arith.constant 1 : i32
        %swap3A_226 = arith.constant 1 : i32
        %swap3A_227 = arith.index_cast %swap3A_225 : i32 to index
        %swap3A_228 = arith.index_cast %swap3A_226 : i32 to index
        %swap3A_229 = arith.index_cast %add3A_217 : i32 to index
        %swap3A_230 = tpu.vector_load %arg7[%swap3A_227, %swap3A_228, %swap3A_229] {strides = array<i32>} : memref<2x4x3200xf32, #tpu.memory_space<vmem>>, vector<16xf32>,
        tpu.vector_store %arg7[%swap3A_227, %swap3A_228, %swap3A_229], %gather3A_224 {strides = array<i32>} : memref<2x4x3200xf32, #tpu.memory_space<vmem>>, vector<16xf32>,
        %add3A_231 = arith.constant 32 : i32
        %add3A_232 = arith.addi %mul3A_203, %add3A_231 : i32
        %get3A_233 = arith.constant 1 : i32
        %get3A_234 = arith.constant 1 : i32
        %get3A_235 = arith.index_cast %get3A_233 : i32 to index
        %get3A_236 = arith.index_cast %get3A_234 : i32 to index
        %get3A_237 = arith.index_cast %add3A_232 : i32 to index
        %get3A_238 = tpu.vector_load %arg6[%get3A_235, %get3A_236, %get3A_237] {strides = array<i32>} : memref<2x4x3200xi32, #tpu.memory_space<vmem>>, vector<16xi32>,
        %gather3A_239 = tpu.vector_load_idx %arg5[%broadcast_in_dim3A_160, %get3A_238] : memref<4x10000xf32, #tpu.memory_space<vmem>>[vector<16xi32>, vector<16xi32>], vector<16xf32>,
        %swap3A_240 = arith.constant 1 : i32
        %swap3A_241 = arith.constant 1 : i32
        %swap3A_242 = arith.index_cast %swap3A_240 : i32 to index
        %swap3A_243 = arith.index_cast %swap3A_241 : i32 to index
        %swap3A_244 = arith.index_cast %add3A_232 : i32 to index
        %swap3A_245 = tpu.vector_load %arg7[%swap3A_242, %swap3A_243, %swap3A_244] {strides = array<i32>} : memref<2x4x3200xf32, #tpu.memory_space<vmem>>, vector<16xf32>,
        tpu.vector_store %arg7[%swap3A_242, %swap3A_243, %swap3A_244], %gather3A_239 {strides = array<i32>} : memref<2x4x3200xf32, #tpu.memory_space<vmem>>, vector<16xf32>,
        %add3A_246 = arith.constant 48 : i32
        %add3A_247 = arith.addi %mul3A_203, %add3A_246 : i32
        %get3A_248 = arith.constant 1 : i32
        %get3A_249 = arith.constant 1 : i32
        %get3A_250 = arith.index_cast %get3A_248 : i32 to index
        %get3A_251 = arith.index_cast %get3A_249 : i32 to index
        %get3A_252 = arith.index_cast %add3A_247 : i32 to index
        %get3A_253 = tpu.vector_load %arg6[%get3A_250, %get3A_251, %get3A_252] {strides = array<i32>} : memref<2x4x3200xi32, #tpu.memory_space<vmem>>, vector<16xi32>,
        %gather3A_254 = tpu.vector_load_idx %arg5[%broadcast_in_dim3A_160, %get3A_253] : memref<4x10000xf32, #tpu.memory_space<vmem>>[vector<16xi32>, vector<16xi32>], vector<16xf32>,
        %swap3A_255 = arith.constant 1 : i32
        %swap3A_256 = arith.constant 1 : i32
        %swap3A_257 = arith.index_cast %swap3A_255 : i32 to index
        %swap3A_258 = arith.index_cast %swap3A_256 : i32 to index
        %swap3A_259 = arith.index_cast %add3A_247 : i32 to index
        %swap3A_260 = tpu.vector_load %arg7[%swap3A_257, %swap3A_258, %swap3A_259] {strides = array<i32>} : memref<2x4x3200xf32, #tpu.memory_space<vmem>>, vector<16xf32>,
        tpu.vector_store %arg7[%swap3A_257, %swap3A_258, %swap3A_259], %gather3A_254 {strides = array<i32>} : memref<2x4x3200xf32, #tpu.memory_space<vmem>>, vector<16xf32>,
        %add3A_261 = arith.constant 64 : i32
        %add3A_262 = arith.addi %mul3A_203, %add3A_261 : i32
        %get3A_263 = arith.constant 1 : i32
        %get3A_264 = arith.constant 1 : i32
        %get3A_265 = arith.index_cast %get3A_263 : i32 to index
        %get3A_266 = arith.index_cast %get3A_264 : i32 to index
        %get3A_267 = arith.index_cast %add3A_262 : i32 to index
        %get3A_268 = tpu.vector_load %arg6[%get3A_265, %get3A_266, %get3A_267] {strides = array<i32>} : memref<2x4x3200xi32, #tpu.memory_space<vmem>>, vector<16xi32>,
        %gather3A_269 = tpu.vector_load_idx %arg5[%broadcast_in_dim3A_160, %get3A_268] : memref<4x10000xf32, #tpu.memory_space<vmem>>[vector<16xi32>, vector<16xi32>], vector<16xf32>,
        %swap3A_270 = arith.constant 1 : i32
        %swap3A_271 = arith.constant 1 : i32
        %swap3A_272 = arith.index_cast %swap3A_270 : i32 to index
        %swap3A_273 = arith.index_cast %swap3A_271 : i32 to index
        %swap3A_274 = arith.index_cast %add3A_262 : i32 to index
        %swap3A_275 = tpu.vector_load %arg7[%swap3A_272, %swap3A_273, %swap3A_274] {strides = array<i32>} : memref<2x4x3200xf32, #tpu.memory_space<vmem>>, vector<16xf32>,
        tpu.vector_store %arg7[%swap3A_272, %swap3A_273, %swap3A_274], %gather3A_269 {strides = array<i32>} : memref<2x4x3200xf32, #tpu.memory_space<vmem>>, vector<16xf32>,
        %add3A_276 = arith.constant 80 : i32
        %add3A_277 = arith.addi %mul3A_203, %add3A_276 : i32
        %get3A_278 = arith.constant 1 : i32
        %get3A_279 = arith.constant 1 : i32
        %get3A_280 = arith.index_cast %get3A_278 : i32 to index
        %get3A_281 = arith.index_cast %get3A_279 : i32 to index
        %get3A_282 = arith.index_cast %add3A_277 : i32 to index
        %get3A_283 = tpu.vector_load %arg6[%get3A_280, %get3A_281, %get3A_282] {strides = array<i32>} : memref<2x4x3200xi32, #tpu.memory_space<vmem>>, vector<16xi32>,
        %gather3A_284 = tpu.vector_load_idx %arg5[%broadcast_in_dim3A_160, %get3A_283] : memref<4x10000xf32, #tpu.memory_space<vmem>>[vector<16xi32>, vector<16xi32>], vector<16xf32>,
        %swap3A_285 = arith.constant 1 : i32
        %swap3A_286 = arith.constant 1 : i32
        %swap3A_287 = arith.index_cast %swap3A_285 : i32 to index
        %swap3A_288 = arith.index_cast %swap3A_286 : i32 to index
        %swap3A_289 = arith.index_cast %add3A_277 : i32 to index
        %swap3A_290 = tpu.vector_load %arg7[%swap3A_287, %swap3A_288, %swap3A_289] {strides = array<i32>} : memref<2x4x3200xf32, #tpu.memory_space<vmem>>, vector<16xf32>,
        tpu.vector_store %arg7[%swap3A_287, %swap3A_288, %swap3A_289], %gather3A_284 {strides = array<i32>} : memref<2x4x3200xf32, #tpu.memory_space<vmem>>, vector<16xf32>,
        %add3A_291 = arith.constant 96 : i32
        %add3A_292 = arith.addi %mul3A_203, %add3A_291 : i32
        %get3A_293 = arith.constant 1 : i32
        %get3A_294 = arith.constant 1 : i32
        %get3A_295 = arith.index_cast %get3A_293 : i32 to index
        %get3A_296 = arith.index_cast %get3A_294 : i32 to index
        %get3A_297 = arith.index_cast %add3A_292 : i32 to index
        %get3A_298 = tpu.vector_load %arg6[%get3A_295, %get3A_296, %get3A_297] {strides = array<i32>} : memref<2x4x3200xi32, #tpu.memory_space<vmem>>, vector<16xi32>,
        %gather3A_299 = tpu.vector_load_idx %arg5[%broadcast_in_dim3A_160, %get3A_298] : memref<4x10000xf32, #tpu.memory_space<vmem>>[vector<16xi32>, vector<16xi32>], vector<16xf32>,
        %swap3A_300 = arith.constant 1 : i32
        %swap3A_301 = arith.constant 1 : i32
        %swap3A_302 = arith.index_cast %swap3A_300 : i32 to index
        %swap3A_303 = arith.index_cast %swap3A_301 : i32 to index
        %swap3A_304 = arith.index_cast %add3A_292 : i32 to index
        %swap3A_305 = tpu.vector_load %arg7[%swap3A_302, %swap3A_303, %swap3A_304] {strides = array<i32>} : memref<2x4x3200xf32, #tpu.memory_space<vmem>>, vector<16xf32>,
        tpu.vector_store %arg7[%swap3A_302, %swap3A_303, %swap3A_304], %gather3A_299 {strides = array<i32>} : memref<2x4x3200xf32, #tpu.memory_space<vmem>>, vector<16xf32>,
        %add3A_306 = arith.constant 112 : i32
        %add3A_307 = arith.addi %mul3A_203, %add3A_306 : i32
        %get3A_308 = arith.constant 1 : i32
        %get3A_309 = arith.constant 1 : i32
        %get3A_310 = arith.index_cast %get3A_308 : i32 to index
        %get3A_311 = arith.index_cast %get3A_309 : i32 to index
        %get3A_312 = arith.index_cast %add3A_307 : i32 to index
        %get3A_313 = tpu.vector_load %arg6[%get3A_310, %get3A_311, %get3A_312] {strides = array<i32>} : memref<2x4x3200xi32, #tpu.memory_space<vmem>>, vector<16xi32>,
        %gather3A_314 = tpu.vector_load_idx %arg5[%broadcast_in_dim3A_160, %get3A_313] : memref<4x10000xf32, #tpu.memory_space<vmem>>[vector<16xi32>, vector<16xi32>], vector<16xf32>,
        %swap3A_315 = arith.constant 1 : i32
        %swap3A_316 = arith.constant 1 : i32
        %swap3A_317 = arith.index_cast %swap3A_315 : i32 to index
        %swap3A_318 = arith.index_cast %swap3A_316 : i32 to index
        %swap3A_319 = arith.index_cast %add3A_307 : i32 to index
        %swap3A_320 = tpu.vector_load %arg7[%swap3A_317, %swap3A_318, %swap3A_319] {strides = array<i32>} : memref<2x4x3200xf32, #tpu.memory_space<vmem>>, vector<16xf32>,
        tpu.vector_store %arg7[%swap3A_317, %swap3A_318, %swap3A_319], %gather3A_314 {strides = array<i32>} : memref<2x4x3200xf32, #tpu.memory_space<vmem>>, vector<16xf32>,
        %scan3A_321 = arith.constant 0 : i32
        scf.yield %scan3A_321 : i32
      }
      %scan3A_167 = arith.constant 25 : i32
      %broadcast_in_dim3A_168 = arith.constant 2 : i32
      %broadcast_in_dim3A_169 = vector.broadcast %broadcast_in_dim3A_168 : i32 to vector<16xi32>
      %scan3A_170 = arith.constant 0 : i32
      %scan3A_171 = arith.constant 0 : i32
      %scan3A_172 = arith.constant 25 : i32
      %scan3A_173 = arith.addi %scan3A_171, %scan3A_172 : i32
      %scan3A_174 = arith.constant 1 : i32
      %scan3A_175 = scf.for %scan3A_200 = %scan3A_171 to %scan3A_173 step %scan3A_174 iter_args(%scan3A_201 = %scan3A_170) -> (i32)  : i32 {
        %mul3A_202 = arith.constant 128 : i32
        %mul3A_203 = arith.muli %scan3A_200, %mul3A_202 : i32
        %add3A_204 = arith.constant 0 : i32
        %add3A_205 = arith.addi %mul3A_203, %add3A_204 : i32
        %get3A = arith.constant 1 : i32
        %get3A_206 = arith.constant 2 : i32
        %get3A_207 = arith.index_cast %get3A : i32 to index
        %get3A_208 = arith.index_cast %get3A_206 : i32 to index
        %get3A_209 = arith.index_cast %add3A_205 : i32 to index
        %get3A_210 = tpu.vector_load %arg6[%get3A_207, %get3A_208, %get3A_209] {strides = array<i32>} : memref<2x4x3200xi32, #tpu.memory_space<vmem>>, vector<16xi32>,
        %gather3A = tpu.vector_load_idx %arg5[%broadcast_in_dim3A_169, %get3A_210] : memref<4x10000xf32, #tpu.memory_space<vmem>>[vector<16xi32>, vector<16xi32>], vector<16xf32>,
        %swap3A = arith.constant 1 : i32
        %swap3A_211 = arith.constant 2 : i32
        %swap3A_212 = arith.index_cast %swap3A : i32 to index
        %swap3A_213 = arith.index_cast %swap3A_211 : i32 to index
        %swap3A_214 = arith.index_cast %add3A_205 : i32 to index
        %swap3A_215 = tpu.vector_load %arg7[%swap3A_212, %swap3A_213, %swap3A_214] {strides = array<i32>} : memref<2x4x3200xf32, #tpu.memory_space<vmem>>, vector<16xf32>,
        tpu.vector_store %arg7[%swap3A_212, %swap3A_213, %swap3A_214], %gather3A {strides = array<i32>} : memref<2x4x3200xf32, #tpu.memory_space<vmem>>, vector<16xf32>,
        %add3A_216 = arith.constant 16 : i32
        %add3A_217 = arith.addi %mul3A_203, %add3A_216 : i32
        %get3A_218 = arith.constant 1 : i32
        %get3A_219 = arith.constant 2 : i32
        %get3A_220 = arith.index_cast %get3A_218 : i32 to index
        %get3A_221 = arith.index_cast %get3A_219 : i32 to index
        %get3A_222 = arith.index_cast %add3A_217 : i32 to index
        %get3A_223 = tpu.vector_load %arg6[%get3A_220, %get3A_221, %get3A_222] {strides = array<i32>} : memref<2x4x3200xi32, #tpu.memory_space<vmem>>, vector<16xi32>,
        %gather3A_224 = tpu.vector_load_idx %arg5[%broadcast_in_dim3A_169, %get3A_223] : memref<4x10000xf32, #tpu.memory_space<vmem>>[vector<16xi32>, vector<16xi32>], vector<16xf32>,
        %swap3A_225 = arith.constant 1 : i32
        %swap3A_226 = arith.constant 2 : i32
        %swap3A_227 = arith.index_cast %swap3A_225 : i32 to index
        %swap3A_228 = arith.index_cast %swap3A_226 : i32 to index
        %swap3A_229 = arith.index_cast %add3A_217 : i32 to index
        %swap3A_230 = tpu.vector_load %arg7[%swap3A_227, %swap3A_228, %swap3A_229] {strides = array<i32>} : memref<2x4x3200xf32, #tpu.memory_space<vmem>>, vector<16xf32>,
        tpu.vector_store %arg7[%swap3A_227, %swap3A_228, %swap3A_229], %gather3A_224 {strides = array<i32>} : memref<2x4x3200xf32, #tpu.memory_space<vmem>>, vector<16xf32>,
        %add3A_231 = arith.constant 32 : i32
        %add3A_232 = arith.addi %mul3A_203, %add3A_231 : i32
        %get3A_233 = arith.constant 1 : i32
        %get3A_234 = arith.constant 2 : i32
        %get3A_235 = arith.index_cast %get3A_233 : i32 to index
        %get3A_236 = arith.index_cast %get3A_234 : i32 to index
        %get3A_237 = arith.index_cast %add3A_232 : i32 to index
        %get3A_238 = tpu.vector_load %arg6[%get3A_235, %get3A_236, %get3A_237] {strides = array<i32>} : memref<2x4x3200xi32, #tpu.memory_space<vmem>>, vector<16xi32>,
        %gather3A_239 = tpu.vector_load_idx %arg5[%broadcast_in_dim3A_169, %get3A_238] : memref<4x10000xf32, #tpu.memory_space<vmem>>[vector<16xi32>, vector<16xi32>], vector<16xf32>,
        %swap3A_240 = arith.constant 1 : i32
        %swap3A_241 = arith.constant 2 : i32
        %swap3A_242 = arith.index_cast %swap3A_240 : i32 to index
        %swap3A_243 = arith.index_cast %swap3A_241 : i32 to index
        %swap3A_244 = arith.index_cast %add3A_232 : i32 to index
        %swap3A_245 = tpu.vector_load %arg7[%swap3A_242, %swap3A_243, %swap3A_244] {strides = array<i32>} : memref<2x4x3200xf32, #tpu.memory_space<vmem>>, vector<16xf32>,
        tpu.vector_store %arg7[%swap3A_242, %swap3A_243, %swap3A_244], %gather3A_239 {strides = array<i32>} : memref<2x4x3200xf32, #tpu.memory_space<vmem>>, vector<16xf32>,
        %add3A_246 = arith.constant 48 : i32
        %add3A_247 = arith.addi %mul3A_203, %add3A_246 : i32
        %get3A_248 = arith.constant 1 : i32
        %get3A_249 = arith.constant 2 : i32
        %get3A_250 = arith.index_cast %get3A_248 : i32 to index
        %get3A_251 = arith.index_cast %get3A_249 : i32 to index
        %get3A_252 = arith.index_cast %add3A_247 : i32 to index
        %get3A_253 = tpu.vector_load %arg6[%get3A_250, %get3A_251, %get3A_252] {strides = array<i32>} : memref<2x4x3200xi32, #tpu.memory_space<vmem>>, vector<16xi32>,
        %gather3A_254 = tpu.vector_load_idx %arg5[%broadcast_in_dim3A_169, %get3A_253] : memref<4x10000xf32, #tpu.memory_space<vmem>>[vector<16xi32>, vector<16xi32>], vector<16xf32>,
        %swap3A_255 = arith.constant 1 : i32
        %swap3A_256 = arith.constant 2 : i32
        %swap3A_257 = arith.index_cast %swap3A_255 : i32 to index
        %swap3A_258 = arith.index_cast %swap3A_256 : i32 to index
        %swap3A_259 = arith.index_cast %add3A_247 : i32 to index
        %swap3A_260 = tpu.vector_load %arg7[%swap3A_257, %swap3A_258, %swap3A_259] {strides = array<i32>} : memref<2x4x3200xf32, #tpu.memory_space<vmem>>, vector<16xf32>,
        tpu.vector_store %arg7[%swap3A_257, %swap3A_258, %swap3A_259], %gather3A_254 {strides = array<i32>} : memref<2x4x3200xf32, #tpu.memory_space<vmem>>, vector<16xf32>,
        %add3A_261 = arith.constant 64 : i32
        %add3A_262 = arith.addi %mul3A_203, %add3A_261 : i32
        %get3A_263 = arith.constant 1 : i32
        %get3A_264 = arith.constant 2 : i32
        %get3A_265 = arith.index_cast %get3A_263 : i32 to index
        %get3A_266 = arith.index_cast %get3A_264 : i32 to index
        %get3A_267 = arith.index_cast %add3A_262 : i32 to index
        %get3A_268 = tpu.vector_load %arg6[%get3A_265, %get3A_266, %get3A_267] {strides = array<i32>} : memref<2x4x3200xi32, #tpu.memory_space<vmem>>, vector<16xi32>,
        %gather3A_269 = tpu.vector_load_idx %arg5[%broadcast_in_dim3A_169, %get3A_268] : memref<4x10000xf32, #tpu.memory_space<vmem>>[vector<16xi32>, vector<16xi32>], vector<16xf32>,
        %swap3A_270 = arith.constant 1 : i32
        %swap3A_271 = arith.constant 2 : i32
        %swap3A_272 = arith.index_cast %swap3A_270 : i32 to index
        %swap3A_273 = arith.index_cast %swap3A_271 : i32 to index
        %swap3A_274 = arith.index_cast %add3A_262 : i32 to index
        %swap3A_275 = tpu.vector_load %arg7[%swap3A_272, %swap3A_273, %swap3A_274] {strides = array<i32>} : memref<2x4x3200xf32, #tpu.memory_space<vmem>>, vector<16xf32>,
        tpu.vector_store %arg7[%swap3A_272, %swap3A_273, %swap3A_274], %gather3A_269 {strides = array<i32>} : memref<2x4x3200xf32, #tpu.memory_space<vmem>>, vector<16xf32>,
        %add3A_276 = arith.constant 80 : i32
        %add3A_277 = arith.addi %mul3A_203, %add3A_276 : i32
        %get3A_278 = arith.constant 1 : i32
        %get3A_279 = arith.constant 2 : i32
        %get3A_280 = arith.index_cast %get3A_278 : i32 to index
        %get3A_281 = arith.index_cast %get3A_279 : i32 to index
        %get3A_282 = arith.index_cast %add3A_277 : i32 to index
        %get3A_283 = tpu.vector_load %arg6[%get3A_280, %get3A_281, %get3A_282] {strides = array<i32>} : memref<2x4x3200xi32, #tpu.memory_space<vmem>>, vector<16xi32>,
        %gather3A_284 = tpu.vector_load_idx %arg5[%broadcast_in_dim3A_169, %get3A_283] : memref<4x10000xf32, #tpu.memory_space<vmem>>[vector<16xi32>, vector<16xi32>], vector<16xf32>,
        %swap3A_285 = arith.constant 1 : i32
        %swap3A_286 = arith.constant 2 : i32
        %swap3A_287 = arith.index_cast %swap3A_285 : i32 to index
        %swap3A_288 = arith.index_cast %swap3A_286 : i32 to index
        %swap3A_289 = arith.index_cast %add3A_277 : i32 to index
        %swap3A_290 = tpu.vector_load %arg7[%swap3A_287, %swap3A_288, %swap3A_289] {strides = array<i32>} : memref<2x4x3200xf32, #tpu.memory_space<vmem>>, vector<16xf32>,
        tpu.vector_store %arg7[%swap3A_287, %swap3A_288, %swap3A_289], %gather3A_284 {strides = array<i32>} : memref<2x4x3200xf32, #tpu.memory_space<vmem>>, vector<16xf32>,
        %add3A_291 = arith.constant 96 : i32
        %add3A_292 = arith.addi %mul3A_203, %add3A_291 : i32
        %get3A_293 = arith.constant 1 : i32
        %get3A_294 = arith.constant 2 : i32
        %get3A_295 = arith.index_cast %get3A_293 : i32 to index
        %get3A_296 = arith.index_cast %get3A_294 : i32 to index
        %get3A_297 = arith.index_cast %add3A_292 : i32 to index
        %get3A_298 = tpu.vector_load %arg6[%get3A_295, %get3A_296, %get3A_297] {strides = array<i32>} : memref<2x4x3200xi32, #tpu.memory_space<vmem>>, vector<16xi32>,
        %gather3A_299 = tpu.vector_load_idx %arg5[%broadcast_in_dim3A_169, %get3A_298] : memref<4x10000xf32, #tpu.memory_space<vmem>>[vector<16xi32>, vector<16xi32>], vector<16xf32>,
        %swap3A_300 = arith.constant 1 : i32
        %swap3A_301 = arith.constant 2 : i32
        %swap3A_302 = arith.index_cast %swap3A_300 : i32 to index
        %swap3A_303 = arith.index_cast %swap3A_301 : i32 to index
        %swap3A_304 = arith.index_cast %add3A_292 : i32 to index
        %swap3A_305 = tpu.vector_load %arg7[%swap3A_302, %swap3A_303, %swap3A_304] {strides = array<i32>} : memref<2x4x3200xf32, #tpu.memory_space<vmem>>, vector<16xf32>,
        tpu.vector_store %arg7[%swap3A_302, %swap3A_303, %swap3A_304], %gather3A_299 {strides = array<i32>} : memref<2x4x3200xf32, #tpu.memory_space<vmem>>, vector<16xf32>,
        %add3A_306 = arith.constant 112 : i32
        %add3A_307 = arith.addi %mul3A_203, %add3A_306 : i32
        %get3A_308 = arith.constant 1 : i32
        %get3A_309 = arith.constant 2 : i32
        %get3A_310 = arith.index_cast %get3A_308 : i32 to index
        %get3A_311 = arith.index_cast %get3A_309 : i32 to index
        %get3A_312 = arith.index_cast %add3A_307 : i32 to index
        %get3A_313 = tpu.vector_load %arg6[%get3A_310, %get3A_311, %get3A_312] {strides = array<i32>} : memref<2x4x3200xi32, #tpu.memory_space<vmem>>, vector<16xi32>,
        %gather3A_314 = tpu.vector_load_idx %arg5[%broadcast_in_dim3A_169, %get3A_313] : memref<4x10000xf32, #tpu.memory_space<vmem>>[vector<16xi32>, vector<16xi32>], vector<16xf32>,
        %swap3A_315 = arith.constant 1 : i32
        %swap3A_316 = arith.constant 2 : i32
        %swap3A_317 = arith.index_cast %swap3A_315 : i32 to index
        %swap3A_318 = arith.index_cast %swap3A_316 : i32 to index
        %swap3A_319 = arith.index_cast %add3A_307 : i32 to index
        %swap3A_320 = tpu.vector_load %arg7[%swap3A_317, %swap3A_318, %swap3A_319] {strides = array<i32>} : memref<2x4x3200xf32, #tpu.memory_space<vmem>>, vector<16xf32>,
        tpu.vector_store %arg7[%swap3A_317, %swap3A_318, %swap3A_319], %gather3A_314 {strides = array<i32>} : memref<2x4x3200xf32, #tpu.memory_space<vmem>>, vector<16xf32>,
        %scan3A_321 = arith.constant 0 : i32
        scf.yield %scan3A_321 : i32
      }
      %scan3A_176 = arith.constant 25 : i32
      %broadcast_in_dim3A_177 = arith.constant 3 : i32
      %broadcast_in_dim3A_178 = vector.broadcast %broadcast_in_dim3A_177 : i32 to vector<16xi32>
      %scan3A_179 = arith.constant 0 : i32
      %scan3A_180 = arith.constant 0 : i32
      %scan3A_181 = arith.constant 25 : i32
      %scan3A_182 = arith.addi %scan3A_180, %scan3A_181 : i32
      %scan3A_183 = arith.constant 1 : i32
      %scan3A_184 = scf.for %scan3A_200 = %scan3A_180 to %scan3A_182 step %scan3A_183 iter_args(%scan3A_201 = %scan3A_179) -> (i32)  : i32 {
        %mul3A_202 = arith.constant 128 : i32
        %mul3A_203 = arith.muli %scan3A_200, %mul3A_202 : i32
        %add3A_204 = arith.constant 0 : i32
        %add3A_205 = arith.addi %mul3A_203, %add3A_204 : i32
        %get3A = arith.constant 1 : i32
        %get3A_206 = arith.constant 3 : i32
        %get3A_207 = arith.index_cast %get3A : i32 to index
        %get3A_208 = arith.index_cast %get3A_206 : i32 to index
        %get3A_209 = arith.index_cast %add3A_205 : i32 to index
        %get3A_210 = tpu.vector_load %arg6[%get3A_207, %get3A_208, %get3A_209] {strides = array<i32>} : memref<2x4x3200xi32, #tpu.memory_space<vmem>>, vector<16xi32>,
        %gather3A = tpu.vector_load_idx %arg5[%broadcast_in_dim3A_178, %get3A_210] : memref<4x10000xf32, #tpu.memory_space<vmem>>[vector<16xi32>, vector<16xi32>], vector<16xf32>,
        %swap3A = arith.constant 1 : i32
        %swap3A_211 = arith.constant 3 : i32
        %swap3A_212 = arith.index_cast %swap3A : i32 to index
        %swap3A_213 = arith.index_cast %swap3A_211 : i32 to index
        %swap3A_214 = arith.index_cast %add3A_205 : i32 to index
        %swap3A_215 = tpu.vector_load %arg7[%swap3A_212, %swap3A_213, %swap3A_214] {strides = array<i32>} : memref<2x4x3200xf32, #tpu.memory_space<vmem>>, vector<16xf32>,
        tpu.vector_store %arg7[%swap3A_212, %swap3A_213, %swap3A_214], %gather3A {strides = array<i32>} : memref<2x4x3200xf32, #tpu.memory_space<vmem>>, vector<16xf32>,
        %add3A_216 = arith.constant 16 : i32
        %add3A_217 = arith.addi %mul3A_203, %add3A_216 : i32
        %get3A_218 = arith.constant 1 : i32
        %get3A_219 = arith.constant 3 : i32
        %get3A_220 = arith.index_cast %get3A_218 : i32 to index
        %get3A_221 = arith.index_cast %get3A_219 : i32 to index
        %get3A_222 = arith.index_cast %add3A_217 : i32 to index
        %get3A_223 = tpu.vector_load %arg6[%get3A_220, %get3A_221, %get3A_222] {strides = array<i32>} : memref<2x4x3200xi32, #tpu.memory_space<vmem>>, vector<16xi32>,
        %gather3A_224 = tpu.vector_load_idx %arg5[%broadcast_in_dim3A_178, %get3A_223] : memref<4x10000xf32, #tpu.memory_space<vmem>>[vector<16xi32>, vector<16xi32>], vector<16xf32>,
        %swap3A_225 = arith.constant 1 : i32
        %swap3A_226 = arith.constant 3 : i32
        %swap3A_227 = arith.index_cast %swap3A_225 : i32 to index
        %swap3A_228 = arith.index_cast %swap3A_226 : i32 to index
        %swap3A_229 = arith.index_cast %add3A_217 : i32 to index
        %swap3A_230 = tpu.vector_load %arg7[%swap3A_227, %swap3A_228, %swap3A_229] {strides = array<i32>} : memref<2x4x3200xf32, #tpu.memory_space<vmem>>, vector<16xf32>,
        tpu.vector_store %arg7[%swap3A_227, %swap3A_228, %swap3A_229], %gather3A_224 {strides = array<i32>} : memref<2x4x3200xf32, #tpu.memory_space<vmem>>, vector<16xf32>,
        %add3A_231 = arith.constant 32 : i32
        %add3A_232 = arith.addi %mul3A_203, %add3A_231 : i32
        %get3A_233 = arith.constant 1 : i32
        %get3A_234 = arith.constant 3 : i32
        %get3A_235 = arith.index_cast %get3A_233 : i32 to index
        %get3A_236 = arith.index_cast %get3A_234 : i32 to index
        %get3A_237 = arith.index_cast %add3A_232 : i32 to index
        %get3A_238 = tpu.vector_load %arg6[%get3A_235, %get3A_236, %get3A_237] {strides = array<i32>} : memref<2x4x3200xi32, #tpu.memory_space<vmem>>, vector<16xi32>,
        %gather3A_239 = tpu.vector_load_idx %arg5[%broadcast_in_dim3A_178, %get3A_238] : memref<4x10000xf32, #tpu.memory_space<vmem>>[vector<16xi32>, vector<16xi32>], vector<16xf32>,
        %swap3A_240 = arith.constant 1 : i32
        %swap3A_241 = arith.constant 3 : i32
        %swap3A_242 = arith.index_cast %swap3A_240 : i32 to index
        %swap3A_243 = arith.index_cast %swap3A_241 : i32 to index
        %swap3A_244 = arith.index_cast %add3A_232 : i32 to index
        %swap3A_245 = tpu.vector_load %arg7[%swap3A_242, %swap3A_243, %swap3A_244] {strides = array<i32>} : memref<2x4x3200xf32, #tpu.memory_space<vmem>>, vector<16xf32>,
        tpu.vector_store %arg7[%swap3A_242, %swap3A_243, %swap3A_244], %gather3A_239 {strides = array<i32>} : memref<2x4x3200xf32, #tpu.memory_space<vmem>>, vector<16xf32>,
        %add3A_246 = arith.constant 48 : i32
        %add3A_247 = arith.addi %mul3A_203, %add3A_246 : i32
        %get3A_248 = arith.constant 1 : i32
        %get3A_249 = arith.constant 3 : i32
        %get3A_250 = arith.index_cast %get3A_248 : i32 to index
        %get3A_251 = arith.index_cast %get3A_249 : i32 to index
        %get3A_252 = arith.index_cast %add3A_247 : i32 to index
        %get3A_253 = tpu.vector_load %arg6[%get3A_250, %get3A_251, %get3A_252] {strides = array<i32>} : memref<2x4x3200xi32, #tpu.memory_space<vmem>>, vector<16xi32>,
        %gather3A_254 = tpu.vector_load_idx %arg5[%broadcast_in_dim3A_178, %get3A_253] : memref<4x10000xf32, #tpu.memory_space<vmem>>[vector<16xi32>, vector<16xi32>], vector<16xf32>,
        %swap3A_255 = arith.constant 1 : i32
        %swap3A_256 = arith.constant 3 : i32
        %swap3A_257 = arith.index_cast %swap3A_255 : i32 to index
        %swap3A_258 = arith.index_cast %swap3A_256 : i32 to index
        %swap3A_259 = arith.index_cast %add3A_247 : i32 to index
        %swap3A_260 = tpu.vector_load %arg7[%swap3A_257, %swap3A_258, %swap3A_259] {strides = array<i32>} : memref<2x4x3200xf32, #tpu.memory_space<vmem>>, vector<16xf32>,
        tpu.vector_store %arg7[%swap3A_257, %swap3A_258, %swap3A_259], %gather3A_254 {strides = array<i32>} : memref<2x4x3200xf32, #tpu.memory_space<vmem>>, vector<16xf32>,
        %add3A_261 = arith.constant 64 : i32
        %add3A_262 = arith.addi %mul3A_203, %add3A_261 : i32
        %get3A_263 = arith.constant 1 : i32
        %get3A_264 = arith.constant 3 : i32
        %get3A_265 = arith.index_cast %get3A_263 : i32 to index
        %get3A_266 = arith.index_cast %get3A_264 : i32 to index
        %get3A_267 = arith.index_cast %add3A_262 : i32 to index
        %get3A_268 = tpu.vector_load %arg6[%get3A_265, %get3A_266, %get3A_267] {strides = array<i32>} : memref<2x4x3200xi32, #tpu.memory_space<vmem>>, vector<16xi32>,
        %gather3A_269 = tpu.vector_load_idx %arg5[%broadcast_in_dim3A_178, %get3A_268] : memref<4x10000xf32, #tpu.memory_space<vmem>>[vector<16xi32>, vector<16xi32>], vector<16xf32>,
        %swap3A_270 = arith.constant 1 : i32
        %swap3A_271 = arith.constant 3 : i32
        %swap3A_272 = arith.index_cast %swap3A_270 : i32 to index
        %swap3A_273 = arith.index_cast %swap3A_271 : i32 to index
        %swap3A_274 = arith.index_cast %add3A_262 : i32 to index
        %swap3A_275 = tpu.vector_load %arg7[%swap3A_272, %swap3A_273, %swap3A_274] {strides = array<i32>} : memref<2x4x3200xf32, #tpu.memory_space<vmem>>, vector<16xf32>,
        tpu.vector_store %arg7[%swap3A_272, %swap3A_273, %swap3A_274], %gather3A_269 {strides = array<i32>} : memref<2x4x3200xf32, #tpu.memory_space<vmem>>, vector<16xf32>,
        %add3A_276 = arith.constant 80 : i32
        %add3A_277 = arith.addi %mul3A_203, %add3A_276 : i32
        %get3A_278 = arith.constant 1 : i32
        %get3A_279 = arith.constant 3 : i32
        %get3A_280 = arith.index_cast %get3A_278 : i32 to index
        %get3A_281 = arith.index_cast %get3A_279 : i32 to index
        %get3A_282 = arith.index_cast %add3A_277 : i32 to index
        %get3A_283 = tpu.vector_load %arg6[%get3A_280, %get3A_281, %get3A_282] {strides = array<i32>} : memref<2x4x3200xi32, #tpu.memory_space<vmem>>, vector<16xi32>,
        %gather3A_284 = tpu.vector_load_idx %arg5[%broadcast_in_dim3A_178, %get3A_283] : memref<4x10000xf32, #tpu.memory_space<vmem>>[vector<16xi32>, vector<16xi32>], vector<16xf32>,
        %swap3A_285 = arith.constant 1 : i32
        %swap3A_286 = arith.constant 3 : i32
        %swap3A_287 = arith.index_cast %swap3A_285 : i32 to index
        %swap3A_288 = arith.index_cast %swap3A_286 : i32 to index
        %swap3A_289 = arith.index_cast %add3A_277 : i32 to index
        %swap3A_290 = tpu.vector_load %arg7[%swap3A_287, %swap3A_288, %swap3A_289] {strides = array<i32>} : memref<2x4x3200xf32, #tpu.memory_space<vmem>>, vector<16xf32>,
        tpu.vector_store %arg7[%swap3A_287, %swap3A_288, %swap3A_289], %gather3A_284 {strides = array<i32>} : memref<2x4x3200xf32, #tpu.memory_space<vmem>>, vector<16xf32>,
        %add3A_291 = arith.constant 96 : i32
        %add3A_292 = arith.addi %mul3A_203, %add3A_291 : i32
        %get3A_293 = arith.constant 1 : i32
        %get3A_294 = arith.constant 3 : i32
        %get3A_295 = arith.index_cast %get3A_293 : i32 to index
        %get3A_296 = arith.index_cast %get3A_294 : i32 to index
        %get3A_297 = arith.index_cast %add3A_292 : i32 to index
        %get3A_298 = tpu.vector_load %arg6[%get3A_295, %get3A_296, %get3A_297] {strides = array<i32>} : memref<2x4x3200xi32, #tpu.memory_space<vmem>>, vector<16xi32>,
        %gather3A_299 = tpu.vector_load_idx %arg5[%broadcast_in_dim3A_178, %get3A_298] : memref<4x10000xf32, #tpu.memory_space<vmem>>[vector<16xi32>, vector<16xi32>], vector<16xf32>,
        %swap3A_300 = arith.constant 1 : i32
        %swap3A_301 = arith.constant 3 : i32
        %swap3A_302 = arith.index_cast %swap3A_300 : i32 to index
        %swap3A_303 = arith.index_cast %swap3A_301 : i32 to index
        %swap3A_304 = arith.index_cast %add3A_292 : i32 to index
        %swap3A_305 = tpu.vector_load %arg7[%swap3A_302, %swap3A_303, %swap3A_304] {strides = array<i32>} : memref<2x4x3200xf32, #tpu.memory_space<vmem>>, vector<16xf32>,
        tpu.vector_store %arg7[%swap3A_302, %swap3A_303, %swap3A_304], %gather3A_299 {strides = array<i32>} : memref<2x4x3200xf32, #tpu.memory_space<vmem>>, vector<16xf32>,
        %add3A_306 = arith.constant 112 : i32
        %add3A_307 = arith.addi %mul3A_203, %add3A_306 : i32
        %get3A_308 = arith.constant 1 : i32
        %get3A_309 = arith.constant 3 : i32
        %get3A_310 = arith.index_cast %get3A_308 : i32 to index
        %get3A_311 = arith.index_cast %get3A_309 : i32 to index
        %get3A_312 = arith.index_cast %add3A_307 : i32 to index
        %get3A_313 = tpu.vector_load %arg6[%get3A_310, %get3A_311, %get3A_312] {strides = array<i32>} : memref<2x4x3200xi32, #tpu.memory_space<vmem>>, vector<16xi32>,
        %gather3A_314 = tpu.vector_load_idx %arg5[%broadcast_in_dim3A_178, %get3A_313] : memref<4x10000xf32, #tpu.memory_space<vmem>>[vector<16xi32>, vector<16xi32>], vector<16xf32>,
        %swap3A_315 = arith.constant 1 : i32
        %swap3A_316 = arith.constant 3 : i32
        %swap3A_317 = arith.index_cast %swap3A_315 : i32 to index
        %swap3A_318 = arith.index_cast %swap3A_316 : i32 to index
        %swap3A_319 = arith.index_cast %add3A_307 : i32 to index
        %swap3A_320 = tpu.vector_load %arg7[%swap3A_317, %swap3A_318, %swap3A_319] {strides = array<i32>} : memref<2x4x3200xf32, #tpu.memory_space<vmem>>, vector<16xf32>,
        tpu.vector_store %arg7[%swap3A_317, %swap3A_318, %swap3A_319], %gather3A_314 {strides = array<i32>} : memref<2x4x3200xf32, #tpu.memory_space<vmem>>, vector<16xf32>,
        %scan3A_321 = arith.constant 0 : i32
        scf.yield %scan3A_321 : i32
      }
      %scan3A_185 = arith.constant 25 : i32
      %mul3A_186 = arith.constant 3200 : i32
      %mul3A_187 = arith.muli %add3A_124, %mul3A_186 : i32
      %dma_start3A_188 = arith.constant 1 : i32
      %dma_start3A_189 = arith.constant 0 : i32
      %dma_start3A_190 = arith.constant 0 : i32
      %dma_start3A_191 = tpu.memref_slice %arg7[%dma_start3A_188, %dma_start3A_189, %dma_start3A_190] : memref<2x4x3200xf32, #tpu.memory_space<vmem>> -> memref<1x4x3200xf32, #tpu.memory_space<vmem>>
      %dma_start3A_192 = tpu.memref_squeeze %dma_start3A_191 : memref<1x4x3200xf32, #tpu.memory_space<vmem>> -> memref<4x3200xf32, #tpu.memory_space<vmem>>
      %dma_start3A_193 = tpu.memref_slice %arg4[%mul3A_2, %mul3A_187] : memref<128x160000xf32, #tpu.memory_space<hbm>> -> memref<4x3200xf32, #tpu.memory_space<hbm>>
      %dma_start3A_194 = tpu.memref_slice %arg4[%mul3A_2, %mul3A_187] : memref<128x160000xf32, #tpu.memory_space<hbm>> -> memref<4x3200xf32, #tpu.memory_space<hbm>>
      %dma_start3A_195 = arith.constant 0 : i32
      %dma_start3A_196 = arith.constant 0 : i32
      %dma_start3A_197 = tpu.memref_slice %arg7[%dma_start3A_188, %dma_start3A_195, %dma_start3A_196] : memref<2x4x3200xf32, #tpu.memory_space<vmem>> -> memref<1x4x3200xf32, #tpu.memory_space<vmem>>
      %dma_start3A_198 = tpu.memref_squeeze %dma_start3A_197 : memref<1x4x3200xf32, #tpu.memory_space<vmem>> -> memref<4x3200xf32, #tpu.memory_space<vmem>>
      tpu.enqueue_dma source(%dma_start3A_198 : memref<4x3200xf32, #tpu.memory_space<vmem>>) target(%dma_start3A_194 : memref<4x3200xf32, #tpu.memory_space<hbm>>) target_semaphore(%arg9 : memref<!tpu.dma_semaphore, #tpu.memory_space<semaphore_mem>>)
      %scan3A_199 = arith.constant 0 : i32
      scf.yield %scan3A_199 : i32
    }
    %scan3A_20 = arith.constant 25 : i32
    %dma_wait3A = arith.constant 0 : i32
    %dma_wait3A_21 = arith.constant 0 : i32
    %dma_wait3A_22 = arith.constant 0 : i32
    %dma_wait3A_23 = tpu.memref_slice %arg7[%dma_wait3A, %dma_wait3A_21, %dma_wait3A_22] : memref<2x4x3200xf32, #tpu.memory_space<vmem>> -> memref<1x4x3200xf32, #tpu.memory_space<vmem>>
    %dma_wait3A_24 = tpu.memref_squeeze %dma_wait3A_23 : memref<1x4x3200xf32, #tpu.memory_space<vmem>> -> memref<4x3200xf32, #tpu.memory_space<vmem>>
    %dma_wait3A_25 = arith.constant 0 : i32
    %dma_wait3A_26 = tpu.memref_slice %arg4[%mul3A_2, %dma_wait3A_25] : memref<128x160000xf32, #tpu.memory_space<hbm>> -> memref<4x3200xf32, #tpu.memory_space<hbm>>
    %dma_wait3A_27 = arith.constant 0 : i32
    %dma_wait3A_28 = tpu.memref_slice %arg4[%mul3A_2, %dma_wait3A_27] : memref<128x160000xf32, #tpu.memory_space<hbm>> -> memref<4x3200xf32, #tpu.memory_space<hbm>>
    %dma_wait3A_29 = arith.constant 0 : i32
    %dma_wait3A_30 = arith.constant 0 : i32
    %dma_wait3A_31 = tpu.memref_slice %arg7[%dma_wait3A, %dma_wait3A_29, %dma_wait3A_30] : memref<2x4x3200xf32, #tpu.memory_space<vmem>> -> memref<1x4x3200xf32, #tpu.memory_space<vmem>>
    %dma_wait3A_32 = tpu.memref_squeeze %dma_wait3A_31 : memref<1x4x3200xf32, #tpu.memory_space<vmem>> -> memref<4x3200xf32, #tpu.memory_space<vmem>>
    tpu.wait_dma2 semaphore(%arg9 : memref<!tpu.dma_semaphore, #tpu.memory_space<semaphore_mem>>) src(%dma_wait3A_32 : memref<4x3200xf32, #tpu.memory_space<vmem>>) dst(%dma_wait3A_28 : memref<4x3200xf32, #tpu.memory_space<hbm>>)
    %dma_wait3A_33 = arith.constant 0 : i32
    %dma_wait3A_34 = arith.constant 0 : i32
    %dma_wait3A_35 = arith.constant 0 : i32
    %dma_wait3A_36 = tpu.memref_slice %arg7[%dma_wait3A_33, %dma_wait3A_34, %dma_wait3A_35] : memref<2x4x3200xf32, #tpu.memory_space<vmem>> -> memref<1x4x3200xf32, #tpu.memory_space<vmem>>
    %dma_wait3A_37 = tpu.memref_squeeze %dma_wait3A_36 : memref<1x4x3200xf32, #tpu.memory_space<vmem>> -> memref<4x3200xf32, #tpu.memory_space<vmem>>
    %dma_wait3A_38 = arith.constant 0 : i32
    %dma_wait3A_39 = tpu.memref_slice %arg4[%mul3A_2, %dma_wait3A_38] : memref<128x160000xf32, #tpu.memory_space<hbm>> -> memref<4x3200xf32, #tpu.memory_space<hbm>>
    %dma_wait3A_40 = arith.constant 0 : i32
    %dma_wait3A_41 = tpu.memref_slice %arg4[%mul3A_2, %dma_wait3A_40] : memref<128x160000xf32, #tpu.memory_space<hbm>> -> memref<4x3200xf32, #tpu.memory_space<hbm>>
    %dma_wait3A_42 = arith.constant 0 : i32
    %dma_wait3A_43 = arith.constant 0 : i32
    %dma_wait3A_44 = tpu.memref_slice %arg7[%dma_wait3A_33, %dma_wait3A_42, %dma_wait3A_43] : memref<2x4x3200xf32, #tpu.memory_space<vmem>> -> memref<1x4x3200xf32, #tpu.memory_space<vmem>>
    %dma_wait3A_45 = tpu.memref_squeeze %dma_wait3A_44 : memref<1x4x3200xf32, #tpu.memory_space<vmem>> -> memref<4x3200xf32, #tpu.memory_space<vmem>>
    tpu.wait_dma2 semaphore(%arg9 : memref<!tpu.dma_semaphore, #tpu.memory_space<semaphore_mem>>) src(%dma_wait3A_45 : memref<4x3200xf32, #tpu.memory_space<vmem>>) dst(%dma_wait3A_41 : memref<4x3200xf32, #tpu.memory_space<hbm>>)
    return
  }
}

module attributes {stable_mosaic.version = 14 : i64} {
  func.func @_node_block_kernel(%arg0: i32, %arg1: memref<80x128xf32, #tpu.memory_space<vmem>>, %arg2: memref<128x1280xf32, #tpu.memory_space<vmem>>, %arg3: memref<1280x128xf32, #tpu.memory_space<vmem>>, %arg4: memref<1280x1xf32, #tpu.memory_space<vmem>>, %arg5: memref<128x128xf32, #tpu.memory_space<vmem>>, %arg6: memref<128x128xf32, #tpu.memory_space<vmem>>, %arg7: memref<128x128xf32, #tpu.memory_space<vmem>>, %arg8: memref<1x128xf32, #tpu.memory_space<vmem>>, %arg9: memref<128x128xf32, #tpu.memory_space<vmem>>, %arg10: memref<1x128xf32, #tpu.memory_space<vmem>>, %arg11: memref<128x128xf32, #tpu.memory_space<vmem>>, %arg12: memref<1x128xf32, #tpu.memory_space<vmem>>, %arg13: memref<128x128xf32, #tpu.memory_space<vmem>>, %arg14: memref<1x128xf32, #tpu.memory_space<vmem>>, %arg15: memref<128x512xf32, #tpu.memory_space<vmem>>, %arg16: memref<1x512xf32, #tpu.memory_space<vmem>>, %arg17: memref<512x128xf32, #tpu.memory_space<vmem>>, %arg18: memref<1x128xf32, #tpu.memory_space<vmem>>, %arg19: memref<1x128xf32, #tpu.memory_space<vmem>>, %arg20: memref<1x128xf32, #tpu.memory_space<vmem>>, %arg21: memref<1x128xf32, #tpu.memory_space<vmem>>, %arg22: memref<1x128xf32, #tpu.memory_space<vmem>>, %arg23: memref<80x128xf32, #tpu.memory_space<vmem>>) attributes {dimension_semantics = [#tpu.dimension_semantics<arbitrary>], iteration_bounds = array<i64: 125>, scalar_prefetch = 0 : i64, scratch_operands = 0 : i64, tpu.core_type = #tpu.core_type<tc>, window_params = [{transform_indices = @transform_0, window_bounds = array<i64: 80, 128>}, {transform_indices = @transform_1, window_bounds = array<i64: 128, 1280>}, {transform_indices = @transform_2, window_bounds = array<i64: 1280, 128>}, {transform_indices = @transform_3, window_bounds = array<i64: 1280, 1>}, {pipeline_mode = #tpu.pipeline_mode<synchronous>, transform_indices = @transform_4, window_bounds = array<i64: 128, 128>}, {pipeline_mode = #tpu.pipeline_mode<synchronous>, transform_indices = @transform_5, window_bounds = array<i64: 128, 128>}, {pipeline_mode = #tpu.pipeline_mode<synchronous>, transform_indices = @transform_6, window_bounds = array<i64: 128, 128>}, {pipeline_mode = #tpu.pipeline_mode<synchronous>, transform_indices = @transform_7, window_bounds = array<i64: 1, 128>}, {pipeline_mode = #tpu.pipeline_mode<synchronous>, transform_indices = @transform_8, window_bounds = array<i64: 128, 128>}, {pipeline_mode = #tpu.pipeline_mode<synchronous>, transform_indices = @transform_9, window_bounds = array<i64: 1, 128>}, {pipeline_mode = #tpu.pipeline_mode<synchronous>, transform_indices = @transform_10, window_bounds = array<i64: 128, 128>}, {pipeline_mode = #tpu.pipeline_mode<synchronous>, transform_indices = @transform_11, window_bounds = array<i64: 1, 128>}, {pipeline_mode = #tpu.pipeline_mode<synchronous>, transform_indices = @transform_12, window_bounds = array<i64: 128, 128>}, {pipeline_mode = #tpu.pipeline_mode<synchronous>, transform_indices = @transform_13, window_bounds = array<i64: 1, 128>}, {pipeline_mode = #tpu.pipeline_mode<synchronous>, transform_indices = @transform_14, window_bounds = array<i64: 128, 512>}, {pipeline_mode = #tpu.pipeline_mode<synchronous>, transform_indices = @transform_15, window_bounds = array<i64: 1, 512>}, {pipeline_mode = #tpu.pipeline_mode<synchronous>, transform_indices = @transform_16, window_bounds = array<i64: 512, 128>}, {pipeline_mode = #tpu.pipeline_mode<synchronous>, transform_indices = @transform_17, window_bounds = array<i64: 1, 128>}, {pipeline_mode = #tpu.pipeline_mode<synchronous>, transform_indices = @transform_18, window_bounds = array<i64: 1, 128>}, {pipeline_mode = #tpu.pipeline_mode<synchronous>, transform_indices = @transform_19, window_bounds = array<i64: 1, 128>}, {pipeline_mode = #tpu.pipeline_mode<synchronous>, transform_indices = @transform_20, window_bounds = array<i64: 1, 128>}, {pipeline_mode = #tpu.pipeline_mode<synchronous>, transform_indices = @transform_21, window_bounds = array<i64: 1, 128>}, {transform_indices = @transform_22, window_bounds = array<i64: 80, 128>}]} {
    %get3A = arith.constant 0 : index
    %get3A_0 = arith.constant 0 : index
    %get3A_1 = vector.load %arg1[%get3A, %get3A_0] : memref<80x128xf32, #tpu.memory_space<vmem>>, vector<80x128xf32>
    %get3A_2 = arith.constant 0 : index
    %get3A_3 = arith.constant 0 : index
    %get3A_4 = vector.load %arg2[%get3A_2, %get3A_3] : memref<128x1280xf32, #tpu.memory_space<vmem>>, vector<128x1280xf32>
    %get3A_5 = arith.constant 0 : index
    %get3A_6 = arith.constant 0 : index
    %get3A_7 = vector.load %arg3[%get3A_5, %get3A_6] : memref<1280x128xf32, #tpu.memory_space<vmem>>, vector<1280x128xf32>
    %get3A_8 = arith.constant 0 : index
    %get3A_9 = arith.constant 0 : index
    %get3A_10 = vector.load %arg4[%get3A_8, %get3A_9] : memref<1280x1xf32, #tpu.memory_space<vmem>>, vector<1280x1xf32>
    %iota3A = tpu.iota {dimensions = array<i32: 0>} : vector<1280x80xi32>
    %jit3A = arith.constant 16 : i32
    %div3A = vector.broadcast %jit3A : i32 to vector<1280x80xi32>
    %div3A_11 = arith.divsi %iota3A, %div3A : vector<1280x80xi32>
    %sign3A = arith.constant 0 : i32
    %sign3A_12 = vector.broadcast %sign3A : i32 to vector<1280x80xi32>
    %sign3A_13 = arith.cmpi sgt, %iota3A, %sign3A_12 : vector<1280x80xi32>
    %sign3A_14 = arith.extui %sign3A_13 : vector<1280x80xi1> to vector<1280x80xi32>
    %sign3A_15 = arith.constant 0 : i32
    %sign3A_16 = vector.broadcast %sign3A_15 : i32 to vector<1280x80xi32>
    %sign3A_17 = arith.cmpi slt, %iota3A, %sign3A_16 : vector<1280x80xi32>
    %sign3A_18 = arith.extui %sign3A_17 : vector<1280x80xi1> to vector<1280x80xi32>
    %sign3A_19 = arith.subi %sign3A_14, %sign3A_18 : vector<1280x80xi32>
    %sign3A_20 = arith.constant 0 : i32
    %sign3A_21 = arith.cmpi sgt, %jit3A, %sign3A_20 : i32
    %sign3A_22 = arith.extui %sign3A_21 : i1 to i32
    %sign3A_23 = arith.constant 0 : i32
    %sign3A_24 = arith.cmpi slt, %jit3A, %sign3A_23 : i32
    %sign3A_25 = arith.extui %sign3A_24 : i1 to i32
    %sign3A_26 = arith.subi %sign3A_22, %sign3A_25 : i32
    %ne3A = vector.broadcast %sign3A_26 : i32 to vector<1280x80xi32>
    %ne3A_27 = arith.cmpi ne, %sign3A_19, %ne3A : vector<1280x80xi32>
    %rem3A = vector.broadcast %jit3A : i32 to vector<1280x80xi32>
    %rem3A_28 = arith.remsi %iota3A, %rem3A : vector<1280x80xi32>
    %ne3A_29 = arith.constant 0 : i32
    %ne3A_30 = vector.broadcast %ne3A_29 : i32 to vector<1280x80xi32>
    %ne3A_31 = arith.cmpi ne, %rem3A_28, %ne3A_30 : vector<1280x80xi32>
    %and3A = arith.andi %ne3A_27, %ne3A_31 : vector<1280x80xi1>
    %sub3A = arith.constant 1 : i32
    %sub3A_32 = vector.broadcast %sub3A : i32 to vector<1280x80xi32>
    %sub3A_33 = arith.subi %div3A_11, %sub3A_32 : vector<1280x80xi32>
    %select_n3A = arith.select %and3A, %sub3A_33, %div3A_11 : vector<1280x80xi1>, vector<1280x80xi32>
    %iota3A_34 = tpu.iota {dimensions = array<i32: 1>} : vector<1280x80xi32>
    %eq3A = arith.cmpi eq, %select_n3A, %iota3A_34 : vector<1280x80xi32>
    %convert_element_type3A = arith.extui %eq3A : vector<1280x80xi1> to vector<1280x80xi32>
    %convert_element_type3A_35 = arith.sitofp %convert_element_type3A : vector<1280x80xi32> to vector<1280x80xf32>
    %get3A_36 = arith.constant 0 : index
    %get3A_37 = arith.constant 0 : index
    %get3A_38 = vector.load %arg5[%get3A_36, %get3A_37] : memref<128x128xf32, #tpu.memory_space<vmem>>, vector<128x128xf32>
    %dot_general3A = arith.constant dense<0.000000e+00> : vector<80x128xf32>
    %dot_general3A_39 = tpu.matmul %get3A_1, %get3A_38, %dot_general3A {dimension_numbers = #tpu.dot_dimension_numbers<[1], [0], [0], [1], [0, 0, 1, 1], [], []>, transpose_lhs_hint = false} : vector<80x128xf32>, vector<128x128xf32>, vector<80x128xf32> -> vector<80x128xf32>
    %dot_general3A_40 = arith.constant dense<0.000000e+00> : vector<1280x128xf32>
    %dot_general3A_41 = tpu.matmul %convert_element_type3A_35, %dot_general3A_39, %dot_general3A_40 {dimension_numbers = #tpu.dot_dimension_numbers<[1], [0], [0], [1], [0, 0, 1, 1], [], []>, transpose_lhs_hint = false} : vector<1280x80xf32>, vector<80x128xf32>, vector<1280x128xf32> -> vector<1280x128xf32>
    %get3A_42 = arith.constant 0 : index
    %get3A_43 = arith.constant 0 : index
    %get3A_44 = vector.load %arg6[%get3A_42, %get3A_43] : memref<128x128xf32, #tpu.memory_space<vmem>>, vector<128x128xf32>
    %dot_general3A_45 = arith.constant dense<0.000000e+00> : vector<1280x128xf32>
    %dot_general3A_46 = tpu.matmul %get3A_4, %get3A_44, %dot_general3A_45 {dimension_numbers = #tpu.dot_dimension_numbers<[0], [0], [1], [1], [0, 1, 1, 1], [], []>, transpose_lhs_hint = false} : vector<128x1280xf32>, vector<128x128xf32>, vector<1280x128xf32> -> vector<1280x128xf32>
    %add3A = arith.addf %dot_general3A_41, %dot_general3A_46 : vector<1280x128xf32>
    %get3A_47 = arith.constant 0 : index
    %get3A_48 = arith.constant 0 : index
    %get3A_49 = vector.load %arg7[%get3A_47, %get3A_48] : memref<128x128xf32, #tpu.memory_space<vmem>>, vector<128x128xf32>
    %dot_general3A_50 = arith.constant dense<0.000000e+00> : vector<1280x128xf32>
    %dot_general3A_51 = tpu.matmul %get3A_7, %get3A_49, %dot_general3A_50 {dimension_numbers = #tpu.dot_dimension_numbers<[1], [0], [0], [1], [0, 0, 1, 1], [], []>, transpose_lhs_hint = false} : vector<1280x128xf32>, vector<128x128xf32>, vector<1280x128xf32> -> vector<1280x128xf32>
    %add3A_52 = arith.addf %add3A, %dot_general3A_51 : vector<1280x128xf32>
    %get3A_53 = arith.constant 0 : index
    %get3A_54 = arith.constant 0 : index
    %get3A_55 = vector.load %arg8[%get3A_53, %get3A_54] : memref<1x128xf32, #tpu.memory_space<vmem>>, vector<1x128xf32>
    %add3A_56 = vector.broadcast %get3A_55 : vector<1x128xf32> to vector<1280x128xf32>
    %add3A_57 = arith.addf %add3A_52, %add3A_56 : vector<1280x128xf32>
    %logistic3A = arith.negf %add3A_57 : vector<1280x128xf32>
    %logistic3A_58 = math.exp %logistic3A : vector<1280x128xf32>
    %logistic3A_59 = arith.constant 1.000000e+00 : f32
    %logistic3A_60 = vector.broadcast %logistic3A_59 : f32 to vector<1280x128xf32>
    %logistic3A_61 = arith.addf %logistic3A_60, %logistic3A_58 : vector<1280x128xf32>
    %logistic3A_62 = arith.divf %logistic3A_60, %logistic3A_61 : vector<1280x128xf32>
    %mul3A = arith.mulf %add3A_57, %logistic3A_62 : vector<1280x128xf32>
    %get3A_63 = arith.constant 0 : index
    %get3A_64 = arith.constant 0 : index
    %get3A_65 = vector.load %arg9[%get3A_63, %get3A_64] : memref<128x128xf32, #tpu.memory_space<vmem>>, vector<128x128xf32>
    %dot_general3A_66 = arith.constant dense<0.000000e+00> : vector<1280x128xf32>
    %dot_general3A_67 = tpu.matmul %mul3A, %get3A_65, %dot_general3A_66 {dimension_numbers = #tpu.dot_dimension_numbers<[1], [0], [0], [1], [0, 0, 1, 1], [], []>, transpose_lhs_hint = false} : vector<1280x128xf32>, vector<128x128xf32>, vector<1280x128xf32> -> vector<1280x128xf32>
    %get3A_68 = arith.constant 0 : index
    %get3A_69 = arith.constant 0 : index
    %get3A_70 = vector.load %arg10[%get3A_68, %get3A_69] : memref<1x128xf32, #tpu.memory_space<vmem>>, vector<1x128xf32>
    %add3A_71 = vector.broadcast %get3A_70 : vector<1x128xf32> to vector<1280x128xf32>
    %add3A_72 = arith.addf %dot_general3A_67, %add3A_71 : vector<1280x128xf32>
    %logistic3A_73 = arith.negf %add3A_72 : vector<1280x128xf32>
    %logistic3A_74 = math.exp %logistic3A_73 : vector<1280x128xf32>
    %logistic3A_75 = arith.constant 1.000000e+00 : f32
    %logistic3A_76 = vector.broadcast %logistic3A_75 : f32 to vector<1280x128xf32>
    %logistic3A_77 = arith.addf %logistic3A_76, %logistic3A_74 : vector<1280x128xf32>
    %logistic3A_78 = arith.divf %logistic3A_76, %logistic3A_77 : vector<1280x128xf32>
    %mul3A_79 = arith.mulf %add3A_72, %logistic3A_78 : vector<1280x128xf32>
    %get3A_80 = arith.constant 0 : index
    %get3A_81 = arith.constant 0 : index
    %get3A_82 = vector.load %arg11[%get3A_80, %get3A_81] : memref<128x128xf32, #tpu.memory_space<vmem>>, vector<128x128xf32>
    %dot_general3A_83 = arith.constant dense<0.000000e+00> : vector<1280x128xf32>
    %dot_general3A_84 = tpu.matmul %mul3A_79, %get3A_82, %dot_general3A_83 {dimension_numbers = #tpu.dot_dimension_numbers<[1], [0], [0], [1], [0, 0, 1, 1], [], []>, transpose_lhs_hint = false} : vector<1280x128xf32>, vector<128x128xf32>, vector<1280x128xf32> -> vector<1280x128xf32>
    %get3A_85 = arith.constant 0 : index
    %get3A_86 = arith.constant 0 : index
    %get3A_87 = vector.load %arg12[%get3A_85, %get3A_86] : memref<1x128xf32, #tpu.memory_space<vmem>>, vector<1x128xf32>
    %add3A_88 = vector.broadcast %get3A_87 : vector<1x128xf32> to vector<1280x128xf32>
    %add3A_89 = arith.addf %dot_general3A_84, %add3A_88 : vector<1280x128xf32>
    %logistic3A_90 = arith.negf %add3A_89 : vector<1280x128xf32>
    %logistic3A_91 = math.exp %logistic3A_90 : vector<1280x128xf32>
    %logistic3A_92 = arith.constant 1.000000e+00 : f32
    %logistic3A_93 = vector.broadcast %logistic3A_92 : f32 to vector<1280x128xf32>
    %logistic3A_94 = arith.addf %logistic3A_93, %logistic3A_91 : vector<1280x128xf32>
    %logistic3A_95 = arith.divf %logistic3A_93, %logistic3A_94 : vector<1280x128xf32>
    %mul3A_96 = arith.mulf %add3A_89, %logistic3A_95 : vector<1280x128xf32>
    %get3A_97 = arith.constant 0 : index
    %get3A_98 = arith.constant 0 : index
    %get3A_99 = vector.load %arg13[%get3A_97, %get3A_98] : memref<128x128xf32, #tpu.memory_space<vmem>>, vector<128x128xf32>
    %dot_general3A_100 = arith.constant dense<0.000000e+00> : vector<1280x128xf32>
    %dot_general3A_101 = tpu.matmul %mul3A_96, %get3A_99, %dot_general3A_100 {dimension_numbers = #tpu.dot_dimension_numbers<[1], [0], [0], [1], [0, 0, 1, 1], [], []>, transpose_lhs_hint = false} : vector<1280x128xf32>, vector<128x128xf32>, vector<1280x128xf32> -> vector<1280x128xf32>
    %get3A_102 = arith.constant 0 : index
    %get3A_103 = arith.constant 0 : index
    %get3A_104 = vector.load %arg14[%get3A_102, %get3A_103] : memref<1x128xf32, #tpu.memory_space<vmem>>, vector<1x128xf32>
    %add3A_105 = vector.broadcast %get3A_104 : vector<1x128xf32> to vector<1280x128xf32>
    %add3A_106 = arith.addf %dot_general3A_101, %add3A_105 : vector<1280x128xf32>
    %mul3A_107 = vector.broadcast %get3A_10 : vector<1280x1xf32> to vector<1280x128xf32>
    %mul3A_108 = arith.mulf %add3A_106, %mul3A_107 : vector<1280x128xf32>
    %transpose3A = tpu.transpose %convert_element_type3A_35, [1, 0] : vector<1280x80xf32> -> vector<80x1280xf32>
    %dot_general3A_109 = arith.constant dense<0.000000e+00> : vector<80x128xf32>
    %dot_general3A_110 = tpu.matmul %transpose3A, %mul3A_108, %dot_general3A_109 {dimension_numbers = #tpu.dot_dimension_numbers<[1], [0], [0], [1], [0, 0, 1, 1], [], []>, transpose_lhs_hint = false} : vector<80x1280xf32>, vector<1280x128xf32>, vector<80x128xf32> -> vector<80x128xf32>
    %add3A_111 = arith.addf %get3A_1, %dot_general3A_110 : vector<80x128xf32>
    %get3A_112 = arith.constant 0 : index
    %get3A_113 = arith.constant 0 : index
    %get3A_114 = vector.load %arg19[%get3A_112, %get3A_113] : memref<1x128xf32, #tpu.memory_space<vmem>>, vector<1x128xf32>
    %get3A_115 = arith.constant 0 : index
    %get3A_116 = arith.constant 0 : index
    %get3A_117 = vector.load %arg20[%get3A_115, %get3A_116] : memref<1x128xf32, #tpu.memory_space<vmem>>, vector<1x128xf32>
    %reduce_sum3A = arith.constant dense<0.000000e+00> : vector<80xf32>
    %reduce_sum3A_118 = vector.multi_reduction <add>, %add3A_111, %reduce_sum3A [1] : vector<80x128xf32> to vector<80xf32>
    %broadcast_in_dim3A = vector.shape_cast %reduce_sum3A_118 : vector<80xf32> to vector<80x1xf32>
    %div3A_119 = arith.constant 1.280000e+02 : f32
    %div3A_120 = vector.broadcast %div3A_119 : f32 to vector<80x1xf32>
    %div3A_121 = arith.divf %broadcast_in_dim3A, %div3A_120 : vector<80x1xf32>
    %sub3A_122 = vector.broadcast %div3A_121 : vector<80x1xf32> to vector<80x128xf32>
    %sub3A_123 = arith.subf %add3A_111, %sub3A_122 : vector<80x128xf32>
    %integer_pow3A = arith.mulf %sub3A_123, %sub3A_123 : vector<80x128xf32>
    %reduce_sum3A_124 = arith.constant dense<0.000000e+00> : vector<80xf32>
    %reduce_sum3A_125 = vector.multi_reduction <add>, %integer_pow3A, %reduce_sum3A_124 [1] : vector<80x128xf32> to vector<80xf32>
    %broadcast_in_dim3A_126 = vector.shape_cast %reduce_sum3A_125 : vector<80xf32> to vector<80x1xf32>
    %div3A_127 = arith.constant 1.280000e+02 : f32
    %div3A_128 = vector.broadcast %div3A_127 : f32 to vector<80x1xf32>
    %div3A_129 = arith.divf %broadcast_in_dim3A_126, %div3A_128 : vector<80x1xf32>
    %sub3A_130 = vector.broadcast %div3A_121 : vector<80x1xf32> to vector<80x128xf32>
    %sub3A_131 = arith.subf %add3A_111, %sub3A_130 : vector<80x128xf32>
    %add3A_132 = arith.constant 9.99999974E-6 : f32
    %add3A_133 = vector.broadcast %add3A_132 : f32 to vector<80x1xf32>
    %add3A_134 = arith.addf %div3A_129, %add3A_133 : vector<80x1xf32>
    %sqrt3A = math.sqrt %add3A_134 : vector<80x1xf32>
    %div3A_135 = vector.broadcast %sqrt3A : vector<80x1xf32> to vector<80x128xf32>
    %div3A_136 = arith.divf %sub3A_131, %div3A_135 : vector<80x128xf32>
    %mul3A_137 = vector.broadcast %get3A_114 : vector<1x128xf32> to vector<80x128xf32>
    %mul3A_138 = arith.mulf %div3A_136, %mul3A_137 : vector<80x128xf32>
    %add3A_139 = vector.broadcast %get3A_117 : vector<1x128xf32> to vector<80x128xf32>
    %add3A_140 = arith.addf %mul3A_138, %add3A_139 : vector<80x128xf32>
    %get3A_141 = arith.constant 0 : index
    %get3A_142 = arith.constant 0 : index
    %get3A_143 = vector.load %arg15[%get3A_141, %get3A_142] : memref<128x512xf32, #tpu.memory_space<vmem>>, vector<128x512xf32>
    %dot_general3A_144 = arith.constant dense<0.000000e+00> : vector<80x512xf32>
    %dot_general3A_145 = tpu.matmul %add3A_140, %get3A_143, %dot_general3A_144 {dimension_numbers = #tpu.dot_dimension_numbers<[1], [0], [0], [1], [0, 0, 1, 1], [], []>, transpose_lhs_hint = false} : vector<80x128xf32>, vector<128x512xf32>, vector<80x512xf32> -> vector<80x512xf32>
    %get3A_146 = arith.constant 0 : index
    %get3A_147 = arith.constant 0 : index
    %get3A_148 = vector.load %arg16[%get3A_146, %get3A_147] : memref<1x512xf32, #tpu.memory_space<vmem>>, vector<1x512xf32>
    %add3A_149 = vector.broadcast %get3A_148 : vector<1x512xf32> to vector<80x512xf32>
    %add3A_150 = arith.addf %dot_general3A_145, %add3A_149 : vector<80x512xf32>
    %logistic3A_151 = arith.negf %add3A_150 : vector<80x512xf32>
    %logistic3A_152 = math.exp %logistic3A_151 : vector<80x512xf32>
    %logistic3A_153 = arith.constant 1.000000e+00 : f32
    %logistic3A_154 = vector.broadcast %logistic3A_153 : f32 to vector<80x512xf32>
    %logistic3A_155 = arith.addf %logistic3A_154, %logistic3A_152 : vector<80x512xf32>
    %logistic3A_156 = arith.divf %logistic3A_154, %logistic3A_155 : vector<80x512xf32>
    %mul3A_157 = arith.mulf %add3A_150, %logistic3A_156 : vector<80x512xf32>
    %get3A_158 = arith.constant 0 : index
    %get3A_159 = arith.constant 0 : index
    %get3A_160 = vector.load %arg17[%get3A_158, %get3A_159] : memref<512x128xf32, #tpu.memory_space<vmem>>, vector<512x128xf32>
    %dot_general3A_161 = arith.constant dense<0.000000e+00> : vector<80x128xf32>
    %dot_general3A_162 = tpu.matmul %mul3A_157, %get3A_160, %dot_general3A_161 {dimension_numbers = #tpu.dot_dimension_numbers<[1], [0], [0], [1], [0, 0, 1, 1], [], []>, transpose_lhs_hint = false} : vector<80x512xf32>, vector<512x128xf32>, vector<80x128xf32> -> vector<80x128xf32>
    %get3A_163 = arith.constant 0 : index
    %get3A_164 = arith.constant 0 : index
    %get3A_165 = vector.load %arg18[%get3A_163, %get3A_164] : memref<1x128xf32, #tpu.memory_space<vmem>>, vector<1x128xf32>
    %add3A_166 = vector.broadcast %get3A_165 : vector<1x128xf32> to vector<80x128xf32>
    %add3A_167 = arith.addf %dot_general3A_162, %add3A_166 : vector<80x128xf32>
    %add3A_168 = arith.addf %add3A_167, %add3A_140 : vector<80x128xf32>
    %get3A_169 = arith.constant 0 : index
    %get3A_170 = arith.constant 0 : index
    %get3A_171 = vector.load %arg21[%get3A_169, %get3A_170] : memref<1x128xf32, #tpu.memory_space<vmem>>, vector<1x128xf32>
    %get3A_172 = arith.constant 0 : index
    %get3A_173 = arith.constant 0 : index
    %get3A_174 = vector.load %arg22[%get3A_172, %get3A_173] : memref<1x128xf32, #tpu.memory_space<vmem>>, vector<1x128xf32>
    %reduce_sum3A_175 = arith.constant dense<0.000000e+00> : vector<80xf32>
    %reduce_sum3A_176 = vector.multi_reduction <add>, %add3A_168, %reduce_sum3A_175 [1] : vector<80x128xf32> to vector<80xf32>
    %broadcast_in_dim3A_177 = vector.shape_cast %reduce_sum3A_176 : vector<80xf32> to vector<80x1xf32>
    %div3A_178 = arith.constant 1.280000e+02 : f32
    %div3A_179 = vector.broadcast %div3A_178 : f32 to vector<80x1xf32>
    %div3A_180 = arith.divf %broadcast_in_dim3A_177, %div3A_179 : vector<80x1xf32>
    %sub3A_181 = vector.broadcast %div3A_180 : vector<80x1xf32> to vector<80x128xf32>
    %sub3A_182 = arith.subf %add3A_168, %sub3A_181 : vector<80x128xf32>
    %integer_pow3A_183 = arith.mulf %sub3A_182, %sub3A_182 : vector<80x128xf32>
    %reduce_sum3A_184 = arith.constant dense<0.000000e+00> : vector<80xf32>
    %reduce_sum3A_185 = vector.multi_reduction <add>, %integer_pow3A_183, %reduce_sum3A_184 [1] : vector<80x128xf32> to vector<80xf32>
    %broadcast_in_dim3A_186 = vector.shape_cast %reduce_sum3A_185 : vector<80xf32> to vector<80x1xf32>
    %div3A_187 = arith.constant 1.280000e+02 : f32
    %div3A_188 = vector.broadcast %div3A_187 : f32 to vector<80x1xf32>
    %div3A_189 = arith.divf %broadcast_in_dim3A_186, %div3A_188 : vector<80x1xf32>
    %sub3A_190 = vector.broadcast %div3A_180 : vector<80x1xf32> to vector<80x128xf32>
    %sub3A_191 = arith.subf %add3A_168, %sub3A_190 : vector<80x128xf32>
    %add3A_192 = arith.constant 9.99999974E-6 : f32
    %add3A_193 = vector.broadcast %add3A_192 : f32 to vector<80x1xf32>
    %add3A_194 = arith.addf %div3A_189, %add3A_193 : vector<80x1xf32>
    %sqrt3A_195 = math.sqrt %add3A_194 : vector<80x1xf32>
    %div3A_196 = vector.broadcast %sqrt3A_195 : vector<80x1xf32> to vector<80x128xf32>
    %div3A_197 = arith.divf %sub3A_191, %div3A_196 : vector<80x128xf32>
    %mul3A_198 = vector.broadcast %get3A_171 : vector<1x128xf32> to vector<80x128xf32>
    %mul3A_199 = arith.mulf %div3A_197, %mul3A_198 : vector<80x128xf32>
    %add3A_200 = vector.broadcast %get3A_174 : vector<1x128xf32> to vector<80x128xf32>
    %add3A_201 = arith.addf %mul3A_199, %add3A_200 : vector<80x128xf32>
    %swap3A = arith.constant 0 : index
    %swap3A_202 = arith.constant 0 : index
    %swap3A_203 = vector.load %arg23[%swap3A, %swap3A_202] : memref<80x128xf32, #tpu.memory_space<vmem>>, vector<80x128xf32>
    tpu.vector_store %arg23[%swap3A, %swap3A_202], %add3A_201 {strides = array<i32>} : memref<80x128xf32, #tpu.memory_space<vmem>>, vector<80x128xf32>,
    return
  }
  func.func @transform_0(%arg0: i32) -> (i32, i32) {
    %c0_i32 = arith.constant 0 : i32
    %c0_i32_0 = arith.constant 0 : i32
    return %arg0, %c0_i32 : i32, i32
  }
  func.func @transform_1(%arg0: i32) -> (i32, i32) {
    %c0_i32 = arith.constant 0 : i32
    %c0_i32_0 = arith.constant 0 : i32
    return %c0_i32, %arg0 : i32, i32
  }
  func.func @transform_2(%arg0: i32) -> (i32, i32) {
    %c0_i32 = arith.constant 0 : i32
    %c0_i32_0 = arith.constant 0 : i32
    return %arg0, %c0_i32 : i32, i32
  }
  func.func @transform_3(%arg0: i32) -> (i32, i32) {
    %c0_i32 = arith.constant 0 : i32
    %c0_i32_0 = arith.constant 0 : i32
    return %arg0, %c0_i32 : i32, i32
  }
  func.func @transform_4(%arg0: i32) -> (i32, i32) {
    %c0_i32 = arith.constant 0 : i32
    %c0_i32_0 = arith.constant 0 : i32
    %c0_i32_1 = arith.constant 0 : i32
    return %c0_i32, %c0_i32_0 : i32, i32
  }
  func.func @transform_5(%arg0: i32) -> (i32, i32) {
    %c0_i32 = arith.constant 0 : i32
    %c0_i32_0 = arith.constant 0 : i32
    %c0_i32_1 = arith.constant 0 : i32
    return %c0_i32, %c0_i32_0 : i32, i32
  }
  func.func @transform_6(%arg0: i32) -> (i32, i32) {
    %c0_i32 = arith.constant 0 : i32
    %c0_i32_0 = arith.constant 0 : i32
    %c0_i32_1 = arith.constant 0 : i32
    return %c0_i32, %c0_i32_0 : i32, i32
  }
  func.func @transform_7(%arg0: i32) -> (i32, i32) {
    %c0_i32 = arith.constant 0 : i32
    %c0_i32_0 = arith.constant 0 : i32
    %c0_i32_1 = arith.constant 0 : i32
    return %c0_i32, %c0_i32_0 : i32, i32
  }
  func.func @transform_8(%arg0: i32) -> (i32, i32) {
    %c0_i32 = arith.constant 0 : i32
    %c0_i32_0 = arith.constant 0 : i32
    %c0_i32_1 = arith.constant 0 : i32
    return %c0_i32, %c0_i32_0 : i32, i32
  }
  func.func @transform_9(%arg0: i32) -> (i32, i32) {
    %c0_i32 = arith.constant 0 : i32
    %c0_i32_0 = arith.constant 0 : i32
    %c0_i32_1 = arith.constant 0 : i32
    return %c0_i32, %c0_i32_0 : i32, i32
  }
  func.func @transform_10(%arg0: i32) -> (i32, i32) {
    %c0_i32 = arith.constant 0 : i32
    %c0_i32_0 = arith.constant 0 : i32
    %c0_i32_1 = arith.constant 0 : i32
    return %c0_i32, %c0_i32_0 : i32, i32
  }
  func.func @transform_11(%arg0: i32) -> (i32, i32) {
    %c0_i32 = arith.constant 0 : i32
    %c0_i32_0 = arith.constant 0 : i32
    %c0_i32_1 = arith.constant 0 : i32
    return %c0_i32, %c0_i32_0 : i32, i32
  }
  func.func @transform_12(%arg0: i32) -> (i32, i32) {
    %c0_i32 = arith.constant 0 : i32
    %c0_i32_0 = arith.constant 0 : i32
    %c0_i32_1 = arith.constant 0 : i32
    return %c0_i32, %c0_i32_0 : i32, i32
  }
  func.func @transform_13(%arg0: i32) -> (i32, i32) {
    %c0_i32 = arith.constant 0 : i32
    %c0_i32_0 = arith.constant 0 : i32
    %c0_i32_1 = arith.constant 0 : i32
    return %c0_i32, %c0_i32_0 : i32, i32
  }
  func.func @transform_14(%arg0: i32) -> (i32, i32) {
    %c0_i32 = arith.constant 0 : i32
    %c0_i32_0 = arith.constant 0 : i32
    %c0_i32_1 = arith.constant 0 : i32
    return %c0_i32, %c0_i32_0 : i32, i32
  }
  func.func @transform_15(%arg0: i32) -> (i32, i32) {
    %c0_i32 = arith.constant 0 : i32
    %c0_i32_0 = arith.constant 0 : i32
    %c0_i32_1 = arith.constant 0 : i32
    return %c0_i32, %c0_i32_0 : i32, i32
  }
  func.func @transform_16(%arg0: i32) -> (i32, i32) {
    %c0_i32 = arith.constant 0 : i32
    %c0_i32_0 = arith.constant 0 : i32
    %c0_i32_1 = arith.constant 0 : i32
    return %c0_i32, %c0_i32_0 : i32, i32
  }
  func.func @transform_17(%arg0: i32) -> (i32, i32) {
    %c0_i32 = arith.constant 0 : i32
    %c0_i32_0 = arith.constant 0 : i32
    %c0_i32_1 = arith.constant 0 : i32
    return %c0_i32, %c0_i32_0 : i32, i32
  }
  func.func @transform_18(%arg0: i32) -> (i32, i32) {
    %c0_i32 = arith.constant 0 : i32
    %c0_i32_0 = arith.constant 0 : i32
    %c0_i32_1 = arith.constant 0 : i32
    return %c0_i32, %c0_i32_0 : i32, i32
  }
  func.func @transform_19(%arg0: i32) -> (i32, i32) {
    %c0_i32 = arith.constant 0 : i32
    %c0_i32_0 = arith.constant 0 : i32
    %c0_i32_1 = arith.constant 0 : i32
    return %c0_i32, %c0_i32_0 : i32, i32
  }
  func.func @transform_20(%arg0: i32) -> (i32, i32) {
    %c0_i32 = arith.constant 0 : i32
    %c0_i32_0 = arith.constant 0 : i32
    %c0_i32_1 = arith.constant 0 : i32
    return %c0_i32, %c0_i32_0 : i32, i32
  }
  func.func @transform_21(%arg0: i32) -> (i32, i32) {
    %c0_i32 = arith.constant 0 : i32
    %c0_i32_0 = arith.constant 0 : i32
    %c0_i32_1 = arith.constant 0 : i32
    return %c0_i32, %c0_i32_0 : i32, i32
  }
  func.func @transform_22(%arg0: i32) -> (i32, i32) {
    %c0_i32 = arith.constant 0 : i32
    %c0_i32_0 = arith.constant 0 : i32
    return %arg0, %c0_i32 : i32, i32
  }
}

module attributes {stable_mosaic.version = 14 : i64} {
  func.func @_edge_block_kernel(%arg0: i32, %arg1: memref<80x128xf32, #tpu.memory_space<vmem>>, %arg2: memref<128x1280xf32, #tpu.memory_space<vmem>>, %arg3: memref<1280x128xf32, #tpu.memory_space<vmem>>, %arg4: memref<128x128xf32, #tpu.memory_space<vmem>>, %arg5: memref<128x128xf32, #tpu.memory_space<vmem>>, %arg6: memref<128x128xf32, #tpu.memory_space<vmem>>, %arg7: memref<1x128xf32, #tpu.memory_space<vmem>>, %arg8: memref<128x128xf32, #tpu.memory_space<vmem>>, %arg9: memref<1x128xf32, #tpu.memory_space<vmem>>, %arg10: memref<128x128xf32, #tpu.memory_space<vmem>>, %arg11: memref<1x128xf32, #tpu.memory_space<vmem>>, %arg12: memref<128x128xf32, #tpu.memory_space<vmem>>, %arg13: memref<1x128xf32, #tpu.memory_space<vmem>>, %arg14: memref<1x128xf32, #tpu.memory_space<vmem>>, %arg15: memref<1x128xf32, #tpu.memory_space<vmem>>, %arg16: memref<1280x128xf32, #tpu.memory_space<vmem>>) attributes {dimension_semantics = [#tpu.dimension_semantics<arbitrary>], iteration_bounds = array<i64: 125>, scalar_prefetch = 0 : i64, scratch_operands = 0 : i64, tpu.core_type = #tpu.core_type<tc>, window_params = [{transform_indices = @transform_0, window_bounds = array<i64: 80, 128>}, {transform_indices = @transform_1, window_bounds = array<i64: 128, 1280>}, {transform_indices = @transform_2, window_bounds = array<i64: 1280, 128>}, {pipeline_mode = #tpu.pipeline_mode<synchronous>, transform_indices = @transform_3, window_bounds = array<i64: 128, 128>}, {pipeline_mode = #tpu.pipeline_mode<synchronous>, transform_indices = @transform_4, window_bounds = array<i64: 128, 128>}, {pipeline_mode = #tpu.pipeline_mode<synchronous>, transform_indices = @transform_5, window_bounds = array<i64: 128, 128>}, {pipeline_mode = #tpu.pipeline_mode<synchronous>, transform_indices = @transform_6, window_bounds = array<i64: 1, 128>}, {pipeline_mode = #tpu.pipeline_mode<synchronous>, transform_indices = @transform_7, window_bounds = array<i64: 128, 128>}, {pipeline_mode = #tpu.pipeline_mode<synchronous>, transform_indices = @transform_8, window_bounds = array<i64: 1, 128>}, {pipeline_mode = #tpu.pipeline_mode<synchronous>, transform_indices = @transform_9, window_bounds = array<i64: 128, 128>}, {pipeline_mode = #tpu.pipeline_mode<synchronous>, transform_indices = @transform_10, window_bounds = array<i64: 1, 128>}, {pipeline_mode = #tpu.pipeline_mode<synchronous>, transform_indices = @transform_11, window_bounds = array<i64: 128, 128>}, {pipeline_mode = #tpu.pipeline_mode<synchronous>, transform_indices = @transform_12, window_bounds = array<i64: 1, 128>}, {pipeline_mode = #tpu.pipeline_mode<synchronous>, transform_indices = @transform_13, window_bounds = array<i64: 1, 128>}, {pipeline_mode = #tpu.pipeline_mode<synchronous>, transform_indices = @transform_14, window_bounds = array<i64: 1, 128>}, {transform_indices = @transform_15, window_bounds = array<i64: 1280, 128>}]} {
    %get3A = arith.constant 0 : index
    %get3A_0 = arith.constant 0 : index
    %get3A_1 = vector.load %arg1[%get3A, %get3A_0] : memref<80x128xf32, #tpu.memory_space<vmem>>, vector<80x128xf32>
    %get3A_2 = arith.constant 0 : index
    %get3A_3 = arith.constant 0 : index
    %get3A_4 = vector.load %arg2[%get3A_2, %get3A_3] : memref<128x1280xf32, #tpu.memory_space<vmem>>, vector<128x1280xf32>
    %get3A_5 = arith.constant 0 : index
    %get3A_6 = arith.constant 0 : index
    %get3A_7 = vector.load %arg3[%get3A_5, %get3A_6] : memref<1280x128xf32, #tpu.memory_space<vmem>>, vector<1280x128xf32>
    %iota3A = tpu.iota {dimensions = array<i32: 0>} : vector<1280x80xi32>
    %jit3A = arith.constant 16 : i32
    %div3A = vector.broadcast %jit3A : i32 to vector<1280x80xi32>
    %div3A_8 = arith.divsi %iota3A, %div3A : vector<1280x80xi32>
    %sign3A = arith.constant 0 : i32
    %sign3A_9 = vector.broadcast %sign3A : i32 to vector<1280x80xi32>
    %sign3A_10 = arith.cmpi sgt, %iota3A, %sign3A_9 : vector<1280x80xi32>
    %sign3A_11 = arith.extui %sign3A_10 : vector<1280x80xi1> to vector<1280x80xi32>
    %sign3A_12 = arith.constant 0 : i32
    %sign3A_13 = vector.broadcast %sign3A_12 : i32 to vector<1280x80xi32>
    %sign3A_14 = arith.cmpi slt, %iota3A, %sign3A_13 : vector<1280x80xi32>
    %sign3A_15 = arith.extui %sign3A_14 : vector<1280x80xi1> to vector<1280x80xi32>
    %sign3A_16 = arith.subi %sign3A_11, %sign3A_15 : vector<1280x80xi32>
    %sign3A_17 = arith.constant 0 : i32
    %sign3A_18 = arith.cmpi sgt, %jit3A, %sign3A_17 : i32
    %sign3A_19 = arith.extui %sign3A_18 : i1 to i32
    %sign3A_20 = arith.constant 0 : i32
    %sign3A_21 = arith.cmpi slt, %jit3A, %sign3A_20 : i32
    %sign3A_22 = arith.extui %sign3A_21 : i1 to i32
    %sign3A_23 = arith.subi %sign3A_19, %sign3A_22 : i32
    %ne3A = vector.broadcast %sign3A_23 : i32 to vector<1280x80xi32>
    %ne3A_24 = arith.cmpi ne, %sign3A_16, %ne3A : vector<1280x80xi32>
    %rem3A = vector.broadcast %jit3A : i32 to vector<1280x80xi32>
    %rem3A_25 = arith.remsi %iota3A, %rem3A : vector<1280x80xi32>
    %ne3A_26 = arith.constant 0 : i32
    %ne3A_27 = vector.broadcast %ne3A_26 : i32 to vector<1280x80xi32>
    %ne3A_28 = arith.cmpi ne, %rem3A_25, %ne3A_27 : vector<1280x80xi32>
    %and3A = arith.andi %ne3A_24, %ne3A_28 : vector<1280x80xi1>
    %sub3A = arith.constant 1 : i32
    %sub3A_29 = vector.broadcast %sub3A : i32 to vector<1280x80xi32>
    %sub3A_30 = arith.subi %div3A_8, %sub3A_29 : vector<1280x80xi32>
    %select_n3A = arith.select %and3A, %sub3A_30, %div3A_8 : vector<1280x80xi1>, vector<1280x80xi32>
    %iota3A_31 = tpu.iota {dimensions = array<i32: 1>} : vector<1280x80xi32>
    %eq3A = arith.cmpi eq, %select_n3A, %iota3A_31 : vector<1280x80xi32>
    %convert_element_type3A = arith.extui %eq3A : vector<1280x80xi1> to vector<1280x80xi32>
    %convert_element_type3A_32 = arith.sitofp %convert_element_type3A : vector<1280x80xi32> to vector<1280x80xf32>
    %get3A_33 = arith.constant 0 : index
    %get3A_34 = arith.constant 0 : index
    %get3A_35 = vector.load %arg4[%get3A_33, %get3A_34] : memref<128x128xf32, #tpu.memory_space<vmem>>, vector<128x128xf32>
    %dot_general3A = arith.constant dense<0.000000e+00> : vector<80x128xf32>
    %dot_general3A_36 = tpu.matmul %get3A_1, %get3A_35, %dot_general3A {dimension_numbers = #tpu.dot_dimension_numbers<[1], [0], [0], [1], [0, 0, 1, 1], [], []>, transpose_lhs_hint = false} : vector<80x128xf32>, vector<128x128xf32>, vector<80x128xf32> -> vector<80x128xf32>
    %dot_general3A_37 = arith.constant dense<0.000000e+00> : vector<1280x128xf32>
    %dot_general3A_38 = tpu.matmul %convert_element_type3A_32, %dot_general3A_36, %dot_general3A_37 {dimension_numbers = #tpu.dot_dimension_numbers<[1], [0], [0], [1], [0, 0, 1, 1], [], []>, transpose_lhs_hint = false} : vector<1280x80xf32>, vector<80x128xf32>, vector<1280x128xf32> -> vector<1280x128xf32>
    %get3A_39 = arith.constant 0 : index
    %get3A_40 = arith.constant 0 : index
    %get3A_41 = vector.load %arg5[%get3A_39, %get3A_40] : memref<128x128xf32, #tpu.memory_space<vmem>>, vector<128x128xf32>
    %dot_general3A_42 = arith.constant dense<0.000000e+00> : vector<1280x128xf32>
    %dot_general3A_43 = tpu.matmul %get3A_4, %get3A_41, %dot_general3A_42 {dimension_numbers = #tpu.dot_dimension_numbers<[0], [0], [1], [1], [0, 1, 1, 1], [], []>, transpose_lhs_hint = false} : vector<128x1280xf32>, vector<128x128xf32>, vector<1280x128xf32> -> vector<1280x128xf32>
    %add3A = arith.addf %dot_general3A_38, %dot_general3A_43 : vector<1280x128xf32>
    %get3A_44 = arith.constant 0 : index
    %get3A_45 = arith.constant 0 : index
    %get3A_46 = vector.load %arg6[%get3A_44, %get3A_45] : memref<128x128xf32, #tpu.memory_space<vmem>>, vector<128x128xf32>
    %dot_general3A_47 = arith.constant dense<0.000000e+00> : vector<1280x128xf32>
    %dot_general3A_48 = tpu.matmul %get3A_7, %get3A_46, %dot_general3A_47 {dimension_numbers = #tpu.dot_dimension_numbers<[1], [0], [0], [1], [0, 0, 1, 1], [], []>, transpose_lhs_hint = false} : vector<1280x128xf32>, vector<128x128xf32>, vector<1280x128xf32> -> vector<1280x128xf32>
    %add3A_49 = arith.addf %add3A, %dot_general3A_48 : vector<1280x128xf32>
    %get3A_50 = arith.constant 0 : index
    %get3A_51 = arith.constant 0 : index
    %get3A_52 = vector.load %arg7[%get3A_50, %get3A_51] : memref<1x128xf32, #tpu.memory_space<vmem>>, vector<1x128xf32>
    %add3A_53 = vector.broadcast %get3A_52 : vector<1x128xf32> to vector<1280x128xf32>
    %add3A_54 = arith.addf %add3A_49, %add3A_53 : vector<1280x128xf32>
    %logistic3A = arith.negf %add3A_54 : vector<1280x128xf32>
    %logistic3A_55 = math.exp %logistic3A : vector<1280x128xf32>
    %logistic3A_56 = arith.constant 1.000000e+00 : f32
    %logistic3A_57 = vector.broadcast %logistic3A_56 : f32 to vector<1280x128xf32>
    %logistic3A_58 = arith.addf %logistic3A_57, %logistic3A_55 : vector<1280x128xf32>
    %logistic3A_59 = arith.divf %logistic3A_57, %logistic3A_58 : vector<1280x128xf32>
    %mul3A = arith.mulf %add3A_54, %logistic3A_59 : vector<1280x128xf32>
    %get3A_60 = arith.constant 0 : index
    %get3A_61 = arith.constant 0 : index
    %get3A_62 = vector.load %arg8[%get3A_60, %get3A_61] : memref<128x128xf32, #tpu.memory_space<vmem>>, vector<128x128xf32>
    %dot_general3A_63 = arith.constant dense<0.000000e+00> : vector<1280x128xf32>
    %dot_general3A_64 = tpu.matmul %mul3A, %get3A_62, %dot_general3A_63 {dimension_numbers = #tpu.dot_dimension_numbers<[1], [0], [0], [1], [0, 0, 1, 1], [], []>, transpose_lhs_hint = false} : vector<1280x128xf32>, vector<128x128xf32>, vector<1280x128xf32> -> vector<1280x128xf32>
    %get3A_65 = arith.constant 0 : index
    %get3A_66 = arith.constant 0 : index
    %get3A_67 = vector.load %arg9[%get3A_65, %get3A_66] : memref<1x128xf32, #tpu.memory_space<vmem>>, vector<1x128xf32>
    %add3A_68 = vector.broadcast %get3A_67 : vector<1x128xf32> to vector<1280x128xf32>
    %add3A_69 = arith.addf %dot_general3A_64, %add3A_68 : vector<1280x128xf32>
    %logistic3A_70 = arith.negf %add3A_69 : vector<1280x128xf32>
    %logistic3A_71 = math.exp %logistic3A_70 : vector<1280x128xf32>
    %logistic3A_72 = arith.constant 1.000000e+00 : f32
    %logistic3A_73 = vector.broadcast %logistic3A_72 : f32 to vector<1280x128xf32>
    %logistic3A_74 = arith.addf %logistic3A_73, %logistic3A_71 : vector<1280x128xf32>
    %logistic3A_75 = arith.divf %logistic3A_73, %logistic3A_74 : vector<1280x128xf32>
    %mul3A_76 = arith.mulf %add3A_69, %logistic3A_75 : vector<1280x128xf32>
    %get3A_77 = arith.constant 0 : index
    %get3A_78 = arith.constant 0 : index
    %get3A_79 = vector.load %arg10[%get3A_77, %get3A_78] : memref<128x128xf32, #tpu.memory_space<vmem>>, vector<128x128xf32>
    %dot_general3A_80 = arith.constant dense<0.000000e+00> : vector<1280x128xf32>
    %dot_general3A_81 = tpu.matmul %mul3A_76, %get3A_79, %dot_general3A_80 {dimension_numbers = #tpu.dot_dimension_numbers<[1], [0], [0], [1], [0, 0, 1, 1], [], []>, transpose_lhs_hint = false} : vector<1280x128xf32>, vector<128x128xf32>, vector<1280x128xf32> -> vector<1280x128xf32>
    %get3A_82 = arith.constant 0 : index
    %get3A_83 = arith.constant 0 : index
    %get3A_84 = vector.load %arg11[%get3A_82, %get3A_83] : memref<1x128xf32, #tpu.memory_space<vmem>>, vector<1x128xf32>
    %add3A_85 = vector.broadcast %get3A_84 : vector<1x128xf32> to vector<1280x128xf32>
    %add3A_86 = arith.addf %dot_general3A_81, %add3A_85 : vector<1280x128xf32>
    %logistic3A_87 = arith.negf %add3A_86 : vector<1280x128xf32>
    %logistic3A_88 = math.exp %logistic3A_87 : vector<1280x128xf32>
    %logistic3A_89 = arith.constant 1.000000e+00 : f32
    %logistic3A_90 = vector.broadcast %logistic3A_89 : f32 to vector<1280x128xf32>
    %logistic3A_91 = arith.addf %logistic3A_90, %logistic3A_88 : vector<1280x128xf32>
    %logistic3A_92 = arith.divf %logistic3A_90, %logistic3A_91 : vector<1280x128xf32>
    %mul3A_93 = arith.mulf %add3A_86, %logistic3A_92 : vector<1280x128xf32>
    %get3A_94 = arith.constant 0 : index
    %get3A_95 = arith.constant 0 : index
    %get3A_96 = vector.load %arg12[%get3A_94, %get3A_95] : memref<128x128xf32, #tpu.memory_space<vmem>>, vector<128x128xf32>
    %dot_general3A_97 = arith.constant dense<0.000000e+00> : vector<1280x128xf32>
    %dot_general3A_98 = tpu.matmul %mul3A_93, %get3A_96, %dot_general3A_97 {dimension_numbers = #tpu.dot_dimension_numbers<[1], [0], [0], [1], [0, 0, 1, 1], [], []>, transpose_lhs_hint = false} : vector<1280x128xf32>, vector<128x128xf32>, vector<1280x128xf32> -> vector<1280x128xf32>
    %get3A_99 = arith.constant 0 : index
    %get3A_100 = arith.constant 0 : index
    %get3A_101 = vector.load %arg13[%get3A_99, %get3A_100] : memref<1x128xf32, #tpu.memory_space<vmem>>, vector<1x128xf32>
    %add3A_102 = vector.broadcast %get3A_101 : vector<1x128xf32> to vector<1280x128xf32>
    %add3A_103 = arith.addf %dot_general3A_98, %add3A_102 : vector<1280x128xf32>
    %add3A_104 = arith.addf %get3A_7, %add3A_103 : vector<1280x128xf32>
    %get3A_105 = arith.constant 0 : index
    %get3A_106 = arith.constant 0 : index
    %get3A_107 = vector.load %arg14[%get3A_105, %get3A_106] : memref<1x128xf32, #tpu.memory_space<vmem>>, vector<1x128xf32>
    %get3A_108 = arith.constant 0 : index
    %get3A_109 = arith.constant 0 : index
    %get3A_110 = vector.load %arg15[%get3A_108, %get3A_109] : memref<1x128xf32, #tpu.memory_space<vmem>>, vector<1x128xf32>
    %reduce_sum3A = arith.constant dense<0.000000e+00> : vector<1280xf32>
    %reduce_sum3A_111 = vector.multi_reduction <add>, %add3A_104, %reduce_sum3A [1] : vector<1280x128xf32> to vector<1280xf32>
    %broadcast_in_dim3A = vector.shape_cast %reduce_sum3A_111 : vector<1280xf32> to vector<1280x1xf32>
    %div3A_112 = arith.constant 1.280000e+02 : f32
    %div3A_113 = vector.broadcast %div3A_112 : f32 to vector<1280x1xf32>
    %div3A_114 = arith.divf %broadcast_in_dim3A, %div3A_113 : vector<1280x1xf32>
    %sub3A_115 = vector.broadcast %div3A_114 : vector<1280x1xf32> to vector<1280x128xf32>
    %sub3A_116 = arith.subf %add3A_104, %sub3A_115 : vector<1280x128xf32>
    %integer_pow3A = arith.mulf %sub3A_116, %sub3A_116 : vector<1280x128xf32>
    %reduce_sum3A_117 = arith.constant dense<0.000000e+00> : vector<1280xf32>
    %reduce_sum3A_118 = vector.multi_reduction <add>, %integer_pow3A, %reduce_sum3A_117 [1] : vector<1280x128xf32> to vector<1280xf32>
    %broadcast_in_dim3A_119 = vector.shape_cast %reduce_sum3A_118 : vector<1280xf32> to vector<1280x1xf32>
    %div3A_120 = arith.constant 1.280000e+02 : f32
    %div3A_121 = vector.broadcast %div3A_120 : f32 to vector<1280x1xf32>
    %div3A_122 = arith.divf %broadcast_in_dim3A_119, %div3A_121 : vector<1280x1xf32>
    %sub3A_123 = vector.broadcast %div3A_114 : vector<1280x1xf32> to vector<1280x128xf32>
    %sub3A_124 = arith.subf %add3A_104, %sub3A_123 : vector<1280x128xf32>
    %add3A_125 = arith.constant 9.99999974E-6 : f32
    %add3A_126 = vector.broadcast %add3A_125 : f32 to vector<1280x1xf32>
    %add3A_127 = arith.addf %div3A_122, %add3A_126 : vector<1280x1xf32>
    %sqrt3A = math.sqrt %add3A_127 : vector<1280x1xf32>
    %div3A_128 = vector.broadcast %sqrt3A : vector<1280x1xf32> to vector<1280x128xf32>
    %div3A_129 = arith.divf %sub3A_124, %div3A_128 : vector<1280x128xf32>
    %mul3A_130 = vector.broadcast %get3A_107 : vector<1x128xf32> to vector<1280x128xf32>
    %mul3A_131 = arith.mulf %div3A_129, %mul3A_130 : vector<1280x128xf32>
    %add3A_132 = vector.broadcast %get3A_110 : vector<1x128xf32> to vector<1280x128xf32>
    %add3A_133 = arith.addf %mul3A_131, %add3A_132 : vector<1280x128xf32>
    %swap3A = arith.constant 0 : index
    %swap3A_134 = arith.constant 0 : index
    %swap3A_135 = vector.load %arg16[%swap3A, %swap3A_134] : memref<1280x128xf32, #tpu.memory_space<vmem>>, vector<1280x128xf32>
    tpu.vector_store %arg16[%swap3A, %swap3A_134], %add3A_133 {strides = array<i32>} : memref<1280x128xf32, #tpu.memory_space<vmem>>, vector<1280x128xf32>,
    return
  }
  func.func @transform_0(%arg0: i32) -> (i32, i32) {
    %c0_i32 = arith.constant 0 : i32
    %c0_i32_0 = arith.constant 0 : i32
    return %arg0, %c0_i32 : i32, i32
  }
  func.func @transform_1(%arg0: i32) -> (i32, i32) {
    %c0_i32 = arith.constant 0 : i32
    %c0_i32_0 = arith.constant 0 : i32
    return %c0_i32, %arg0 : i32, i32
  }
  func.func @transform_2(%arg0: i32) -> (i32, i32) {
    %c0_i32 = arith.constant 0 : i32
    %c0_i32_0 = arith.constant 0 : i32
    return %arg0, %c0_i32 : i32, i32
  }
  func.func @transform_3(%arg0: i32) -> (i32, i32) {
    %c0_i32 = arith.constant 0 : i32
    %c0_i32_0 = arith.constant 0 : i32
    %c0_i32_1 = arith.constant 0 : i32
    return %c0_i32, %c0_i32_0 : i32, i32
  }
  func.func @transform_4(%arg0: i32) -> (i32, i32) {
    %c0_i32 = arith.constant 0 : i32
    %c0_i32_0 = arith.constant 0 : i32
    %c0_i32_1 = arith.constant 0 : i32
    return %c0_i32, %c0_i32_0 : i32, i32
  }
  func.func @transform_5(%arg0: i32) -> (i32, i32) {
    %c0_i32 = arith.constant 0 : i32
    %c0_i32_0 = arith.constant 0 : i32
    %c0_i32_1 = arith.constant 0 : i32
    return %c0_i32, %c0_i32_0 : i32, i32
  }
  func.func @transform_6(%arg0: i32) -> (i32, i32) {
    %c0_i32 = arith.constant 0 : i32
    %c0_i32_0 = arith.constant 0 : i32
    %c0_i32_1 = arith.constant 0 : i32
    return %c0_i32, %c0_i32_0 : i32, i32
  }
  func.func @transform_7(%arg0: i32) -> (i32, i32) {
    %c0_i32 = arith.constant 0 : i32
    %c0_i32_0 = arith.constant 0 : i32
    %c0_i32_1 = arith.constant 0 : i32
    return %c0_i32, %c0_i32_0 : i32, i32
  }
  func.func @transform_8(%arg0: i32) -> (i32, i32) {
    %c0_i32 = arith.constant 0 : i32
    %c0_i32_0 = arith.constant 0 : i32
    %c0_i32_1 = arith.constant 0 : i32
    return %c0_i32, %c0_i32_0 : i32, i32
  }
  func.func @transform_9(%arg0: i32) -> (i32, i32) {
    %c0_i32 = arith.constant 0 : i32
    %c0_i32_0 = arith.constant 0 : i32
    %c0_i32_1 = arith.constant 0 : i32
    return %c0_i32, %c0_i32_0 : i32, i32
  }
  func.func @transform_10(%arg0: i32) -> (i32, i32) {
    %c0_i32 = arith.constant 0 : i32
    %c0_i32_0 = arith.constant 0 : i32
    %c0_i32_1 = arith.constant 0 : i32
    return %c0_i32, %c0_i32_0 : i32, i32
  }
  func.func @transform_11(%arg0: i32) -> (i32, i32) {
    %c0_i32 = arith.constant 0 : i32
    %c0_i32_0 = arith.constant 0 : i32
    %c0_i32_1 = arith.constant 0 : i32
    return %c0_i32, %c0_i32_0 : i32, i32
  }
  func.func @transform_12(%arg0: i32) -> (i32, i32) {
    %c0_i32 = arith.constant 0 : i32
    %c0_i32_0 = arith.constant 0 : i32
    %c0_i32_1 = arith.constant 0 : i32
    return %c0_i32, %c0_i32_0 : i32, i32
  }
  func.func @transform_13(%arg0: i32) -> (i32, i32) {
    %c0_i32 = arith.constant 0 : i32
    %c0_i32_0 = arith.constant 0 : i32
    %c0_i32_1 = arith.constant 0 : i32
    return %c0_i32, %c0_i32_0 : i32, i32
  }
  func.func @transform_14(%arg0: i32) -> (i32, i32) {
    %c0_i32 = arith.constant 0 : i32
    %c0_i32_0 = arith.constant 0 : i32
    %c0_i32_1 = arith.constant 0 : i32
    return %c0_i32, %c0_i32_0 : i32, i32
  }
  func.func @transform_15(%arg0: i32) -> (i32, i32) {
    %c0_i32 = arith.constant 0 : i32
    %c0_i32_0 = arith.constant 0 : i32
    return %arg0, %c0_i32 : i32, i32
  }
}

</mosaic_0001>

<sc_bundles>
// kernel: kernel.6.cloned.1.call-start
scs
__scs_entry_jumppad:
0x0: {  	(pc) =	sbr.rel $0x88, $3  }
0x1: {  	(tag) =	ssettag $0x0;
	lr =	simm.s32 $0x1  }
0x2: {  	[smem:$0x3F83] =	sst lr;
	_ =	strace $0xD0000000  }
0x3: {  	_ = 	snop  }
0x4: {  	_ = 	snop  }
0x5: {  	_ = 	snop  }
0x6: {  	_ = 	snop  }
0x7: {  	_ = 	snop  }
__scs_overlays_trampoline_lowered:
0x8: {  	[smem:$0x3F92] =	sst s0  }
0x9: {  	[smem:$0x3F93] =	sst s1  }
0xa: {  	[smem:$0x3F94] =	sst s2  }
0xb: {  	[smem:$0x3F95] =	sst s3  }
0xc: {  	[smem:$0x3F96] =	sst s4  }
0xd: {  	[smem:$0x3F97] =	sst s5  }
0xe: {  	[smem:$0x3F98] =	sst s6  }
0xf: {  	[smem:$0x3F99] =	sst s7  }
0x10: {  	[smem:$0x3F9A] =	sst s8  }
0x11: {  	[smem:$0x3F9B] =	sst s9;
	s0 =	simm.s32 @!p0 $0x0  }
0x12: {  	s1 =	sld [smem:$0x3F81];
	s0 =	simm.s32 @p0 $0x1  }
0x13: {  	[smem:$0x3F9C] =	sst s0;
	s0 =	simm.s32 @!p1 $0x0  }
0x14: {  	s2 =	sld [smem:$0x3F80];
	s0 =	simm.s32 @p1 $0x1  }
0x15: {  	[smem:$0x3F9D] =	sst s0;
	s0 =	simm.s32 @!p2 $0x0  }
0x16: {  	s3 =	sld [smem:$0x3FDB];
	s0 =	simm.s32 @p2 $0x1  }
0x17: {  	s4 =	simm.s32 $0x1BF5;
	[smem:$0x3F9F] =	sst s0  }
0x18: {  	s0 =	sld [smem:$0x3F82];
	_ =	swait.ge [sflag:s4], $0x0  }
0x19: {  	s7 =	sld [smem:$0x3F83]  }
0x1a: {  	s8 =	sadd.s32 $0xFFFFE003, lr  }
0x1b: {  	s9 =	sadd.s32 $0xFFFFFEF7, lr;
	s5 =	simm.s32 $0xFFFFFFFF;
	p2 =	slt.u32 s8, $0xFFFFF086  }
0x1c: {  	p1 =	slt.u32 s9, $0xF7A;
	s5 =	simm.s32 @!p2 $0x0  }
0x1d: {  	s5 =	simm.s32 @p1 $0x1;
	p0 =	seq.s32 s7, s2  }
0x1e: {  	s7 =	smul.u32 @!p0 $0xF7A, s2;
	p2 =	seq.s32 @!p0 s5, $0x0  }
0x1f: {  	s9 =	smul.u32 $0xF7A, s1;
	s8 =	simm.s32 @!p0 $0x1BF5;
	p2 =	por !p2, p0  }
0x20: {  	[sflag:s8] =	ssyncset.s32 @!p0 $0xFFFFF086;
	s6 =	sadd.s32 @!p0 s3, s7;
	s7 =	simm.s32 @!p0 $0x108  }
0x21: {  	s3 =	sadd.s32 s3, s9;
	s6 =	sadd.s32 @!p0 $0x88, s6;
	s7 =	simm.s32 @p2 $0x1082  }
0x22: {  	[simem:s7], [sflag:s8] =	dma.local @!p0 [hbm:s6], $0xF7A  }
0x23: {  	s9 =	sor.u32 $0xD0000000, s2;
	s6 =	simm.s32 $0x108;
	_ =	swait.ge @!p0 [sflag:s8], $0x0  }
0x24: {  	s3 =	sadd.s32 $0x88, s3;
	s6 =	simm.s32 @!p1 $0x1082;
	[sflag:s4] =	ssyncset.s32 $0xFFFFF086  }
0x25: {  	[simem:s6], [sflag:s4] =	dma.local [hbm:s3], $0xF7A  }
0x26: {  	[smem:$0x3F83] =	sst s1;
	(tag) =	ssettag s2;
	_ =	strace s9  }
0x27: {  	s1 =	sld [smem:$0x3F93]  }
0x28: {  	s2 =	sld [smem:$0x3F94]  }
0x29: {  	s4 =	sld [smem:$0x3F96]  }
0x2a: {  	p0 =	seq.s32 s5, $0x0;
	s5 =	sld [smem:$0x3F97]  }
0x2b: {  	s6 =	sld [smem:$0x3F98]  }
0x2c: {  	s7 =	sld [smem:$0x3F99]  }
0x2d: {  	s3 =	simm.s32 $0x108;
	s8 =	sld [smem:$0x3F9A]  }
0x2e: {  	s3 =	simm.s32 @!p0 $0x1082;
	s9 =	sld [smem:$0x3F9B]  }
0x2f: {  	lr =	sadd.s32 s0, s3;
	s0 =	sld [smem:$0x3F92]  }
0x30: {  	s3 =	sld [smem:$0x3F95]  }
0x31: {  	[smem:$0x3F9E] =	sst s10  }
0x32: {  	s10 =	sld [smem:$0x3F9C];
	_ =	sdelay $0x3  }
0x33: {  	p0 =	seq.s32 s10, $0x1;
	s10 =	sld [smem:$0x3F9E];
	_ =	sdelay $0x3  }
0x34: {  	[smem:$0x3F9E] =	sst s10  }
0x35: {  	s10 =	sld [smem:$0x3F9D];
	_ =	sdelay $0x3  }
0x36: {  	p1 =	seq.s32 s10, $0x1;
	s10 =	sld [smem:$0x3F9E];
	_ =	sdelay $0x3  }
0x37: {  	[smem:$0x3F9E] =	sst s10  }
0x38: {  	s10 =	sld [smem:$0x3F9F]  }
0x39: {  	_ = 	snop;
	(pc) =	sbr.ind lr, $3  }
0x3a: {  	_ = 	snop  }
0x3b: {  	_ = 	snop  }
0x3c: {  	p2 =	seq.s32 s10, $0x1;
	s10 =	sld [smem:$0x3F9E]  }
0x3d: {  	_ =	shalt  }
0x3e: {  	_ =	shalt  }
0x3f: {  	_ =	shalt  }
0x40: {  	_ =	shalt  }
0x41: {  	_ =	shalt  }
0x42: {  	_ =	shalt  }
0x43: {  	_ =	shalt  }
0x44: {  	_ =	shalt  }
0x45: {  	_ =	shalt  }
0x46: {  	_ =	shalt  }
0x47: {  	_ =	shalt  }
0x48: {  	_ =	shalt  }
0x49: {  	_ =	shalt  }
0x4a: {  	_ =	shalt  }
0x4b: {  	_ =	shalt  }
0x4c: {  	_ =	shalt  }
0x4d: {  	_ =	shalt  }
0x4e: {  	_ =	shalt  }
0x4f: {  	_ =	shalt  }
0x50: {  	_ =	shalt  }
0x51: {  	_ =	shalt  }
0x52: {  	_ =	shalt  }
0x53: {  	_ =	shalt  }
0x54: {  	_ =	shalt  }
0x55: {  	_ =	shalt  }
0x56: {  	_ =	shalt  }
0x57: {  	_ =	shalt  }
0x58: {  	_ =	shalt  }
0x59: {  	_ =	shalt  }
0x5a: {  	_ =	shalt  }
0x5b: {  	_ =	shalt  }
0x5c: {  	_ =	shalt  }
0x5d: {  	_ =	shalt  }
0x5e: {  	_ =	shalt  }
0x5f: {  	_ =	shalt  }
0x60: {  	_ =	shalt  }
0x61: {  	_ =	shalt  }
0x62: {  	_ =	shalt  }
0x63: {  	_ =	shalt  }
0x64: {  	_ =	shalt  }
0x65: {  	_ =	shalt  }
0x66: {  	_ =	shalt  }
0x67: {  	_ =	shalt  }
0x68: {  	_ =	shalt  }
0x69: {  	_ =	shalt  }
0x6a: {  	_ =	shalt  }
0x6b: {  	_ =	shalt  }
0x6c: {  	_ =	shalt  }
0x6d: {  	_ =	shalt  }
0x6e: {  	_ =	shalt  }
0x6f: {  	_ =	shalt  }
0x70: {  	_ =	shalt  }
0x71: {  	_ =	shalt  }
0x72: {  	_ =	shalt  }
0x73: {  	_ =	shalt  }
0x74: {  	_ =	shalt  }
0x75: {  	_ =	shalt  }
0x76: {  	_ =	shalt  }
0x77: {  	_ =	shalt  }
0x78: {  	_ =	shalt  }
0x79: {  	_ =	shalt  }
0x7a: {  	_ =	shalt  }
0x7b: {  	_ =	shalt  }
0x7c: {  	_ =	shalt  }
0x7d: {  	_ =	shalt  }
0x7e: {  	_ =	shalt  }
0x7f: {  	_ =	shalt  }
0x80: {  	_ =	shalt  }
0x81: {  	_ =	shalt  }
0x82: {  	_ =	shalt  }
0x83: {  	_ =	shalt  }
0x84: {  	_ =	shalt  }
0x85: {  	_ =	shalt  }
0x86: {  	_ =	shalt  }
0x87: {  	_ =	shalt  }
.Lfunc_end0:
.L_simem_size_0:
called_computation.1_lowered:
.L_overlay_start_0:
0x88: {  	s2 =	sld [smem:$0x3FD9]  }
0x89: {  	s3 =	sld [smem:$0x3FFE];
	_ =	sdelay $0x1  }
0x8a: {  	s1 =	srdreg.scid  }
0x8b: {  	s0 =	sand.u32 $0x1, s1  }
0x8c: {  	s16 =	sshll.u32 s0, $0xA;
	s2 =	sadd.s32 s3, s2  }
0x8d: {  	s2 =	sadd.s32 s2, s16  }
0x8e: {  	[smem:$0x3FAA] =	sst s2  }
0x8f: {  	_ = 	snop  }
0x90: {  	(tm) =	ssettm $0x1  }
0x91: {  	s17 =	sld [smem:$0x3FFB];
	_ =	sdelay $0x3  }
0x92: {  	_ =	strace s17  }
0x93: {  	s2 =	sld [smem:$0x3FFC];
	_ =	sdelay $0x3  }
0x94: {  	_ =	strace s2  }
0x95: {  	s2 =	sld [smem:$0x3FFD];
	_ =	sdelay $0x3  }
0x96: {  	_ =	strace s2  }
0x97: {  	_ =	strace $0x8FFFFFFF  }
0x98: {  	s18 =	sld [smem:$0x3FDB];
	_ =	sdelay $0x1  }
0x99: {  	s19 =	simm.s32 $_scs_section_size  }
0x9a: {  	s4 =	simm.s32 $_size__tile_overlayer_lowered;
	s5 =	simm.s32 $_tile_overlayer_lowered  }
0x9b: {  	s22 =	simm.s32 $0x1BFF;
	s21 =	sshll.u32 s5, $0x1;
	s2 =	sadd.s32 s19, s18  }
0x9c: {  	s6 =	simm.s32 $0x0;
	s20 =	sshll.u32 s4, $0x1;
	s4 =	sadd.s32 s21, s2  }
0x9d: {  	[timem:s6], [sflag:s22] =	dma.local [hbm:s4], s20  }
0x9e: {  	_ =	swait.ge [sflag:s22], s20  }
0x9f: {  	s3 =	ssub.s32 $0x0, s20;
	[sflag:s22] =	ssyncset.done $0x0  }
0xa0: {  	[sflag:s22] =	ssyncadd.s32 s3;
	_ =	sdelay $0x1  }
0xa1: {  	s23 =	simm.s32 $0x1B8B  }
0xa2: {  	_ =	swait.ge [sflag:s23], $0x1  }
0xa3: {  	[sflag:s23] =	ssyncset.done $0x0  }
0xa4: {  	s25 =	simm.s32 $0x1B8E;
	s24 =	sld [smem:$0x3FFE];
	[sflag:s23] =	ssyncadd.s32 $0xFFFFFFFF  }
0xa5: {  	s26 =	simm.s32 $execute0_lowered;
	[smem:$0x3FD2] =	sst s25  }
0xa6: {  	s4 =	sshll.u32 s26, $0x1;
	_ =	strace $0x80000049;
	[dreg:$0x1] =	wrdreg $0xFFFFFFFF  }
0xa7: {  	s28 =	simm.s32 $_size_execute0_lowered;
	s2 =	sadd.s32 s2, s4;
	[dreg:$0x0] =	wrdreg $0x0  }
0xa8: {  	s4 =	sshll.u32 s28, $0x1;
	[dreg:$0x2] =	wrdreg s2  }
0xa9: {  	[dreg:$0x3] =	wrdreg s4  }
0xaa: {  	[dreg:$0x4] =	wrdreg $0xC0  }
0xab: {  	_ =	task [dreg:s6], $0x5FFFF  }
0xac: {  	[dreg:$0x1] =	wrdreg $0xFFFFFFFF  }
0xad: {  	[dreg:$0x0] =	wrdreg $0x60  }
0xae: {  	[dreg:$0x2] =	wrdreg s24  }
0xaf: {  	[dreg:$0x3] =	wrdreg $0x9  }
0xb0: {  	_ =	task.clear_ibuf [dreg:s6], $0x4FFFF;
	_ =	strace $0x90000049  }
0xb1: {  	s29 =	simm.s32 $0x9;
	_ =	strace $0x8000004B  }
0xb2: {  	_ =	swait.ge [sflag:s29], $0x1  }
0xb3: {  	[sflag:s29] =	ssyncadd.s32 $0xFFFFFFFF  }
0xb4: {  	_ =	strace $0x9000004B  }
0xb5: {  	_ =	sfence  }
0xb6: {  	s30 =	sld [smem:$0x0];
	_ =	sdelay $0x2  }
0xb7: {  	s31 =	sshll.u32 s1, $0xD;
	s1 =	sshrl.u32 s1, $0x2  }
0xb8: {  	s3 =	sand.u32 $0x4000, s31;
	s1 =	sadd.s32 s1, s30  }
0xb9: {  	s0 =	sor.u32 s3, s0;
	s1 =	sshll.u32 s1, $0x11  }
0xba: {  	s0 =	sor.u32 s1, s0  }
0xbb: {  	s0 =	sadd.s32 $0x8F2B, s0  }
0xbc: {  	[sflag:s0] =	ssyncadd.remote.s32 $0x1  }
0xbd: {  	_ =	sfence.sel $0xFFFF  }
0xbe: {  	[dreg:$0x0] =	wrdreg $0xFFFFFFFF;
	(pc) =	sbr.abs _section_cstart, $3  }
0xbf: {  	[dreg:$0x1] =	wrdreg $0xFFFFFFFF  }
0xc0: {  	_ =	task.clear_ibuf [dreg:s6], $0x2FFFF;
	_ =	strace $0x9FFFFFFF  }
0xc1: {  	(tm) =	ssettm $0x7FFFFFFF  }
tec
execute0_lowered:
.L_overlay_start_1:
0x0: {  	(tag) =	ssettag $0x1  }
0x1: {  	s1 =	srdreg.scid  }
0x2: {  	s0 =	stileid.u32;
	s5 =	rddreg [dreg:$0x0];
	s2 =	simm.s32 $0x0  }
0x3: {  	s11 =	simm.s32 $0x200;
	s12 =	simm.s32 $0x400;
	s13 =	simm.s32 $0x3  }
0x4: {  	s14 =	simm.s32 $0x9E00;
	s15 =	simm.s32 $0x1;
	s16 =	simm.s32 $0xD000  }
0x5: {  	s17 =	simm.s32 $0x10200;
	s18 =	simm.s32 $0x13400;
	s19 =	simm.s32 $0x2  }
0x6: {  	s3 =	sand.u32 $0x1, s1;
	s4 =	smul.u32 $0x13C00, s0;
	s1 =	rddreg [dreg:$0x1]  }
0x7: {  	s20 =	simm.s32 $0x0;
	[smem:$0x7FF] =	sst s2;
	s7 =	smul.u32 $0x138800, s0  }
0x8: {  	s6 =	sshll.u32 s3, $0x9;
	_ =	strace $0x8000004A;
	s9 =	ssub.s32 $0x2, s3  }
.Ltmp0:
0x9: {  	s4 =	sor.u32 s6, s4;
	s10 =	sshrl.u32 s9, $0x1;
	(pc) =	sbr.rel .LBB2_1-.Ltmp0, $4  }
0xa: {  	s3 =	sadd.s32 $0x5200, s5;
	s4 =	sshrl.u32 s4, $0x3;
	s10 =	ssub.s32 s9, s10  }
0xb: {  	s8 =	sadd.s32 s4, s5;
	s4 =	sor.u32 s6, s7;
	s5 =	sadd.s32 $0x29DA00, s5  }
0xc: {  	s10 =	smax.u32 s10, $0x1;
	s7 =	sshrl.u32 s4, $0x3;
	s6 =	sadd.s32 $0x276200, s8  }
0xd: {  	s8 =	sadd.s32 $0x6400, s4;
	s9 =	sadd.s32 $0xC800, s4;
	s7 =	sadd.s32 s3, s7  }
.LBB2_27:
0xe: {  	s20 =	sadd.s32 $0x1, s20  }
0xf: {  	_ =	swait.ge [sflag:s19], $0x3200;
	p0 =	sne.s32 s20, s10  }
.Ltmp1:
0x10: {  	[sflag:s19] =	ssyncset.done $0x0;
	(pc) =	sbr.rel @!p0 .LBB2_28-.Ltmp1, $4  }
0x11: {  	[sflag:s19] =	ssyncadd.s32 $0xFFFFCE00  }
0x12: {  	_ =	swait.ge [sflag:s19], $0x3200  }
0x13: {  	[sflag:s19] =	ssyncset.done $0x0  }
0x14: {  	[sflag:s19] =	ssyncadd.s32 $0xFFFFCE00  }
.LBB2_1:
0x15: {  	[tilespmem:s2], [sflag:$0x3] =	stream.strided.gather [hbm4b:s6+s11], $0x9E00, s12, s11, $0x38;
	[tilespmem:$0x16600] =	vst v63  }
0x16: {  	_ =	swait.ge [sflag:s13], $0x9E00  }
0x17: {  	[sflag:s13] =	ssyncset.done $0x0  }
0x18: {  	s21 =	simm.s32 $0x0;
	[sflag:s13] =	ssyncadd.s32 $0xFFFF6200  }
0x19: {  	[tilespmem:s14], [sflag:$0x1] =	stream.strided.gather [hbm4b:s7+s11], $0x3200, s12, s11, $0x38;
	[tilespmem:$0x16600] =	vst v63  }
.LBB2_2:
0x1a: {  	s23 =	smul.u32 $0xC800, s21;
	_ =	sdelay $0x1  }
0x1b: {  	_ =	swait.ge [sflag:s15], $0x3200;
	s22 =	sadd.s32 s23, s8  }
0x1c: {  	[sflag:s15] =	ssyncset.done $0x0;
	s22 =	sshrl.u32 s22, $0x3  }
0x1d: {  	p0 =	seq.s32 s21, $0x0;
	[sflag:s15] =	ssyncadd.s32 $0xFFFFCE00;
	s24 =	sadd.s32 s3, s22  }
0x1e: {  	[tilespmem:s16], [sflag:$0x1] =	stream.strided.gather [hbm4b:s24+s11], $0x3200, s12, s11, $0x38;
	[tilespmem:$0x16600] =	vst v63  }
0x1f: {  	s24 =	simm.s32 @!p0 $0x2  }
0x20: {  	_ =	swait.ge @!p0 [sflag:s24], $0x3200  }
0x21: {  	[sflag:s24] =	ssyncset.done @!p0 $0x0  }
0x22: {  	[sflag:s24] =	ssyncadd.s32 @!p0 $0xFFFFCE00;
	s24 =	simm.s32 $0x0  }
0x23: {  	v0 =	vld [tilespmem:s24+$0x9E00];
	_ =	sdelay $0x4  }
0x24: {  	v1 =	vshll.u32 v0, $0x2  }
0x25: {  	v2 =	vld [tilespmem:s24+$0x9E10];
	v0 =	vand.u32 $0x7F, v0;
	v1 =	vand.u32 $0xFFFFFE00, v1  }
0x26: {  	v0 =	vor.u32 v0, v1;
	_ =	sdelay $0x3  }
0x27: {  	s25 =	simm.s32 $0x0;
	v1 =	vshll.u32 v2, $0x2  }
0x28: {  	v2 =	vand.u32 $0x7F, v2;
	v1 =	vand.u32 $0xFFFFFE00, v1;
	v0 =	vld.idx.msk [tilespmem:v0+s25+$0x0], $0xffff  }
0x29: {  	v1 =	vor.u32 v2, v1;
	v2 =	vld [tilespmem:s24+$0x9E20];
	_ =	sdelay $0x3  }
0x2a: {  	[tilespmem:s24+$0x10200] =	vst v0  }
0x2b: {  	v0 =	vld.idx.msk [tilespmem:v1+s25+$0x0], $0xffff;
	v1 =	vshll.u32 v2, $0x2  }
0x2c: {  	v3 =	vld [tilespmem:s24+$0x9E30];
	v2 =	vand.u32 $0x7F, v2;
	v1 =	vand.u32 $0xFFFFFE00, v1  }
0x2d: {  	v1 =	vor.u32 v2, v1;
	_ =	sdelay $0x3  }
0x2e: {  	[tilespmem:s24+$0x10210] =	vst v0;
	v0 =	vshll.u32 v3, $0x2  }
0x2f: {  	v2 =	vand.u32 $0x7F, v3;
	v0 =	vand.u32 $0xFFFFFE00, v0;
	v1 =	vld.idx.msk [tilespmem:v1+s25+$0x0], $0xffff  }
0x30: {  	v0 =	vor.u32 v2, v0;
	v2 =	vld [tilespmem:s24+$0x9E40];
	_ =	sdelay $0x4  }
0x31: {  	v3 =	vld [tilespmem:s24+$0x9E50];
	[tilespmem:s24+$0x10220] =	vst v1;
	v1 =	vshll.u32 v2, $0x2  }
0x32: {  	v2 =	vand.u32 $0x7F, v2;
	v0 =	vld.idx.msk [tilespmem:v0+s25+$0x0], $0xffff;
	v1 =	vand.u32 $0xFFFFFE00, v1  }
0x33: {  	v1 =	vor.u32 v2, v1;
	_ =	sdelay $0x3  }
0x34: {  	[tilespmem:s24+$0x10230] =	vst v0;
	v0 =	vshll.u32 v3, $0x2  }
0x35: {  	v2 =	vand.u32 $0x7F, v3;
	v1 =	vld.idx.msk [tilespmem:v1+s25+$0x0], $0xffff;
	v0 =	vand.u32 $0xFFFFFE00, v0  }
0x36: {  	v0 =	vor.u32 v2, v0;
	v2 =	vld [tilespmem:s24+$0x9E60];
	_ =	sdelay $0x4  }
0x37: {  	v3 =	vld [tilespmem:s24+$0x9E70];
	[tilespmem:s24+$0x10240] =	vst v1;
	v1 =	vshll.u32 v2, $0x2  }
0x38: {  	v0 =	vld.idx.msk [tilespmem:v0+s25+$0x0], $0xffff;
	v2 =	vand.u32 $0x7F, v2;
	v1 =	vand.u32 $0xFFFFFE00, v1  }
0x39: {  	v1 =	vor.u32 v2, v1;
	_ =	sdelay $0x3  }
0x3a: {  	v2 =	vshll.u32 v3, $0x2;
	[tilespmem:s24+$0x10250] =	vst v0  }
0x3b: {  	s29 =	simm.s32 $0x200;
	s28 =	simm.s32 $0x1000;
	s26 =	simm.s32 $0x0;
	v2 =	vand.u32 $0xFFFFFE00, v2;
	v0 =	vld.idx.msk [tilespmem:v1+s25+$0x0], $0xffff;
	v1 =	vand.u32 $0x7F, v3  }
.LBB2_3:
0x3c: {  	p0 =	sne.s32 s28, $0xC000;
	v3 =	vld [tilespmem:s29+$0x9E00];
	v1 =	vor.u32 v1, v2;
	_ =	sdelay $0x3  }
0x3d: {  	[tilespmem:s26+$0x10260] =	vst v0  }
0x3e: {  	v0 =	vshll.u32 v3, $0x2;
	v1 =	vld.idx.msk [tilespmem:v1+s25+$0x0], $0xffff  }
0x3f: {  	v2 =	vand.u32 $0x7F, v3;
	v0 =	vand.u32 $0xFFFFFE00, v0  }
0x40: {  	v0 =	vor.u32 v2, v0;
	v2 =	vld [tilespmem:s29+$0x9E10];
	_ =	sdelay $0x3  }
0x41: {  	[tilespmem:s26+$0x10270] =	vst v1;
	s26 =	smov.u32 s29  }
0x42: {  	v0 =	vld.idx.msk [tilespmem:v0+s25+$0x0], $0xffff;
	v1 =	vshll.u32 v2, $0x2  }
0x43: {  	v2 =	vand.u32 $0x7F, v2;
	v1 =	vand.u32 $0xFFFFFE00, v1  }
0x44: {  	v1 =	vor.u32 v2, v1;
	v2 =	vld [tilespmem:s26+$0x9E20];
	_ =	sdelay $0x3  }
0x45: {  	[tilespmem:s26+$0x10200] =	vst v0  }
0x46: {  	v0 =	vld.idx.msk [tilespmem:v1+s25+$0x0], $0xffff;
	v1 =	vshll.u32 v2, $0x2  }
0x47: {  	v2 =	vand.u32 $0x7F, v2;
	v1 =	vand.u32 $0xFFFFFE00, v1  }
0x48: {  	v1 =	vor.u32 v2, v1;
	v2 =	vld [tilespmem:s26+$0x9E30];
	_ =	sdelay $0x3  }
0x49: {  	[tilespmem:s26+$0x10210] =	vst v0  }
0x4a: {  	v0 =	vld.idx.msk [tilespmem:v1+s25+$0x0], $0xffff;
	v1 =	vshll.u32 v2, $0x2  }
0x4b: {  	v2 =	vand.u32 $0x7F, v2;
	v1 =	vand.u32 $0xFFFFFE00, v1  }
0x4c: {  	v1 =	vor.u32 v2, v1;
	v2 =	vld [tilespmem:s26+$0x9E40];
	_ =	sdelay $0x3  }
0x4d: {  	[tilespmem:s26+$0x10220] =	vst v0  }
0x4e: {  	v0 =	vld.idx.msk [tilespmem:v1+s25+$0x0], $0xffff;
	v1 =	vshll.u32 v2, $0x2  }
0x4f: {  	v2 =	vand.u32 $0x7F, v2;
	v1 =	vand.u32 $0xFFFFFE00, v1  }
0x50: {  	v1 =	vor.u32 v2, v1;
	v2 =	vld [tilespmem:s26+$0x9E50];
	_ =	sdelay $0x3  }
0x51: {  	[tilespmem:s26+$0x10230] =	vst v0  }
0x52: {  	v0 =	vld.idx.msk [tilespmem:v1+s25+$0x0], $0xffff;
	v1 =	vshll.u32 v2, $0x2  }
0x53: {  	v2 =	vand.u32 $0x7F, v2;
	v1 =	vand.u32 $0xFFFFFE00, v1  }
0x54: {  	v1 =	vor.u32 v2, v1;
	v2 =	vld [tilespmem:s26+$0x9E60];
	_ =	sdelay $0x3  }
0x55: {  	[tilespmem:s26+$0x10240] =	vst v0  }
0x56: {  	v0 =	vld.idx.msk [tilespmem:v1+s25+$0x0], $0xffff;
	v1 =	vshll.u32 v2, $0x2  }
0x57: {  	v2 =	vand.u32 $0x7F, v2;
	v1 =	vand.u32 $0xFFFFFE00, v1  }
0x58: {  	v1 =	vor.u32 v2, v1;
	v2 =	vld [tilespmem:s26+$0x9E70];
	_ =	sdelay $0x1  }
.Ltmp2:
0x59: {  	(pc) =	sbr.rel @p0 .LBB2_3-.Ltmp2, $4  }
0x5a: {  	_ = 	snop  }
0x5b: {  	[tilespmem:s26+$0x10250] =	vst v0  }
0x5c: {  	v0 =	vld.idx.msk [tilespmem:v1+s25+$0x0], $0xffff;
	v3 =	vshll.u32 v2, $0x2  }
0x5d: {  	s29 =	sshra.s32 s28, $0x2;
	s28 =	sadd.s32 $0x800, s28;
	v1 =	vand.u32 $0x7F, v2;
	v2 =	vand.u32 $0xFFFFFE00, v3  }
0x5e: {  	v3 =	vld [tilespmem:s29+$0x9E00];
	v1 =	vor.u32 v1, v2;
	_ =	sdelay $0x3  }
0x5f: {  	[tilespmem:s26+$0x10260] =	vst v0  }
0x60: {  	v0 =	vshll.u32 v3, $0x2;
	v1 =	vld.idx.msk [tilespmem:v1+s25+$0x0], $0xffff  }
0x61: {  	v2 =	vand.u32 $0x7F, v3;
	v3 =	vld [tilespmem:s29+$0x9E10];
	v0 =	vand.u32 $0xFFFFFE00, v0  }
0x62: {  	v0 =	vor.u32 v2, v0;
	_ =	sdelay $0x3  }
0x63: {  	[tilespmem:s26+$0x10270] =	vst v1;
	v1 =	vshll.u32 v3, $0x2  }
0x64: {  	v2 =	vand.u32 $0x7F, v3;
	v1 =	vand.u32 $0xFFFFFE00, v1;
	v0 =	vld.idx.msk [tilespmem:v0+s25+$0x0], $0xffff  }
0x65: {  	v1 =	vor.u32 v2, v1;
	v2 =	vld [tilespmem:s29+$0x9E20];
	_ =	sdelay $0x3  }
0x66: {  	[tilespmem:s29+$0x10200] =	vst v0  }
0x67: {  	v0 =	vld.idx.msk [tilespmem:v1+s25+$0x0], $0xffff;
	v1 =	vshll.u32 v2, $0x2  }
0x68: {  	v3 =	vld [tilespmem:s29+$0x9E30];
	v2 =	vand.u32 $0x7F, v2;
	v1 =	vand.u32 $0xFFFFFE00, v1  }
0x69: {  	v1 =	vor.u32 v2, v1;
	_ =	sdelay $0x3  }
0x6a: {  	[tilespmem:s29+$0x10210] =	vst v0;
	v0 =	vshll.u32 v3, $0x2  }
0x6b: {  	v2 =	vand.u32 $0x7F, v3;
	v0 =	vand.u32 $0xFFFFFE00, v0;
	v1 =	vld.idx.msk [tilespmem:v1+s25+$0x0], $0xffff  }
0x6c: {  	v0 =	vor.u32 v2, v0;
	v2 =	vld [tilespmem:s29+$0x9E40];
	_ =	sdelay $0x4  }
0x6d: {  	v3 =	vld [tilespmem:s29+$0x9E50];
	[tilespmem:s29+$0x10220] =	vst v1;
	v1 =	vshll.u32 v2, $0x2  }
0x6e: {  	v2 =	vand.u32 $0x7F, v2;
	v0 =	vld.idx.msk [tilespmem:v0+s25+$0x0], $0xffff;
	v1 =	vand.u32 $0xFFFFFE00, v1  }
0x6f: {  	v1 =	vor.u32 v2, v1;
	_ =	sdelay $0x3  }
0x70: {  	[tilespmem:s29+$0x10230] =	vst v0;
	v0 =	vshll.u32 v3, $0x2  }
0x71: {  	v2 =	vand.u32 $0x7F, v3;
	v1 =	vld.idx.msk [tilespmem:v1+s25+$0x0], $0xffff;
	v0 =	vand.u32 $0xFFFFFE00, v0  }
0x72: {  	v0 =	vor.u32 v2, v0;
	v2 =	vld [tilespmem:s29+$0x9E60];
	_ =	sdelay $0x4  }
0x73: {  	v3 =	vld [tilespmem:s29+$0x9E70];
	[tilespmem:s29+$0x10240] =	vst v1;
	v1 =	vshll.u32 v2, $0x2  }
0x74: {  	v0 =	vld.idx.msk [tilespmem:v0+s25+$0x0], $0xffff;
	v2 =	vand.u32 $0x7F, v2;
	v1 =	vand.u32 $0xFFFFFE00, v1  }
0x75: {  	v1 =	vor.u32 v2, v1;
	_ =	sdelay $0x3  }
0x76: {  	[tilespmem:s29+$0x10250] =	vst v0;
	v0 =	vshll.u32 v3, $0x2  }
0x77: {  	v2 =	vand.u32 $0x7F, v3;
	v0 =	vand.u32 $0xFFFFFE00, v0;
	v1 =	vld.idx.msk [tilespmem:v1+s25+$0x0], $0xffff  }
0x78: {  	v0 =	vor.u32 v2, v0;
	_ =	sdelay $0x3  }
0x79: {  	[tilespmem:s29+$0x10260] =	vst v1  }
0x7a: {  	v0 =	vld.idx.msk [tilespmem:v0+s25+$0x0], $0xffff;
	_ =	sdelay $0x4  }
0x7b: {  	[tilespmem:s29+$0x10270] =	vst v0  }
0x7c: {  	v0 =	vld [tilespmem:s24+$0x9E80];
	_ =	sdelay $0x4  }
0x7d: {  	v1 =	vshll.u32 v0, $0x2  }
0x7e: {  	v0 =	vand.u32 $0x7F, v0;
	v1 =	vand.u32 $0xFFFFFE00, v1  }
0x7f: {  	v0 =	vor.u32 v1, v0;
	v1 =	vld [tilespmem:s24+$0x9E90]  }
0x80: {  	v0 =	vor.u32 $0x80, v0;
	_ =	sdelay $0x3  }
0x81: {  	s25 =	simm.s32 $0x0;
	v2 =	vshll.u32 v1, $0x2  }
0x82: {  	v1 =	vand.u32 $0x7F, v1;
	v0 =	vld.idx.msk [tilespmem:v0+s25+$0x0], $0xffff;
	v2 =	vand.u32 $0xFFFFFE00, v2  }
0x83: {  	v1 =	vor.u32 v2, v1;
	v2 =	vld [tilespmem:s24+$0x9EA0]  }
0x84: {  	v1 =	vor.u32 $0x80, v1;
	_ =	sdelay $0x3  }
0x85: {  	[tilespmem:s24+$0x10280] =	vst v0;
	v0 =	vshll.u32 v2, $0x2  }
0x86: {  	v2 =	vand.u32 $0x7F, v2;
	v1 =	vld.idx.msk [tilespmem:v1+s25+$0x0], $0xffff;
	v0 =	vand.u32 $0xFFFFFE00, v0  }
0x87: {  	v0 =	vor.u32 v0, v2;
	v2 =	vld [tilespmem:s24+$0x9EB0]  }
0x88: {  	v0 =	vor.u32 $0x80, v0;
	_ =	sdelay $0x3  }
0x89: {  	[tilespmem:s24+$0x10290] =	vst v1;
	v1 =	vshll.u32 v2, $0x2  }
0x8a: {  	v2 =	vand.u32 $0x7F, v2;
	v0 =	vld.idx.msk [tilespmem:v0+s25+$0x0], $0xffff;
	v1 =	vand.u32 $0xFFFFFE00, v1  }
0x8b: {  	v1 =	vor.u32 v1, v2;
	v2 =	vld [tilespmem:s24+$0x9EC0]  }
0x8c: {  	v1 =	vor.u32 $0x80, v1;
	_ =	sdelay $0x3  }
0x8d: {  	[tilespmem:s24+$0x102A0] =	vst v0;
	v0 =	vshll.u32 v2, $0x2  }
0x8e: {  	v2 =	vand.u32 $0x7F, v2;
	v1 =	vld.idx.msk [tilespmem:v1+s25+$0x0], $0xffff;
	v0 =	vand.u32 $0xFFFFFE00, v0  }
0x8f: {  	v0 =	vor.u32 v0, v2;
	v2 =	vld [tilespmem:s24+$0x9ED0]  }
0x90: {  	v0 =	vor.u32 $0x80, v0;
	_ =	sdelay $0x3  }
0x91: {  	[tilespmem:s24+$0x102B0] =	vst v1;
	v1 =	vshll.u32 v2, $0x2  }
0x92: {  	v2 =	vand.u32 $0x7F, v2;
	v0 =	vld.idx.msk [tilespmem:v0+s25+$0x0], $0xffff;
	v1 =	vand.u32 $0xFFFFFE00, v1  }
0x93: {  	v1 =	vor.u32 v1, v2;
	v2 =	vld [tilespmem:s24+$0x9EE0]  }
0x94: {  	v1 =	vor.u32 $0x80, v1;
	_ =	sdelay $0x3  }
0x95: {  	[tilespmem:s24+$0x102C0] =	vst v0;
	v0 =	vshll.u32 v2, $0x2  }
0x96: {  	v2 =	vand.u32 $0x7F, v2;
	v1 =	vld.idx.msk [tilespmem:v1+s25+$0x0], $0xffff;
	v0 =	vand.u32 $0xFFFFFE00, v0  }
0x97: {  	v0 =	vor.u32 v0, v2;
	v2 =	vld [tilespmem:s24+$0x9EF0]  }
0x98: {  	v0 =	vor.u32 $0x80, v0;
	_ =	sdelay $0x3  }
0x99: {  	[tilespmem:s24+$0x102D0] =	vst v1;
	v3 =	vshll.u32 v2, $0x2  }
0x9a: {  	s28 =	simm.s32 $0x200;
	s26 =	simm.s32 $0x1000;
	v1 =	vand.u32 $0x7F, v2;
	v0 =	vld.idx.msk [tilespmem:v0+s25+$0x0], $0xffff;
	v2 =	vand.u32 $0xFFFFFE00, v3  }
.LBB2_5:
0x9b: {  	p0 =	sne.s32 s26, $0xC000;
	v3 =	vld [tilespmem:s28+$0x9E80];
	v1 =	vor.u32 v2, v1  }
0x9c: {  	v1 =	vor.u32 $0x80, v1;
	_ =	sdelay $0x3  }
0x9d: {  	v2 =	vshll.u32 v3, $0x2;
	[tilespmem:s24+$0x102E0] =	vst v0  }
0x9e: {  	v0 =	vand.u32 $0x7F, v3;
	v2 =	vand.u32 $0xFFFFFE00, v2;
	v1 =	vld.idx.msk [tilespmem:v1+s25+$0x0], $0xffff  }
0x9f: {  	v0 =	vor.u32 v2, v0;
	v2 =	vld [tilespmem:s28+$0x9E90]  }
0xa0: {  	v0 =	vor.u32 $0x80, v0;
	_ =	sdelay $0x3  }
0xa1: {  	v3 =	vshll.u32 v2, $0x2;
	[tilespmem:s24+$0x102F0] =	vst v1;
	s24 =	smov.u32 s28  }
0xa2: {  	v1 =	vand.u32 $0x7F, v2;
	v0 =	vld.idx.msk [tilespmem:v0+s25+$0x0], $0xffff;
	v2 =	vand.u32 $0xFFFFFE00, v3  }
0xa3: {  	v1 =	vor.u32 v2, v1;
	v2 =	vld [tilespmem:s24+$0x9EA0]  }
0xa4: {  	v1 =	vor.u32 $0x80, v1;
	_ =	sdelay $0x3  }
0xa5: {  	[tilespmem:s24+$0x10280] =	vst v0;
	v0 =	vshll.u32 v2, $0x2  }
0xa6: {  	v2 =	vand.u32 $0x7F, v2;
	v1 =	vld.idx.msk [tilespmem:v1+s25+$0x0], $0xffff;
	v0 =	vand.u32 $0xFFFFFE00, v0  }
0xa7: {  	v0 =	vor.u32 v0, v2;
	v2 =	vld [tilespmem:s24+$0x9EB0]  }
0xa8: {  	v0 =	vor.u32 $0x80, v0;
	_ =	sdelay $0x3  }
0xa9: {  	[tilespmem:s24+$0x10290] =	vst v1;
	v1 =	vshll.u32 v2, $0x2  }
0xaa: {  	v2 =	vand.u32 $0x7F, v2;
	v0 =	vld.idx.msk [tilespmem:v0+s25+$0x0], $0xffff;
	v1 =	vand.u32 $0xFFFFFE00, v1  }
0xab: {  	v1 =	vor.u32 v1, v2;
	v2 =	vld [tilespmem:s24+$0x9EC0]  }
0xac: {  	v1 =	vor.u32 $0x80, v1;
	_ =	sdelay $0x3  }
0xad: {  	[tilespmem:s24+$0x102A0] =	vst v0;
	v0 =	vshll.u32 v2, $0x2  }
0xae: {  	v2 =	vand.u32 $0x7F, v2;
	v1 =	vld.idx.msk [tilespmem:v1+s25+$0x0], $0xffff;
	v0 =	vand.u32 $0xFFFFFE00, v0  }
0xaf: {  	v0 =	vor.u32 v0, v2;
	v2 =	vld [tilespmem:s24+$0x9ED0]  }
0xb0: {  	v0 =	vor.u32 $0x80, v0;
	_ =	sdelay $0x3  }
0xb1: {  	[tilespmem:s24+$0x102B0] =	vst v1;
	v1 =	vshll.u32 v2, $0x2  }
0xb2: {  	v2 =	vand.u32 $0x7F, v2;
	v0 =	vld.idx.msk [tilespmem:v0+s25+$0x0], $0xffff;
	v1 =	vand.u32 $0xFFFFFE00, v1  }
0xb3: {  	v1 =	vor.u32 v1, v2;
	v2 =	vld [tilespmem:s24+$0x9EE0]  }
0xb4: {  	v1 =	vor.u32 $0x80, v1;
	_ =	sdelay $0x3  }
0xb5: {  	[tilespmem:s24+$0x102C0] =	vst v0;
	v0 =	vshll.u32 v2, $0x2  }
0xb6: {  	v2 =	vand.u32 $0x7F, v2;
	v1 =	vld.idx.msk [tilespmem:v1+s25+$0x0], $0xffff;
	v0 =	vand.u32 $0xFFFFFE00, v0  }
0xb7: {  	v0 =	vor.u32 v0, v2;
	v2 =	vld [tilespmem:s24+$0x9EF0]  }
0xb8: {  	v0 =	vor.u32 $0x80, v0  }
.Ltmp3:
0xb9: {  	(pc) =	sbr.rel @p0 .LBB2_5-.Ltmp3, $3  }
0xba: {  	_ =	sdelay $0x1  }
0xbb: {  	[tilespmem:s24+$0x102D0] =	vst v1;
	v3 =	vshll.u32 v2, $0x2  }
0xbc: {  	s28 =	sshra.s32 s26, $0x2;
	s26 =	sadd.s32 $0x800, s26;
	v1 =	vand.u32 $0x7F, v2;
	v0 =	vld.idx.msk [tilespmem:v0+s25+$0x0], $0xffff;
	v2 =	vand.u32 $0xFFFFFE00, v3  }
0xbd: {  	v3 =	vld [tilespmem:s28+$0x9E80];
	v1 =	vor.u32 v2, v1  }
0xbe: {  	v1 =	vor.u32 $0x80, v1;
	_ =	sdelay $0x2  }
0xbf: {  	[tilespmem:s24+$0x102E0] =	vst v0  }
0xc0: {  	v2 =	vshll.u32 v3, $0x2;
	v0 =	vand.u32 $0x7F, v3;
	v3 =	vld [tilespmem:s28+$0x9E90]  }
0xc1: {  	v2 =	vand.u32 $0xFFFFFE00, v2;
	v1 =	vld.idx.msk [tilespmem:v1+s25+$0x0], $0xffff  }
0xc2: {  	v0 =	vor.u32 v2, v0  }
0xc3: {  	v0 =	vor.u32 $0x80, v0;
	_ =	sdelay $0x1  }
0xc4: {  	v2 =	vshll.u32 v3, $0x2  }
0xc5: {  	[tilespmem:s24+$0x102F0] =	vst v1;
	v1 =	vand.u32 $0x7F, v3;
	v2 =	vand.u32 $0xFFFFFE00, v2  }
0xc6: {  	s25 =	simm.s32 $0x0;
	v1 =	vor.u32 v2, v1;
	v2 =	vld [tilespmem:s28+$0x9EA0]  }
0xc7: {  	v0 =	vld.idx.msk [tilespmem:v0+s25+$0x0], $0xffff  }
0xc8: {  	v1 =	vor.u32 $0x80, v1;
	_ =	sdelay $0x3  }
0xc9: {  	v3 =	vld [tilespmem:s28+$0x9EB0];
	[tilespmem:s28+$0x10280] =	vst v0;
	v0 =	vshll.u32 v2, $0x2  }
0xca: {  	v2 =	vand.u32 $0x7F, v2;
	v1 =	vld.idx.msk [tilespmem:v1+s25+$0x0], $0xffff;
	v0 =	vand.u32 $0xFFFFFE00, v0  }
0xcb: {  	v0 =	vor.u32 v0, v2  }
0xcc: {  	v0 =	vor.u32 $0x80, v0;
	_ =	sdelay $0x2  }
0xcd: {  	[tilespmem:s28+$0x10290] =	vst v1;
	v1 =	vshll.u32 v3, $0x2  }
0xce: {  	v2 =	vand.u32 $0x7F, v3;
	v3 =	vld [tilespmem:s28+$0x9EC0];
	v1 =	vand.u32 $0xFFFFFE00, v1  }
0xcf: {  	v0 =	vld.idx.msk [tilespmem:v0+s25+$0x0], $0xffff;
	v1 =	vor.u32 v1, v2  }
0xd0: {  	v1 =	vor.u32 $0x80, v1;
	_ =	sdelay $0x3  }
0xd1: {  	v2 =	vshll.u32 v3, $0x2;
	[tilespmem:s28+$0x102A0] =	vst v0  }
0xd2: {  	v2 =	vand.u32 $0xFFFFFE00, v2;
	v0 =	vand.u32 $0x7F, v3;
	v1 =	vld.idx.msk [tilespmem:v1+s25+$0x0], $0xffff  }
0xd3: {  	v0 =	vor.u32 v2, v0;
	v2 =	vld [tilespmem:s28+$0x9ED0]  }
0xd4: {  	v0 =	vor.u32 $0x80, v0;
	_ =	sdelay $0x3  }
0xd5: {  	v3 =	vld [tilespmem:s28+$0x9EE0];
	[tilespmem:s28+$0x102B0] =	vst v1;
	v1 =	vshll.u32 v2, $0x2  }
0xd6: {  	v2 =	vand.u32 $0x7F, v2;
	v0 =	vld.idx.msk [tilespmem:v0+s25+$0x0], $0xffff;
	v1 =	vand.u32 $0xFFFFFE00, v1  }
0xd7: {  	v1 =	vor.u32 v1, v2  }
0xd8: {  	v1 =	vor.u32 $0x80, v1;
	_ =	sdelay $0x2  }
0xd9: {  	[tilespmem:s28+$0x102C0] =	vst v0;
	v0 =	vshll.u32 v3, $0x2  }
0xda: {  	v2 =	vand.u32 $0x7F, v3;
	v3 =	vld [tilespmem:s28+$0x9EF0];
	v0 =	vand.u32 $0xFFFFFE00, v0  }
0xdb: {  	v1 =	vld.idx.msk [tilespmem:v1+s25+$0x0], $0xffff;
	v0 =	vor.u32 v0, v2  }
0xdc: {  	v0 =	vor.u32 $0x80, v0;
	_ =	sdelay $0x2  }
0xdd: {  	v2 =	vshll.u32 v3, $0x2  }
0xde: {  	v2 =	vand.u32 $0xFFFFFE00, v2;
	[tilespmem:s28+$0x102D0] =	vst v1;
	v1 =	vand.u32 $0x7F, v3  }
0xdf: {  	v0 =	vld.idx.msk [tilespmem:v0+s25+$0x0], $0xffff;
	v1 =	vor.u32 v2, v1  }
0xe0: {  	v1 =	vor.u32 $0x80, v1;
	_ =	sdelay $0x3  }
0xe1: {  	[tilespmem:s28+$0x102E0] =	vst v0  }
0xe2: {  	p1 =	por $0x1, $0x1;
	v0 =	vld.idx.msk [tilespmem:v1+s25+$0x0], $0xffff  }
.Ltmp4:
0xe3: {  	_ = 	snop;
	(pc) =	sbr.rel @!p1 .LBB2_10-.Ltmp4, $3  }
0xe4: {  	_ =	sdelay $0x1  }
0xe5: {  	p0 =	por $0x0, $0x0  }
0xe6: {  	s29 =	simm.s32 $0x0;
	p2 =	por $0x0, $0x0;
	s24 =	simm.s32 $0x0;
	[tilespmem:s28+$0x102F0] =	vst v0  }
0xe7: {  	v0 =	vld [tilespmem:s24+$0x9F00];
	_ =	sdelay $0x4  }
0xe8: {  	v1 =	vshll.u32 v0, $0x2  }
0xe9: {  	v0 =	vand.u32 $0x7F, v0;
	v1 =	vand.u32 $0xFFFFFE00, v1  }
0xea: {  	v0 =	vor.u32 v1, v0;
	v1 =	vld [tilespmem:s24+$0x9F10]  }
0xeb: {  	v0 =	vor.u32 $0x100, v0;
	_ =	sdelay $0x3  }
0xec: {  	v2 =	vshll.u32 v1, $0x2  }
0xed: {  	v1 =	vand.u32 $0x7F, v1;
	v0 =	vld.idx.msk [tilespmem:v0+s25+$0x0], $0xffff;
	v2 =	vand.u32 $0xFFFFFE00, v2  }
0xee: {  	v1 =	vor.u32 v2, v1;
	v2 =	vld [tilespmem:s24+$0x9F20]  }
0xef: {  	v1 =	vor.u32 $0x100, v1;
	_ =	sdelay $0x3  }
0xf0: {  	[tilespmem:s24+$0x10300] =	vst v0;
	v0 =	vshll.u32 v2, $0x2  }
0xf1: {  	v2 =	vand.u32 $0x7F, v2;
	v1 =	vld.idx.msk [tilespmem:v1+s25+$0x0], $0xffff;
	v0 =	vand.u32 $0xFFFFFE00, v0  }
0xf2: {  	v0 =	vor.u32 v0, v2;
	v2 =	vld [tilespmem:s24+$0x9F30]  }
0xf3: {  	v0 =	vor.u32 $0x100, v0;
	_ =	sdelay $0x3  }
0xf4: {  	[tilespmem:s24+$0x10310] =	vst v1;
	v1 =	vshll.u32 v2, $0x2  }
0xf5: {  	v2 =	vand.u32 $0x7F, v2;
	v0 =	vld.idx.msk [tilespmem:v0+s25+$0x0], $0xffff;
	v1 =	vand.u32 $0xFFFFFE00, v1  }
0xf6: {  	v1 =	vor.u32 v1, v2;
	v2 =	vld [tilespmem:s24+$0x9F40]  }
0xf7: {  	v1 =	vor.u32 $0x100, v1;
	_ =	sdelay $0x3  }
0xf8: {  	[tilespmem:s24+$0x10320] =	vst v0;
	v0 =	vshll.u32 v2, $0x2  }
0xf9: {  	v2 =	vand.u32 $0x7F, v2;
	v1 =	vld.idx.msk [tilespmem:v1+s25+$0x0], $0xffff;
	v0 =	vand.u32 $0xFFFFFE00, v0  }
0xfa: {  	v0 =	vor.u32 v0, v2;
	v2 =	vld [tilespmem:s24+$0x9F50]  }
0xfb: {  	v0 =	vor.u32 $0x100, v0;
	_ =	sdelay $0x3  }
0xfc: {  	[tilespmem:s24+$0x10330] =	vst v1;
	v1 =	vshll.u32 v2, $0x2  }
0xfd: {  	v2 =	vand.u32 $0x7F, v2;
	v0 =	vld.idx.msk [tilespmem:v0+s25+$0x0], $0xffff;
	v1 =	vand.u32 $0xFFFFFE00, v1  }
0xfe: {  	v1 =	vor.u32 v1, v2;
	v2 =	vld [tilespmem:s24+$0x9F60]  }
0xff: {  	v1 =	vor.u32 $0x100, v1;
	_ =	sdelay $0x3  }
0x100: {  	[tilespmem:s24+$0x10340] =	vst v0;
	v0 =	vshll.u32 v2, $0x2  }
0x101: {  	v2 =	vand.u32 $0x7F, v2;
	v1 =	vld.idx.msk [tilespmem:v1+s25+$0x0], $0xffff;
	v0 =	vand.u32 $0xFFFFFE00, v0  }
0x102: {  	v0 =	vor.u32 v0, v2;
	v2 =	vld [tilespmem:s24+$0x9F70]  }
0x103: {  	p3 =	por $0x1, $0x1;
	v0 =	vor.u32 $0x100, v0  }
.Ltmp5:
0x104: {  	_ = 	snop;
	(pc) =	sbr.rel @!p3 .LBB2_8-.Ltmp5, $3  }
0x105: {  	_ =	sdelay $0x1  }
0x106: {  	s29 =	simm.s32 $0x200;
	[tilespmem:s24+$0x10350] =	vst v1;
	v3 =	vshll.u32 v2, $0x2  }
0x107: {  	s28 =	simm.s32 $0x1000;
	p2 =	por $0x1, $0x1;
	s26 =	simm.s32 $0x0;
	v1 =	vand.u32 $0x7F, v2;
	v0 =	vld.idx.msk [tilespmem:v0+s25+$0x0], $0xffff;
	v2 =	vand.u32 $0xFFFFFE00, v3  }
.LBB2_9:
0x108: {  	p3 =	sne.s32 s28, $0xC000;
	v3 =	vld [tilespmem:s29+$0x9F00];
	v1 =	vor.u32 v2, v1  }
0x109: {  	v1 =	vor.u32 $0x100, v1;
	_ =	sdelay $0x3  }
0x10a: {  	v2 =	vshll.u32 v3, $0x2;
	[tilespmem:s26+$0x10360] =	vst v0  }
0x10b: {  	v0 =	vand.u32 $0x7F, v3;
	v2 =	vand.u32 $0xFFFFFE00, v2;
	v1 =	vld.idx.msk [tilespmem:v1+s25+$0x0], $0xffff  }
0x10c: {  	v0 =	vor.u32 v2, v0;
	v2 =	vld [tilespmem:s29+$0x9F10]  }
0x10d: {  	v0 =	vor.u32 $0x100, v0;
	_ =	sdelay $0x3  }
0x10e: {  	v3 =	vshll.u32 v2, $0x2;
	[tilespmem:s26+$0x10370] =	vst v1;
	s26 =	smov.u32 s29  }
0x10f: {  	v1 =	vand.u32 $0x7F, v2;
	v0 =	vld.idx.msk [tilespmem:v0+s25+$0x0], $0xffff;
	v2 =	vand.u32 $0xFFFFFE00, v3  }
0x110: {  	v1 =	vor.u32 v2, v1;
	v2 =	vld [tilespmem:s26+$0x9F20]  }
0x111: {  	v1 =	vor.u32 $0x100, v1;
	_ =	sdelay $0x3  }
0x112: {  	[tilespmem:s26+$0x10300] =	vst v0;
	v0 =	vshll.u32 v2, $0x2  }
0x113: {  	v2 =	vand.u32 $0x7F, v2;
	v1 =	vld.idx.msk [tilespmem:v1+s25+$0x0], $0xffff;
	v0 =	vand.u32 $0xFFFFFE00, v0  }
0x114: {  	v0 =	vor.u32 v0, v2;
	v2 =	vld [tilespmem:s26+$0x9F30]  }
0x115: {  	v0 =	vor.u32 $0x100, v0;
	_ =	sdelay $0x3  }
0x116: {  	[tilespmem:s26+$0x10310] =	vst v1;
	v1 =	vshll.u32 v2, $0x2  }
0x117: {  	v2 =	vand.u32 $0x7F, v2;
	v0 =	vld.idx.msk [tilespmem:v0+s25+$0x0], $0xffff;
	v1 =	vand.u32 $0xFFFFFE00, v1  }
0x118: {  	v1 =	vor.u32 v1, v2;
	v2 =	vld [tilespmem:s26+$0x9F40]  }
0x119: {  	v1 =	vor.u32 $0x100, v1;
	_ =	sdelay $0x3  }
0x11a: {  	[tilespmem:s26+$0x10320] =	vst v0;
	v0 =	vshll.u32 v2, $0x2  }
0x11b: {  	v2 =	vand.u32 $0x7F, v2;
	v1 =	vld.idx.msk [tilespmem:v1+s25+$0x0], $0xffff;
	v0 =	vand.u32 $0xFFFFFE00, v0  }
0x11c: {  	v0 =	vor.u32 v0, v2;
	v2 =	vld [tilespmem:s26+$0x9F50]  }
0x11d: {  	v0 =	vor.u32 $0x100, v0;
	_ =	sdelay $0x3  }
0x11e: {  	[tilespmem:s26+$0x10330] =	vst v1;
	v1 =	vshll.u32 v2, $0x2  }
0x11f: {  	v2 =	vand.u32 $0x7F, v2;
	v0 =	vld.idx.msk [tilespmem:v0+s25+$0x0], $0xffff;
	v1 =	vand.u32 $0xFFFFFE00, v1  }
0x120: {  	v1 =	vor.u32 v1, v2;
	v2 =	vld [tilespmem:s26+$0x9F60]  }
0x121: {  	v1 =	vor.u32 $0x100, v1;
	_ =	sdelay $0x3  }
0x122: {  	[tilespmem:s26+$0x10340] =	vst v0;
	v0 =	vshll.u32 v2, $0x2  }
0x123: {  	v2 =	vand.u32 $0x7F, v2;
	v1 =	vld.idx.msk [tilespmem:v1+s25+$0x0], $0xffff;
	v0 =	vand.u32 $0xFFFFFE00, v0  }
0x124: {  	v0 =	vor.u32 v0, v2;
	v2 =	vld [tilespmem:s26+$0x9F70]  }
0x125: {  	v0 =	vor.u32 $0x100, v0  }
.Ltmp6:
0x126: {  	(pc) =	sbr.rel @p3 .LBB2_9-.Ltmp6, $3  }
0x127: {  	_ =	sdelay $0x1  }
0x128: {  	[tilespmem:s26+$0x10350] =	vst v1;
	v3 =	vshll.u32 v2, $0x2  }
0x129: {  	s29 =	sshra.s32 s28, $0x2;
	s28 =	sadd.s32 $0x800, s28;
	v1 =	vand.u32 $0x7F, v2;
	v0 =	vld.idx.msk [tilespmem:v0+s25+$0x0], $0xffff;
	v2 =	vand.u32 $0xFFFFFE00, v3  }
.LBB2_10:
0x12a: {  	v3 =	vld [tilespmem:s29+$0x9F00];
	v1 =	vor.u32 @p2 v2, v1  }
0x12b: {  	v1 =	vor.u32 @p2 $0x100, v1;
	_ =	sdelay $0x2  }
0x12c: {  	[tilespmem:s26+$0x10360] =	vst @p2 v0  }
0x12d: {  	v43 =	vshll.u32 v3, $0x2;
	v45 =	vld [tilespmem:s29+$0x9F10]  }
0x12e: {  	v44 =	vand.u32 $0x7F, v3;
	v2 =	vand.u32 $0xFFFFFE00, v43;
	v1 =	vld.idx.msk @p2 [tilespmem:v1+s25+$0x0], $0xffff  }
0x12f: {  	v0 =	vor.u32 v2, v44  }
0x130: {  	v0 =	vor.u32 $0x100, v0;
	_ =	sdelay $0x2  }
0x131: {  	v46 =	vshll.u32 v45, $0x2;
	[tilespmem:s26+$0x10370] =	vst @p2 v1  }
0x132: {  	v47 =	vand.u32 $0x7F, v45;
	v2 =	vand.u32 $0xFFFFFE00, v46;
	v48 =	vld [tilespmem:s29+$0x9F20]  }
0x133: {  	v1 =	vor.u32 v2, v47;
	v0 =	vld.idx.msk [tilespmem:v0+s25+$0x0], $0xffff  }
0x134: {  	v1 =	vor.u32 $0x100, v1;
	_ =	sdelay $0x2  }
0x135: {  	v49 =	vshll.u32 v48, $0x2  }
0x136: {  	v50 =	vld [tilespmem:s29+$0x9F30];
	v2 =	vand.u32 $0x7F, v48;
	[tilespmem:s29+$0x10300] =	vst v0;
	v0 =	vand.u32 $0xFFFFFE00, v49  }
0x137: {  	v1 =	vld.idx.msk [tilespmem:v1+s25+$0x0], $0xffff;
	v0 =	vor.u32 v0, v2  }
0x138: {  	v0 =	vor.u32 $0x100, v0;
	_ =	sdelay $0x2  }
0x139: {  	v51 =	vshll.u32 v50, $0x2  }
0x13a: {  	v53 =	vld [tilespmem:s29+$0x9F40];
	v52 =	vand.u32 $0x7F, v50;
	[tilespmem:s29+$0x10310] =	vst v1;
	v1 =	vand.u32 $0xFFFFFE00, v51  }
0x13b: {  	v0 =	vld.idx.msk [tilespmem:v0+s25+$0x0], $0xffff;
	v1 =	vor.u32 v1, v52  }
0x13c: {  	v1 =	vor.u32 $0x100, v1;
	_ =	sdelay $0x2  }
0x13d: {  	v54 =	vshll.u32 v53, $0x2  }
0x13e: {  	v56 =	vld [tilespmem:s29+$0x9F50];
	v55 =	vand.u32 $0x7F, v53;
	v2 =	vand.u32 $0xFFFFFE00, v54;
	[tilespmem:s29+$0x10320] =	vst v0  }
0x13f: {  	v0 =	vor.u32 v2, v55;
	v1 =	vld.idx.msk [tilespmem:v1+s25+$0x0], $0xffff  }
0x140: {  	v0 =	vor.u32 $0x100, v0;
	_ =	sdelay $0x2  }
0x141: {  	v57 =	vshll.u32 v56, $0x2  }
0x142: {  	v58 =	vld [tilespmem:s29+$0x9F60];
	v2 =	vand.u32 $0x7F, v56;
	[tilespmem:s29+$0x10330] =	vst v1;
	v1 =	vand.u32 $0xFFFFFE00, v57  }
0x143: {  	v0 =	vld.idx.msk [tilespmem:v0+s25+$0x0], $0xffff;
	v1 =	vor.u32 v1, v2  }
0x144: {  	v1 =	vor.u32 $0x100, v1;
	_ =	sdelay $0x2  }
0x145: {  	v59 =	vshll.u32 v58, $0x2  }
0x146: {  	v61 =	vld [tilespmem:s29+$0x9F70];
	v60 =	vand.u32 $0x7F, v58;
	[tilespmem:s29+$0x10340] =	vst v0;
	v0 =	vand.u32 $0xFFFFFE00, v59  }
0x147: {  	v1 =	vld.idx.msk [tilespmem:v1+s25+$0x0], $0xffff;
	v0 =	vor.u32 v0, v60  }
0x148: {  	v0 =	vor.u32 $0x100, v0;
	_ =	sdelay $0x2  }
0x149: {  	v62 =	vshll.u32 v61, $0x2  }
0x14a: {  	v63 =	vand.u32 $0x7F, v61;
	v2 =	vand.u32 $0xFFFFFE00, v62;
	[tilespmem:s29+$0x10350] =	vst v1  }
0x14b: {  	v1 =	vor.u32 v2, v63;
	v0 =	vld.idx.msk [tilespmem:v0+s25+$0x0], $0xffff  }
0x14c: {  	v1 =	vor.u32 $0x100, v1;
	_ =	sdelay $0x3  }
0x14d: {  	[tilespmem:s29+$0x10360] =	vst v0  }
0x14e: {  	v0 =	vld.idx.msk [tilespmem:v1+s25+$0x0], $0xffff  }
.Ltmp7:
0x14f: {  	_ = 	snop;
	(pc) =	sbr.rel @!p1 .LBB2_11-.Ltmp7, $2  }
0x150: {  	_ =	sdelay $0x2  }
0x151: {  	[tilespmem:s29+$0x10370] =	vst v0  }
0x152: {  	v0 =	vld [tilespmem:s24+$0x9F80];
	_ =	sdelay $0x4  }
0x153: {  	v1 =	vshll.u32 v0, $0x2  }
0x154: {  	v0 =	vand.u32 $0x7F, v0;
	v1 =	vand.u32 $0xFFFFFE00, v1  }
0x155: {  	v0 =	vor.u32 v1, v0;
	v1 =	vld [tilespmem:s24+$0x9F90]  }
0x156: {  	v0 =	vor.u32 $0x180, v0;
	_ =	sdelay $0x3  }
0x157: {  	v2 =	vshll.u32 v1, $0x2  }
0x158: {  	v1 =	vand.u32 $0x7F, v1;
	v0 =	vld.idx.msk [tilespmem:v0+s2+$0x0], $0xffff;
	v2 =	vand.u32 $0xFFFFFE00, v2  }
0x159: {  	v1 =	vor.u32 v2, v1;
	v2 =	vld [tilespmem:s24+$0x9FA0]  }
0x15a: {  	v1 =	vor.u32 $0x180, v1;
	_ =	sdelay $0x3  }
0x15b: {  	[tilespmem:s24+$0x10380] =	vst v0;
	v0 =	vshll.u32 v2, $0x2  }
0x15c: {  	v2 =	vand.u32 $0x7F, v2;
	v1 =	vld.idx.msk [tilespmem:v1+s2+$0x0], $0xffff;
	v0 =	vand.u32 $0xFFFFFE00, v0  }
0x15d: {  	v0 =	vor.u32 v0, v2;
	v2 =	vld [tilespmem:s24+$0x9FB0]  }
0x15e: {  	v0 =	vor.u32 $0x180, v0;
	_ =	sdelay $0x3  }
0x15f: {  	[tilespmem:s24+$0x10390] =	vst v1;
	v1 =	vshll.u32 v2, $0x2  }
0x160: {  	v2 =	vand.u32 $0x7F, v2;
	v0 =	vld.idx.msk [tilespmem:v0+s2+$0x0], $0xffff;
	v1 =	vand.u32 $0xFFFFFE00, v1  }
0x161: {  	v1 =	vor.u32 v1, v2;
	v2 =	vld [tilespmem:s24+$0x9FC0]  }
0x162: {  	v1 =	vor.u32 $0x180, v1;
	_ =	sdelay $0x3  }
0x163: {  	[tilespmem:s24+$0x103A0] =	vst v0;
	v0 =	vshll.u32 v2, $0x2  }
0x164: {  	v2 =	vand.u32 $0x7F, v2;
	v1 =	vld.idx.msk [tilespmem:v1+s2+$0x0], $0xffff;
	v0 =	vand.u32 $0xFFFFFE00, v0  }
0x165: {  	v0 =	vor.u32 v0, v2;
	v2 =	vld [tilespmem:s24+$0x9FD0]  }
0x166: {  	v0 =	vor.u32 $0x180, v0;
	_ =	sdelay $0x3  }
0x167: {  	[tilespmem:s24+$0x103B0] =	vst v1;
	v1 =	vshll.u32 v2, $0x2  }
0x168: {  	v2 =	vand.u32 $0x7F, v2;
	v0 =	vld.idx.msk [tilespmem:v0+s2+$0x0], $0xffff;
	v1 =	vand.u32 $0xFFFFFE00, v1  }
0x169: {  	v1 =	vor.u32 v1, v2;
	v2 =	vld [tilespmem:s24+$0x9FE0]  }
0x16a: {  	v1 =	vor.u32 $0x180, v1;
	_ =	sdelay $0x3  }
0x16b: {  	[tilespmem:s24+$0x103C0] =	vst v0;
	v0 =	vshll.u32 v2, $0x2  }
0x16c: {  	v2 =	vand.u32 $0x7F, v2;
	v1 =	vld.idx.msk [tilespmem:v1+s2+$0x0], $0xffff;
	v0 =	vand.u32 $0xFFFFFE00, v0  }
0x16d: {  	v0 =	vor.u32 v0, v2;
	v2 =	vld [tilespmem:s24+$0x9FF0]  }
0x16e: {  	p1 =	por $0x1, $0x1;
	v0 =	vor.u32 $0x180, v0  }
.Ltmp8:
0x16f: {  	_ = 	snop;
	(pc) =	sbr.rel @!p1 .LBB2_14-.Ltmp8, $3  }
0x170: {  	_ =	sdelay $0x1  }
0x171: {  	[tilespmem:s24+$0x103D0] =	vst v1;
	v3 =	vshll.u32 v2, $0x2  }
0x172: {  	s26 =	simm.s32 $0x200;
	s25 =	simm.s32 $0x1000;
	p0 =	por $0x1, $0x1;
	v1 =	vand.u32 $0x7F, v2;
	v0 =	vld.idx.msk [tilespmem:v0+s2+$0x0], $0xffff;
	v2 =	vand.u32 $0xFFFFFE00, v3  }
.LBB2_13:
0x173: {  	p1 =	sne.s32 s25, $0xC000;
	v3 =	vld [tilespmem:s26+$0x9F80];
	v1 =	vor.u32 v2, v1  }
0x174: {  	v1 =	vor.u32 $0x180, v1;
	_ =	sdelay $0x3  }
0x175: {  	v2 =	vshll.u32 v3, $0x2;
	[tilespmem:s24+$0x103E0] =	vst v0  }
0x176: {  	v0 =	vand.u32 $0x7F, v3;
	v2 =	vand.u32 $0xFFFFFE00, v2;
	v1 =	vld.idx.msk [tilespmem:v1+s2+$0x0], $0xffff  }
0x177: {  	v0 =	vor.u32 v2, v0;
	v2 =	vld [tilespmem:s26+$0x9F90]  }
0x178: {  	v0 =	vor.u32 $0x180, v0;
	_ =	sdelay $0x3  }
0x179: {  	v3 =	vshll.u32 v2, $0x2;
	[tilespmem:s24+$0x103F0] =	vst v1;
	s24 =	smov.u32 s26  }
0x17a: {  	v1 =	vand.u32 $0x7F, v2;
	v0 =	vld.idx.msk [tilespmem:v0+s2+$0x0], $0xffff;
	v2 =	vand.u32 $0xFFFFFE00, v3  }
0x17b: {  	v1 =	vor.u32 v2, v1;
	v2 =	vld [tilespmem:s24+$0x9FA0]  }
0x17c: {  	v1 =	vor.u32 $0x180, v1;
	_ =	sdelay $0x3  }
0x17d: {  	[tilespmem:s24+$0x10380] =	vst v0;
	v0 =	vshll.u32 v2, $0x2  }
0x17e: {  	v2 =	vand.u32 $0x7F, v2;
	v1 =	vld.idx.msk [tilespmem:v1+s2+$0x0], $0xffff;
	v0 =	vand.u32 $0xFFFFFE00, v0  }
0x17f: {  	v0 =	vor.u32 v0, v2;
	v2 =	vld [tilespmem:s24+$0x9FB0]  }
0x180: {  	v0 =	vor.u32 $0x180, v0;
	_ =	sdelay $0x3  }
0x181: {  	[tilespmem:s24+$0x10390] =	vst v1;
	v1 =	vshll.u32 v2, $0x2  }
0x182: {  	v2 =	vand.u32 $0x7F, v2;
	v0 =	vld.idx.msk [tilespmem:v0+s2+$0x0], $0xffff;
	v1 =	vand.u32 $0xFFFFFE00, v1  }
0x183: {  	v1 =	vor.u32 v1, v2;
	v2 =	vld [tilespmem:s24+$0x9FC0]  }
0x184: {  	v1 =	vor.u32 $0x180, v1;
	_ =	sdelay $0x3  }
0x185: {  	[tilespmem:s24+$0x103A0] =	vst v0;
	v0 =	vshll.u32 v2, $0x2  }
0x186: {  	v2 =	vand.u32 $0x7F, v2;
	v1 =	vld.idx.msk [tilespmem:v1+s2+$0x0], $0xffff;
	v0 =	vand.u32 $0xFFFFFE00, v0  }
0x187: {  	v0 =	vor.u32 v0, v2;
	v2 =	vld [tilespmem:s24+$0x9FD0]  }
0x188: {  	v0 =	vor.u32 $0x180, v0;
	_ =	sdelay $0x3  }
0x189: {  	[tilespmem:s24+$0x103B0] =	vst v1;
	v1 =	vshll.u32 v2, $0x2  }
0x18a: {  	v2 =	vand.u32 $0x7F, v2;
	v0 =	vld.idx.msk [tilespmem:v0+s2+$0x0], $0xffff;
	v1 =	vand.u32 $0xFFFFFE00, v1  }
0x18b: {  	v1 =	vor.u32 v1, v2;
	v2 =	vld [tilespmem:s24+$0x9FE0]  }
0x18c: {  	v1 =	vor.u32 $0x180, v1;
	_ =	sdelay $0x3  }
0x18d: {  	[tilespmem:s24+$0x103C0] =	vst v0;
	v0 =	vshll.u32 v2, $0x2  }
0x18e: {  	v2 =	vand.u32 $0x7F, v2;
	v1 =	vld.idx.msk [tilespmem:v1+s2+$0x0], $0xffff;
	v0 =	vand.u32 $0xFFFFFE00, v0  }
0x18f: {  	v0 =	vor.u32 v0, v2;
	v2 =	vld [tilespmem:s24+$0x9FF0]  }
0x190: {  	v0 =	vor.u32 $0x180, v0  }
.Ltmp9:
0x191: {  	(pc) =	sbr.rel @p1 .LBB2_13-.Ltmp9, $3  }
0x192: {  	_ =	sdelay $0x1  }
0x193: {  	[tilespmem:s24+$0x103D0] =	vst v1;
	v3 =	vshll.u32 v2, $0x2  }
0x194: {  	s26 =	sshra.s32 s25, $0x2;
	s25 =	sadd.s32 $0x800, s25;
	v1 =	vand.u32 $0x7F, v2;
	v0 =	vld.idx.msk [tilespmem:v0+s2+$0x0], $0xffff;
	v2 =	vand.u32 $0xFFFFFE00, v3  }
.LBB2_14:
0x195: {  	v3 =	vld [tilespmem:s26+$0x9F80];
	v1 =	vor.u32 @p0 v2, v1  }
0x196: {  	v1 =	vor.u32 @p0 $0x180, v1;
	_ =	sdelay $0x2  }
0x197: {  	[tilespmem:s24+$0x103E0] =	vst @p0 v0  }
0x198: {  	v2 =	vshll.u32 v3, $0x2;
	v0 =	vand.u32 $0x7F, v3;
	v3 =	vld [tilespmem:s26+$0x9F90]  }
0x199: {  	v2 =	vand.u32 $0xFFFFFE00, v2;
	v1 =	vld.idx.msk @p0 [tilespmem:v1+s2+$0x0], $0xffff  }
0x19a: {  	v0 =	vor.u32 v2, v0  }
0x19b: {  	v0 =	vor.u32 $0x180, v0;
	_ =	sdelay $0x1  }
0x19c: {  	v2 =	vshll.u32 v3, $0x2  }
0x19d: {  	[tilespmem:s24+$0x103F0] =	vst @p0 v1;
	v1 =	vand.u32 $0x7F, v3;
	v2 =	vand.u32 $0xFFFFFE00, v2  }
0x19e: {  	v1 =	vor.u32 v2, v1;
	v2 =	vld [tilespmem:s26+$0x9FA0]  }
0x19f: {  	v0 =	vld.idx.msk [tilespmem:v0+s2+$0x0], $0xffff  }
0x1a0: {  	v1 =	vor.u32 $0x180, v1;
	_ =	sdelay $0x3  }
0x1a1: {  	v3 =	vld [tilespmem:s26+$0x9FB0];
	[tilespmem:s26+$0x10380] =	vst v0;
	v0 =	vshll.u32 v2, $0x2  }
0x1a2: {  	v2 =	vand.u32 $0x7F, v2;
	v1 =	vld.idx.msk [tilespmem:v1+s2+$0x0], $0xffff;
	v0 =	vand.u32 $0xFFFFFE00, v0  }
0x1a3: {  	v0 =	vor.u32 v0, v2  }
0x1a4: {  	v0 =	vor.u32 $0x180, v0;
	_ =	sdelay $0x2  }
0x1a5: {  	[tilespmem:s26+$0x10390] =	vst v1;
	v1 =	vshll.u32 v3, $0x2  }
0x1a6: {  	v2 =	vand.u32 $0x7F, v3;
	v3 =	vld [tilespmem:s26+$0x9FC0];
	v1 =	vand.u32 $0xFFFFFE00, v1  }
0x1a7: {  	v0 =	vld.idx.msk [tilespmem:v0+s2+$0x0], $0xffff;
	v1 =	vor.u32 v1, v2  }
0x1a8: {  	v1 =	vor.u32 $0x180, v1;
	_ =	sdelay $0x3  }
0x1a9: {  	v2 =	vshll.u32 v3, $0x2;
	[tilespmem:s26+$0x103A0] =	vst v0  }
0x1aa: {  	v2 =	vand.u32 $0xFFFFFE00, v2;
	v0 =	vand.u32 $0x7F, v3;
	v1 =	vld.idx.msk [tilespmem:v1+s2+$0x0], $0xffff  }
0x1ab: {  	v0 =	vor.u32 v2, v0;
	v2 =	vld [tilespmem:s26+$0x9FD0]  }
0x1ac: {  	v0 =	vor.u32 $0x180, v0;
	_ =	sdelay $0x3  }
0x1ad: {  	v3 =	vld [tilespmem:s26+$0x9FE0];
	[tilespmem:s26+$0x103B0] =	vst v1;
	v1 =	vshll.u32 v2, $0x2  }
0x1ae: {  	v2 =	vand.u32 $0x7F, v2;
	v0 =	vld.idx.msk [tilespmem:v0+s2+$0x0], $0xffff;
	v1 =	vand.u32 $0xFFFFFE00, v1  }
0x1af: {  	v1 =	vor.u32 v1, v2  }
0x1b0: {  	v1 =	vor.u32 $0x180, v1;
	_ =	sdelay $0x2  }
0x1b1: {  	[tilespmem:s26+$0x103C0] =	vst v0;
	v0 =	vshll.u32 v3, $0x2  }
0x1b2: {  	v2 =	vand.u32 $0x7F, v3;
	v3 =	vld [tilespmem:s26+$0x9FF0];
	v0 =	vand.u32 $0xFFFFFE00, v0  }
0x1b3: {  	v1 =	vld.idx.msk [tilespmem:v1+s2+$0x0], $0xffff;
	v0 =	vor.u32 v0, v2  }
0x1b4: {  	v0 =	vor.u32 $0x180, v0;
	_ =	sdelay $0x2  }
0x1b5: {  	v2 =	vshll.u32 v3, $0x2  }
0x1b6: {  	v2 =	vand.u32 $0xFFFFFE00, v2;
	[tilespmem:s26+$0x103D0] =	vst v1;
	v1 =	vand.u32 $0x7F, v3  }
0x1b7: {  	v0 =	vld.idx.msk [tilespmem:v0+s2+$0x0], $0xffff;
	v1 =	vor.u32 v2, v1  }
0x1b8: {  	v1 =	vor.u32 $0x180, v1;
	_ =	sdelay $0x3  }
0x1b9: {  	[tilespmem:s26+$0x103E0] =	vst v0  }
0x1ba: {  	v0 =	vld.idx.msk [tilespmem:v1+s2+$0x0], $0xffff;
	_ =	sdelay $0x2  }
0x1bb: {  	s31 =	sadd.s32 s4, s23  }
0x1bc: {  	s24 =	sshrl.u32 s31, $0x3;
	p0 =	seq.s32 s21, $0x18  }
0x1bd: {  	s24 =	sadd.s32 s5, s24;
	s23 =	sadd.s32 @!p0 s23, s9;
	[tilespmem:s26+$0x103F0] =	vst v0  }
0x1be: {  	[hbm4b:s24+s11] =	stream.strided.scatter [tilespmem:s17], [sflag:$0x2], $0x3200, s12, s11, $0x38;
	[tilespmem:$0x16600] =	vst v63  }
0x1bf: {  	p1 =	seq.s32 @!p0 s21, $0x0;
	s23 =	sshrl.u32 @!p0 s23, $0x3;
	_ =	swait.ge [sflag:s15], $0x3200  }
0x1c0: {  	s25 =	simm.s32 @!p0 $0x400;
	s23 =	sadd.s32 @!p0 s3, s23;
	[sflag:s15] =	ssyncset.done $0x0  }
0x1c1: {  	s26 =	simm.s32 @!p0 $0x9E00;
	s24 =	simm.s32 @!p0 $0x200;
	[sflag:s15] =	ssyncadd.s32 $0xFFFFCE00  }
0x1c2: {  	[tilespmem:s26], [sflag:$0x1] =	stream.strided.gather @!p0 [hbm4b:s23+s24], $0x3200, s25, s24, $0x38;
	[tilespmem:$0x16600] =	vst v63  }
0x1c3: {  	p0 =	por p0, !p1  }
0x1c4: {  	_ =	swait.ge @p0 [sflag:s19], $0x3200  }
0x1c5: {  	[sflag:s19] =	ssyncset.done @p0 $0x0  }
0x1c6: {  	s23 =	simm.s32 $0x0;
	[sflag:s19] =	ssyncadd.s32 @p0 $0xFFFFCE00  }
0x1c7: {  	v0 =	vld [tilespmem:s23+$0xD000];
	_ =	sdelay $0x4  }
0x1c8: {  	v1 =	vshll.u32 v0, $0x2  }
0x1c9: {  	v2 =	vld [tilespmem:s23+$0xD010];
	v0 =	vand.u32 $0x7F, v0;
	v1 =	vand.u32 $0xFFFFFE00, v1  }
0x1ca: {  	v0 =	vor.u32 v0, v1;
	_ =	sdelay $0x3  }
0x1cb: {  	s24 =	simm.s32 $0x0;
	v1 =	vshll.u32 v2, $0x2  }
0x1cc: {  	v2 =	vand.u32 $0x7F, v2;
	v1 =	vand.u32 $0xFFFFFE00, v1;
	v0 =	vld.idx.msk [tilespmem:v0+s24+$0x0], $0xffff  }
0x1cd: {  	v1 =	vor.u32 v2, v1;
	v2 =	vld [tilespmem:s23+$0xD020];
	_ =	sdelay $0x3  }
0x1ce: {  	[tilespmem:s23+$0x13400] =	vst v0  }
0x1cf: {  	v0 =	vld.idx.msk [tilespmem:v1+s24+$0x0], $0xffff;
	v1 =	vshll.u32 v2, $0x2  }
0x1d0: {  	v3 =	vld [tilespmem:s23+$0xD030];
	v2 =	vand.u32 $0x7F, v2;
	v1 =	vand.u32 $0xFFFFFE00, v1  }
0x1d1: {  	v1 =	vor.u32 v2, v1;
	_ =	sdelay $0x3  }
0x1d2: {  	[tilespmem:s23+$0x13410] =	vst v0;
	v0 =	vshll.u32 v3, $0x2  }
0x1d3: {  	v2 =	vand.u32 $0x7F, v3;
	v0 =	vand.u32 $0xFFFFFE00, v0;
	v1 =	vld.idx.msk [tilespmem:v1+s24+$0x0], $0xffff  }
0x1d4: {  	v0 =	vor.u32 v2, v0;
	v2 =	vld [tilespmem:s23+$0xD040];
	_ =	sdelay $0x4  }
0x1d5: {  	v3 =	vld [tilespmem:s23+$0xD050];
	[tilespmem:s23+$0x13420] =	vst v1;
	v1 =	vshll.u32 v2, $0x2  }
0x1d6: {  	v2 =	vand.u32 $0x7F, v2;
	v0 =	vld.idx.msk [tilespmem:v0+s24+$0x0], $0xffff;
	v1 =	vand.u32 $0xFFFFFE00, v1  }
0x1d7: {  	v1 =	vor.u32 v2, v1;
	_ =	sdelay $0x3  }
0x1d8: {  	[tilespmem:s23+$0x13430] =	vst v0;
	v0 =	vshll.u32 v3, $0x2  }
0x1d9: {  	v2 =	vand.u32 $0x7F, v3;
	v1 =	vld.idx.msk [tilespmem:v1+s24+$0x0], $0xffff;
	v0 =	vand.u32 $0xFFFFFE00, v0  }
0x1da: {  	v0 =	vor.u32 v2, v0;
	v2 =	vld [tilespmem:s23+$0xD060];
	_ =	sdelay $0x4  }
0x1db: {  	v3 =	vld [tilespmem:s23+$0xD070];
	[tilespmem:s23+$0x13440] =	vst v1;
	v1 =	vshll.u32 v2, $0x2  }
0x1dc: {  	v0 =	vld.idx.msk [tilespmem:v0+s24+$0x0], $0xffff;
	v2 =	vand.u32 $0x7F, v2;
	v1 =	vand.u32 $0xFFFFFE00, v1  }
0x1dd: {  	v1 =	vor.u32 v2, v1;
	_ =	sdelay $0x3  }
0x1de: {  	v2 =	vshll.u32 v3, $0x2;
	[tilespmem:s23+$0x13450] =	vst v0  }
0x1df: {  	s28 =	simm.s32 $0x200;
	s26 =	simm.s32 $0x1000;
	s25 =	simm.s32 $0x0;
	v2 =	vand.u32 $0xFFFFFE00, v2;
	v0 =	vld.idx.msk [tilespmem:v1+s24+$0x0], $0xffff;
	v1 =	vand.u32 $0x7F, v3  }
.LBB2_15:
0x1e0: {  	p0 =	sne.s32 s26, $0xC000;
	v3 =	vld [tilespmem:s28+$0xD000];
	v1 =	vor.u32 v1, v2;
	_ =	sdelay $0x3  }
0x1e1: {  	[tilespmem:s25+$0x13460] =	vst v0  }
0x1e2: {  	v0 =	vshll.u32 v3, $0x2;
	v1 =	vld.idx.msk [tilespmem:v1+s24+$0x0], $0xffff  }
0x1e3: {  	v2 =	vand.u32 $0x7F, v3;
	v0 =	vand.u32 $0xFFFFFE00, v0  }
0x1e4: {  	v0 =	vor.u32 v2, v0;
	v2 =	vld [tilespmem:s28+$0xD010];
	_ =	sdelay $0x3  }
0x1e5: {  	[tilespmem:s25+$0x13470] =	vst v1;
	s25 =	smov.u32 s28  }
0x1e6: {  	v0 =	vld.idx.msk [tilespmem:v0+s24+$0x0], $0xffff;
	v1 =	vshll.u32 v2, $0x2  }
0x1e7: {  	v2 =	vand.u32 $0x7F, v2;
	v1 =	vand.u32 $0xFFFFFE00, v1  }
0x1e8: {  	v1 =	vor.u32 v2, v1;
	v2 =	vld [tilespmem:s25+$0xD020];
	_ =	sdelay $0x3  }
0x1e9: {  	[tilespmem:s25+$0x13400] =	vst v0  }
0x1ea: {  	v0 =	vld.idx.msk [tilespmem:v1+s24+$0x0], $0xffff;
	v1 =	vshll.u32 v2, $0x2  }
0x1eb: {  	v2 =	vand.u32 $0x7F, v2;
	v1 =	vand.u32 $0xFFFFFE00, v1  }
0x1ec: {  	v1 =	vor.u32 v2, v1;
	v2 =	vld [tilespmem:s25+$0xD030];
	_ =	sdelay $0x3  }
0x1ed: {  	[tilespmem:s25+$0x13410] =	vst v0  }
0x1ee: {  	v0 =	vld.idx.msk [tilespmem:v1+s24+$0x0], $0xffff;
	v1 =	vshll.u32 v2, $0x2  }
0x1ef: {  	v2 =	vand.u32 $0x7F, v2;
	v1 =	vand.u32 $0xFFFFFE00, v1  }
0x1f0: {  	v1 =	vor.u32 v2, v1;
	v2 =	vld [tilespmem:s25+$0xD040];
	_ =	sdelay $0x3  }
0x1f1: {  	[tilespmem:s25+$0x13420] =	vst v0  }
0x1f2: {  	v0 =	vld.idx.msk [tilespmem:v1+s24+$0x0], $0xffff;
	v1 =	vshll.u32 v2, $0x2  }
0x1f3: {  	v2 =	vand.u32 $0x7F, v2;
	v1 =	vand.u32 $0xFFFFFE00, v1  }
0x1f4: {  	v1 =	vor.u32 v2, v1;
	v2 =	vld [tilespmem:s25+$0xD050];
	_ =	sdelay $0x3  }
0x1f5: {  	[tilespmem:s25+$0x13430] =	vst v0  }
0x1f6: {  	v0 =	vld.idx.msk [tilespmem:v1+s24+$0x0], $0xffff;
	v1 =	vshll.u32 v2, $0x2  }
0x1f7: {  	v2 =	vand.u32 $0x7F, v2;
	v1 =	vand.u32 $0xFFFFFE00, v1  }
0x1f8: {  	v1 =	vor.u32 v2, v1;
	v2 =	vld [tilespmem:s25+$0xD060];
	_ =	sdelay $0x3  }
0x1f9: {  	[tilespmem:s25+$0x13440] =	vst v0  }
0x1fa: {  	v0 =	vld.idx.msk [tilespmem:v1+s24+$0x0], $0xffff;
	v1 =	vshll.u32 v2, $0x2  }
0x1fb: {  	v2 =	vand.u32 $0x7F, v2;
	v1 =	vand.u32 $0xFFFFFE00, v1  }
0x1fc: {  	v1 =	vor.u32 v2, v1;
	v2 =	vld [tilespmem:s25+$0xD070];
	_ =	sdelay $0x1  }
.Ltmp10:
0x1fd: {  	(pc) =	sbr.rel @p0 .LBB2_15-.Ltmp10, $4  }
0x1fe: {  	_ = 	snop  }
0x1ff: {  	[tilespmem:s25+$0x13450] =	vst v0  }
0x200: {  	v0 =	vld.idx.msk [tilespmem:v1+s24+$0x0], $0xffff;
	v3 =	vshll.u32 v2, $0x2  }
0x201: {  	s28 =	sshra.s32 s26, $0x2;
	s26 =	sadd.s32 $0x800, s26;
	v1 =	vand.u32 $0x7F, v2;
	v2 =	vand.u32 $0xFFFFFE00, v3  }
0x202: {  	v3 =	vld [tilespmem:s28+$0xD000];
	v1 =	vor.u32 v1, v2;
	_ =	sdelay $0x3  }
0x203: {  	[tilespmem:s25+$0x13460] =	vst v0  }
0x204: {  	v0 =	vshll.u32 v3, $0x2;
	v1 =	vld.idx.msk [tilespmem:v1+s24+$0x0], $0xffff  }
0x205: {  	v2 =	vand.u32 $0x7F, v3;
	v3 =	vld [tilespmem:s28+$0xD010];
	v0 =	vand.u32 $0xFFFFFE00, v0  }
0x206: {  	v0 =	vor.u32 v2, v0;
	_ =	sdelay $0x3  }
0x207: {  	[tilespmem:s25+$0x13470] =	vst v1;
	v1 =	vshll.u32 v3, $0x2  }
0x208: {  	v2 =	vand.u32 $0x7F, v3;
	v1 =	vand.u32 $0xFFFFFE00, v1;
	v0 =	vld.idx.msk [tilespmem:v0+s24+$0x0], $0xffff  }
0x209: {  	v1 =	vor.u32 v2, v1;
	v2 =	vld [tilespmem:s28+$0xD020];
	_ =	sdelay $0x3  }
0x20a: {  	[tilespmem:s28+$0x13400] =	vst v0  }
0x20b: {  	v0 =	vld.idx.msk [tilespmem:v1+s24+$0x0], $0xffff;
	v1 =	vshll.u32 v2, $0x2  }
0x20c: {  	v3 =	vld [tilespmem:s28+$0xD030];
	v2 =	vand.u32 $0x7F, v2;
	v1 =	vand.u32 $0xFFFFFE00, v1  }
0x20d: {  	v1 =	vor.u32 v2, v1;
	_ =	sdelay $0x3  }
0x20e: {  	[tilespmem:s28+$0x13410] =	vst v0;
	v0 =	vshll.u32 v3, $0x2  }
0x20f: {  	v2 =	vand.u32 $0x7F, v3;
	v0 =	vand.u32 $0xFFFFFE00, v0;
	v1 =	vld.idx.msk [tilespmem:v1+s24+$0x0], $0xffff  }
0x210: {  	v0 =	vor.u32 v2, v0;
	v2 =	vld [tilespmem:s28+$0xD040];
	_ =	sdelay $0x4  }
0x211: {  	v3 =	vld [tilespmem:s28+$0xD050];
	[tilespmem:s28+$0x13420] =	vst v1;
	v1 =	vshll.u32 v2, $0x2  }
0x212: {  	v2 =	vand.u32 $0x7F, v2;
	v0 =	vld.idx.msk [tilespmem:v0+s24+$0x0], $0xffff;
	v1 =	vand.u32 $0xFFFFFE00, v1  }
0x213: {  	v1 =	vor.u32 v2, v1;
	_ =	sdelay $0x3  }
0x214: {  	[tilespmem:s28+$0x13430] =	vst v0;
	v0 =	vshll.u32 v3, $0x2  }
0x215: {  	v2 =	vand.u32 $0x7F, v3;
	v1 =	vld.idx.msk [tilespmem:v1+s24+$0x0], $0xffff;
	v0 =	vand.u32 $0xFFFFFE00, v0  }
0x216: {  	v0 =	vor.u32 v2, v0;
	v2 =	vld [tilespmem:s28+$0xD060];
	_ =	sdelay $0x4  }
0x217: {  	v3 =	vld [tilespmem:s28+$0xD070];
	[tilespmem:s28+$0x13440] =	vst v1;
	v1 =	vshll.u32 v2, $0x2  }
0x218: {  	v0 =	vld.idx.msk [tilespmem:v0+s24+$0x0], $0xffff;
	v2 =	vand.u32 $0x7F, v2;
	v1 =	vand.u32 $0xFFFFFE00, v1  }
0x219: {  	v1 =	vor.u32 v2, v1;
	_ =	sdelay $0x3  }
0x21a: {  	[tilespmem:s28+$0x13450] =	vst v0;
	v0 =	vshll.u32 v3, $0x2  }
0x21b: {  	v2 =	vand.u32 $0x7F, v3;
	v0 =	vand.u32 $0xFFFFFE00, v0;
	v1 =	vld.idx.msk [tilespmem:v1+s24+$0x0], $0xffff  }
0x21c: {  	v0 =	vor.u32 v2, v0;
	_ =	sdelay $0x3  }
0x21d: {  	[tilespmem:s28+$0x13460] =	vst v1  }
0x21e: {  	v0 =	vld.idx.msk [tilespmem:v0+s24+$0x0], $0xffff;
	_ =	sdelay $0x4  }
0x21f: {  	[tilespmem:s28+$0x13470] =	vst v0  }
0x220: {  	v0 =	vld [tilespmem:s23+$0xD080];
	_ =	sdelay $0x4  }
0x221: {  	v1 =	vshll.u32 v0, $0x2  }
0x222: {  	v0 =	vand.u32 $0x7F, v0;
	v1 =	vand.u32 $0xFFFFFE00, v1  }
0x223: {  	v0 =	vor.u32 v1, v0;
	v1 =	vld [tilespmem:s23+$0xD090]  }
0x224: {  	v0 =	vor.u32 $0x80, v0;
	_ =	sdelay $0x3  }
0x225: {  	s24 =	simm.s32 $0x0;
	v2 =	vshll.u32 v1, $0x2  }
0x226: {  	v1 =	vand.u32 $0x7F, v1;
	v0 =	vld.idx.msk [tilespmem:v0+s24+$0x0], $0xffff;
	v2 =	vand.u32 $0xFFFFFE00, v2  }
0x227: {  	v1 =	vor.u32 v2, v1;
	v2 =	vld [tilespmem:s23+$0xD0A0]  }
0x228: {  	v1 =	vor.u32 $0x80, v1;
	_ =	sdelay $0x3  }
0x229: {  	[tilespmem:s23+$0x13480] =	vst v0;
	v0 =	vshll.u32 v2, $0x2  }
0x22a: {  	v2 =	vand.u32 $0x7F, v2;
	v1 =	vld.idx.msk [tilespmem:v1+s24+$0x0], $0xffff;
	v0 =	vand.u32 $0xFFFFFE00, v0  }
0x22b: {  	v0 =	vor.u32 v0, v2;
	v2 =	vld [tilespmem:s23+$0xD0B0]  }
0x22c: {  	v0 =	vor.u32 $0x80, v0;
	_ =	sdelay $0x3  }
0x22d: {  	[tilespmem:s23+$0x13490] =	vst v1;
	v1 =	vshll.u32 v2, $0x2  }
0x22e: {  	v2 =	vand.u32 $0x7F, v2;
	v0 =	vld.idx.msk [tilespmem:v0+s24+$0x0], $0xffff;
	v1 =	vand.u32 $0xFFFFFE00, v1  }
0x22f: {  	v1 =	vor.u32 v1, v2;
	v2 =	vld [tilespmem:s23+$0xD0C0]  }
0x230: {  	v1 =	vor.u32 $0x80, v1;
	_ =	sdelay $0x3  }
0x231: {  	[tilespmem:s23+$0x134A0] =	vst v0;
	v0 =	vshll.u32 v2, $0x2  }
0x232: {  	v2 =	vand.u32 $0x7F, v2;
	v1 =	vld.idx.msk [tilespmem:v1+s24+$0x0], $0xffff;
	v0 =	vand.u32 $0xFFFFFE00, v0  }
0x233: {  	v0 =	vor.u32 v0, v2;
	v2 =	vld [tilespmem:s23+$0xD0D0]  }
0x234: {  	v0 =	vor.u32 $0x80, v0;
	_ =	sdelay $0x3  }
0x235: {  	[tilespmem:s23+$0x134B0] =	vst v1;
	v1 =	vshll.u32 v2, $0x2  }
0x236: {  	v2 =	vand.u32 $0x7F, v2;
	v0 =	vld.idx.msk [tilespmem:v0+s24+$0x0], $0xffff;
	v1 =	vand.u32 $0xFFFFFE00, v1  }
0x237: {  	v1 =	vor.u32 v1, v2;
	v2 =	vld [tilespmem:s23+$0xD0E0]  }
0x238: {  	v1 =	vor.u32 $0x80, v1;
	_ =	sdelay $0x3  }
0x239: {  	[tilespmem:s23+$0x134C0] =	vst v0;
	v0 =	vshll.u32 v2, $0x2  }
0x23a: {  	v2 =	vand.u32 $0x7F, v2;
	v1 =	vld.idx.msk [tilespmem:v1+s24+$0x0], $0xffff;
	v0 =	vand.u32 $0xFFFFFE00, v0  }
0x23b: {  	v0 =	vor.u32 v0, v2;
	v2 =	vld [tilespmem:s23+$0xD0F0]  }
0x23c: {  	v0 =	vor.u32 $0x80, v0;
	_ =	sdelay $0x3  }
0x23d: {  	[tilespmem:s23+$0x134D0] =	vst v1;
	v3 =	vshll.u32 v2, $0x2  }
0x23e: {  	s26 =	simm.s32 $0x200;
	s25 =	simm.s32 $0x1000;
	v1 =	vand.u32 $0x7F, v2;
	v0 =	vld.idx.msk [tilespmem:v0+s24+$0x0], $0xffff;
	v2 =	vand.u32 $0xFFFFFE00, v3  }
.LBB2_17:
0x23f: {  	p0 =	sne.s32 s25, $0xC000;
	v3 =	vld [tilespmem:s26+$0xD080];
	v1 =	vor.u32 v2, v1  }
0x240: {  	v1 =	vor.u32 $0x80, v1;
	_ =	sdelay $0x3  }
0x241: {  	v2 =	vshll.u32 v3, $0x2;
	[tilespmem:s23+$0x134E0] =	vst v0  }
0x242: {  	v0 =	vand.u32 $0x7F, v3;
	v2 =	vand.u32 $0xFFFFFE00, v2;
	v1 =	vld.idx.msk [tilespmem:v1+s24+$0x0], $0xffff  }
0x243: {  	v0 =	vor.u32 v2, v0;
	v2 =	vld [tilespmem:s26+$0xD090]  }
0x244: {  	v0 =	vor.u32 $0x80, v0;
	_ =	sdelay $0x3  }
0x245: {  	v3 =	vshll.u32 v2, $0x2;
	[tilespmem:s23+$0x134F0] =	vst v1;
	s23 =	smov.u32 s26  }
0x246: {  	v1 =	vand.u32 $0x7F, v2;
	v0 =	vld.idx.msk [tilespmem:v0+s24+$0x0], $0xffff;
	v2 =	vand.u32 $0xFFFFFE00, v3  }
0x247: {  	v1 =	vor.u32 v2, v1;
	v2 =	vld [tilespmem:s23+$0xD0A0]  }
0x248: {  	v1 =	vor.u32 $0x80, v1;
	_ =	sdelay $0x3  }
0x249: {  	[tilespmem:s23+$0x13480] =	vst v0;
	v0 =	vshll.u32 v2, $0x2  }
0x24a: {  	v2 =	vand.u32 $0x7F, v2;
	v1 =	vld.idx.msk [tilespmem:v1+s24+$0x0], $0xffff;
	v0 =	vand.u32 $0xFFFFFE00, v0  }
0x24b: {  	v0 =	vor.u32 v0, v2;
	v2 =	vld [tilespmem:s23+$0xD0B0]  }
0x24c: {  	v0 =	vor.u32 $0x80, v0;
	_ =	sdelay $0x3  }
0x24d: {  	[tilespmem:s23+$0x13490] =	vst v1;
	v1 =	vshll.u32 v2, $0x2  }
0x24e: {  	v2 =	vand.u32 $0x7F, v2;
	v0 =	vld.idx.msk [tilespmem:v0+s24+$0x0], $0xffff;
	v1 =	vand.u32 $0xFFFFFE00, v1  }
0x24f: {  	v1 =	vor.u32 v1, v2;
	v2 =	vld [tilespmem:s23+$0xD0C0]  }
0x250: {  	v1 =	vor.u32 $0x80, v1;
	_ =	sdelay $0x3  }
0x251: {  	[tilespmem:s23+$0x134A0] =	vst v0;
	v0 =	vshll.u32 v2, $0x2  }
0x252: {  	v2 =	vand.u32 $0x7F, v2;
	v1 =	vld.idx.msk [tilespmem:v1+s24+$0x0], $0xffff;
	v0 =	vand.u32 $0xFFFFFE00, v0  }
0x253: {  	v0 =	vor.u32 v0, v2;
	v2 =	vld [tilespmem:s23+$0xD0D0]  }
0x254: {  	v0 =	vor.u32 $0x80, v0;
	_ =	sdelay $0x3  }
0x255: {  	[tilespmem:s23+$0x134B0] =	vst v1;
	v1 =	vshll.u32 v2, $0x2  }
0x256: {  	v2 =	vand.u32 $0x7F, v2;
	v0 =	vld.idx.msk [tilespmem:v0+s24+$0x0], $0xffff;
	v1 =	vand.u32 $0xFFFFFE00, v1  }
0x257: {  	v1 =	vor.u32 v1, v2;
	v2 =	vld [tilespmem:s23+$0xD0E0]  }
0x258: {  	v1 =	vor.u32 $0x80, v1;
	_ =	sdelay $0x3  }
0x259: {  	[tilespmem:s23+$0x134C0] =	vst v0;
	v0 =	vshll.u32 v2, $0x2  }
0x25a: {  	v2 =	vand.u32 $0x7F, v2;
	v1 =	vld.idx.msk [tilespmem:v1+s24+$0x0], $0xffff;
	v0 =	vand.u32 $0xFFFFFE00, v0  }
0x25b: {  	v0 =	vor.u32 v0, v2;
	v2 =	vld [tilespmem:s23+$0xD0F0]  }
0x25c: {  	v0 =	vor.u32 $0x80, v0  }
.Ltmp11:
0x25d: {  	(pc) =	sbr.rel @p0 .LBB2_17-.Ltmp11, $3  }
0x25e: {  	_ =	sdelay $0x1  }
0x25f: {  	[tilespmem:s23+$0x134D0] =	vst v1;
	v3 =	vshll.u32 v2, $0x2  }
0x260: {  	s26 =	sshra.s32 s25, $0x2;
	s25 =	sadd.s32 $0x800, s25;
	v1 =	vand.u32 $0x7F, v2;
	v0 =	vld.idx.msk [tilespmem:v0+s24+$0x0], $0xffff;
	v2 =	vand.u32 $0xFFFFFE00, v3  }
0x261: {  	v3 =	vld [tilespmem:s26+$0xD080];
	v1 =	vor.u32 v2, v1  }
0x262: {  	v1 =	vor.u32 $0x80, v1;
	_ =	sdelay $0x2  }
0x263: {  	[tilespmem:s23+$0x134E0] =	vst v0  }
0x264: {  	v2 =	vshll.u32 v3, $0x2;
	v0 =	vand.u32 $0x7F, v3;
	v3 =	vld [tilespmem:s26+$0xD090]  }
0x265: {  	v2 =	vand.u32 $0xFFFFFE00, v2;
	v1 =	vld.idx.msk [tilespmem:v1+s24+$0x0], $0xffff  }
0x266: {  	v0 =	vor.u32 v2, v0  }
0x267: {  	v0 =	vor.u32 $0x80, v0;
	_ =	sdelay $0x1  }
0x268: {  	v2 =	vshll.u32 v3, $0x2  }
0x269: {  	[tilespmem:s23+$0x134F0] =	vst v1;
	v1 =	vand.u32 $0x7F, v3;
	v2 =	vand.u32 $0xFFFFFE00, v2  }
0x26a: {  	s24 =	simm.s32 $0x0;
	v1 =	vor.u32 v2, v1;
	v2 =	vld [tilespmem:s26+$0xD0A0]  }
0x26b: {  	v0 =	vld.idx.msk [tilespmem:v0+s24+$0x0], $0xffff  }
0x26c: {  	v1 =	vor.u32 $0x80, v1;
	_ =	sdelay $0x3  }
0x26d: {  	v3 =	vld [tilespmem:s26+$0xD0B0];
	[tilespmem:s26+$0x13480] =	vst v0;
	v0 =	vshll.u32 v2, $0x2  }
0x26e: {  	v2 =	vand.u32 $0x7F, v2;
	v1 =	vld.idx.msk [tilespmem:v1+s24+$0x0], $0xffff;
	v0 =	vand.u32 $0xFFFFFE00, v0  }
0x26f: {  	v0 =	vor.u32 v0, v2  }
0x270: {  	v0 =	vor.u32 $0x80, v0;
	_ =	sdelay $0x2  }
0x271: {  	[tilespmem:s26+$0x13490] =	vst v1;
	v1 =	vshll.u32 v3, $0x2  }
0x272: {  	v2 =	vand.u32 $0x7F, v3;
	v3 =	vld [tilespmem:s26+$0xD0C0];
	v1 =	vand.u32 $0xFFFFFE00, v1  }
0x273: {  	v0 =	vld.idx.msk [tilespmem:v0+s24+$0x0], $0xffff;
	v1 =	vor.u32 v1, v2  }
0x274: {  	v1 =	vor.u32 $0x80, v1;
	_ =	sdelay $0x3  }
0x275: {  	v2 =	vshll.u32 v3, $0x2;
	[tilespmem:s26+$0x134A0] =	vst v0  }
0x276: {  	v2 =	vand.u32 $0xFFFFFE00, v2;
	v0 =	vand.u32 $0x7F, v3;
	v1 =	vld.idx.msk [tilespmem:v1+s24+$0x0], $0xffff  }
0x277: {  	v0 =	vor.u32 v2, v0;
	v2 =	vld [tilespmem:s26+$0xD0D0]  }
0x278: {  	v0 =	vor.u32 $0x80, v0;
	_ =	sdelay $0x3  }
0x279: {  	v3 =	vld [tilespmem:s26+$0xD0E0];
	[tilespmem:s26+$0x134B0] =	vst v1;
	v1 =	vshll.u32 v2, $0x2  }
0x27a: {  	v2 =	vand.u32 $0x7F, v2;
	v0 =	vld.idx.msk [tilespmem:v0+s24+$0x0], $0xffff;
	v1 =	vand.u32 $0xFFFFFE00, v1  }
0x27b: {  	v1 =	vor.u32 v1, v2  }
0x27c: {  	v1 =	vor.u32 $0x80, v1;
	_ =	sdelay $0x2  }
0x27d: {  	[tilespmem:s26+$0x134C0] =	vst v0;
	v0 =	vshll.u32 v3, $0x2  }
0x27e: {  	v2 =	vand.u32 $0x7F, v3;
	v3 =	vld [tilespmem:s26+$0xD0F0];
	v0 =	vand.u32 $0xFFFFFE00, v0  }
0x27f: {  	v1 =	vld.idx.msk [tilespmem:v1+s24+$0x0], $0xffff;
	v0 =	vor.u32 v0, v2  }
0x280: {  	v0 =	vor.u32 $0x80, v0;
	_ =	sdelay $0x2  }
0x281: {  	v2 =	vshll.u32 v3, $0x2  }
0x282: {  	v2 =	vand.u32 $0xFFFFFE00, v2;
	[tilespmem:s26+$0x134D0] =	vst v1;
	v1 =	vand.u32 $0x7F, v3  }
0x283: {  	v0 =	vld.idx.msk [tilespmem:v0+s24+$0x0], $0xffff;
	v1 =	vor.u32 v2, v1  }
0x284: {  	v1 =	vor.u32 $0x80, v1;
	_ =	sdelay $0x3  }
0x285: {  	[tilespmem:s26+$0x134E0] =	vst v0  }
0x286: {  	p1 =	por $0x1, $0x1;
	v0 =	vld.idx.msk [tilespmem:v1+s24+$0x0], $0xffff  }
.Ltmp12:
0x287: {  	_ = 	snop;
	(pc) =	sbr.rel @!p1 .LBB2_22-.Ltmp12, $3  }
0x288: {  	_ =	sdelay $0x1  }
0x289: {  	p0 =	por $0x0, $0x0  }
0x28a: {  	s28 =	simm.s32 $0x0;
	p2 =	por $0x0, $0x0;
	s23 =	simm.s32 $0x0;
	[tilespmem:s26+$0x134F0] =	vst v0  }
0x28b: {  	v0 =	vld [tilespmem:s23+$0xD100];
	_ =	sdelay $0x4  }
0x28c: {  	v1 =	vshll.u32 v0, $0x2  }
0x28d: {  	v0 =	vand.u32 $0x7F, v0;
	v1 =	vand.u32 $0xFFFFFE00, v1  }
0x28e: {  	v0 =	vor.u32 v1, v0;
	v1 =	vld [tilespmem:s23+$0xD110]  }
0x28f: {  	v0 =	vor.u32 $0x100, v0;
	_ =	sdelay $0x3  }
0x290: {  	v2 =	vshll.u32 v1, $0x2  }
0x291: {  	v1 =	vand.u32 $0x7F, v1;
	v0 =	vld.idx.msk [tilespmem:v0+s24+$0x0], $0xffff;
	v2 =	vand.u32 $0xFFFFFE00, v2  }
0x292: {  	v1 =	vor.u32 v2, v1;
	v2 =	vld [tilespmem:s23+$0xD120]  }
0x293: {  	v1 =	vor.u32 $0x100, v1;
	_ =	sdelay $0x3  }
0x294: {  	[tilespmem:s23+$0x13500] =	vst v0;
	v0 =	vshll.u32 v2, $0x2  }
0x295: {  	v2 =	vand.u32 $0x7F, v2;
	v1 =	vld.idx.msk [tilespmem:v1+s24+$0x0], $0xffff;
	v0 =	vand.u32 $0xFFFFFE00, v0  }
0x296: {  	v0 =	vor.u32 v0, v2;
	v2 =	vld [tilespmem:s23+$0xD130]  }
0x297: {  	v0 =	vor.u32 $0x100, v0;
	_ =	sdelay $0x3  }
0x298: {  	[tilespmem:s23+$0x13510] =	vst v1;
	v1 =	vshll.u32 v2, $0x2  }
0x299: {  	v2 =	vand.u32 $0x7F, v2;
	v0 =	vld.idx.msk [tilespmem:v0+s24+$0x0], $0xffff;
	v1 =	vand.u32 $0xFFFFFE00, v1  }
0x29a: {  	v1 =	vor.u32 v1, v2;
	v2 =	vld [tilespmem:s23+$0xD140]  }
0x29b: {  	v1 =	vor.u32 $0x100, v1;
	_ =	sdelay $0x3  }
0x29c: {  	[tilespmem:s23+$0x13520] =	vst v0;
	v0 =	vshll.u32 v2, $0x2  }
0x29d: {  	v2 =	vand.u32 $0x7F, v2;
	v1 =	vld.idx.msk [tilespmem:v1+s24+$0x0], $0xffff;
	v0 =	vand.u32 $0xFFFFFE00, v0  }
0x29e: {  	v0 =	vor.u32 v0, v2;
	v2 =	vld [tilespmem:s23+$0xD150]  }
0x29f: {  	v0 =	vor.u32 $0x100, v0;
	_ =	sdelay $0x3  }
0x2a0: {  	[tilespmem:s23+$0x13530] =	vst v1;
	v1 =	vshll.u32 v2, $0x2  }
0x2a1: {  	v2 =	vand.u32 $0x7F, v2;
	v0 =	vld.idx.msk [tilespmem:v0+s24+$0x0], $0xffff;
	v1 =	vand.u32 $0xFFFFFE00, v1  }
0x2a2: {  	v1 =	vor.u32 v1, v2;
	v2 =	vld [tilespmem:s23+$0xD160]  }
0x2a3: {  	v1 =	vor.u32 $0x100, v1;
	_ =	sdelay $0x3  }
0x2a4: {  	[tilespmem:s23+$0x13540] =	vst v0;
	v0 =	vshll.u32 v2, $0x2  }
0x2a5: {  	v2 =	vand.u32 $0x7F, v2;
	v1 =	vld.idx.msk [tilespmem:v1+s24+$0x0], $0xffff;
	v0 =	vand.u32 $0xFFFFFE00, v0  }
0x2a6: {  	v0 =	vor.u32 v0, v2;
	v2 =	vld [tilespmem:s23+$0xD170]  }
0x2a7: {  	p3 =	por $0x1, $0x1;
	v0 =	vor.u32 $0x100, v0  }
.Ltmp13:
0x2a8: {  	_ = 	snop;
	(pc) =	sbr.rel @!p3 .LBB2_20-.Ltmp13, $3  }
0x2a9: {  	_ =	sdelay $0x1  }
0x2aa: {  	s28 =	simm.s32 $0x200;
	[tilespmem:s23+$0x13550] =	vst v1;
	v3 =	vshll.u32 v2, $0x2  }
0x2ab: {  	s26 =	simm.s32 $0x1000;
	p2 =	por $0x1, $0x1;
	s25 =	simm.s32 $0x0;
	v1 =	vand.u32 $0x7F, v2;
	v0 =	vld.idx.msk [tilespmem:v0+s24+$0x0], $0xffff;
	v2 =	vand.u32 $0xFFFFFE00, v3  }
.LBB2_21:
0x2ac: {  	p3 =	sne.s32 s26, $0xC000;
	v3 =	vld [tilespmem:s28+$0xD100];
	v1 =	vor.u32 v2, v1  }
0x2ad: {  	v1 =	vor.u32 $0x100, v1;
	_ =	sdelay $0x3  }
0x2ae: {  	v2 =	vshll.u32 v3, $0x2;
	[tilespmem:s25+$0x13560] =	vst v0  }
0x2af: {  	v0 =	vand.u32 $0x7F, v3;
	v2 =	vand.u32 $0xFFFFFE00, v2;
	v1 =	vld.idx.msk [tilespmem:v1+s24+$0x0], $0xffff  }
0x2b0: {  	v0 =	vor.u32 v2, v0;
	v2 =	vld [tilespmem:s28+$0xD110]  }
0x2b1: {  	v0 =	vor.u32 $0x100, v0;
	_ =	sdelay $0x3  }
0x2b2: {  	v3 =	vshll.u32 v2, $0x2;
	[tilespmem:s25+$0x13570] =	vst v1;
	s25 =	smov.u32 s28  }
0x2b3: {  	v1 =	vand.u32 $0x7F, v2;
	v0 =	vld.idx.msk [tilespmem:v0+s24+$0x0], $0xffff;
	v2 =	vand.u32 $0xFFFFFE00, v3  }
0x2b4: {  	v1 =	vor.u32 v2, v1;
	v2 =	vld [tilespmem:s25+$0xD120]  }
0x2b5: {  	v1 =	vor.u32 $0x100, v1;
	_ =	sdelay $0x3  }
0x2b6: {  	[tilespmem:s25+$0x13500] =	vst v0;
	v0 =	vshll.u32 v2, $0x2  }
0x2b7: {  	v2 =	vand.u32 $0x7F, v2;
	v1 =	vld.idx.msk [tilespmem:v1+s24+$0x0], $0xffff;
	v0 =	vand.u32 $0xFFFFFE00, v0  }
0x2b8: {  	v0 =	vor.u32 v0, v2;
	v2 =	vld [tilespmem:s25+$0xD130]  }
0x2b9: {  	v0 =	vor.u32 $0x100, v0;
	_ =	sdelay $0x3  }
0x2ba: {  	[tilespmem:s25+$0x13510] =	vst v1;
	v1 =	vshll.u32 v2, $0x2  }
0x2bb: {  	v2 =	vand.u32 $0x7F, v2;
	v0 =	vld.idx.msk [tilespmem:v0+s24+$0x0], $0xffff;
	v1 =	vand.u32 $0xFFFFFE00, v1  }
0x2bc: {  	v1 =	vor.u32 v1, v2;
	v2 =	vld [tilespmem:s25+$0xD140]  }
0x2bd: {  	v1 =	vor.u32 $0x100, v1;
	_ =	sdelay $0x3  }
0x2be: {  	[tilespmem:s25+$0x13520] =	vst v0;
	v0 =	vshll.u32 v2, $0x2  }
0x2bf: {  	v2 =	vand.u32 $0x7F, v2;
	v1 =	vld.idx.msk [tilespmem:v1+s24+$0x0], $0xffff;
	v0 =	vand.u32 $0xFFFFFE00, v0  }
0x2c0: {  	v0 =	vor.u32 v0, v2;
	v2 =	vld [tilespmem:s25+$0xD150]  }
0x2c1: {  	v0 =	vor.u32 $0x100, v0;
	_ =	sdelay $0x3  }
0x2c2: {  	[tilespmem:s25+$0x13530] =	vst v1;
	v1 =	vshll.u32 v2, $0x2  }
0x2c3: {  	v2 =	vand.u32 $0x7F, v2;
	v0 =	vld.idx.msk [tilespmem:v0+s24+$0x0], $0xffff;
	v1 =	vand.u32 $0xFFFFFE00, v1  }
0x2c4: {  	v1 =	vor.u32 v1, v2;
	v2 =	vld [tilespmem:s25+$0xD160]  }
0x2c5: {  	v1 =	vor.u32 $0x100, v1;
	_ =	sdelay $0x3  }
0x2c6: {  	[tilespmem:s25+$0x13540] =	vst v0;
	v0 =	vshll.u32 v2, $0x2  }
0x2c7: {  	v2 =	vand.u32 $0x7F, v2;
	v1 =	vld.idx.msk [tilespmem:v1+s24+$0x0], $0xffff;
	v0 =	vand.u32 $0xFFFFFE00, v0  }
0x2c8: {  	v0 =	vor.u32 v0, v2;
	v2 =	vld [tilespmem:s25+$0xD170]  }
0x2c9: {  	v0 =	vor.u32 $0x100, v0  }
.Ltmp14:
0x2ca: {  	(pc) =	sbr.rel @p3 .LBB2_21-.Ltmp14, $3  }
0x2cb: {  	_ =	sdelay $0x1  }
0x2cc: {  	[tilespmem:s25+$0x13550] =	vst v1;
	v3 =	vshll.u32 v2, $0x2  }
0x2cd: {  	s28 =	sshra.s32 s26, $0x2;
	s26 =	sadd.s32 $0x800, s26;
	v1 =	vand.u32 $0x7F, v2;
	v0 =	vld.idx.msk [tilespmem:v0+s24+$0x0], $0xffff;
	v2 =	vand.u32 $0xFFFFFE00, v3  }
.LBB2_22:
0x2ce: {  	v3 =	vld [tilespmem:s28+$0xD100];
	v1 =	vor.u32 @p2 v2, v1  }
0x2cf: {  	v1 =	vor.u32 @p2 $0x100, v1;
	_ =	sdelay $0x2  }
0x2d0: {  	[tilespmem:s25+$0x13560] =	vst @p2 v0  }
0x2d1: {  	v43 =	vshll.u32 v3, $0x2;
	v45 =	vld [tilespmem:s28+$0xD110]  }
0x2d2: {  	v44 =	vand.u32 $0x7F, v3;
	v2 =	vand.u32 $0xFFFFFE00, v43;
	v1 =	vld.idx.msk @p2 [tilespmem:v1+s24+$0x0], $0xffff  }
0x2d3: {  	v0 =	vor.u32 v2, v44  }
0x2d4: {  	v0 =	vor.u32 $0x100, v0;
	_ =	sdelay $0x2  }
0x2d5: {  	v46 =	vshll.u32 v45, $0x2;
	[tilespmem:s25+$0x13570] =	vst @p2 v1  }
0x2d6: {  	v47 =	vand.u32 $0x7F, v45;
	v2 =	vand.u32 $0xFFFFFE00, v46;
	v48 =	vld [tilespmem:s28+$0xD120]  }
0x2d7: {  	v1 =	vor.u32 v2, v47;
	v0 =	vld.idx.msk [tilespmem:v0+s24+$0x0], $0xffff  }
0x2d8: {  	v1 =	vor.u32 $0x100, v1;
	_ =	sdelay $0x2  }
0x2d9: {  	v49 =	vshll.u32 v48, $0x2  }
0x2da: {  	v50 =	vld [tilespmem:s28+$0xD130];
	v2 =	vand.u32 $0x7F, v48;
	[tilespmem:s28+$0x13500] =	vst v0;
	v0 =	vand.u32 $0xFFFFFE00, v49  }
0x2db: {  	v1 =	vld.idx.msk [tilespmem:v1+s24+$0x0], $0xffff;
	v0 =	vor.u32 v0, v2  }
0x2dc: {  	v0 =	vor.u32 $0x100, v0;
	_ =	sdelay $0x2  }
0x2dd: {  	v51 =	vshll.u32 v50, $0x2  }
0x2de: {  	v53 =	vld [tilespmem:s28+$0xD140];
	v52 =	vand.u32 $0x7F, v50;
	[tilespmem:s28+$0x13510] =	vst v1;
	v1 =	vand.u32 $0xFFFFFE00, v51  }
0x2df: {  	v0 =	vld.idx.msk [tilespmem:v0+s24+$0x0], $0xffff;
	v1 =	vor.u32 v1, v52  }
0x2e0: {  	v1 =	vor.u32 $0x100, v1;
	_ =	sdelay $0x2  }
0x2e1: {  	v54 =	vshll.u32 v53, $0x2  }
0x2e2: {  	v56 =	vld [tilespmem:s28+$0xD150];
	v55 =	vand.u32 $0x7F, v53;
	v2 =	vand.u32 $0xFFFFFE00, v54;
	[tilespmem:s28+$0x13520] =	vst v0  }
0x2e3: {  	v0 =	vor.u32 v2, v55;
	v1 =	vld.idx.msk [tilespmem:v1+s24+$0x0], $0xffff  }
0x2e4: {  	v0 =	vor.u32 $0x100, v0;
	_ =	sdelay $0x2  }
0x2e5: {  	v57 =	vshll.u32 v56, $0x2  }
0x2e6: {  	v58 =	vld [tilespmem:s28+$0xD160];
	v2 =	vand.u32 $0x7F, v56;
	[tilespmem:s28+$0x13530] =	vst v1;
	v1 =	vand.u32 $0xFFFFFE00, v57  }
0x2e7: {  	v0 =	vld.idx.msk [tilespmem:v0+s24+$0x0], $0xffff;
	v1 =	vor.u32 v1, v2  }
0x2e8: {  	v1 =	vor.u32 $0x100, v1;
	_ =	sdelay $0x2  }
0x2e9: {  	v59 =	vshll.u32 v58, $0x2  }
0x2ea: {  	v61 =	vld [tilespmem:s28+$0xD170];
	v60 =	vand.u32 $0x7F, v58;
	[tilespmem:s28+$0x13540] =	vst v0;
	v0 =	vand.u32 $0xFFFFFE00, v59  }
0x2eb: {  	v1 =	vld.idx.msk [tilespmem:v1+s24+$0x0], $0xffff;
	v0 =	vor.u32 v0, v60  }
0x2ec: {  	v0 =	vor.u32 $0x100, v0;
	_ =	sdelay $0x2  }
0x2ed: {  	v62 =	vshll.u32 v61, $0x2  }
0x2ee: {  	v63 =	vand.u32 $0x7F, v61;
	v2 =	vand.u32 $0xFFFFFE00, v62;
	[tilespmem:s28+$0x13550] =	vst v1  }
0x2ef: {  	v1 =	vor.u32 v2, v63;
	v0 =	vld.idx.msk [tilespmem:v0+s24+$0x0], $0xffff  }
0x2f0: {  	v1 =	vor.u32 $0x100, v1;
	_ =	sdelay $0x3  }
0x2f1: {  	[tilespmem:s28+$0x13560] =	vst v0  }
0x2f2: {  	v0 =	vld.idx.msk [tilespmem:v1+s24+$0x0], $0xffff  }
.Ltmp15:
0x2f3: {  	_ = 	snop;
	(pc) =	sbr.rel @!p1 .LBB2_23-.Ltmp15, $2  }
0x2f4: {  	_ =	sdelay $0x2  }
0x2f5: {  	[tilespmem:s28+$0x13570] =	vst v0  }
0x2f6: {  	v0 =	vld [tilespmem:s23+$0xD180];
	_ =	sdelay $0x4  }
0x2f7: {  	v1 =	vshll.u32 v0, $0x2  }
0x2f8: {  	v0 =	vand.u32 $0x7F, v0;
	v1 =	vand.u32 $0xFFFFFE00, v1  }
0x2f9: {  	v0 =	vor.u32 v1, v0;
	v1 =	vld [tilespmem:s23+$0xD190]  }
0x2fa: {  	v0 =	vor.u32 $0x180, v0;
	_ =	sdelay $0x3  }
0x2fb: {  	v2 =	vshll.u32 v1, $0x2  }
0x2fc: {  	v1 =	vand.u32 $0x7F, v1;
	v0 =	vld.idx.msk [tilespmem:v0+s2+$0x0], $0xffff;
	v2 =	vand.u32 $0xFFFFFE00, v2  }
0x2fd: {  	v1 =	vor.u32 v2, v1;
	v2 =	vld [tilespmem:s23+$0xD1A0]  }
0x2fe: {  	v1 =	vor.u32 $0x180, v1;
	_ =	sdelay $0x3  }
0x2ff: {  	[tilespmem:s23+$0x13580] =	vst v0;
	v0 =	vshll.u32 v2, $0x2  }
0x300: {  	v2 =	vand.u32 $0x7F, v2;
	v1 =	vld.idx.msk [tilespmem:v1+s2+$0x0], $0xffff;
	v0 =	vand.u32 $0xFFFFFE00, v0  }
0x301: {  	v0 =	vor.u32 v0, v2;
	v2 =	vld [tilespmem:s23+$0xD1B0]  }
0x302: {  	v0 =	vor.u32 $0x180, v0;
	_ =	sdelay $0x3  }
0x303: {  	[tilespmem:s23+$0x13590] =	vst v1;
	v1 =	vshll.u32 v2, $0x2  }
0x304: {  	v2 =	vand.u32 $0x7F, v2;
	v0 =	vld.idx.msk [tilespmem:v0+s2+$0x0], $0xffff;
	v1 =	vand.u32 $0xFFFFFE00, v1  }
0x305: {  	v1 =	vor.u32 v1, v2;
	v2 =	vld [tilespmem:s23+$0xD1C0]  }
0x306: {  	v1 =	vor.u32 $0x180, v1;
	_ =	sdelay $0x3  }
0x307: {  	[tilespmem:s23+$0x135A0] =	vst v0;
	v0 =	vshll.u32 v2, $0x2  }
0x308: {  	v2 =	vand.u32 $0x7F, v2;
	v1 =	vld.idx.msk [tilespmem:v1+s2+$0x0], $0xffff;
	v0 =	vand.u32 $0xFFFFFE00, v0  }
0x309: {  	v0 =	vor.u32 v0, v2;
	v2 =	vld [tilespmem:s23+$0xD1D0]  }
0x30a: {  	v0 =	vor.u32 $0x180, v0;
	_ =	sdelay $0x3  }
0x30b: {  	[tilespmem:s23+$0x135B0] =	vst v1;
	v1 =	vshll.u32 v2, $0x2  }
0x30c: {  	v2 =	vand.u32 $0x7F, v2;
	v0 =	vld.idx.msk [tilespmem:v0+s2+$0x0], $0xffff;
	v1 =	vand.u32 $0xFFFFFE00, v1  }
0x30d: {  	v1 =	vor.u32 v1, v2;
	v2 =	vld [tilespmem:s23+$0xD1E0]  }
0x30e: {  	v1 =	vor.u32 $0x180, v1;
	_ =	sdelay $0x3  }
0x30f: {  	[tilespmem:s23+$0x135C0] =	vst v0;
	v0 =	vshll.u32 v2, $0x2  }
0x310: {  	v2 =	vand.u32 $0x7F, v2;
	v1 =	vld.idx.msk [tilespmem:v1+s2+$0x0], $0xffff;
	v0 =	vand.u32 $0xFFFFFE00, v0  }
0x311: {  	v0 =	vor.u32 v0, v2;
	v2 =	vld [tilespmem:s23+$0xD1F0]  }
0x312: {  	p1 =	por $0x1, $0x1;
	v0 =	vor.u32 $0x180, v0  }
.Ltmp16:
0x313: {  	_ = 	snop;
	(pc) =	sbr.rel @!p1 .LBB2_26-.Ltmp16, $3  }
0x314: {  	_ =	sdelay $0x1  }
0x315: {  	[tilespmem:s23+$0x135D0] =	vst v1;
	v3 =	vshll.u32 v2, $0x2  }
0x316: {  	s25 =	simm.s32 $0x200;
	s24 =	simm.s32 $0x1000;
	p0 =	por $0x1, $0x1;
	v1 =	vand.u32 $0x7F, v2;
	v0 =	vld.idx.msk [tilespmem:v0+s2+$0x0], $0xffff;
	v2 =	vand.u32 $0xFFFFFE00, v3  }
.LBB2_25:
0x317: {  	p1 =	sne.s32 s24, $0xC000;
	v3 =	vld [tilespmem:s25+$0xD180];
	v1 =	vor.u32 v2, v1  }
0x318: {  	v1 =	vor.u32 $0x180, v1;
	_ =	sdelay $0x3  }
0x319: {  	v2 =	vshll.u32 v3, $0x2;
	[tilespmem:s23+$0x135E0] =	vst v0  }
0x31a: {  	v0 =	vand.u32 $0x7F, v3;
	v2 =	vand.u32 $0xFFFFFE00, v2;
	v1 =	vld.idx.msk [tilespmem:v1+s2+$0x0], $0xffff  }
0x31b: {  	v0 =	vor.u32 v2, v0;
	v2 =	vld [tilespmem:s25+$0xD190]  }
0x31c: {  	v0 =	vor.u32 $0x180, v0;
	_ =	sdelay $0x3  }
0x31d: {  	v3 =	vshll.u32 v2, $0x2;
	[tilespmem:s23+$0x135F0] =	vst v1;
	s23 =	smov.u32 s25  }
0x31e: {  	v1 =	vand.u32 $0x7F, v2;
	v0 =	vld.idx.msk [tilespmem:v0+s2+$0x0], $0xffff;
	v2 =	vand.u32 $0xFFFFFE00, v3  }
0x31f: {  	v1 =	vor.u32 v2, v1;
	v2 =	vld [tilespmem:s23+$0xD1A0]  }
0x320: {  	v1 =	vor.u32 $0x180, v1;
	_ =	sdelay $0x3  }
0x321: {  	[tilespmem:s23+$0x13580] =	vst v0;
	v0 =	vshll.u32 v2, $0x2  }
0x322: {  	v2 =	vand.u32 $0x7F, v2;
	v1 =	vld.idx.msk [tilespmem:v1+s2+$0x0], $0xffff;
	v0 =	vand.u32 $0xFFFFFE00, v0  }
0x323: {  	v0 =	vor.u32 v0, v2;
	v2 =	vld [tilespmem:s23+$0xD1B0]  }
0x324: {  	v0 =	vor.u32 $0x180, v0;
	_ =	sdelay $0x3  }
0x325: {  	[tilespmem:s23+$0x13590] =	vst v1;
	v1 =	vshll.u32 v2, $0x2  }
0x326: {  	v2 =	vand.u32 $0x7F, v2;
	v0 =	vld.idx.msk [tilespmem:v0+s2+$0x0], $0xffff;
	v1 =	vand.u32 $0xFFFFFE00, v1  }
0x327: {  	v1 =	vor.u32 v1, v2;
	v2 =	vld [tilespmem:s23+$0xD1C0]  }
0x328: {  	v1 =	vor.u32 $0x180, v1;
	_ =	sdelay $0x3  }
0x329: {  	[tilespmem:s23+$0x135A0] =	vst v0;
	v0 =	vshll.u32 v2, $0x2  }
0x32a: {  	v2 =	vand.u32 $0x7F, v2;
	v1 =	vld.idx.msk [tilespmem:v1+s2+$0x0], $0xffff;
	v0 =	vand.u32 $0xFFFFFE00, v0  }
0x32b: {  	v0 =	vor.u32 v0, v2;
	v2 =	vld [tilespmem:s23+$0xD1D0]  }
0x32c: {  	v0 =	vor.u32 $0x180, v0;
	_ =	sdelay $0x3  }
0x32d: {  	[tilespmem:s23+$0x135B0] =	vst v1;
	v1 =	vshll.u32 v2, $0x2  }
0x32e: {  	v2 =	vand.u32 $0x7F, v2;
	v0 =	vld.idx.msk [tilespmem:v0+s2+$0x0], $0xffff;
	v1 =	vand.u32 $0xFFFFFE00, v1  }
0x32f: {  	v1 =	vor.u32 v1, v2;
	v2 =	vld [tilespmem:s23+$0xD1E0]  }
0x330: {  	v1 =	vor.u32 $0x180, v1;
	_ =	sdelay $0x3  }
0x331: {  	[tilespmem:s23+$0x135C0] =	vst v0;
	v0 =	vshll.u32 v2, $0x2  }
0x332: {  	v2 =	vand.u32 $0x7F, v2;
	v1 =	vld.idx.msk [tilespmem:v1+s2+$0x0], $0xffff;
	v0 =	vand.u32 $0xFFFFFE00, v0  }
0x333: {  	v0 =	vor.u32 v0, v2;
	v2 =	vld [tilespmem:s23+$0xD1F0]  }
0x334: {  	v0 =	vor.u32 $0x180, v0  }
.Ltmp17:
0x335: {  	(pc) =	sbr.rel @p1 .LBB2_25-.Ltmp17, $3  }
0x336: {  	_ =	sdelay $0x1  }
0x337: {  	[tilespmem:s23+$0x135D0] =	vst v1;
	v3 =	vshll.u32 v2, $0x2  }
0x338: {  	s25 =	sshra.s32 s24, $0x2;
	s24 =	sadd.s32 $0x800, s24;
	v1 =	vand.u32 $0x7F, v2;
	v0 =	vld.idx.msk [tilespmem:v0+s2+$0x0], $0xffff;
	v2 =	vand.u32 $0xFFFFFE00, v3  }
.LBB2_26:
0x339: {  	v3 =	vld [tilespmem:s25+$0xD180];
	v1 =	vor.u32 @p0 v2, v1  }
0x33a: {  	v1 =	vor.u32 @p0 $0x180, v1;
	_ =	sdelay $0x2  }
0x33b: {  	[tilespmem:s23+$0x135E0] =	vst @p0 v0  }
0x33c: {  	v43 =	vshll.u32 v3, $0x2;
	v45 =	vld [tilespmem:s25+$0xD190]  }
0x33d: {  	v44 =	vand.u32 $0x7F, v3;
	v2 =	vand.u32 $0xFFFFFE00, v43;
	v1 =	vld.idx.msk @p0 [tilespmem:v1+s2+$0x0], $0xffff  }
0x33e: {  	v0 =	vor.u32 v2, v44  }
0x33f: {  	v0 =	vor.u32 $0x180, v0;
	_ =	sdelay $0x2  }
0x340: {  	v46 =	vshll.u32 v45, $0x2;
	[tilespmem:s23+$0x135F0] =	vst @p0 v1  }
0x341: {  	v47 =	vand.u32 $0x7F, v45;
	v2 =	vand.u32 $0xFFFFFE00, v46;
	v48 =	vld [tilespmem:s25+$0xD1A0]  }
0x342: {  	v1 =	vor.u32 v2, v47;
	v0 =	vld.idx.msk [tilespmem:v0+s2+$0x0], $0xffff  }
0x343: {  	v1 =	vor.u32 $0x180, v1;
	_ =	sdelay $0x2  }
0x344: {  	v49 =	vshll.u32 v48, $0x2  }
0x345: {  	v50 =	vld [tilespmem:s25+$0xD1B0];
	v2 =	vand.u32 $0x7F, v48;
	[tilespmem:s25+$0x13580] =	vst v0;
	v0 =	vand.u32 $0xFFFFFE00, v49  }
0x346: {  	v1 =	vld.idx.msk [tilespmem:v1+s2+$0x0], $0xffff;
	v0 =	vor.u32 v0, v2  }
0x347: {  	v0 =	vor.u32 $0x180, v0;
	_ =	sdelay $0x2  }
0x348: {  	v51 =	vshll.u32 v50, $0x2  }
0x349: {  	v53 =	vld [tilespmem:s25+$0xD1C0];
	v52 =	vand.u32 $0x7F, v50;
	[tilespmem:s25+$0x13590] =	vst v1;
	v1 =	vand.u32 $0xFFFFFE00, v51  }
0x34a: {  	v0 =	vld.idx.msk [tilespmem:v0+s2+$0x0], $0xffff;
	v1 =	vor.u32 v1, v52  }
0x34b: {  	v1 =	vor.u32 $0x180, v1;
	_ =	sdelay $0x2  }
0x34c: {  	v54 =	vshll.u32 v53, $0x2  }
0x34d: {  	v56 =	vld [tilespmem:s25+$0xD1D0];
	v55 =	vand.u32 $0x7F, v53;
	v2 =	vand.u32 $0xFFFFFE00, v54;
	[tilespmem:s25+$0x135A0] =	vst v0  }
0x34e: {  	v0 =	vor.u32 v2, v55;
	v1 =	vld.idx.msk [tilespmem:v1+s2+$0x0], $0xffff  }
0x34f: {  	v0 =	vor.u32 $0x180, v0;
	_ =	sdelay $0x2  }
0x350: {  	v57 =	vshll.u32 v56, $0x2  }
0x351: {  	v58 =	vld [tilespmem:s25+$0xD1E0];
	v2 =	vand.u32 $0x7F, v56;
	[tilespmem:s25+$0x135B0] =	vst v1;
	v1 =	vand.u32 $0xFFFFFE00, v57  }
0x352: {  	v0 =	vld.idx.msk [tilespmem:v0+s2+$0x0], $0xffff;
	v1 =	vor.u32 v1, v2  }
0x353: {  	v1 =	vor.u32 $0x180, v1;
	_ =	sdelay $0x2  }
0x354: {  	v59 =	vshll.u32 v58, $0x2  }
0x355: {  	v61 =	vld [tilespmem:s25+$0xD1F0];
	v60 =	vand.u32 $0x7F, v58;
	[tilespmem:s25+$0x135C0] =	vst v0;
	v0 =	vand.u32 $0xFFFFFE00, v59  }
0x356: {  	v1 =	vld.idx.msk [tilespmem:v1+s2+$0x0], $0xffff;
	v0 =	vor.u32 v0, v60  }
0x357: {  	v0 =	vor.u32 $0x180, v0;
	_ =	sdelay $0x2  }
0x358: {  	v62 =	vshll.u32 v61, $0x2  }
0x359: {  	v63 =	vand.u32 $0x7F, v61;
	v2 =	vand.u32 $0xFFFFFE00, v62;
	[tilespmem:s25+$0x135D0] =	vst v1  }
0x35a: {  	v1 =	vor.u32 v2, v63;
	v0 =	vld.idx.msk [tilespmem:v0+s2+$0x0], $0xffff  }
0x35b: {  	v1 =	vor.u32 $0x180, v1;
	_ =	sdelay $0x3  }
0x35c: {  	[tilespmem:s25+$0x135E0] =	vst v0  }
0x35d: {  	s21 =	sadd.s32 $0x1, s21;
	v0 =	vld.idx.msk [tilespmem:v1+s2+$0x0], $0xffff  }
0x35e: {  	p0 =	sne.s32 s21, $0x19  }
.Ltmp18:
0x35f: {  	_ = 	snop;
	(pc) =	sbr.rel @p0 .LBB2_2-.Ltmp18, $4  }
.Ltmp19:
0x360: {  	_ = 	snop;
	(pc) =	sbr.rel @!p0 .LBB2_27-.Ltmp19, $4  }
0x361: {  	_ = 	snop  }
0x362: {  	s22 =	sadd.s32 s5, s22;
	[tilespmem:s25+$0x135F0] =	vst v0  }
0x363: {  	[hbm4b:s22+s11] =	stream.strided.scatter [tilespmem:s18], [sflag:$0x2], $0x3200, s12, s11, $0x38;
	[tilespmem:$0x16600] =	vst v63  }
0x364: {  	_ = 	snop  }
.LBB2_11:
.Ltmp20:
0x365: {  	(pc) =	sbr.rel .LBB2_14-.Ltmp20, $2  }
0x366: {  	_ =	sdelay $0x2  }
0x367: {  	s26 =	simm.s32 $0x0  }
.LBB2_23:
.Ltmp21:
0x368: {  	(pc) =	sbr.rel .LBB2_26-.Ltmp21, $2  }
0x369: {  	_ =	sdelay $0x2  }
0x36a: {  	s25 =	simm.s32 $0x0  }
.LBB2_8:
.Ltmp22:
0x36b: {  	(pc) =	sbr.rel .LBB2_10-.Ltmp22, $2  }
0x36c: {  	_ =	sdelay $0x2  }
0x36d: {  	s26 =	simm.s32 $0x0  }
.LBB2_20:
.Ltmp23:
0x36e: {  	(pc) =	sbr.rel .LBB2_22-.Ltmp23, $2  }
0x36f: {  	_ =	sdelay $0x2  }
0x370: {  	s25 =	simm.s32 $0x0  }
.LBB2_28:
0x371: {  	_ =	sfence.sel $0x180000  }
0x372: {  	[bflag:$0x0] =	sbarrier.arrive $0xFFFF  }
0x373: {  	p0 =	sne.s32 s0, $0x0;
	_ =	strace $0x9000004A  }
0x374: {  	s0 =	sadd.s32 @!p0 $0x100000, s1;
	[bflag:$0x2] =	sbarrier.arrive $0xFFFF  }
0x375: {  	[sflag:s0] =	ssyncadd.tile.s32 @!p0 $0x1;
	_ =	shalt  }
.Lfunc_end2:
_tile_overlayer_lowered:
.L_overlay_start_2:
0x376: {  	(tag) =	ssettag $0x2  }
0x377: {  	s0 =	rddreg [dreg:$0x0];
	s2 =	stileid.u32  }
0x378: {  	s1 =	rddreg [dreg:$0x1];
	p0 =	sne.s32 s2, $0x0  }
0x379: {  	s3 =	rddreg [dreg:$0x2];
	[bflag:$0x3] =	sbarrier.arrive $0xFFFF;
	s2 =	simm.s32 @!p0 $0x1C03  }
0x37a: {  	[timem:s3], [sflag:s2] =	dma.local @!p0 [hbm:s0], s1  }
0x37b: {  	s0 =	simm.s32 @!p0 $0x3  }
0x37c: {  	_ =	swait.ge @!p0 [sflag:s0], s1  }
0x37d: {  	s1 =	ssub.s32 @!p0 $0x0, s1;
	[sflag:s0] =	ssyncset.done @!p0 $0x0  }
0x37e: {  	[sflag:s0] =	ssyncadd.s32 @!p0 s1  }
0x37f: {  	[bflag:$0x3] =	sbarrier.arrive $0xFFFF  }
0x380: {  	_ =	shalt  }

// kernel: kernel.9.cloned.1.call-start
scs
__scs_entry_jumppad:
0x0: {  	(pc) =	sbr.rel $0x88, $3  }
0x1: {  	(tag) =	ssettag $0x0;
	lr =	simm.s32 $0x1  }
0x2: {  	[smem:$0x3F83] =	sst lr;
	_ =	strace $0xD0000000  }
0x3: {  	_ = 	snop  }
0x4: {  	_ = 	snop  }
0x5: {  	_ = 	snop  }
0x6: {  	_ = 	snop  }
0x7: {  	_ = 	snop  }
__scs_overlays_trampoline_lowered:
0x8: {  	[smem:$0x3F92] =	sst s0  }
0x9: {  	[smem:$0x3F93] =	sst s1  }
0xa: {  	[smem:$0x3F94] =	sst s2  }
0xb: {  	[smem:$0x3F95] =	sst s3  }
0xc: {  	[smem:$0x3F96] =	sst s4  }
0xd: {  	[smem:$0x3F97] =	sst s5  }
0xe: {  	[smem:$0x3F98] =	sst s6  }
0xf: {  	[smem:$0x3F99] =	sst s7  }
0x10: {  	[smem:$0x3F9A] =	sst s8  }
0x11: {  	[smem:$0x3F9B] =	sst s9;
	s0 =	simm.s32 @!p0 $0x0  }
0x12: {  	s1 =	sld [smem:$0x3F81];
	s0 =	simm.s32 @p0 $0x1  }
0x13: {  	[smem:$0x3F9C] =	sst s0;
	s0 =	simm.s32 @!p1 $0x0  }
0x14: {  	s2 =	sld [smem:$0x3F80];
	s0 =	simm.s32 @p1 $0x1  }
0x15: {  	[smem:$0x3F9D] =	sst s0;
	s0 =	simm.s32 @!p2 $0x0  }
0x16: {  	s3 =	sld [smem:$0x3FDB];
	s0 =	simm.s32 @p2 $0x1  }
0x17: {  	s4 =	simm.s32 $0x1BF5;
	[smem:$0x3F9F] =	sst s0  }
0x18: {  	s0 =	sld [smem:$0x3F82];
	_ =	swait.ge [sflag:s4], $0x0  }
0x19: {  	s7 =	sld [smem:$0x3F83]  }
0x1a: {  	s8 =	sadd.s32 $0xFFFFE003, lr  }
0x1b: {  	s9 =	sadd.s32 $0xFFFFFEF7, lr;
	s5 =	simm.s32 $0xFFFFFFFF;
	p2 =	slt.u32 s8, $0xFFFFF086  }
0x1c: {  	p1 =	slt.u32 s9, $0xF7A;
	s5 =	simm.s32 @!p2 $0x0  }
0x1d: {  	s5 =	simm.s32 @p1 $0x1;
	p0 =	seq.s32 s7, s2  }
0x1e: {  	s7 =	smul.u32 @!p0 $0xF7A, s2;
	p2 =	seq.s32 @!p0 s5, $0x0  }
0x1f: {  	s9 =	smul.u32 $0xF7A, s1;
	s8 =	simm.s32 @!p0 $0x1BF5;
	p2 =	por !p2, p0  }
0x20: {  	[sflag:s8] =	ssyncset.s32 @!p0 $0xFFFFF086;
	s6 =	sadd.s32 @!p0 s3, s7;
	s7 =	simm.s32 @!p0 $0x108  }
0x21: {  	s3 =	sadd.s32 s3, s9;
	s6 =	sadd.s32 @!p0 $0x88, s6;
	s7 =	simm.s32 @p2 $0x1082  }
0x22: {  	[simem:s7], [sflag:s8] =	dma.local @!p0 [hbm:s6], $0xF7A  }
0x23: {  	s9 =	sor.u32 $0xD0000000, s2;
	s6 =	simm.s32 $0x108;
	_ =	swait.ge @!p0 [sflag:s8], $0x0  }
0x24: {  	s3 =	sadd.s32 $0x88, s3;
	s6 =	simm.s32 @!p1 $0x1082;
	[sflag:s4] =	ssyncset.s32 $0xFFFFF086  }
0x25: {  	[simem:s6], [sflag:s4] =	dma.local [hbm:s3], $0xF7A  }
0x26: {  	[smem:$0x3F83] =	sst s1;
	(tag) =	ssettag s2;
	_ =	strace s9  }
0x27: {  	s1 =	sld [smem:$0x3F93]  }
0x28: {  	s2 =	sld [smem:$0x3F94]  }
0x29: {  	s4 =	sld [smem:$0x3F96]  }
0x2a: {  	p0 =	seq.s32 s5, $0x0;
	s5 =	sld [smem:$0x3F97]  }
0x2b: {  	s6 =	sld [smem:$0x3F98]  }
0x2c: {  	s7 =	sld [smem:$0x3F99]  }
0x2d: {  	s3 =	simm.s32 $0x108;
	s8 =	sld [smem:$0x3F9A]  }
0x2e: {  	s3 =	simm.s32 @!p0 $0x1082;
	s9 =	sld [smem:$0x3F9B]  }
0x2f: {  	lr =	sadd.s32 s0, s3;
	s0 =	sld [smem:$0x3F92]  }
0x30: {  	s3 =	sld [smem:$0x3F95]  }
0x31: {  	[smem:$0x3F9E] =	sst s10  }
0x32: {  	s10 =	sld [smem:$0x3F9C];
	_ =	sdelay $0x3  }
0x33: {  	p0 =	seq.s32 s10, $0x1;
	s10 =	sld [smem:$0x3F9E];
	_ =	sdelay $0x3  }
0x34: {  	[smem:$0x3F9E] =	sst s10  }
0x35: {  	s10 =	sld [smem:$0x3F9D];
	_ =	sdelay $0x3  }
0x36: {  	p1 =	seq.s32 s10, $0x1;
	s10 =	sld [smem:$0x3F9E];
	_ =	sdelay $0x3  }
0x37: {  	[smem:$0x3F9E] =	sst s10  }
0x38: {  	s10 =	sld [smem:$0x3F9F]  }
0x39: {  	_ = 	snop;
	(pc) =	sbr.ind lr, $3  }
0x3a: {  	_ = 	snop  }
0x3b: {  	_ = 	snop  }
0x3c: {  	p2 =	seq.s32 s10, $0x1;
	s10 =	sld [smem:$0x3F9E]  }
0x3d: {  	_ =	shalt  }
0x3e: {  	_ =	shalt  }
0x3f: {  	_ =	shalt  }
0x40: {  	_ =	shalt  }
0x41: {  	_ =	shalt  }
0x42: {  	_ =	shalt  }
0x43: {  	_ =	shalt  }
0x44: {  	_ =	shalt  }
0x45: {  	_ =	shalt  }
0x46: {  	_ =	shalt  }
0x47: {  	_ =	shalt  }
0x48: {  	_ =	shalt  }
0x49: {  	_ =	shalt  }
0x4a: {  	_ =	shalt  }
0x4b: {  	_ =	shalt  }
0x4c: {  	_ =	shalt  }
0x4d: {  	_ =	shalt  }
0x4e: {  	_ =	shalt  }
0x4f: {  	_ =	shalt  }
0x50: {  	_ =	shalt  }
0x51: {  	_ =	shalt  }
0x52: {  	_ =	shalt  }
0x53: {  	_ =	shalt  }
0x54: {  	_ =	shalt  }
0x55: {  	_ =	shalt  }
0x56: {  	_ =	shalt  }
0x57: {  	_ =	shalt  }
0x58: {  	_ =	shalt  }
0x59: {  	_ =	shalt  }
0x5a: {  	_ =	shalt  }
0x5b: {  	_ =	shalt  }
0x5c: {  	_ =	shalt  }
0x5d: {  	_ =	shalt  }
0x5e: {  	_ =	shalt  }
0x5f: {  	_ =	shalt  }
0x60: {  	_ =	shalt  }
0x61: {  	_ =	shalt  }
0x62: {  	_ =	shalt  }
0x63: {  	_ =	shalt  }
0x64: {  	_ =	shalt  }
0x65: {  	_ =	shalt  }
0x66: {  	_ =	shalt  }
0x67: {  	_ =	shalt  }
0x68: {  	_ =	shalt  }
0x69: {  	_ =	shalt  }
0x6a: {  	_ =	shalt  }
0x6b: {  	_ =	shalt  }
0x6c: {  	_ =	shalt  }
0x6d: {  	_ =	shalt  }
0x6e: {  	_ =	shalt  }
0x6f: {  	_ =	shalt  }
0x70: {  	_ =	shalt  }
0x71: {  	_ =	shalt  }
0x72: {  	_ =	shalt  }
0x73: {  	_ =	shalt  }
0x74: {  	_ =	shalt  }
0x75: {  	_ =	shalt  }
0x76: {  	_ =	shalt  }
0x77: {  	_ =	shalt  }
0x78: {  	_ =	shalt  }
0x79: {  	_ =	shalt  }
0x7a: {  	_ =	shalt  }
0x7b: {  	_ =	shalt  }
0x7c: {  	_ =	shalt  }
0x7d: {  	_ =	shalt  }
0x7e: {  	_ =	shalt  }
0x7f: {  	_ =	shalt  }
0x80: {  	_ =	shalt  }
0x81: {  	_ =	shalt  }
0x82: {  	_ =	shalt  }
0x83: {  	_ =	shalt  }
0x84: {  	_ =	shalt  }
0x85: {  	_ =	shalt  }
0x86: {  	_ =	shalt  }
0x87: {  	_ =	shalt  }
.Lfunc_end0:
.L_simem_size_0:
called_computation.2_lowered:
.L_overlay_start_0:
0x88: {  	s2 =	sld [smem:$0x3FD9]  }
0x89: {  	s3 =	sld [smem:$0x3FFE];
	_ =	sdelay $0x1  }
0x8a: {  	s1 =	srdreg.scid  }
0x8b: {  	s0 =	sand.u32 $0x1, s1  }
0x8c: {  	s14 =	sshll.u32 s0, $0xA;
	s2 =	sadd.s32 s3, s2  }
0x8d: {  	s2 =	sadd.s32 s2, s14  }
0x8e: {  	[smem:$0x3FAA] =	sst s2  }
0x8f: {  	_ = 	snop  }
0x90: {  	s2 =	sld [smem:$0x3FD0];
	_ =	sdelay $0x2  }
0x91: {  	s15 =	simm.s32 $0xA;
	s4 =	simm.s32 $0x10  }
0x92: {  	[smem:s4], [sflag:s15] =	dma.local [hbm:s2], $0x1  }
0x93: {  	_ =	swait.eq [sflag:s15], $0x1  }
0x94: {  	[sflag:s15] =	ssyncset.done $0x0  }
0x95: {  	[sflag:s15] =	ssyncadd.s32 $0xFFFFFFFF  }
0x96: {  	s16 =	sld [smem:$0x11];
	(tm) =	ssettm $0x1  }
0x97: {  	s17 =	sld [smem:$0x3FFB];
	_ =	sdelay $0x3  }
0x98: {  	_ =	strace s17  }
0x99: {  	s3 =	sld [smem:$0x3FFC];
	_ =	sdelay $0x3  }
0x9a: {  	_ =	strace s3  }
0x9b: {  	s3 =	sld [smem:$0x3FFD];
	_ =	sdelay $0x3  }
0x9c: {  	_ =	strace s3  }
0x9d: {  	_ =	strace $0x8FFFFFFF  }
0x9e: {  	s18 =	sld [smem:$0x3FDB];
	_ =	sdelay $0x1  }
0x9f: {  	s19 =	simm.s32 $_scs_section_size  }
0xa0: {  	s5 =	simm.s32 $_size__tile_overlayer_lowered;
	s6 =	simm.s32 $_tile_overlayer_lowered  }
0xa1: {  	s22 =	simm.s32 $0x1BFF;
	s21 =	sshll.u32 s6, $0x1;
	s3 =	sadd.s32 s19, s18  }
0xa2: {  	s7 =	simm.s32 $0x0;
	s20 =	sshll.u32 s5, $0x1;
	s5 =	sadd.s32 s21, s3  }
0xa3: {  	[timem:s7], [sflag:s22] =	dma.local [hbm:s5], s20  }
0xa4: {  	_ =	swait.ge [sflag:s22], s20  }
0xa5: {  	s4 =	ssub.s32 $0x0, s20;
	[sflag:s22] =	ssyncset.done $0x0  }
0xa6: {  	[sflag:s22] =	ssyncadd.s32 s4;
	_ =	sdelay $0x1  }
0xa7: {  	s23 =	simm.s32 $0x1B8B  }
0xa8: {  	_ =	swait.ge [sflag:s23], $0x1  }
0xa9: {  	[sflag:s23] =	ssyncset.done $0x0  }
0xaa: {  	s25 =	simm.s32 $0x1B8E;
	s24 =	sld [smem:$0x3FFE];
	[sflag:s23] =	ssyncadd.s32 $0xFFFFFFFF  }
0xab: {  	s26 =	simm.s32 $execute0_lowered;
	[smem:$0x3FD2] =	sst s25  }
0xac: {  	s5 =	sshll.u32 s26, $0x1;
	_ =	strace $0x8000004C;
	[dreg:$0x1] =	wrdreg $0xFFFFFFFF  }
0xad: {  	s28 =	simm.s32 $_size_execute0_lowered;
	s3 =	sadd.s32 s3, s5;
	[dreg:$0x0] =	wrdreg $0x0  }
0xae: {  	s5 =	sshll.u32 s28, $0x1;
	[dreg:$0x2] =	wrdreg s3  }
0xaf: {  	[dreg:$0x3] =	wrdreg s5  }
0xb0: {  	[dreg:$0x4] =	wrdreg $0xC0  }
0xb1: {  	_ =	task [dreg:s7], $0x5FFFF  }
0xb2: {  	[dreg:$0x1] =	wrdreg $0xFFFFFFFF  }
0xb3: {  	[dreg:$0x0] =	wrdreg $0x60  }
0xb4: {  	[dreg:$0x2] =	wrdreg s16  }
0xb5: {  	[dreg:$0x3] =	wrdreg s24  }
0xb6: {  	[dreg:$0x4] =	wrdreg $0x9  }
0xb7: {  	_ =	task.clear_ibuf [dreg:s7], $0x5FFFF;
	_ =	strace $0x9000004C  }
0xb8: {  	s29 =	simm.s32 $0x9;
	_ =	strace $0x8000004E  }
0xb9: {  	_ =	swait.ge [sflag:s29], $0x1  }
0xba: {  	[sflag:s29] =	ssyncadd.s32 $0xFFFFFFFF  }
0xbb: {  	_ =	strace $0x9000004E  }
0xbc: {  	_ =	sfence  }
0xbd: {  	s30 =	sld [smem:$0x0];
	_ =	sdelay $0x2  }
0xbe: {  	s31 =	sshll.u32 s1, $0xD;
	s1 =	sshrl.u32 s1, $0x2  }
0xbf: {  	s3 =	sand.u32 $0x4000, s31;
	s1 =	sadd.s32 s1, s30  }
0xc0: {  	s0 =	sor.u32 s3, s0;
	s1 =	sshll.u32 s1, $0x11  }
0xc1: {  	s0 =	sor.u32 s1, s0  }
0xc2: {  	s0 =	sadd.s32 $0x8F2B, s0  }
0xc3: {  	[sflag:s0] =	ssyncadd.remote.s32 $0x1  }
0xc4: {  	_ =	sfence.sel $0xFFFF  }
0xc5: {  	[dreg:$0x0] =	wrdreg $0xFFFFFFFF;
	(pc) =	sbr.abs _section_cstart, $3  }
0xc6: {  	[dreg:$0x1] =	wrdreg $0xFFFFFFFF  }
0xc7: {  	_ =	task.clear_ibuf [dreg:s7], $0x2FFFF;
	_ =	strace $0x9FFFFFFF  }
0xc8: {  	(tm) =	ssettm $0x7FFFFFFF  }
0xc9: {  	_ =	shalt  }
tec
execute0_lowered:
.L_overlay_start_1:
0x0: {  	(tag) =	ssettag $0x1  }
0x1: {  	s6 =	rddreg [dreg:$0x0]  }
0x2: {  	s4 =	rddreg [dreg:$0x1]  }
0x3: {  	s0 =	rddreg [dreg:$0x2];
	s2 =	simm.s32 $0x0  }
0x4: {  	s1 =	stileid.u32;
	s5 =	srdreg.scid;
	s11 =	simm.s32 $0x200  }
0x5: {  	s12 =	simm.s32 $0x400;
	s13 =	simm.s32 $0x3;
	s14 =	simm.s32 $0x9E00  }
0x6: {  	s15 =	simm.s32 $0x1;
	s16 =	simm.s32 $0xD000;
	s17 =	simm.s32 $0x10200  }
0x7: {  	s18 =	simm.s32 $0x13400;
	s19 =	simm.s32 $0x2;
	s20 =	simm.s32 $0x0  }
0x8: {  	[smem:$0x7FF] =	sst s2;
	s7 =	smul.u32 $0x13C00, s1;
	s3 =	sadd.s32 $0x5200, s4  }
0x9: {  	s5 =	sand.u32 $0x1, s5;
	s8 =	smul.u32 $0x138800, s1;
	s4 =	sadd.s32 $0x276200, s4  }
.Ltmp0:
0xa: {  	s9 =	ssub.s32 $0x2, s5;
	s5 =	sshll.u32 s5, $0x9;
	(pc) =	sbr.rel .LBB2_1-.Ltmp0, $4  }
0xb: {  	_ =	strace $0x8000004D;
	s10 =	sshrl.u32 s9, $0x1;
	s7 =	sor.u32 s5, s7  }
0xc: {  	s5 =	sor.u32 s5, s8;
	s10 =	ssub.s32 s9, s10;
	s7 =	sshrl.u32 s7, $0x3  }
0xd: {  	s8 =	sshrl.u32 s5, $0x3;
	s9 =	sadd.s32 $0xC800, s5;
	s6 =	sadd.s32 s6, s7  }
0xe: {  	s7 =	sadd.s32 s3, s8;
	s8 =	sadd.s32 $0x6400, s5;
	s10 =	smax.u32 s10, $0x1  }
.LBB2_27:
0xf: {  	s20 =	sadd.s32 $0x1, s20  }
0x10: {  	_ =	swait.ge [sflag:s19], $0x3200;
	p0 =	sne.s32 s20, s10  }
.Ltmp1:
0x11: {  	[sflag:s19] =	ssyncset.done $0x0;
	(pc) =	sbr.rel @!p0 .LBB2_28-.Ltmp1, $4  }
0x12: {  	[sflag:s19] =	ssyncadd.s32 $0xFFFFCE00  }
0x13: {  	_ =	swait.ge [sflag:s19], $0x3200  }
0x14: {  	[sflag:s19] =	ssyncset.done $0x0  }
0x15: {  	[sflag:s19] =	ssyncadd.s32 $0xFFFFCE00  }
.LBB2_1:
0x16: {  	[tilespmem:s2], [sflag:$0x3] =	stream.strided.gather [hbm4b:s6+s11], $0x9E00, s12, s11, $0x38;
	[tilespmem:$0x16600] =	vst v63  }
0x17: {  	_ =	swait.ge [sflag:s13], $0x9E00  }
0x18: {  	[sflag:s13] =	ssyncset.done $0x0  }
0x19: {  	s21 =	simm.s32 $0x0;
	[sflag:s13] =	ssyncadd.s32 $0xFFFF6200  }
0x1a: {  	[tilespmem:s14], [sflag:$0x1] =	stream.strided.gather [hbm4b:s7+s11], $0x3200, s12, s11, $0x38;
	[tilespmem:$0x16600] =	vst v63  }
.LBB2_2:
0x1b: {  	s23 =	smul.u32 $0xC800, s21;
	_ =	sdelay $0x1  }
0x1c: {  	_ =	swait.ge [sflag:s15], $0x3200;
	s22 =	sadd.s32 s23, s8  }
0x1d: {  	[sflag:s15] =	ssyncset.done $0x0;
	s22 =	sshrl.u32 s22, $0x3  }
0x1e: {  	p0 =	seq.s32 s21, $0x0;
	[sflag:s15] =	ssyncadd.s32 $0xFFFFCE00;
	s24 =	sadd.s32 s3, s22  }
0x1f: {  	[tilespmem:s16], [sflag:$0x1] =	stream.strided.gather [hbm4b:s24+s11], $0x3200, s12, s11, $0x38;
	[tilespmem:$0x16600] =	vst v63  }
0x20: {  	s24 =	simm.s32 @!p0 $0x2  }
0x21: {  	_ =	swait.ge @!p0 [sflag:s24], $0x3200  }
0x22: {  	[sflag:s24] =	ssyncset.done @!p0 $0x0  }
0x23: {  	[sflag:s24] =	ssyncadd.s32 @!p0 $0xFFFFCE00;
	s24 =	simm.s32 $0x0  }
0x24: {  	v0 =	vld [tilespmem:s24+$0x9E00];
	_ =	sdelay $0x4  }
0x25: {  	v1 =	vshll.u32 v0, $0x2  }
0x26: {  	v2 =	vld [tilespmem:s24+$0x9E10];
	v0 =	vand.u32 $0x7F, v0;
	v1 =	vand.u32 $0xFFFFFE00, v1  }
0x27: {  	v0 =	vor.u32 v0, v1;
	_ =	sdelay $0x3  }
0x28: {  	s25 =	simm.s32 $0x0;
	v1 =	vshll.u32 v2, $0x2  }
0x29: {  	v2 =	vand.u32 $0x7F, v2;
	v1 =	vand.u32 $0xFFFFFE00, v1;
	v0 =	vld.idx.msk [tilespmem:v0+s25+$0x0], $0xffff  }
0x2a: {  	v1 =	vor.u32 v2, v1;
	v2 =	vld [tilespmem:s24+$0x9E20];
	_ =	sdelay $0x3  }
0x2b: {  	[tilespmem:s24+$0x10200] =	vst v0  }
0x2c: {  	v0 =	vld.idx.msk [tilespmem:v1+s25+$0x0], $0xffff;
	v1 =	vshll.u32 v2, $0x2  }
0x2d: {  	v3 =	vld [tilespmem:s24+$0x9E30];
	v2 =	vand.u32 $0x7F, v2;
	v1 =	vand.u32 $0xFFFFFE00, v1  }
0x2e: {  	v1 =	vor.u32 v2, v1;
	_ =	sdelay $0x3  }
0x2f: {  	[tilespmem:s24+$0x10210] =	vst v0;
	v0 =	vshll.u32 v3, $0x2  }
0x30: {  	v2 =	vand.u32 $0x7F, v3;
	v0 =	vand.u32 $0xFFFFFE00, v0;
	v1 =	vld.idx.msk [tilespmem:v1+s25+$0x0], $0xffff  }
0x31: {  	v0 =	vor.u32 v2, v0;
	v2 =	vld [tilespmem:s24+$0x9E40];
	_ =	sdelay $0x4  }
0x32: {  	v3 =	vld [tilespmem:s24+$0x9E50];
	[tilespmem:s24+$0x10220] =	vst v1;
	v1 =	vshll.u32 v2, $0x2  }
0x33: {  	v2 =	vand.u32 $0x7F, v2;
	v0 =	vld.idx.msk [tilespmem:v0+s25+$0x0], $0xffff;
	v1 =	vand.u32 $0xFFFFFE00, v1  }
0x34: {  	v1 =	vor.u32 v2, v1;
	_ =	sdelay $0x3  }
0x35: {  	[tilespmem:s24+$0x10230] =	vst v0;
	v0 =	vshll.u32 v3, $0x2  }
0x36: {  	v2 =	vand.u32 $0x7F, v3;
	v1 =	vld.idx.msk [tilespmem:v1+s25+$0x0], $0xffff;
	v0 =	vand.u32 $0xFFFFFE00, v0  }
0x37: {  	v0 =	vor.u32 v2, v0;
	v2 =	vld [tilespmem:s24+$0x9E60];
	_ =	sdelay $0x4  }
0x38: {  	v3 =	vld [tilespmem:s24+$0x9E70];
	[tilespmem:s24+$0x10240] =	vst v1;
	v1 =	vshll.u32 v2, $0x2  }
0x39: {  	v0 =	vld.idx.msk [tilespmem:v0+s25+$0x0], $0xffff;
	v2 =	vand.u32 $0x7F, v2;
	v1 =	vand.u32 $0xFFFFFE00, v1  }
0x3a: {  	v1 =	vor.u32 v2, v1;
	_ =	sdelay $0x3  }
0x3b: {  	v2 =	vshll.u32 v3, $0x2;
	[tilespmem:s24+$0x10250] =	vst v0  }
0x3c: {  	s29 =	simm.s32 $0x200;
	s28 =	simm.s32 $0x1000;
	s26 =	simm.s32 $0x0;
	v2 =	vand.u32 $0xFFFFFE00, v2;
	v0 =	vld.idx.msk [tilespmem:v1+s25+$0x0], $0xffff;
	v1 =	vand.u32 $0x7F, v3  }
.LBB2_3:
0x3d: {  	p0 =	sne.s32 s28, $0xC000;
	v3 =	vld [tilespmem:s29+$0x9E00];
	v1 =	vor.u32 v1, v2;
	_ =	sdelay $0x3  }
0x3e: {  	[tilespmem:s26+$0x10260] =	vst v0  }
0x3f: {  	v0 =	vshll.u32 v3, $0x2;
	v1 =	vld.idx.msk [tilespmem:v1+s25+$0x0], $0xffff  }
0x40: {  	v2 =	vand.u32 $0x7F, v3;
	v0 =	vand.u32 $0xFFFFFE00, v0  }
0x41: {  	v0 =	vor.u32 v2, v0;
	v2 =	vld [tilespmem:s29+$0x9E10];
	_ =	sdelay $0x3  }
0x42: {  	[tilespmem:s26+$0x10270] =	vst v1;
	s26 =	smov.u32 s29  }
0x43: {  	v0 =	vld.idx.msk [tilespmem:v0+s25+$0x0], $0xffff;
	v1 =	vshll.u32 v2, $0x2  }
0x44: {  	v2 =	vand.u32 $0x7F, v2;
	v1 =	vand.u32 $0xFFFFFE00, v1  }
0x45: {  	v1 =	vor.u32 v2, v1;
	v2 =	vld [tilespmem:s26+$0x9E20];
	_ =	sdelay $0x3  }
0x46: {  	[tilespmem:s26+$0x10200] =	vst v0  }
0x47: {  	v0 =	vld.idx.msk [tilespmem:v1+s25+$0x0], $0xffff;
	v1 =	vshll.u32 v2, $0x2  }
0x48: {  	v2 =	vand.u32 $0x7F, v2;
	v1 =	vand.u32 $0xFFFFFE00, v1  }
0x49: {  	v1 =	vor.u32 v2, v1;
	v2 =	vld [tilespmem:s26+$0x9E30];
	_ =	sdelay $0x3  }
0x4a: {  	[tilespmem:s26+$0x10210] =	vst v0  }
0x4b: {  	v0 =	vld.idx.msk [tilespmem:v1+s25+$0x0], $0xffff;
	v1 =	vshll.u32 v2, $0x2  }
0x4c: {  	v2 =	vand.u32 $0x7F, v2;
	v1 =	vand.u32 $0xFFFFFE00, v1  }
0x4d: {  	v1 =	vor.u32 v2, v1;
	v2 =	vld [tilespmem:s26+$0x9E40];
	_ =	sdelay $0x3  }
0x4e: {  	[tilespmem:s26+$0x10220] =	vst v0  }
0x4f: {  	v0 =	vld.idx.msk [tilespmem:v1+s25+$0x0], $0xffff;
	v1 =	vshll.u32 v2, $0x2  }
0x50: {  	v2 =	vand.u32 $0x7F, v2;
	v1 =	vand.u32 $0xFFFFFE00, v1  }
0x51: {  	v1 =	vor.u32 v2, v1;
	v2 =	vld [tilespmem:s26+$0x9E50];
	_ =	sdelay $0x3  }
0x52: {  	[tilespmem:s26+$0x10230] =	vst v0  }
0x53: {  	v0 =	vld.idx.msk [tilespmem:v1+s25+$0x0], $0xffff;
	v1 =	vshll.u32 v2, $0x2  }
0x54: {  	v2 =	vand.u32 $0x7F, v2;
	v1 =	vand.u32 $0xFFFFFE00, v1  }
0x55: {  	v1 =	vor.u32 v2, v1;
	v2 =	vld [tilespmem:s26+$0x9E60];
	_ =	sdelay $0x3  }
0x56: {  	[tilespmem:s26+$0x10240] =	vst v0  }
0x57: {  	v0 =	vld.idx.msk [tilespmem:v1+s25+$0x0], $0xffff;
	v1 =	vshll.u32 v2, $0x2  }
0x58: {  	v2 =	vand.u32 $0x7F, v2;
	v1 =	vand.u32 $0xFFFFFE00, v1  }
0x59: {  	v1 =	vor.u32 v2, v1;
	v2 =	vld [tilespmem:s26+$0x9E70];
	_ =	sdelay $0x1  }
.Ltmp2:
0x5a: {  	(pc) =	sbr.rel @p0 .LBB2_3-.Ltmp2, $4  }
0x5b: {  	_ = 	snop  }
0x5c: {  	[tilespmem:s26+$0x10250] =	vst v0  }
0x5d: {  	v0 =	vld.idx.msk [tilespmem:v1+s25+$0x0], $0xffff;
	v3 =	vshll.u32 v2, $0x2  }
0x5e: {  	s29 =	sshra.s32 s28, $0x2;
	s28 =	sadd.s32 $0x800, s28;
	v1 =	vand.u32 $0x7F, v2;
	v2 =	vand.u32 $0xFFFFFE00, v3  }
0x5f: {  	v3 =	vld [tilespmem:s29+$0x9E00];
	v1 =	vor.u32 v1, v2;
	_ =	sdelay $0x3  }
0x60: {  	[tilespmem:s26+$0x10260] =	vst v0  }
0x61: {  	v0 =	vshll.u32 v3, $0x2;
	v1 =	vld.idx.msk [tilespmem:v1+s25+$0x0], $0xffff  }
0x62: {  	v2 =	vand.u32 $0x7F, v3;
	v3 =	vld [tilespmem:s29+$0x9E10];
	v0 =	vand.u32 $0xFFFFFE00, v0  }
0x63: {  	v0 =	vor.u32 v2, v0;
	_ =	sdelay $0x3  }
0x64: {  	[tilespmem:s26+$0x10270] =	vst v1;
	v1 =	vshll.u32 v3, $0x2  }
0x65: {  	v2 =	vand.u32 $0x7F, v3;
	v1 =	vand.u32 $0xFFFFFE00, v1;
	v0 =	vld.idx.msk [tilespmem:v0+s25+$0x0], $0xffff  }
0x66: {  	v1 =	vor.u32 v2, v1;
	v2 =	vld [tilespmem:s29+$0x9E20];
	_ =	sdelay $0x3  }
0x67: {  	[tilespmem:s29+$0x10200] =	vst v0  }
0x68: {  	v0 =	vld.idx.msk [tilespmem:v1+s25+$0x0], $0xffff;
	v1 =	vshll.u32 v2, $0x2  }
0x69: {  	v3 =	vld [tilespmem:s29+$0x9E30];
	v2 =	vand.u32 $0x7F, v2;
	v1 =	vand.u32 $0xFFFFFE00, v1  }
0x6a: {  	v1 =	vor.u32 v2, v1;
	_ =	sdelay $0x3  }
0x6b: {  	[tilespmem:s29+$0x10210] =	vst v0;
	v0 =	vshll.u32 v3, $0x2  }
0x6c: {  	v2 =	vand.u32 $0x7F, v3;
	v0 =	vand.u32 $0xFFFFFE00, v0;
	v1 =	vld.idx.msk [tilespmem:v1+s25+$0x0], $0xffff  }
0x6d: {  	v0 =	vor.u32 v2, v0;
	v2 =	vld [tilespmem:s29+$0x9E40];
	_ =	sdelay $0x4  }
0x6e: {  	v3 =	vld [tilespmem:s29+$0x9E50];
	[tilespmem:s29+$0x10220] =	vst v1;
	v1 =	vshll.u32 v2, $0x2  }
0x6f: {  	v2 =	vand.u32 $0x7F, v2;
	v0 =	vld.idx.msk [tilespmem:v0+s25+$0x0], $0xffff;
	v1 =	vand.u32 $0xFFFFFE00, v1  }
0x70: {  	v1 =	vor.u32 v2, v1;
	_ =	sdelay $0x3  }
0x71: {  	[tilespmem:s29+$0x10230] =	vst v0;
	v0 =	vshll.u32 v3, $0x2  }
0x72: {  	v2 =	vand.u32 $0x7F, v3;
	v1 =	vld.idx.msk [tilespmem:v1+s25+$0x0], $0xffff;
	v0 =	vand.u32 $0xFFFFFE00, v0  }
0x73: {  	v0 =	vor.u32 v2, v0;
	v2 =	vld [tilespmem:s29+$0x9E60];
	_ =	sdelay $0x4  }
0x74: {  	v3 =	vld [tilespmem:s29+$0x9E70];
	[tilespmem:s29+$0x10240] =	vst v1;
	v1 =	vshll.u32 v2, $0x2  }
0x75: {  	v0 =	vld.idx.msk [tilespmem:v0+s25+$0x0], $0xffff;
	v2 =	vand.u32 $0x7F, v2;
	v1 =	vand.u32 $0xFFFFFE00, v1  }
0x76: {  	v1 =	vor.u32 v2, v1;
	_ =	sdelay $0x3  }
0x77: {  	[tilespmem:s29+$0x10250] =	vst v0;
	v0 =	vshll.u32 v3, $0x2  }
0x78: {  	v2 =	vand.u32 $0x7F, v3;
	v0 =	vand.u32 $0xFFFFFE00, v0;
	v1 =	vld.idx.msk [tilespmem:v1+s25+$0x0], $0xffff  }
0x79: {  	v0 =	vor.u32 v2, v0;
	_ =	sdelay $0x3  }
0x7a: {  	[tilespmem:s29+$0x10260] =	vst v1  }
0x7b: {  	v0 =	vld.idx.msk [tilespmem:v0+s25+$0x0], $0xffff;
	_ =	sdelay $0x4  }
0x7c: {  	[tilespmem:s29+$0x10270] =	vst v0  }
0x7d: {  	v0 =	vld [tilespmem:s24+$0x9E80];
	_ =	sdelay $0x4  }
0x7e: {  	v1 =	vshll.u32 v0, $0x2  }
0x7f: {  	v0 =	vand.u32 $0x7F, v0;
	v1 =	vand.u32 $0xFFFFFE00, v1  }
0x80: {  	v0 =	vor.u32 v1, v0;
	v1 =	vld [tilespmem:s24+$0x9E90]  }
0x81: {  	v0 =	vor.u32 $0x80, v0;
	_ =	sdelay $0x3  }
0x82: {  	s25 =	simm.s32 $0x0;
	v2 =	vshll.u32 v1, $0x2  }
0x83: {  	v1 =	vand.u32 $0x7F, v1;
	v0 =	vld.idx.msk [tilespmem:v0+s25+$0x0], $0xffff;
	v2 =	vand.u32 $0xFFFFFE00, v2  }
0x84: {  	v1 =	vor.u32 v2, v1;
	v2 =	vld [tilespmem:s24+$0x9EA0]  }
0x85: {  	v1 =	vor.u32 $0x80, v1;
	_ =	sdelay $0x3  }
0x86: {  	[tilespmem:s24+$0x10280] =	vst v0;
	v0 =	vshll.u32 v2, $0x2  }
0x87: {  	v2 =	vand.u32 $0x7F, v2;
	v1 =	vld.idx.msk [tilespmem:v1+s25+$0x0], $0xffff;
	v0 =	vand.u32 $0xFFFFFE00, v0  }
0x88: {  	v0 =	vor.u32 v0, v2;
	v2 =	vld [tilespmem:s24+$0x9EB0]  }
0x89: {  	v0 =	vor.u32 $0x80, v0;
	_ =	sdelay $0x3  }
0x8a: {  	[tilespmem:s24+$0x10290] =	vst v1;
	v1 =	vshll.u32 v2, $0x2  }
0x8b: {  	v2 =	vand.u32 $0x7F, v2;
	v0 =	vld.idx.msk [tilespmem:v0+s25+$0x0], $0xffff;
	v1 =	vand.u32 $0xFFFFFE00, v1  }
0x8c: {  	v1 =	vor.u32 v1, v2;
	v2 =	vld [tilespmem:s24+$0x9EC0]  }
0x8d: {  	v1 =	vor.u32 $0x80, v1;
	_ =	sdelay $0x3  }
0x8e: {  	[tilespmem:s24+$0x102A0] =	vst v0;
	v0 =	vshll.u32 v2, $0x2  }
0x8f: {  	v2 =	vand.u32 $0x7F, v2;
	v1 =	vld.idx.msk [tilespmem:v1+s25+$0x0], $0xffff;
	v0 =	vand.u32 $0xFFFFFE00, v0  }
0x90: {  	v0 =	vor.u32 v0, v2;
	v2 =	vld [tilespmem:s24+$0x9ED0]  }
0x91: {  	v0 =	vor.u32 $0x80, v0;
	_ =	sdelay $0x3  }
0x92: {  	[tilespmem:s24+$0x102B0] =	vst v1;
	v1 =	vshll.u32 v2, $0x2  }
0x93: {  	v2 =	vand.u32 $0x7F, v2;
	v0 =	vld.idx.msk [tilespmem:v0+s25+$0x0], $0xffff;
	v1 =	vand.u32 $0xFFFFFE00, v1  }
0x94: {  	v1 =	vor.u32 v1, v2;
	v2 =	vld [tilespmem:s24+$0x9EE0]  }
0x95: {  	v1 =	vor.u32 $0x80, v1;
	_ =	sdelay $0x3  }
0x96: {  	[tilespmem:s24+$0x102C0] =	vst v0;
	v0 =	vshll.u32 v2, $0x2  }
0x97: {  	v2 =	vand.u32 $0x7F, v2;
	v1 =	vld.idx.msk [tilespmem:v1+s25+$0x0], $0xffff;
	v0 =	vand.u32 $0xFFFFFE00, v0  }
0x98: {  	v0 =	vor.u32 v0, v2;
	v2 =	vld [tilespmem:s24+$0x9EF0]  }
0x99: {  	v0 =	vor.u32 $0x80, v0;
	_ =	sdelay $0x3  }
0x9a: {  	[tilespmem:s24+$0x102D0] =	vst v1;
	v3 =	vshll.u32 v2, $0x2  }
0x9b: {  	s28 =	simm.s32 $0x200;
	s26 =	simm.s32 $0x1000;
	v1 =	vand.u32 $0x7F, v2;
	v0 =	vld.idx.msk [tilespmem:v0+s25+$0x0], $0xffff;
	v2 =	vand.u32 $0xFFFFFE00, v3  }
.LBB2_5:
0x9c: {  	p0 =	sne.s32 s26, $0xC000;
	v3 =	vld [tilespmem:s28+$0x9E80];
	v1 =	vor.u32 v2, v1  }
0x9d: {  	v1 =	vor.u32 $0x80, v1;
	_ =	sdelay $0x3  }
0x9e: {  	v2 =	vshll.u32 v3, $0x2;
	[tilespmem:s24+$0x102E0] =	vst v0  }
0x9f: {  	v0 =	vand.u32 $0x7F, v3;
	v2 =	vand.u32 $0xFFFFFE00, v2;
	v1 =	vld.idx.msk [tilespmem:v1+s25+$0x0], $0xffff  }
0xa0: {  	v0 =	vor.u32 v2, v0;
	v2 =	vld [tilespmem:s28+$0x9E90]  }
0xa1: {  	v0 =	vor.u32 $0x80, v0;
	_ =	sdelay $0x3  }
0xa2: {  	v3 =	vshll.u32 v2, $0x2;
	[tilespmem:s24+$0x102F0] =	vst v1;
	s24 =	smov.u32 s28  }
0xa3: {  	v1 =	vand.u32 $0x7F, v2;
	v0 =	vld.idx.msk [tilespmem:v0+s25+$0x0], $0xffff;
	v2 =	vand.u32 $0xFFFFFE00, v3  }
0xa4: {  	v1 =	vor.u32 v2, v1;
	v2 =	vld [tilespmem:s24+$0x9EA0]  }
0xa5: {  	v1 =	vor.u32 $0x80, v1;
	_ =	sdelay $0x3  }
0xa6: {  	[tilespmem:s24+$0x10280] =	vst v0;
	v0 =	vshll.u32 v2, $0x2  }
0xa7: {  	v2 =	vand.u32 $0x7F, v2;
	v1 =	vld.idx.msk [tilespmem:v1+s25+$0x0], $0xffff;
	v0 =	vand.u32 $0xFFFFFE00, v0  }
0xa8: {  	v0 =	vor.u32 v0, v2;
	v2 =	vld [tilespmem:s24+$0x9EB0]  }
0xa9: {  	v0 =	vor.u32 $0x80, v0;
	_ =	sdelay $0x3  }
0xaa: {  	[tilespmem:s24+$0x10290] =	vst v1;
	v1 =	vshll.u32 v2, $0x2  }
0xab: {  	v2 =	vand.u32 $0x7F, v2;
	v0 =	vld.idx.msk [tilespmem:v0+s25+$0x0], $0xffff;
	v1 =	vand.u32 $0xFFFFFE00, v1  }
0xac: {  	v1 =	vor.u32 v1, v2;
	v2 =	vld [tilespmem:s24+$0x9EC0]  }
0xad: {  	v1 =	vor.u32 $0x80, v1;
	_ =	sdelay $0x3  }
0xae: {  	[tilespmem:s24+$0x102A0] =	vst v0;
	v0 =	vshll.u32 v2, $0x2  }
0xaf: {  	v2 =	vand.u32 $0x7F, v2;
	v1 =	vld.idx.msk [tilespmem:v1+s25+$0x0], $0xffff;
	v0 =	vand.u32 $0xFFFFFE00, v0  }
0xb0: {  	v0 =	vor.u32 v0, v2;
	v2 =	vld [tilespmem:s24+$0x9ED0]  }
0xb1: {  	v0 =	vor.u32 $0x80, v0;
	_ =	sdelay $0x3  }
0xb2: {  	[tilespmem:s24+$0x102B0] =	vst v1;
	v1 =	vshll.u32 v2, $0x2  }
0xb3: {  	v2 =	vand.u32 $0x7F, v2;
	v0 =	vld.idx.msk [tilespmem:v0+s25+$0x0], $0xffff;
	v1 =	vand.u32 $0xFFFFFE00, v1  }
0xb4: {  	v1 =	vor.u32 v1, v2;
	v2 =	vld [tilespmem:s24+$0x9EE0]  }
0xb5: {  	v1 =	vor.u32 $0x80, v1;
	_ =	sdelay $0x3  }
0xb6: {  	[tilespmem:s24+$0x102C0] =	vst v0;
	v0 =	vshll.u32 v2, $0x2  }
0xb7: {  	v2 =	vand.u32 $0x7F, v2;
	v1 =	vld.idx.msk [tilespmem:v1+s25+$0x0], $0xffff;
	v0 =	vand.u32 $0xFFFFFE00, v0  }
0xb8: {  	v0 =	vor.u32 v0, v2;
	v2 =	vld [tilespmem:s24+$0x9EF0]  }
0xb9: {  	v0 =	vor.u32 $0x80, v0  }
.Ltmp3:
0xba: {  	(pc) =	sbr.rel @p0 .LBB2_5-.Ltmp3, $3  }
0xbb: {  	_ =	sdelay $0x1  }
0xbc: {  	[tilespmem:s24+$0x102D0] =	vst v1;
	v3 =	vshll.u32 v2, $0x2  }
0xbd: {  	s28 =	sshra.s32 s26, $0x2;
	s26 =	sadd.s32 $0x800, s26;
	v1 =	vand.u32 $0x7F, v2;
	v0 =	vld.idx.msk [tilespmem:v0+s25+$0x0], $0xffff;
	v2 =	vand.u32 $0xFFFFFE00, v3  }
0xbe: {  	v3 =	vld [tilespmem:s28+$0x9E80];
	v1 =	vor.u32 v2, v1  }
0xbf: {  	v1 =	vor.u32 $0x80, v1;
	_ =	sdelay $0x2  }
0xc0: {  	[tilespmem:s24+$0x102E0] =	vst v0  }
0xc1: {  	v2 =	vshll.u32 v3, $0x2;
	v0 =	vand.u32 $0x7F, v3;
	v3 =	vld [tilespmem:s28+$0x9E90]  }
0xc2: {  	v2 =	vand.u32 $0xFFFFFE00, v2;
	v1 =	vld.idx.msk [tilespmem:v1+s25+$0x0], $0xffff  }
0xc3: {  	v0 =	vor.u32 v2, v0  }
0xc4: {  	v0 =	vor.u32 $0x80, v0;
	_ =	sdelay $0x1  }
0xc5: {  	v2 =	vshll.u32 v3, $0x2  }
0xc6: {  	[tilespmem:s24+$0x102F0] =	vst v1;
	v1 =	vand.u32 $0x7F, v3;
	v2 =	vand.u32 $0xFFFFFE00, v2  }
0xc7: {  	s25 =	simm.s32 $0x0;
	v1 =	vor.u32 v2, v1;
	v2 =	vld [tilespmem:s28+$0x9EA0]  }
0xc8: {  	v0 =	vld.idx.msk [tilespmem:v0+s25+$0x0], $0xffff  }
0xc9: {  	v1 =	vor.u32 $0x80, v1;
	_ =	sdelay $0x3  }
0xca: {  	v3 =	vld [tilespmem:s28+$0x9EB0];
	[tilespmem:s28+$0x10280] =	vst v0;
	v0 =	vshll.u32 v2, $0x2  }
0xcb: {  	v2 =	vand.u32 $0x7F, v2;
	v1 =	vld.idx.msk [tilespmem:v1+s25+$0x0], $0xffff;
	v0 =	vand.u32 $0xFFFFFE00, v0  }
0xcc: {  	v0 =	vor.u32 v0, v2  }
0xcd: {  	v0 =	vor.u32 $0x80, v0;
	_ =	sdelay $0x2  }
0xce: {  	[tilespmem:s28+$0x10290] =	vst v1;
	v1 =	vshll.u32 v3, $0x2  }
0xcf: {  	v2 =	vand.u32 $0x7F, v3;
	v3 =	vld [tilespmem:s28+$0x9EC0];
	v1 =	vand.u32 $0xFFFFFE00, v1  }
0xd0: {  	v0 =	vld.idx.msk [tilespmem:v0+s25+$0x0], $0xffff;
	v1 =	vor.u32 v1, v2  }
0xd1: {  	v1 =	vor.u32 $0x80, v1;
	_ =	sdelay $0x3  }
0xd2: {  	v2 =	vshll.u32 v3, $0x2;
	[tilespmem:s28+$0x102A0] =	vst v0  }
0xd3: {  	v2 =	vand.u32 $0xFFFFFE00, v2;
	v0 =	vand.u32 $0x7F, v3;
	v1 =	vld.idx.msk [tilespmem:v1+s25+$0x0], $0xffff  }
0xd4: {  	v0 =	vor.u32 v2, v0;
	v2 =	vld [tilespmem:s28+$0x9ED0]  }
0xd5: {  	v0 =	vor.u32 $0x80, v0;
	_ =	sdelay $0x3  }
0xd6: {  	v3 =	vld [tilespmem:s28+$0x9EE0];
	[tilespmem:s28+$0x102B0] =	vst v1;
	v1 =	vshll.u32 v2, $0x2  }
0xd7: {  	v2 =	vand.u32 $0x7F, v2;
	v0 =	vld.idx.msk [tilespmem:v0+s25+$0x0], $0xffff;
	v1 =	vand.u32 $0xFFFFFE00, v1  }
0xd8: {  	v1 =	vor.u32 v1, v2  }
0xd9: {  	v1 =	vor.u32 $0x80, v1;
	_ =	sdelay $0x2  }
0xda: {  	[tilespmem:s28+$0x102C0] =	vst v0;
	v0 =	vshll.u32 v3, $0x2  }
0xdb: {  	v2 =	vand.u32 $0x7F, v3;
	v3 =	vld [tilespmem:s28+$0x9EF0];
	v0 =	vand.u32 $0xFFFFFE00, v0  }
0xdc: {  	v1 =	vld.idx.msk [tilespmem:v1+s25+$0x0], $0xffff;
	v0 =	vor.u32 v0, v2  }
0xdd: {  	v0 =	vor.u32 $0x80, v0;
	_ =	sdelay $0x2  }
0xde: {  	v2 =	vshll.u32 v3, $0x2  }
0xdf: {  	v2 =	vand.u32 $0xFFFFFE00, v2;
	[tilespmem:s28+$0x102D0] =	vst v1;
	v1 =	vand.u32 $0x7F, v3  }
0xe0: {  	v0 =	vld.idx.msk [tilespmem:v0+s25+$0x0], $0xffff;
	v1 =	vor.u32 v2, v1  }
0xe1: {  	v1 =	vor.u32 $0x80, v1;
	_ =	sdelay $0x3  }
0xe2: {  	[tilespmem:s28+$0x102E0] =	vst v0  }
0xe3: {  	p1 =	por $0x1, $0x1;
	v0 =	vld.idx.msk [tilespmem:v1+s25+$0x0], $0xffff  }
.Ltmp4:
0xe4: {  	_ = 	snop;
	(pc) =	sbr.rel @!p1 .LBB2_10-.Ltmp4, $3  }
0xe5: {  	_ =	sdelay $0x1  }
0xe6: {  	p0 =	por $0x0, $0x0  }
0xe7: {  	s29 =	simm.s32 $0x0;
	p2 =	por $0x0, $0x0;
	s24 =	simm.s32 $0x0;
	[tilespmem:s28+$0x102F0] =	vst v0  }
0xe8: {  	v0 =	vld [tilespmem:s24+$0x9F00];
	_ =	sdelay $0x4  }
0xe9: {  	v1 =	vshll.u32 v0, $0x2  }
0xea: {  	v0 =	vand.u32 $0x7F, v0;
	v1 =	vand.u32 $0xFFFFFE00, v1  }
0xeb: {  	v0 =	vor.u32 v1, v0;
	v1 =	vld [tilespmem:s24+$0x9F10]  }
0xec: {  	v0 =	vor.u32 $0x100, v0;
	_ =	sdelay $0x3  }
0xed: {  	v2 =	vshll.u32 v1, $0x2  }
0xee: {  	v1 =	vand.u32 $0x7F, v1;
	v0 =	vld.idx.msk [tilespmem:v0+s25+$0x0], $0xffff;
	v2 =	vand.u32 $0xFFFFFE00, v2  }
0xef: {  	v1 =	vor.u32 v2, v1;
	v2 =	vld [tilespmem:s24+$0x9F20]  }
0xf0: {  	v1 =	vor.u32 $0x100, v1;
	_ =	sdelay $0x3  }
0xf1: {  	[tilespmem:s24+$0x10300] =	vst v0;
	v0 =	vshll.u32 v2, $0x2  }
0xf2: {  	v2 =	vand.u32 $0x7F, v2;
	v1 =	vld.idx.msk [tilespmem:v1+s25+$0x0], $0xffff;
	v0 =	vand.u32 $0xFFFFFE00, v0  }
0xf3: {  	v0 =	vor.u32 v0, v2;
	v2 =	vld [tilespmem:s24+$0x9F30]  }
0xf4: {  	v0 =	vor.u32 $0x100, v0;
	_ =	sdelay $0x3  }
0xf5: {  	[tilespmem:s24+$0x10310] =	vst v1;
	v1 =	vshll.u32 v2, $0x2  }
0xf6: {  	v2 =	vand.u32 $0x7F, v2;
	v0 =	vld.idx.msk [tilespmem:v0+s25+$0x0], $0xffff;
	v1 =	vand.u32 $0xFFFFFE00, v1  }
0xf7: {  	v1 =	vor.u32 v1, v2;
	v2 =	vld [tilespmem:s24+$0x9F40]  }
0xf8: {  	v1 =	vor.u32 $0x100, v1;
	_ =	sdelay $0x3  }
0xf9: {  	[tilespmem:s24+$0x10320] =	vst v0;
	v0 =	vshll.u32 v2, $0x2  }
0xfa: {  	v2 =	vand.u32 $0x7F, v2;
	v1 =	vld.idx.msk [tilespmem:v1+s25+$0x0], $0xffff;
	v0 =	vand.u32 $0xFFFFFE00, v0  }
0xfb: {  	v0 =	vor.u32 v0, v2;
	v2 =	vld [tilespmem:s24+$0x9F50]  }
0xfc: {  	v0 =	vor.u32 $0x100, v0;
	_ =	sdelay $0x3  }
0xfd: {  	[tilespmem:s24+$0x10330] =	vst v1;
	v1 =	vshll.u32 v2, $0x2  }
0xfe: {  	v2 =	vand.u32 $0x7F, v2;
	v0 =	vld.idx.msk [tilespmem:v0+s25+$0x0], $0xffff;
	v1 =	vand.u32 $0xFFFFFE00, v1  }
0xff: {  	v1 =	vor.u32 v1, v2;
	v2 =	vld [tilespmem:s24+$0x9F60]  }
0x100: {  	v1 =	vor.u32 $0x100, v1;
	_ =	sdelay $0x3  }
0x101: {  	[tilespmem:s24+$0x10340] =	vst v0;
	v0 =	vshll.u32 v2, $0x2  }
0x102: {  	v2 =	vand.u32 $0x7F, v2;
	v1 =	vld.idx.msk [tilespmem:v1+s25+$0x0], $0xffff;
	v0 =	vand.u32 $0xFFFFFE00, v0  }
0x103: {  	v0 =	vor.u32 v0, v2;
	v2 =	vld [tilespmem:s24+$0x9F70]  }
0x104: {  	p3 =	por $0x1, $0x1;
	v0 =	vor.u32 $0x100, v0  }
.Ltmp5:
0x105: {  	_ = 	snop;
	(pc) =	sbr.rel @!p3 .LBB2_8-.Ltmp5, $3  }
0x106: {  	_ =	sdelay $0x1  }
0x107: {  	s29 =	simm.s32 $0x200;
	[tilespmem:s24+$0x10350] =	vst v1;
	v3 =	vshll.u32 v2, $0x2  }
0x108: {  	s28 =	simm.s32 $0x1000;
	p2 =	por $0x1, $0x1;
	s26 =	simm.s32 $0x0;
	v1 =	vand.u32 $0x7F, v2;
	v0 =	vld.idx.msk [tilespmem:v0+s25+$0x0], $0xffff;
	v2 =	vand.u32 $0xFFFFFE00, v3  }
.LBB2_9:
0x109: {  	p3 =	sne.s32 s28, $0xC000;
	v3 =	vld [tilespmem:s29+$0x9F00];
	v1 =	vor.u32 v2, v1  }
0x10a: {  	v1 =	vor.u32 $0x100, v1;
	_ =	sdelay $0x3  }
0x10b: {  	v2 =	vshll.u32 v3, $0x2;
	[tilespmem:s26+$0x10360] =	vst v0  }
0x10c: {  	v0 =	vand.u32 $0x7F, v3;
	v2 =	vand.u32 $0xFFFFFE00, v2;
	v1 =	vld.idx.msk [tilespmem:v1+s25+$0x0], $0xffff  }
0x10d: {  	v0 =	vor.u32 v2, v0;
	v2 =	vld [tilespmem:s29+$0x9F10]  }
0x10e: {  	v0 =	vor.u32 $0x100, v0;
	_ =	sdelay $0x3  }
0x10f: {  	v3 =	vshll.u32 v2, $0x2;
	[tilespmem:s26+$0x10370] =	vst v1;
	s26 =	smov.u32 s29  }
0x110: {  	v1 =	vand.u32 $0x7F, v2;
	v0 =	vld.idx.msk [tilespmem:v0+s25+$0x0], $0xffff;
	v2 =	vand.u32 $0xFFFFFE00, v3  }
0x111: {  	v1 =	vor.u32 v2, v1;
	v2 =	vld [tilespmem:s26+$0x9F20]  }
0x112: {  	v1 =	vor.u32 $0x100, v1;
	_ =	sdelay $0x3  }
0x113: {  	[tilespmem:s26+$0x10300] =	vst v0;
	v0 =	vshll.u32 v2, $0x2  }
0x114: {  	v2 =	vand.u32 $0x7F, v2;
	v1 =	vld.idx.msk [tilespmem:v1+s25+$0x0], $0xffff;
	v0 =	vand.u32 $0xFFFFFE00, v0  }
0x115: {  	v0 =	vor.u32 v0, v2;
	v2 =	vld [tilespmem:s26+$0x9F30]  }
0x116: {  	v0 =	vor.u32 $0x100, v0;
	_ =	sdelay $0x3  }
0x117: {  	[tilespmem:s26+$0x10310] =	vst v1;
	v1 =	vshll.u32 v2, $0x2  }
0x118: {  	v2 =	vand.u32 $0x7F, v2;
	v0 =	vld.idx.msk [tilespmem:v0+s25+$0x0], $0xffff;
	v1 =	vand.u32 $0xFFFFFE00, v1  }
0x119: {  	v1 =	vor.u32 v1, v2;
	v2 =	vld [tilespmem:s26+$0x9F40]  }
0x11a: {  	v1 =	vor.u32 $0x100, v1;
	_ =	sdelay $0x3  }
0x11b: {  	[tilespmem:s26+$0x10320] =	vst v0;
	v0 =	vshll.u32 v2, $0x2  }
0x11c: {  	v2 =	vand.u32 $0x7F, v2;
	v1 =	vld.idx.msk [tilespmem:v1+s25+$0x0], $0xffff;
	v0 =	vand.u32 $0xFFFFFE00, v0  }
0x11d: {  	v0 =	vor.u32 v0, v2;
	v2 =	vld [tilespmem:s26+$0x9F50]  }
0x11e: {  	v0 =	vor.u32 $0x100, v0;
	_ =	sdelay $0x3  }
0x11f: {  	[tilespmem:s26+$0x10330] =	vst v1;
	v1 =	vshll.u32 v2, $0x2  }
0x120: {  	v2 =	vand.u32 $0x7F, v2;
	v0 =	vld.idx.msk [tilespmem:v0+s25+$0x0], $0xffff;
	v1 =	vand.u32 $0xFFFFFE00, v1  }
0x121: {  	v1 =	vor.u32 v1, v2;
	v2 =	vld [tilespmem:s26+$0x9F60]  }
0x122: {  	v1 =	vor.u32 $0x100, v1;
	_ =	sdelay $0x3  }
0x123: {  	[tilespmem:s26+$0x10340] =	vst v0;
	v0 =	vshll.u32 v2, $0x2  }
0x124: {  	v2 =	vand.u32 $0x7F, v2;
	v1 =	vld.idx.msk [tilespmem:v1+s25+$0x0], $0xffff;
	v0 =	vand.u32 $0xFFFFFE00, v0  }
0x125: {  	v0 =	vor.u32 v0, v2;
	v2 =	vld [tilespmem:s26+$0x9F70]  }
0x126: {  	v0 =	vor.u32 $0x100, v0  }
.Ltmp6:
0x127: {  	(pc) =	sbr.rel @p3 .LBB2_9-.Ltmp6, $3  }
0x128: {  	_ =	sdelay $0x1  }
0x129: {  	[tilespmem:s26+$0x10350] =	vst v1;
	v3 =	vshll.u32 v2, $0x2  }
0x12a: {  	s29 =	sshra.s32 s28, $0x2;
	s28 =	sadd.s32 $0x800, s28;
	v1 =	vand.u32 $0x7F, v2;
	v0 =	vld.idx.msk [tilespmem:v0+s25+$0x0], $0xffff;
	v2 =	vand.u32 $0xFFFFFE00, v3  }
.LBB2_10:
0x12b: {  	v3 =	vld [tilespmem:s29+$0x9F00];
	v1 =	vor.u32 @p2 v2, v1  }
0x12c: {  	v1 =	vor.u32 @p2 $0x100, v1;
	_ =	sdelay $0x2  }
0x12d: {  	[tilespmem:s26+$0x10360] =	vst @p2 v0  }
0x12e: {  	v43 =	vshll.u32 v3, $0x2;
	v45 =	vld [tilespmem:s29+$0x9F10]  }
0x12f: {  	v44 =	vand.u32 $0x7F, v3;
	v2 =	vand.u32 $0xFFFFFE00, v43;
	v1 =	vld.idx.msk @p2 [tilespmem:v1+s25+$0x0], $0xffff  }
0x130: {  	v0 =	vor.u32 v2, v44  }
0x131: {  	v0 =	vor.u32 $0x100, v0;
	_ =	sdelay $0x2  }
0x132: {  	v46 =	vshll.u32 v45, $0x2;
	[tilespmem:s26+$0x10370] =	vst @p2 v1  }
0x133: {  	v47 =	vand.u32 $0x7F, v45;
	v2 =	vand.u32 $0xFFFFFE00, v46;
	v48 =	vld [tilespmem:s29+$0x9F20]  }
0x134: {  	v1 =	vor.u32 v2, v47;
	v0 =	vld.idx.msk [tilespmem:v0+s25+$0x0], $0xffff  }
0x135: {  	v1 =	vor.u32 $0x100, v1;
	_ =	sdelay $0x2  }
0x136: {  	v49 =	vshll.u32 v48, $0x2  }
0x137: {  	v50 =	vld [tilespmem:s29+$0x9F30];
	v2 =	vand.u32 $0x7F, v48;
	[tilespmem:s29+$0x10300] =	vst v0;
	v0 =	vand.u32 $0xFFFFFE00, v49  }
0x138: {  	v1 =	vld.idx.msk [tilespmem:v1+s25+$0x0], $0xffff;
	v0 =	vor.u32 v0, v2  }
0x139: {  	v0 =	vor.u32 $0x100, v0;
	_ =	sdelay $0x2  }
0x13a: {  	v51 =	vshll.u32 v50, $0x2  }
0x13b: {  	v53 =	vld [tilespmem:s29+$0x9F40];
	v52 =	vand.u32 $0x7F, v50;
	[tilespmem:s29+$0x10310] =	vst v1;
	v1 =	vand.u32 $0xFFFFFE00, v51  }
0x13c: {  	v0 =	vld.idx.msk [tilespmem:v0+s25+$0x0], $0xffff;
	v1 =	vor.u32 v1, v52  }
0x13d: {  	v1 =	vor.u32 $0x100, v1;
	_ =	sdelay $0x2  }
0x13e: {  	v54 =	vshll.u32 v53, $0x2  }
0x13f: {  	v56 =	vld [tilespmem:s29+$0x9F50];
	v55 =	vand.u32 $0x7F, v53;
	v2 =	vand.u32 $0xFFFFFE00, v54;
	[tilespmem:s29+$0x10320] =	vst v0  }
0x140: {  	v0 =	vor.u32 v2, v55;
	v1 =	vld.idx.msk [tilespmem:v1+s25+$0x0], $0xffff  }
0x141: {  	v0 =	vor.u32 $0x100, v0;
	_ =	sdelay $0x2  }
0x142: {  	v57 =	vshll.u32 v56, $0x2  }
0x143: {  	v58 =	vld [tilespmem:s29+$0x9F60];
	v2 =	vand.u32 $0x7F, v56;
	[tilespmem:s29+$0x10330] =	vst v1;
	v1 =	vand.u32 $0xFFFFFE00, v57  }
0x144: {  	v0 =	vld.idx.msk [tilespmem:v0+s25+$0x0], $0xffff;
	v1 =	vor.u32 v1, v2  }
0x145: {  	v1 =	vor.u32 $0x100, v1;
	_ =	sdelay $0x2  }
0x146: {  	v59 =	vshll.u32 v58, $0x2  }
0x147: {  	v61 =	vld [tilespmem:s29+$0x9F70];
	v60 =	vand.u32 $0x7F, v58;
	[tilespmem:s29+$0x10340] =	vst v0;
	v0 =	vand.u32 $0xFFFFFE00, v59  }
0x148: {  	v1 =	vld.idx.msk [tilespmem:v1+s25+$0x0], $0xffff;
	v0 =	vor.u32 v0, v60  }
0x149: {  	v0 =	vor.u32 $0x100, v0;
	_ =	sdelay $0x2  }
0x14a: {  	v62 =	vshll.u32 v61, $0x2  }
0x14b: {  	v63 =	vand.u32 $0x7F, v61;
	v2 =	vand.u32 $0xFFFFFE00, v62;
	[tilespmem:s29+$0x10350] =	vst v1  }
0x14c: {  	v1 =	vor.u32 v2, v63;
	v0 =	vld.idx.msk [tilespmem:v0+s25+$0x0], $0xffff  }
0x14d: {  	v1 =	vor.u32 $0x100, v1;
	_ =	sdelay $0x3  }
0x14e: {  	[tilespmem:s29+$0x10360] =	vst v0  }
0x14f: {  	v0 =	vld.idx.msk [tilespmem:v1+s25+$0x0], $0xffff  }
.Ltmp7:
0x150: {  	_ = 	snop;
	(pc) =	sbr.rel @!p1 .LBB2_11-.Ltmp7, $2  }
0x151: {  	_ =	sdelay $0x2  }
0x152: {  	[tilespmem:s29+$0x10370] =	vst v0  }
0x153: {  	v0 =	vld [tilespmem:s24+$0x9F80];
	_ =	sdelay $0x4  }
0x154: {  	v1 =	vshll.u32 v0, $0x2  }
0x155: {  	v0 =	vand.u32 $0x7F, v0;
	v1 =	vand.u32 $0xFFFFFE00, v1  }
0x156: {  	v0 =	vor.u32 v1, v0;
	v1 =	vld [tilespmem:s24+$0x9F90]  }
0x157: {  	v0 =	vor.u32 $0x180, v0;
	_ =	sdelay $0x3  }
0x158: {  	v2 =	vshll.u32 v1, $0x2  }
0x159: {  	v1 =	vand.u32 $0x7F, v1;
	v0 =	vld.idx.msk [tilespmem:v0+s2+$0x0], $0xffff;
	v2 =	vand.u32 $0xFFFFFE00, v2  }
0x15a: {  	v1 =	vor.u32 v2, v1;
	v2 =	vld [tilespmem:s24+$0x9FA0]  }
0x15b: {  	v1 =	vor.u32 $0x180, v1;
	_ =	sdelay $0x3  }
0x15c: {  	[tilespmem:s24+$0x10380] =	vst v0;
	v0 =	vshll.u32 v2, $0x2  }
0x15d: {  	v2 =	vand.u32 $0x7F, v2;
	v1 =	vld.idx.msk [tilespmem:v1+s2+$0x0], $0xffff;
	v0 =	vand.u32 $0xFFFFFE00, v0  }
0x15e: {  	v0 =	vor.u32 v0, v2;
	v2 =	vld [tilespmem:s24+$0x9FB0]  }
0x15f: {  	v0 =	vor.u32 $0x180, v0;
	_ =	sdelay $0x3  }
0x160: {  	[tilespmem:s24+$0x10390] =	vst v1;
	v1 =	vshll.u32 v2, $0x2  }
0x161: {  	v2 =	vand.u32 $0x7F, v2;
	v0 =	vld.idx.msk [tilespmem:v0+s2+$0x0], $0xffff;
	v1 =	vand.u32 $0xFFFFFE00, v1  }
0x162: {  	v1 =	vor.u32 v1, v2;
	v2 =	vld [tilespmem:s24+$0x9FC0]  }
0x163: {  	v1 =	vor.u32 $0x180, v1;
	_ =	sdelay $0x3  }
0x164: {  	[tilespmem:s24+$0x103A0] =	vst v0;
	v0 =	vshll.u32 v2, $0x2  }
0x165: {  	v2 =	vand.u32 $0x7F, v2;
	v1 =	vld.idx.msk [tilespmem:v1+s2+$0x0], $0xffff;
	v0 =	vand.u32 $0xFFFFFE00, v0  }
0x166: {  	v0 =	vor.u32 v0, v2;
	v2 =	vld [tilespmem:s24+$0x9FD0]  }
0x167: {  	v0 =	vor.u32 $0x180, v0;
	_ =	sdelay $0x3  }
0x168: {  	[tilespmem:s24+$0x103B0] =	vst v1;
	v1 =	vshll.u32 v2, $0x2  }
0x169: {  	v2 =	vand.u32 $0x7F, v2;
	v0 =	vld.idx.msk [tilespmem:v0+s2+$0x0], $0xffff;
	v1 =	vand.u32 $0xFFFFFE00, v1  }
0x16a: {  	v1 =	vor.u32 v1, v2;
	v2 =	vld [tilespmem:s24+$0x9FE0]  }
0x16b: {  	v1 =	vor.u32 $0x180, v1;
	_ =	sdelay $0x3  }
0x16c: {  	[tilespmem:s24+$0x103C0] =	vst v0;
	v0 =	vshll.u32 v2, $0x2  }
0x16d: {  	v2 =	vand.u32 $0x7F, v2;
	v1 =	vld.idx.msk [tilespmem:v1+s2+$0x0], $0xffff;
	v0 =	vand.u32 $0xFFFFFE00, v0  }
0x16e: {  	v0 =	vor.u32 v0, v2;
	v2 =	vld [tilespmem:s24+$0x9FF0]  }
0x16f: {  	p1 =	por $0x1, $0x1;
	v0 =	vor.u32 $0x180, v0  }
.Ltmp8:
0x170: {  	_ = 	snop;
	(pc) =	sbr.rel @!p1 .LBB2_14-.Ltmp8, $3  }
0x171: {  	_ =	sdelay $0x1  }
0x172: {  	[tilespmem:s24+$0x103D0] =	vst v1;
	v3 =	vshll.u32 v2, $0x2  }
0x173: {  	s26 =	simm.s32 $0x200;
	s25 =	simm.s32 $0x1000;
	p0 =	por $0x1, $0x1;
	v1 =	vand.u32 $0x7F, v2;
	v0 =	vld.idx.msk [tilespmem:v0+s2+$0x0], $0xffff;
	v2 =	vand.u32 $0xFFFFFE00, v3  }
.LBB2_13:
0x174: {  	p1 =	sne.s32 s25, $0xC000;
	v3 =	vld [tilespmem:s26+$0x9F80];
	v1 =	vor.u32 v2, v1  }
0x175: {  	v1 =	vor.u32 $0x180, v1;
	_ =	sdelay $0x3  }
0x176: {  	v2 =	vshll.u32 v3, $0x2;
	[tilespmem:s24+$0x103E0] =	vst v0  }
0x177: {  	v0 =	vand.u32 $0x7F, v3;
	v2 =	vand.u32 $0xFFFFFE00, v2;
	v1 =	vld.idx.msk [tilespmem:v1+s2+$0x0], $0xffff  }
0x178: {  	v0 =	vor.u32 v2, v0;
	v2 =	vld [tilespmem:s26+$0x9F90]  }
0x179: {  	v0 =	vor.u32 $0x180, v0;
	_ =	sdelay $0x3  }
0x17a: {  	v3 =	vshll.u32 v2, $0x2;
	[tilespmem:s24+$0x103F0] =	vst v1;
	s24 =	smov.u32 s26  }
0x17b: {  	v1 =	vand.u32 $0x7F, v2;
	v0 =	vld.idx.msk [tilespmem:v0+s2+$0x0], $0xffff;
	v2 =	vand.u32 $0xFFFFFE00, v3  }
0x17c: {  	v1 =	vor.u32 v2, v1;
	v2 =	vld [tilespmem:s24+$0x9FA0]  }
0x17d: {  	v1 =	vor.u32 $0x180, v1;
	_ =	sdelay $0x3  }
0x17e: {  	[tilespmem:s24+$0x10380] =	vst v0;
	v0 =	vshll.u32 v2, $0x2  }
0x17f: {  	v2 =	vand.u32 $0x7F, v2;
	v1 =	vld.idx.msk [tilespmem:v1+s2+$0x0], $0xffff;
	v0 =	vand.u32 $0xFFFFFE00, v0  }
0x180: {  	v0 =	vor.u32 v0, v2;
	v2 =	vld [tilespmem:s24+$0x9FB0]  }
0x181: {  	v0 =	vor.u32 $0x180, v0;
	_ =	sdelay $0x3  }
0x182: {  	[tilespmem:s24+$0x10390] =	vst v1;
	v1 =	vshll.u32 v2, $0x2  }
0x183: {  	v2 =	vand.u32 $0x7F, v2;
	v0 =	vld.idx.msk [tilespmem:v0+s2+$0x0], $0xffff;
	v1 =	vand.u32 $0xFFFFFE00, v1  }
0x184: {  	v1 =	vor.u32 v1, v2;
	v2 =	vld [tilespmem:s24+$0x9FC0]  }
0x185: {  	v1 =	vor.u32 $0x180, v1;
	_ =	sdelay $0x3  }
0x186: {  	[tilespmem:s24+$0x103A0] =	vst v0;
	v0 =	vshll.u32 v2, $0x2  }
0x187: {  	v2 =	vand.u32 $0x7F, v2;
	v1 =	vld.idx.msk [tilespmem:v1+s2+$0x0], $0xffff;
	v0 =	vand.u32 $0xFFFFFE00, v0  }
0x188: {  	v0 =	vor.u32 v0, v2;
	v2 =	vld [tilespmem:s24+$0x9FD0]  }
0x189: {  	v0 =	vor.u32 $0x180, v0;
	_ =	sdelay $0x3  }
0x18a: {  	[tilespmem:s24+$0x103B0] =	vst v1;
	v1 =	vshll.u32 v2, $0x2  }
0x18b: {  	v2 =	vand.u32 $0x7F, v2;
	v0 =	vld.idx.msk [tilespmem:v0+s2+$0x0], $0xffff;
	v1 =	vand.u32 $0xFFFFFE00, v1  }
0x18c: {  	v1 =	vor.u32 v1, v2;
	v2 =	vld [tilespmem:s24+$0x9FE0]  }
0x18d: {  	v1 =	vor.u32 $0x180, v1;
	_ =	sdelay $0x3  }
0x18e: {  	[tilespmem:s24+$0x103C0] =	vst v0;
	v0 =	vshll.u32 v2, $0x2  }
0x18f: {  	v2 =	vand.u32 $0x7F, v2;
	v1 =	vld.idx.msk [tilespmem:v1+s2+$0x0], $0xffff;
	v0 =	vand.u32 $0xFFFFFE00, v0  }
0x190: {  	v0 =	vor.u32 v0, v2;
	v2 =	vld [tilespmem:s24+$0x9FF0]  }
0x191: {  	v0 =	vor.u32 $0x180, v0  }
.Ltmp9:
0x192: {  	(pc) =	sbr.rel @p1 .LBB2_13-.Ltmp9, $3  }
0x193: {  	_ =	sdelay $0x1  }
0x194: {  	[tilespmem:s24+$0x103D0] =	vst v1;
	v3 =	vshll.u32 v2, $0x2  }
0x195: {  	s26 =	sshra.s32 s25, $0x2;
	s25 =	sadd.s32 $0x800, s25;
	v1 =	vand.u32 $0x7F, v2;
	v0 =	vld.idx.msk [tilespmem:v0+s2+$0x0], $0xffff;
	v2 =	vand.u32 $0xFFFFFE00, v3  }
.LBB2_14:
0x196: {  	v3 =	vld [tilespmem:s26+$0x9F80];
	v1 =	vor.u32 @p0 v2, v1  }
0x197: {  	v1 =	vor.u32 @p0 $0x180, v1;
	_ =	sdelay $0x2  }
0x198: {  	[tilespmem:s24+$0x103E0] =	vst @p0 v0  }
0x199: {  	v2 =	vshll.u32 v3, $0x2;
	v0 =	vand.u32 $0x7F, v3;
	v3 =	vld [tilespmem:s26+$0x9F90]  }
0x19a: {  	v2 =	vand.u32 $0xFFFFFE00, v2;
	v1 =	vld.idx.msk @p0 [tilespmem:v1+s2+$0x0], $0xffff  }
0x19b: {  	v0 =	vor.u32 v2, v0  }
0x19c: {  	v0 =	vor.u32 $0x180, v0;
	_ =	sdelay $0x1  }
0x19d: {  	v2 =	vshll.u32 v3, $0x2  }
0x19e: {  	[tilespmem:s24+$0x103F0] =	vst @p0 v1;
	v1 =	vand.u32 $0x7F, v3;
	v2 =	vand.u32 $0xFFFFFE00, v2  }
0x19f: {  	v1 =	vor.u32 v2, v1;
	v2 =	vld [tilespmem:s26+$0x9FA0]  }
0x1a0: {  	v0 =	vld.idx.msk [tilespmem:v0+s2+$0x0], $0xffff  }
0x1a1: {  	v1 =	vor.u32 $0x180, v1;
	_ =	sdelay $0x3  }
0x1a2: {  	v3 =	vld [tilespmem:s26+$0x9FB0];
	[tilespmem:s26+$0x10380] =	vst v0;
	v0 =	vshll.u32 v2, $0x2  }
0x1a3: {  	v2 =	vand.u32 $0x7F, v2;
	v1 =	vld.idx.msk [tilespmem:v1+s2+$0x0], $0xffff;
	v0 =	vand.u32 $0xFFFFFE00, v0  }
0x1a4: {  	v0 =	vor.u32 v0, v2  }
0x1a5: {  	v0 =	vor.u32 $0x180, v0;
	_ =	sdelay $0x2  }
0x1a6: {  	[tilespmem:s26+$0x10390] =	vst v1;
	v1 =	vshll.u32 v3, $0x2  }
0x1a7: {  	v2 =	vand.u32 $0x7F, v3;
	v3 =	vld [tilespmem:s26+$0x9FC0];
	v1 =	vand.u32 $0xFFFFFE00, v1  }
0x1a8: {  	v0 =	vld.idx.msk [tilespmem:v0+s2+$0x0], $0xffff;
	v1 =	vor.u32 v1, v2  }
0x1a9: {  	v1 =	vor.u32 $0x180, v1;
	_ =	sdelay $0x3  }
0x1aa: {  	v2 =	vshll.u32 v3, $0x2;
	[tilespmem:s26+$0x103A0] =	vst v0  }
0x1ab: {  	v2 =	vand.u32 $0xFFFFFE00, v2;
	v0 =	vand.u32 $0x7F, v3;
	v1 =	vld.idx.msk [tilespmem:v1+s2+$0x0], $0xffff  }
0x1ac: {  	v0 =	vor.u32 v2, v0;
	v2 =	vld [tilespmem:s26+$0x9FD0]  }
0x1ad: {  	v0 =	vor.u32 $0x180, v0;
	_ =	sdelay $0x3  }
0x1ae: {  	v3 =	vld [tilespmem:s26+$0x9FE0];
	[tilespmem:s26+$0x103B0] =	vst v1;
	v1 =	vshll.u32 v2, $0x2  }
0x1af: {  	v2 =	vand.u32 $0x7F, v2;
	v0 =	vld.idx.msk [tilespmem:v0+s2+$0x0], $0xffff;
	v1 =	vand.u32 $0xFFFFFE00, v1  }
0x1b0: {  	v1 =	vor.u32 v1, v2  }
0x1b1: {  	v1 =	vor.u32 $0x180, v1;
	_ =	sdelay $0x2  }
0x1b2: {  	[tilespmem:s26+$0x103C0] =	vst v0;
	v0 =	vshll.u32 v3, $0x2  }
0x1b3: {  	v2 =	vand.u32 $0x7F, v3;
	v3 =	vld [tilespmem:s26+$0x9FF0];
	v0 =	vand.u32 $0xFFFFFE00, v0  }
0x1b4: {  	v1 =	vld.idx.msk [tilespmem:v1+s2+$0x0], $0xffff;
	v0 =	vor.u32 v0, v2  }
0x1b5: {  	v0 =	vor.u32 $0x180, v0;
	_ =	sdelay $0x2  }
0x1b6: {  	v2 =	vshll.u32 v3, $0x2  }
0x1b7: {  	v2 =	vand.u32 $0xFFFFFE00, v2;
	[tilespmem:s26+$0x103D0] =	vst v1;
	v1 =	vand.u32 $0x7F, v3  }
0x1b8: {  	v0 =	vld.idx.msk [tilespmem:v0+s2+$0x0], $0xffff;
	v1 =	vor.u32 v2, v1  }
0x1b9: {  	v1 =	vor.u32 $0x180, v1;
	_ =	sdelay $0x3  }
0x1ba: {  	[tilespmem:s26+$0x103E0] =	vst v0  }
0x1bb: {  	v0 =	vld.idx.msk [tilespmem:v1+s2+$0x0], $0xffff;
	_ =	sdelay $0x2  }
0x1bc: {  	s31 =	sadd.s32 s5, s23  }
0x1bd: {  	s24 =	sshrl.u32 s31, $0x3;
	p0 =	seq.s32 s21, $0x18  }
0x1be: {  	s24 =	sadd.s32 s4, s24;
	s23 =	sadd.s32 @!p0 s23, s9;
	[tilespmem:s26+$0x103F0] =	vst v0  }
0x1bf: {  	[hbm4b:s24+s11] =	stream.strided.scatter [tilespmem:s17], [sflag:$0x2], $0x3200, s12, s11, $0x38;
	[tilespmem:$0x16600] =	vst v63  }
0x1c0: {  	p1 =	seq.s32 @!p0 s21, $0x0;
	s23 =	sshrl.u32 @!p0 s23, $0x3;
	_ =	swait.ge [sflag:s15], $0x3200  }
0x1c1: {  	s25 =	simm.s32 @!p0 $0x400;
	s23 =	sadd.s32 @!p0 s3, s23;
	[sflag:s15] =	ssyncset.done $0x0  }
0x1c2: {  	s26 =	simm.s32 @!p0 $0x9E00;
	s24 =	simm.s32 @!p0 $0x200;
	[sflag:s15] =	ssyncadd.s32 $0xFFFFCE00  }
0x1c3: {  	[tilespmem:s26], [sflag:$0x1] =	stream.strided.gather @!p0 [hbm4b:s23+s24], $0x3200, s25, s24, $0x38;
	[tilespmem:$0x16600] =	vst v63  }
0x1c4: {  	p0 =	por p0, !p1  }
0x1c5: {  	_ =	swait.ge @p0 [sflag:s19], $0x3200  }
0x1c6: {  	[sflag:s19] =	ssyncset.done @p0 $0x0  }
0x1c7: {  	s23 =	simm.s32 $0x0;
	[sflag:s19] =	ssyncadd.s32 @p0 $0xFFFFCE00  }
0x1c8: {  	v0 =	vld [tilespmem:s23+$0xD000];
	_ =	sdelay $0x4  }
0x1c9: {  	v1 =	vshll.u32 v0, $0x2  }
0x1ca: {  	v2 =	vld [tilespmem:s23+$0xD010];
	v0 =	vand.u32 $0x7F, v0;
	v1 =	vand.u32 $0xFFFFFE00, v1  }
0x1cb: {  	v0 =	vor.u32 v0, v1;
	_ =	sdelay $0x3  }
0x1cc: {  	s24 =	simm.s32 $0x0;
	v1 =	vshll.u32 v2, $0x2  }
0x1cd: {  	v2 =	vand.u32 $0x7F, v2;
	v1 =	vand.u32 $0xFFFFFE00, v1;
	v0 =	vld.idx.msk [tilespmem:v0+s24+$0x0], $0xffff  }
0x1ce: {  	v1 =	vor.u32 v2, v1;
	v2 =	vld [tilespmem:s23+$0xD020];
	_ =	sdelay $0x3  }
0x1cf: {  	[tilespmem:s23+$0x13400] =	vst v0  }
0x1d0: {  	v0 =	vld.idx.msk [tilespmem:v1+s24+$0x0], $0xffff;
	v1 =	vshll.u32 v2, $0x2  }
0x1d1: {  	v3 =	vld [tilespmem:s23+$0xD030];
	v2 =	vand.u32 $0x7F, v2;
	v1 =	vand.u32 $0xFFFFFE00, v1  }
0x1d2: {  	v1 =	vor.u32 v2, v1;
	_ =	sdelay $0x3  }
0x1d3: {  	[tilespmem:s23+$0x13410] =	vst v0;
	v0 =	vshll.u32 v3, $0x2  }
0x1d4: {  	v2 =	vand.u32 $0x7F, v3;
	v0 =	vand.u32 $0xFFFFFE00, v0;
	v1 =	vld.idx.msk [tilespmem:v1+s24+$0x0], $0xffff  }
0x1d5: {  	v0 =	vor.u32 v2, v0;
	v2 =	vld [tilespmem:s23+$0xD040];
	_ =	sdelay $0x4  }
0x1d6: {  	v3 =	vld [tilespmem:s23+$0xD050];
	[tilespmem:s23+$0x13420] =	vst v1;
	v1 =	vshll.u32 v2, $0x2  }
0x1d7: {  	v2 =	vand.u32 $0x7F, v2;
	v0 =	vld.idx.msk [tilespmem:v0+s24+$0x0], $0xffff;
	v1 =	vand.u32 $0xFFFFFE00, v1  }
0x1d8: {  	v1 =	vor.u32 v2, v1;
	_ =	sdelay $0x3  }
0x1d9: {  	[tilespmem:s23+$0x13430] =	vst v0;
	v0 =	vshll.u32 v3, $0x2  }
0x1da: {  	v2 =	vand.u32 $0x7F, v3;
	v1 =	vld.idx.msk [tilespmem:v1+s24+$0x0], $0xffff;
	v0 =	vand.u32 $0xFFFFFE00, v0  }
0x1db: {  	v0 =	vor.u32 v2, v0;
	v2 =	vld [tilespmem:s23+$0xD060];
	_ =	sdelay $0x4  }
0x1dc: {  	v3 =	vld [tilespmem:s23+$0xD070];
	[tilespmem:s23+$0x13440] =	vst v1;
	v1 =	vshll.u32 v2, $0x2  }
0x1dd: {  	v0 =	vld.idx.msk [tilespmem:v0+s24+$0x0], $0xffff;
	v2 =	vand.u32 $0x7F, v2;
	v1 =	vand.u32 $0xFFFFFE00, v1  }
0x1de: {  	v1 =	vor.u32 v2, v1;
	_ =	sdelay $0x3  }
0x1df: {  	v2 =	vshll.u32 v3, $0x2;
	[tilespmem:s23+$0x13450] =	vst v0  }
0x1e0: {  	s28 =	simm.s32 $0x200;
	s26 =	simm.s32 $0x1000;
	s25 =	simm.s32 $0x0;
	v2 =	vand.u32 $0xFFFFFE00, v2;
	v0 =	vld.idx.msk [tilespmem:v1+s24+$0x0], $0xffff;
	v1 =	vand.u32 $0x7F, v3  }
.LBB2_15:
0x1e1: {  	p0 =	sne.s32 s26, $0xC000;
	v3 =	vld [tilespmem:s28+$0xD000];
	v1 =	vor.u32 v1, v2;
	_ =	sdelay $0x3  }
0x1e2: {  	[tilespmem:s25+$0x13460] =	vst v0  }
0x1e3: {  	v0 =	vshll.u32 v3, $0x2;
	v1 =	vld.idx.msk [tilespmem:v1+s24+$0x0], $0xffff  }
0x1e4: {  	v2 =	vand.u32 $0x7F, v3;
	v0 =	vand.u32 $0xFFFFFE00, v0  }
0x1e5: {  	v0 =	vor.u32 v2, v0;
	v2 =	vld [tilespmem:s28+$0xD010];
	_ =	sdelay $0x3  }
0x1e6: {  	[tilespmem:s25+$0x13470] =	vst v1;
	s25 =	smov.u32 s28  }
0x1e7: {  	v0 =	vld.idx.msk [tilespmem:v0+s24+$0x0], $0xffff;
	v1 =	vshll.u32 v2, $0x2  }
0x1e8: {  	v2 =	vand.u32 $0x7F, v2;
	v1 =	vand.u32 $0xFFFFFE00, v1  }
0x1e9: {  	v1 =	vor.u32 v2, v1;
	v2 =	vld [tilespmem:s25+$0xD020];
	_ =	sdelay $0x3  }
0x1ea: {  	[tilespmem:s25+$0x13400] =	vst v0  }
0x1eb: {  	v0 =	vld.idx.msk [tilespmem:v1+s24+$0x0], $0xffff;
	v1 =	vshll.u32 v2, $0x2  }
0x1ec: {  	v2 =	vand.u32 $0x7F, v2;
	v1 =	vand.u32 $0xFFFFFE00, v1  }
0x1ed: {  	v1 =	vor.u32 v2, v1;
	v2 =	vld [tilespmem:s25+$0xD030];
	_ =	sdelay $0x3  }
0x1ee: {  	[tilespmem:s25+$0x13410] =	vst v0  }
0x1ef: {  	v0 =	vld.idx.msk [tilespmem:v1+s24+$0x0], $0xffff;
	v1 =	vshll.u32 v2, $0x2  }
0x1f0: {  	v2 =	vand.u32 $0x7F, v2;
	v1 =	vand.u32 $0xFFFFFE00, v1  }
0x1f1: {  	v1 =	vor.u32 v2, v1;
	v2 =	vld [tilespmem:s25+$0xD040];
	_ =	sdelay $0x3  }
0x1f2: {  	[tilespmem:s25+$0x13420] =	vst v0  }
0x1f3: {  	v0 =	vld.idx.msk [tilespmem:v1+s24+$0x0], $0xffff;
	v1 =	vshll.u32 v2, $0x2  }
0x1f4: {  	v2 =	vand.u32 $0x7F, v2;
	v1 =	vand.u32 $0xFFFFFE00, v1  }
0x1f5: {  	v1 =	vor.u32 v2, v1;
	v2 =	vld [tilespmem:s25+$0xD050];
	_ =	sdelay $0x3  }
0x1f6: {  	[tilespmem:s25+$0x13430] =	vst v0  }
0x1f7: {  	v0 =	vld.idx.msk [tilespmem:v1+s24+$0x0], $0xffff;
	v1 =	vshll.u32 v2, $0x2  }
0x1f8: {  	v2 =	vand.u32 $0x7F, v2;
	v1 =	vand.u32 $0xFFFFFE00, v1  }
0x1f9: {  	v1 =	vor.u32 v2, v1;
	v2 =	vld [tilespmem:s25+$0xD060];
	_ =	sdelay $0x3  }
0x1fa: {  	[tilespmem:s25+$0x13440] =	vst v0  }
0x1fb: {  	v0 =	vld.idx.msk [tilespmem:v1+s24+$0x0], $0xffff;
	v1 =	vshll.u32 v2, $0x2  }
0x1fc: {  	v2 =	vand.u32 $0x7F, v2;
	v1 =	vand.u32 $0xFFFFFE00, v1  }
0x1fd: {  	v1 =	vor.u32 v2, v1;
	v2 =	vld [tilespmem:s25+$0xD070];
	_ =	sdelay $0x1  }
.Ltmp10:
0x1fe: {  	(pc) =	sbr.rel @p0 .LBB2_15-.Ltmp10, $4  }
0x1ff: {  	_ = 	snop  }
0x200: {  	[tilespmem:s25+$0x13450] =	vst v0  }
0x201: {  	v0 =	vld.idx.msk [tilespmem:v1+s24+$0x0], $0xffff;
	v3 =	vshll.u32 v2, $0x2  }
0x202: {  	s28 =	sshra.s32 s26, $0x2;
	s26 =	sadd.s32 $0x800, s26;
	v1 =	vand.u32 $0x7F, v2;
	v2 =	vand.u32 $0xFFFFFE00, v3  }
0x203: {  	v3 =	vld [tilespmem:s28+$0xD000];
	v1 =	vor.u32 v1, v2;
	_ =	sdelay $0x3  }
0x204: {  	[tilespmem:s25+$0x13460] =	vst v0  }
0x205: {  	v0 =	vshll.u32 v3, $0x2;
	v1 =	vld.idx.msk [tilespmem:v1+s24+$0x0], $0xffff  }
0x206: {  	v2 =	vand.u32 $0x7F, v3;
	v3 =	vld [tilespmem:s28+$0xD010];
	v0 =	vand.u32 $0xFFFFFE00, v0  }
0x207: {  	v0 =	vor.u32 v2, v0;
	_ =	sdelay $0x3  }
0x208: {  	[tilespmem:s25+$0x13470] =	vst v1;
	v1 =	vshll.u32 v3, $0x2  }
0x209: {  	v2 =	vand.u32 $0x7F, v3;
	v1 =	vand.u32 $0xFFFFFE00, v1;
	v0 =	vld.idx.msk [tilespmem:v0+s24+$0x0], $0xffff  }
0x20a: {  	v1 =	vor.u32 v2, v1;
	v2 =	vld [tilespmem:s28+$0xD020];
	_ =	sdelay $0x3  }
0x20b: {  	[tilespmem:s28+$0x13400] =	vst v0  }
0x20c: {  	v0 =	vld.idx.msk [tilespmem:v1+s24+$0x0], $0xffff;
	v1 =	vshll.u32 v2, $0x2  }
0x20d: {  	v3 =	vld [tilespmem:s28+$0xD030];
	v2 =	vand.u32 $0x7F, v2;
	v1 =	vand.u32 $0xFFFFFE00, v1  }
0x20e: {  	v1 =	vor.u32 v2, v1;
	_ =	sdelay $0x3  }
0x20f: {  	[tilespmem:s28+$0x13410] =	vst v0;
	v0 =	vshll.u32 v3, $0x2  }
0x210: {  	v2 =	vand.u32 $0x7F, v3;
	v0 =	vand.u32 $0xFFFFFE00, v0;
	v1 =	vld.idx.msk [tilespmem:v1+s24+$0x0], $0xffff  }
0x211: {  	v0 =	vor.u32 v2, v0;
	v2 =	vld [tilespmem:s28+$0xD040];
	_ =	sdelay $0x4  }
0x212: {  	v3 =	vld [tilespmem:s28+$0xD050];
	[tilespmem:s28+$0x13420] =	vst v1;
	v1 =	vshll.u32 v2, $0x2  }
0x213: {  	v2 =	vand.u32 $0x7F, v2;
	v0 =	vld.idx.msk [tilespmem:v0+s24+$0x0], $0xffff;
	v1 =	vand.u32 $0xFFFFFE00, v1  }
0x214: {  	v1 =	vor.u32 v2, v1;
	_ =	sdelay $0x3  }
0x215: {  	[tilespmem:s28+$0x13430] =	vst v0;
	v0 =	vshll.u32 v3, $0x2  }
0x216: {  	v2 =	vand.u32 $0x7F, v3;
	v1 =	vld.idx.msk [tilespmem:v1+s24+$0x0], $0xffff;
	v0 =	vand.u32 $0xFFFFFE00, v0  }
0x217: {  	v0 =	vor.u32 v2, v0;
	v2 =	vld [tilespmem:s28+$0xD060];
	_ =	sdelay $0x4  }
0x218: {  	v3 =	vld [tilespmem:s28+$0xD070];
	[tilespmem:s28+$0x13440] =	vst v1;
	v1 =	vshll.u32 v2, $0x2  }
0x219: {  	v0 =	vld.idx.msk [tilespmem:v0+s24+$0x0], $0xffff;
	v2 =	vand.u32 $0x7F, v2;
	v1 =	vand.u32 $0xFFFFFE00, v1  }
0x21a: {  	v1 =	vor.u32 v2, v1;
	_ =	sdelay $0x3  }
0x21b: {  	[tilespmem:s28+$0x13450] =	vst v0;
	v0 =	vshll.u32 v3, $0x2  }
0x21c: {  	v2 =	vand.u32 $0x7F, v3;
	v0 =	vand.u32 $0xFFFFFE00, v0;
	v1 =	vld.idx.msk [tilespmem:v1+s24+$0x0], $0xffff  }
0x21d: {  	v0 =	vor.u32 v2, v0;
	_ =	sdelay $0x3  }
0x21e: {  	[tilespmem:s28+$0x13460] =	vst v1  }
0x21f: {  	v0 =	vld.idx.msk [tilespmem:v0+s24+$0x0], $0xffff;
	_ =	sdelay $0x4  }
0x220: {  	[tilespmem:s28+$0x13470] =	vst v0  }
0x221: {  	v0 =	vld [tilespmem:s23+$0xD080];
	_ =	sdelay $0x4  }
0x222: {  	v1 =	vshll.u32 v0, $0x2  }
0x223: {  	v0 =	vand.u32 $0x7F, v0;
	v1 =	vand.u32 $0xFFFFFE00, v1  }
0x224: {  	v0 =	vor.u32 v1, v0;
	v1 =	vld [tilespmem:s23+$0xD090]  }
0x225: {  	v0 =	vor.u32 $0x80, v0;
	_ =	sdelay $0x3  }
0x226: {  	s24 =	simm.s32 $0x0;
	v2 =	vshll.u32 v1, $0x2  }
0x227: {  	v1 =	vand.u32 $0x7F, v1;
	v0 =	vld.idx.msk [tilespmem:v0+s24+$0x0], $0xffff;
	v2 =	vand.u32 $0xFFFFFE00, v2  }
0x228: {  	v1 =	vor.u32 v2, v1;
	v2 =	vld [tilespmem:s23+$0xD0A0]  }
0x229: {  	v1 =	vor.u32 $0x80, v1;
	_ =	sdelay $0x3  }
0x22a: {  	[tilespmem:s23+$0x13480] =	vst v0;
	v0 =	vshll.u32 v2, $0x2  }
0x22b: {  	v2 =	vand.u32 $0x7F, v2;
	v1 =	vld.idx.msk [tilespmem:v1+s24+$0x0], $0xffff;
	v0 =	vand.u32 $0xFFFFFE00, v0  }
0x22c: {  	v0 =	vor.u32 v0, v2;
	v2 =	vld [tilespmem:s23+$0xD0B0]  }
0x22d: {  	v0 =	vor.u32 $0x80, v0;
	_ =	sdelay $0x3  }
0x22e: {  	[tilespmem:s23+$0x13490] =	vst v1;
	v1 =	vshll.u32 v2, $0x2  }
0x22f: {  	v2 =	vand.u32 $0x7F, v2;
	v0 =	vld.idx.msk [tilespmem:v0+s24+$0x0], $0xffff;
	v1 =	vand.u32 $0xFFFFFE00, v1  }
0x230: {  	v1 =	vor.u32 v1, v2;
	v2 =	vld [tilespmem:s23+$0xD0C0]  }
0x231: {  	v1 =	vor.u32 $0x80, v1;
	_ =	sdelay $0x3  }
0x232: {  	[tilespmem:s23+$0x134A0] =	vst v0;
	v0 =	vshll.u32 v2, $0x2  }
0x233: {  	v2 =	vand.u32 $0x7F, v2;
	v1 =	vld.idx.msk [tilespmem:v1+s24+$0x0], $0xffff;
	v0 =	vand.u32 $0xFFFFFE00, v0  }
0x234: {  	v0 =	vor.u32 v0, v2;
	v2 =	vld [tilespmem:s23+$0xD0D0]  }
0x235: {  	v0 =	vor.u32 $0x80, v0;
	_ =	sdelay $0x3  }
0x236: {  	[tilespmem:s23+$0x134B0] =	vst v1;
	v1 =	vshll.u32 v2, $0x2  }
0x237: {  	v2 =	vand.u32 $0x7F, v2;
	v0 =	vld.idx.msk [tilespmem:v0+s24+$0x0], $0xffff;
	v1 =	vand.u32 $0xFFFFFE00, v1  }
0x238: {  	v1 =	vor.u32 v1, v2;
	v2 =	vld [tilespmem:s23+$0xD0E0]  }
0x239: {  	v1 =	vor.u32 $0x80, v1;
	_ =	sdelay $0x3  }
0x23a: {  	[tilespmem:s23+$0x134C0] =	vst v0;
	v0 =	vshll.u32 v2, $0x2  }
0x23b: {  	v2 =	vand.u32 $0x7F, v2;
	v1 =	vld.idx.msk [tilespmem:v1+s24+$0x0], $0xffff;
	v0 =	vand.u32 $0xFFFFFE00, v0  }
0x23c: {  	v0 =	vor.u32 v0, v2;
	v2 =	vld [tilespmem:s23+$0xD0F0]  }
0x23d: {  	v0 =	vor.u32 $0x80, v0;
	_ =	sdelay $0x3  }
0x23e: {  	[tilespmem:s23+$0x134D0] =	vst v1;
	v3 =	vshll.u32 v2, $0x2  }
0x23f: {  	s26 =	simm.s32 $0x200;
	s25 =	simm.s32 $0x1000;
	v1 =	vand.u32 $0x7F, v2;
	v0 =	vld.idx.msk [tilespmem:v0+s24+$0x0], $0xffff;
	v2 =	vand.u32 $0xFFFFFE00, v3  }
.LBB2_17:
0x240: {  	p0 =	sne.s32 s25, $0xC000;
	v3 =	vld [tilespmem:s26+$0xD080];
	v1 =	vor.u32 v2, v1  }
0x241: {  	v1 =	vor.u32 $0x80, v1;
	_ =	sdelay $0x3  }
0x242: {  	v2 =	vshll.u32 v3, $0x2;
	[tilespmem:s23+$0x134E0] =	vst v0  }
0x243: {  	v0 =	vand.u32 $0x7F, v3;
	v2 =	vand.u32 $0xFFFFFE00, v2;
	v1 =	vld.idx.msk [tilespmem:v1+s24+$0x0], $0xffff  }
0x244: {  	v0 =	vor.u32 v2, v0;
	v2 =	vld [tilespmem:s26+$0xD090]  }
0x245: {  	v0 =	vor.u32 $0x80, v0;
	_ =	sdelay $0x3  }
0x246: {  	v3 =	vshll.u32 v2, $0x2;
	[tilespmem:s23+$0x134F0] =	vst v1;
	s23 =	smov.u32 s26  }
0x247: {  	v1 =	vand.u32 $0x7F, v2;
	v0 =	vld.idx.msk [tilespmem:v0+s24+$0x0], $0xffff;
	v2 =	vand.u32 $0xFFFFFE00, v3  }
0x248: {  	v1 =	vor.u32 v2, v1;
	v2 =	vld [tilespmem:s23+$0xD0A0]  }
0x249: {  	v1 =	vor.u32 $0x80, v1;
	_ =	sdelay $0x3  }
0x24a: {  	[tilespmem:s23+$0x13480] =	vst v0;
	v0 =	vshll.u32 v2, $0x2  }
0x24b: {  	v2 =	vand.u32 $0x7F, v2;
	v1 =	vld.idx.msk [tilespmem:v1+s24+$0x0], $0xffff;
	v0 =	vand.u32 $0xFFFFFE00, v0  }
0x24c: {  	v0 =	vor.u32 v0, v2;
	v2 =	vld [tilespmem:s23+$0xD0B0]  }
0x24d: {  	v0 =	vor.u32 $0x80, v0;
	_ =	sdelay $0x3  }
0x24e: {  	[tilespmem:s23+$0x13490] =	vst v1;
	v1 =	vshll.u32 v2, $0x2  }
0x24f: {  	v2 =	vand.u32 $0x7F, v2;
	v0 =	vld.idx.msk [tilespmem:v0+s24+$0x0], $0xffff;
	v1 =	vand.u32 $0xFFFFFE00, v1  }
0x250: {  	v1 =	vor.u32 v1, v2;
	v2 =	vld [tilespmem:s23+$0xD0C0]  }
0x251: {  	v1 =	vor.u32 $0x80, v1;
	_ =	sdelay $0x3  }
0x252: {  	[tilespmem:s23+$0x134A0] =	vst v0;
	v0 =	vshll.u32 v2, $0x2  }
0x253: {  	v2 =	vand.u32 $0x7F, v2;
	v1 =	vld.idx.msk [tilespmem:v1+s24+$0x0], $0xffff;
	v0 =	vand.u32 $0xFFFFFE00, v0  }
0x254: {  	v0 =	vor.u32 v0, v2;
	v2 =	vld [tilespmem:s23+$0xD0D0]  }
0x255: {  	v0 =	vor.u32 $0x80, v0;
	_ =	sdelay $0x3  }
0x256: {  	[tilespmem:s23+$0x134B0] =	vst v1;
	v1 =	vshll.u32 v2, $0x2  }
0x257: {  	v2 =	vand.u32 $0x7F, v2;
	v0 =	vld.idx.msk [tilespmem:v0+s24+$0x0], $0xffff;
	v1 =	vand.u32 $0xFFFFFE00, v1  }
0x258: {  	v1 =	vor.u32 v1, v2;
	v2 =	vld [tilespmem:s23+$0xD0E0]  }
0x259: {  	v1 =	vor.u32 $0x80, v1;
	_ =	sdelay $0x3  }
0x25a: {  	[tilespmem:s23+$0x134C0] =	vst v0;
	v0 =	vshll.u32 v2, $0x2  }
0x25b: {  	v2 =	vand.u32 $0x7F, v2;
	v1 =	vld.idx.msk [tilespmem:v1+s24+$0x0], $0xffff;
	v0 =	vand.u32 $0xFFFFFE00, v0  }
0x25c: {  	v0 =	vor.u32 v0, v2;
	v2 =	vld [tilespmem:s23+$0xD0F0]  }
0x25d: {  	v0 =	vor.u32 $0x80, v0  }
.Ltmp11:
0x25e: {  	(pc) =	sbr.rel @p0 .LBB2_17-.Ltmp11, $3  }
0x25f: {  	_ =	sdelay $0x1  }
0x260: {  	[tilespmem:s23+$0x134D0] =	vst v1;
	v3 =	vshll.u32 v2, $0x2  }
0x261: {  	s26 =	sshra.s32 s25, $0x2;
	s25 =	sadd.s32 $0x800, s25;
	v1 =	vand.u32 $0x7F, v2;
	v0 =	vld.idx.msk [tilespmem:v0+s24+$0x0], $0xffff;
	v2 =	vand.u32 $0xFFFFFE00, v3  }
0x262: {  	v3 =	vld [tilespmem:s26+$0xD080];
	v1 =	vor.u32 v2, v1  }
0x263: {  	v1 =	vor.u32 $0x80, v1;
	_ =	sdelay $0x2  }
0x264: {  	[tilespmem:s23+$0x134E0] =	vst v0  }
0x265: {  	v2 =	vshll.u32 v3, $0x2;
	v0 =	vand.u32 $0x7F, v3;
	v3 =	vld [tilespmem:s26+$0xD090]  }
0x266: {  	v2 =	vand.u32 $0xFFFFFE00, v2;
	v1 =	vld.idx.msk [tilespmem:v1+s24+$0x0], $0xffff  }
0x267: {  	v0 =	vor.u32 v2, v0  }
0x268: {  	v0 =	vor.u32 $0x80, v0;
	_ =	sdelay $0x1  }
0x269: {  	v2 =	vshll.u32 v3, $0x2  }
0x26a: {  	[tilespmem:s23+$0x134F0] =	vst v1;
	v1 =	vand.u32 $0x7F, v3;
	v2 =	vand.u32 $0xFFFFFE00, v2  }
0x26b: {  	s24 =	simm.s32 $0x0;
	v1 =	vor.u32 v2, v1;
	v2 =	vld [tilespmem:s26+$0xD0A0]  }
0x26c: {  	v0 =	vld.idx.msk [tilespmem:v0+s24+$0x0], $0xffff  }
0x26d: {  	v1 =	vor.u32 $0x80, v1;
	_ =	sdelay $0x3  }
0x26e: {  	v3 =	vld [tilespmem:s26+$0xD0B0];
	[tilespmem:s26+$0x13480] =	vst v0;
	v0 =	vshll.u32 v2, $0x2  }
0x26f: {  	v2 =	vand.u32 $0x7F, v2;
	v1 =	vld.idx.msk [tilespmem:v1+s24+$0x0], $0xffff;
	v0 =	vand.u32 $0xFFFFFE00, v0  }
0x270: {  	v0 =	vor.u32 v0, v2  }
0x271: {  	v0 =	vor.u32 $0x80, v0;
	_ =	sdelay $0x2  }
0x272: {  	[tilespmem:s26+$0x13490] =	vst v1;
	v1 =	vshll.u32 v3, $0x2  }
0x273: {  	v2 =	vand.u32 $0x7F, v3;
	v3 =	vld [tilespmem:s26+$0xD0C0];
	v1 =	vand.u32 $0xFFFFFE00, v1  }
0x274: {  	v0 =	vld.idx.msk [tilespmem:v0+s24+$0x0], $0xffff;
	v1 =	vor.u32 v1, v2  }
0x275: {  	v1 =	vor.u32 $0x80, v1;
	_ =	sdelay $0x3  }
0x276: {  	v2 =	vshll.u32 v3, $0x2;
	[tilespmem:s26+$0x134A0] =	vst v0  }
0x277: {  	v2 =	vand.u32 $0xFFFFFE00, v2;
	v0 =	vand.u32 $0x7F, v3;
	v1 =	vld.idx.msk [tilespmem:v1+s24+$0x0], $0xffff  }
0x278: {  	v0 =	vor.u32 v2, v0;
	v2 =	vld [tilespmem:s26+$0xD0D0]  }
0x279: {  	v0 =	vor.u32 $0x80, v0;
	_ =	sdelay $0x3  }
0x27a: {  	v3 =	vld [tilespmem:s26+$0xD0E0];
	[tilespmem:s26+$0x134B0] =	vst v1;
	v1 =	vshll.u32 v2, $0x2  }
0x27b: {  	v2 =	vand.u32 $0x7F, v2;
	v0 =	vld.idx.msk [tilespmem:v0+s24+$0x0], $0xffff;
	v1 =	vand.u32 $0xFFFFFE00, v1  }
0x27c: {  	v1 =	vor.u32 v1, v2  }
0x27d: {  	v1 =	vor.u32 $0x80, v1;
	_ =	sdelay $0x2  }
0x27e: {  	[tilespmem:s26+$0x134C0] =	vst v0;
	v0 =	vshll.u32 v3, $0x2  }
0x27f: {  	v2 =	vand.u32 $0x7F, v3;
	v3 =	vld [tilespmem:s26+$0xD0F0];
	v0 =	vand.u32 $0xFFFFFE00, v0  }
0x280: {  	v1 =	vld.idx.msk [tilespmem:v1+s24+$0x0], $0xffff;
	v0 =	vor.u32 v0, v2  }
0x281: {  	v0 =	vor.u32 $0x80, v0;
	_ =	sdelay $0x2  }
0x282: {  	v2 =	vshll.u32 v3, $0x2  }
0x283: {  	v2 =	vand.u32 $0xFFFFFE00, v2;
	[tilespmem:s26+$0x134D0] =	vst v1;
	v1 =	vand.u32 $0x7F, v3  }
0x284: {  	v0 =	vld.idx.msk [tilespmem:v0+s24+$0x0], $0xffff;
	v1 =	vor.u32 v2, v1  }
0x285: {  	v1 =	vor.u32 $0x80, v1;
	_ =	sdelay $0x3  }
0x286: {  	[tilespmem:s26+$0x134E0] =	vst v0  }
0x287: {  	p1 =	por $0x1, $0x1;
	v0 =	vld.idx.msk [tilespmem:v1+s24+$0x0], $0xffff  }
.Ltmp12:
0x288: {  	_ = 	snop;
	(pc) =	sbr.rel @!p1 .LBB2_22-.Ltmp12, $3  }
0x289: {  	_ =	sdelay $0x1  }
0x28a: {  	p0 =	por $0x0, $0x0  }
0x28b: {  	s28 =	simm.s32 $0x0;
	p2 =	por $0x0, $0x0;
	s23 =	simm.s32 $0x0;
	[tilespmem:s26+$0x134F0] =	vst v0  }
0x28c: {  	v0 =	vld [tilespmem:s23+$0xD100];
	_ =	sdelay $0x4  }
0x28d: {  	v1 =	vshll.u32 v0, $0x2  }
0x28e: {  	v0 =	vand.u32 $0x7F, v0;
	v1 =	vand.u32 $0xFFFFFE00, v1  }
0x28f: {  	v0 =	vor.u32 v1, v0;
	v1 =	vld [tilespmem:s23+$0xD110]  }
0x290: {  	v0 =	vor.u32 $0x100, v0;
	_ =	sdelay $0x3  }
0x291: {  	v2 =	vshll.u32 v1, $0x2  }
0x292: {  	v1 =	vand.u32 $0x7F, v1;
	v0 =	vld.idx.msk [tilespmem:v0+s24+$0x0], $0xffff;
	v2 =	vand.u32 $0xFFFFFE00, v2  }
0x293: {  	v1 =	vor.u32 v2, v1;
	v2 =	vld [tilespmem:s23+$0xD120]  }
0x294: {  	v1 =	vor.u32 $0x100, v1;
	_ =	sdelay $0x3  }
0x295: {  	[tilespmem:s23+$0x13500] =	vst v0;
	v0 =	vshll.u32 v2, $0x2  }
0x296: {  	v2 =	vand.u32 $0x7F, v2;
	v1 =	vld.idx.msk [tilespmem:v1+s24+$0x0], $0xffff;
	v0 =	vand.u32 $0xFFFFFE00, v0  }
0x297: {  	v0 =	vor.u32 v0, v2;
	v2 =	vld [tilespmem:s23+$0xD130]  }
0x298: {  	v0 =	vor.u32 $0x100, v0;
	_ =	sdelay $0x3  }
0x299: {  	[tilespmem:s23+$0x13510] =	vst v1;
	v1 =	vshll.u32 v2, $0x2  }
0x29a: {  	v2 =	vand.u32 $0x7F, v2;
	v0 =	vld.idx.msk [tilespmem:v0+s24+$0x0], $0xffff;
	v1 =	vand.u32 $0xFFFFFE00, v1  }
0x29b: {  	v1 =	vor.u32 v1, v2;
	v2 =	vld [tilespmem:s23+$0xD140]  }
0x29c: {  	v1 =	vor.u32 $0x100, v1;
	_ =	sdelay $0x3  }
0x29d: {  	[tilespmem:s23+$0x13520] =	vst v0;
	v0 =	vshll.u32 v2, $0x2  }
0x29e: {  	v2 =	vand.u32 $0x7F, v2;
	v1 =	vld.idx.msk [tilespmem:v1+s24+$0x0], $0xffff;
	v0 =	vand.u32 $0xFFFFFE00, v0  }
0x29f: {  	v0 =	vor.u32 v0, v2;
	v2 =	vld [tilespmem:s23+$0xD150]  }
0x2a0: {  	v0 =	vor.u32 $0x100, v0;
	_ =	sdelay $0x3  }
0x2a1: {  	[tilespmem:s23+$0x13530] =	vst v1;
	v1 =	vshll.u32 v2, $0x2  }
0x2a2: {  	v2 =	vand.u32 $0x7F, v2;
	v0 =	vld.idx.msk [tilespmem:v0+s24+$0x0], $0xffff;
	v1 =	vand.u32 $0xFFFFFE00, v1  }
0x2a3: {  	v1 =	vor.u32 v1, v2;
	v2 =	vld [tilespmem:s23+$0xD160]  }
0x2a4: {  	v1 =	vor.u32 $0x100, v1;
	_ =	sdelay $0x3  }
0x2a5: {  	[tilespmem:s23+$0x13540] =	vst v0;
	v0 =	vshll.u32 v2, $0x2  }
0x2a6: {  	v2 =	vand.u32 $0x7F, v2;
	v1 =	vld.idx.msk [tilespmem:v1+s24+$0x0], $0xffff;
	v0 =	vand.u32 $0xFFFFFE00, v0  }
0x2a7: {  	v0 =	vor.u32 v0, v2;
	v2 =	vld [tilespmem:s23+$0xD170]  }
0x2a8: {  	p3 =	por $0x1, $0x1;
	v0 =	vor.u32 $0x100, v0  }
.Ltmp13:
0x2a9: {  	_ = 	snop;
	(pc) =	sbr.rel @!p3 .LBB2_20-.Ltmp13, $3  }
0x2aa: {  	_ =	sdelay $0x1  }
0x2ab: {  	s28 =	simm.s32 $0x200;
	[tilespmem:s23+$0x13550] =	vst v1;
	v3 =	vshll.u32 v2, $0x2  }
0x2ac: {  	s26 =	simm.s32 $0x1000;
	p2 =	por $0x1, $0x1;
	s25 =	simm.s32 $0x0;
	v1 =	vand.u32 $0x7F, v2;
	v0 =	vld.idx.msk [tilespmem:v0+s24+$0x0], $0xffff;
	v2 =	vand.u32 $0xFFFFFE00, v3  }
.LBB2_21:
0x2ad: {  	p3 =	sne.s32 s26, $0xC000;
	v3 =	vld [tilespmem:s28+$0xD100];
	v1 =	vor.u32 v2, v1  }
0x2ae: {  	v1 =	vor.u32 $0x100, v1;
	_ =	sdelay $0x3  }
0x2af: {  	v2 =	vshll.u32 v3, $0x2;
	[tilespmem:s25+$0x13560] =	vst v0  }
0x2b0: {  	v0 =	vand.u32 $0x7F, v3;
	v2 =	vand.u32 $0xFFFFFE00, v2;
	v1 =	vld.idx.msk [tilespmem:v1+s24+$0x0], $0xffff  }
0x2b1: {  	v0 =	vor.u32 v2, v0;
	v2 =	vld [tilespmem:s28+$0xD110]  }
0x2b2: {  	v0 =	vor.u32 $0x100, v0;
	_ =	sdelay $0x3  }
0x2b3: {  	v3 =	vshll.u32 v2, $0x2;
	[tilespmem:s25+$0x13570] =	vst v1;
	s25 =	smov.u32 s28  }
0x2b4: {  	v1 =	vand.u32 $0x7F, v2;
	v0 =	vld.idx.msk [tilespmem:v0+s24+$0x0], $0xffff;
	v2 =	vand.u32 $0xFFFFFE00, v3  }
0x2b5: {  	v1 =	vor.u32 v2, v1;
	v2 =	vld [tilespmem:s25+$0xD120]  }
0x2b6: {  	v1 =	vor.u32 $0x100, v1;
	_ =	sdelay $0x3  }
0x2b7: {  	[tilespmem:s25+$0x13500] =	vst v0;
	v0 =	vshll.u32 v2, $0x2  }
0x2b8: {  	v2 =	vand.u32 $0x7F, v2;
	v1 =	vld.idx.msk [tilespmem:v1+s24+$0x0], $0xffff;
	v0 =	vand.u32 $0xFFFFFE00, v0  }
0x2b9: {  	v0 =	vor.u32 v0, v2;
	v2 =	vld [tilespmem:s25+$0xD130]  }
0x2ba: {  	v0 =	vor.u32 $0x100, v0;
	_ =	sdelay $0x3  }
0x2bb: {  	[tilespmem:s25+$0x13510] =	vst v1;
	v1 =	vshll.u32 v2, $0x2  }
0x2bc: {  	v2 =	vand.u32 $0x7F, v2;
	v0 =	vld.idx.msk [tilespmem:v0+s24+$0x0], $0xffff;
	v1 =	vand.u32 $0xFFFFFE00, v1  }
0x2bd: {  	v1 =	vor.u32 v1, v2;
	v2 =	vld [tilespmem:s25+$0xD140]  }
0x2be: {  	v1 =	vor.u32 $0x100, v1;
	_ =	sdelay $0x3  }
0x2bf: {  	[tilespmem:s25+$0x13520] =	vst v0;
	v0 =	vshll.u32 v2, $0x2  }
0x2c0: {  	v2 =	vand.u32 $0x7F, v2;
	v1 =	vld.idx.msk [tilespmem:v1+s24+$0x0], $0xffff;
	v0 =	vand.u32 $0xFFFFFE00, v0  }
0x2c1: {  	v0 =	vor.u32 v0, v2;
	v2 =	vld [tilespmem:s25+$0xD150]  }
0x2c2: {  	v0 =	vor.u32 $0x100, v0;
	_ =	sdelay $0x3  }
0x2c3: {  	[tilespmem:s25+$0x13530] =	vst v1;
	v1 =	vshll.u32 v2, $0x2  }
0x2c4: {  	v2 =	vand.u32 $0x7F, v2;
	v0 =	vld.idx.msk [tilespmem:v0+s24+$0x0], $0xffff;
	v1 =	vand.u32 $0xFFFFFE00, v1  }
0x2c5: {  	v1 =	vor.u32 v1, v2;
	v2 =	vld [tilespmem:s25+$0xD160]  }
0x2c6: {  	v1 =	vor.u32 $0x100, v1;
	_ =	sdelay $0x3  }
0x2c7: {  	[tilespmem:s25+$0x13540] =	vst v0;
	v0 =	vshll.u32 v2, $0x2  }
0x2c8: {  	v2 =	vand.u32 $0x7F, v2;
	v1 =	vld.idx.msk [tilespmem:v1+s24+$0x0], $0xffff;
	v0 =	vand.u32 $0xFFFFFE00, v0  }
0x2c9: {  	v0 =	vor.u32 v0, v2;
	v2 =	vld [tilespmem:s25+$0xD170]  }
0x2ca: {  	v0 =	vor.u32 $0x100, v0  }
.Ltmp14:
0x2cb: {  	(pc) =	sbr.rel @p3 .LBB2_21-.Ltmp14, $3  }
0x2cc: {  	_ =	sdelay $0x1  }
0x2cd: {  	[tilespmem:s25+$0x13550] =	vst v1;
	v3 =	vshll.u32 v2, $0x2  }
0x2ce: {  	s28 =	sshra.s32 s26, $0x2;
	s26 =	sadd.s32 $0x800, s26;
	v1 =	vand.u32 $0x7F, v2;
	v0 =	vld.idx.msk [tilespmem:v0+s24+$0x0], $0xffff;
	v2 =	vand.u32 $0xFFFFFE00, v3  }
.LBB2_22:
0x2cf: {  	v3 =	vld [tilespmem:s28+$0xD100];
	v1 =	vor.u32 @p2 v2, v1  }
0x2d0: {  	v1 =	vor.u32 @p2 $0x100, v1;
	_ =	sdelay $0x2  }
0x2d1: {  	[tilespmem:s25+$0x13560] =	vst @p2 v0  }
0x2d2: {  	v43 =	vshll.u32 v3, $0x2;
	v45 =	vld [tilespmem:s28+$0xD110]  }
0x2d3: {  	v44 =	vand.u32 $0x7F, v3;
	v2 =	vand.u32 $0xFFFFFE00, v43;
	v1 =	vld.idx.msk @p2 [tilespmem:v1+s24+$0x0], $0xffff  }
0x2d4: {  	v0 =	vor.u32 v2, v44  }
0x2d5: {  	v0 =	vor.u32 $0x100, v0;
	_ =	sdelay $0x2  }
0x2d6: {  	v46 =	vshll.u32 v45, $0x2;
	[tilespmem:s25+$0x13570] =	vst @p2 v1  }
0x2d7: {  	v47 =	vand.u32 $0x7F, v45;
	v2 =	vand.u32 $0xFFFFFE00, v46;
	v48 =	vld [tilespmem:s28+$0xD120]  }
0x2d8: {  	v1 =	vor.u32 v2, v47;
	v0 =	vld.idx.msk [tilespmem:v0+s24+$0x0], $0xffff  }
0x2d9: {  	v1 =	vor.u32 $0x100, v1;
	_ =	sdelay $0x2  }
0x2da: {  	v49 =	vshll.u32 v48, $0x2  }
0x2db: {  	v50 =	vld [tilespmem:s28+$0xD130];
	v2 =	vand.u32 $0x7F, v48;
	[tilespmem:s28+$0x13500] =	vst v0;
	v0 =	vand.u32 $0xFFFFFE00, v49  }
0x2dc: {  	v1 =	vld.idx.msk [tilespmem:v1+s24+$0x0], $0xffff;
	v0 =	vor.u32 v0, v2  }
0x2dd: {  	v0 =	vor.u32 $0x100, v0;
	_ =	sdelay $0x2  }
0x2de: {  	v51 =	vshll.u32 v50, $0x2  }
0x2df: {  	v53 =	vld [tilespmem:s28+$0xD140];
	v52 =	vand.u32 $0x7F, v50;
	[tilespmem:s28+$0x13510] =	vst v1;
	v1 =	vand.u32 $0xFFFFFE00, v51  }
0x2e0: {  	v0 =	vld.idx.msk [tilespmem:v0+s24+$0x0], $0xffff;
	v1 =	vor.u32 v1, v52  }
0x2e1: {  	v1 =	vor.u32 $0x100, v1;
	_ =	sdelay $0x2  }
0x2e2: {  	v54 =	vshll.u32 v53, $0x2  }
0x2e3: {  	v56 =	vld [tilespmem:s28+$0xD150];
	v55 =	vand.u32 $0x7F, v53;
	v2 =	vand.u32 $0xFFFFFE00, v54;
	[tilespmem:s28+$0x13520] =	vst v0  }
0x2e4: {  	v0 =	vor.u32 v2, v55;
	v1 =	vld.idx.msk [tilespmem:v1+s24+$0x0], $0xffff  }
0x2e5: {  	v0 =	vor.u32 $0x100, v0;
	_ =	sdelay $0x2  }
0x2e6: {  	v57 =	vshll.u32 v56, $0x2  }
0x2e7: {  	v58 =	vld [tilespmem:s28+$0xD160];
	v2 =	vand.u32 $0x7F, v56;
	[tilespmem:s28+$0x13530] =	vst v1;
	v1 =	vand.u32 $0xFFFFFE00, v57  }
0x2e8: {  	v0 =	vld.idx.msk [tilespmem:v0+s24+$0x0], $0xffff;
	v1 =	vor.u32 v1, v2  }
0x2e9: {  	v1 =	vor.u32 $0x100, v1;
	_ =	sdelay $0x2  }
0x2ea: {  	v59 =	vshll.u32 v58, $0x2  }
0x2eb: {  	v61 =	vld [tilespmem:s28+$0xD170];
	v60 =	vand.u32 $0x7F, v58;
	[tilespmem:s28+$0x13540] =	vst v0;
	v0 =	vand.u32 $0xFFFFFE00, v59  }
0x2ec: {  	v1 =	vld.idx.msk [tilespmem:v1+s24+$0x0], $0xffff;
	v0 =	vor.u32 v0, v60  }
0x2ed: {  	v0 =	vor.u32 $0x100, v0;
	_ =	sdelay $0x2  }
0x2ee: {  	v62 =	vshll.u32 v61, $0x2  }
0x2ef: {  	v63 =	vand.u32 $0x7F, v61;
	v2 =	vand.u32 $0xFFFFFE00, v62;
	[tilespmem:s28+$0x13550] =	vst v1  }
0x2f0: {  	v1 =	vor.u32 v2, v63;
	v0 =	vld.idx.msk [tilespmem:v0+s24+$0x0], $0xffff  }
0x2f1: {  	v1 =	vor.u32 $0x100, v1;
	_ =	sdelay $0x3  }
0x2f2: {  	[tilespmem:s28+$0x13560] =	vst v0  }
0x2f3: {  	v0 =	vld.idx.msk [tilespmem:v1+s24+$0x0], $0xffff  }
.Ltmp15:
0x2f4: {  	_ = 	snop;
	(pc) =	sbr.rel @!p1 .LBB2_23-.Ltmp15, $2  }
0x2f5: {  	_ =	sdelay $0x2  }
0x2f6: {  	[tilespmem:s28+$0x13570] =	vst v0  }
0x2f7: {  	v0 =	vld [tilespmem:s23+$0xD180];
	_ =	sdelay $0x4  }
0x2f8: {  	v1 =	vshll.u32 v0, $0x2  }
0x2f9: {  	v0 =	vand.u32 $0x7F, v0;
	v1 =	vand.u32 $0xFFFFFE00, v1  }
0x2fa: {  	v0 =	vor.u32 v1, v0;
	v1 =	vld [tilespmem:s23+$0xD190]  }
0x2fb: {  	v0 =	vor.u32 $0x180, v0;
	_ =	sdelay $0x3  }
0x2fc: {  	v2 =	vshll.u32 v1, $0x2  }
0x2fd: {  	v1 =	vand.u32 $0x7F, v1;
	v0 =	vld.idx.msk [tilespmem:v0+s2+$0x0], $0xffff;
	v2 =	vand.u32 $0xFFFFFE00, v2  }
0x2fe: {  	v1 =	vor.u32 v2, v1;
	v2 =	vld [tilespmem:s23+$0xD1A0]  }
0x2ff: {  	v1 =	vor.u32 $0x180, v1;
	_ =	sdelay $0x3  }
0x300: {  	[tilespmem:s23+$0x13580] =	vst v0;
	v0 =	vshll.u32 v2, $0x2  }
0x301: {  	v2 =	vand.u32 $0x7F, v2;
	v1 =	vld.idx.msk [tilespmem:v1+s2+$0x0], $0xffff;
	v0 =	vand.u32 $0xFFFFFE00, v0  }
0x302: {  	v0 =	vor.u32 v0, v2;
	v2 =	vld [tilespmem:s23+$0xD1B0]  }
0x303: {  	v0 =	vor.u32 $0x180, v0;
	_ =	sdelay $0x3  }
0x304: {  	[tilespmem:s23+$0x13590] =	vst v1;
	v1 =	vshll.u32 v2, $0x2  }
0x305: {  	v2 =	vand.u32 $0x7F, v2;
	v0 =	vld.idx.msk [tilespmem:v0+s2+$0x0], $0xffff;
	v1 =	vand.u32 $0xFFFFFE00, v1  }
0x306: {  	v1 =	vor.u32 v1, v2;
	v2 =	vld [tilespmem:s23+$0xD1C0]  }
0x307: {  	v1 =	vor.u32 $0x180, v1;
	_ =	sdelay $0x3  }
0x308: {  	[tilespmem:s23+$0x135A0] =	vst v0;
	v0 =	vshll.u32 v2, $0x2  }
0x309: {  	v2 =	vand.u32 $0x7F, v2;
	v1 =	vld.idx.msk [tilespmem:v1+s2+$0x0], $0xffff;
	v0 =	vand.u32 $0xFFFFFE00, v0  }
0x30a: {  	v0 =	vor.u32 v0, v2;
	v2 =	vld [tilespmem:s23+$0xD1D0]  }
0x30b: {  	v0 =	vor.u32 $0x180, v0;
	_ =	sdelay $0x3  }
0x30c: {  	[tilespmem:s23+$0x135B0] =	vst v1;
	v1 =	vshll.u32 v2, $0x2  }
0x30d: {  	v2 =	vand.u32 $0x7F, v2;
	v0 =	vld.idx.msk [tilespmem:v0+s2+$0x0], $0xffff;
	v1 =	vand.u32 $0xFFFFFE00, v1  }
0x30e: {  	v1 =	vor.u32 v1, v2;
	v2 =	vld [tilespmem:s23+$0xD1E0]  }
0x30f: {  	v1 =	vor.u32 $0x180, v1;
	_ =	sdelay $0x3  }
0x310: {  	[tilespmem:s23+$0x135C0] =	vst v0;
	v0 =	vshll.u32 v2, $0x2  }
0x311: {  	v2 =	vand.u32 $0x7F, v2;
	v1 =	vld.idx.msk [tilespmem:v1+s2+$0x0], $0xffff;
	v0 =	vand.u32 $0xFFFFFE00, v0  }
0x312: {  	v0 =	vor.u32 v0, v2;
	v2 =	vld [tilespmem:s23+$0xD1F0]  }
0x313: {  	p1 =	por $0x1, $0x1;
	v0 =	vor.u32 $0x180, v0  }
.Ltmp16:
0x314: {  	_ = 	snop;
	(pc) =	sbr.rel @!p1 .LBB2_26-.Ltmp16, $3  }
0x315: {  	_ =	sdelay $0x1  }
0x316: {  	[tilespmem:s23+$0x135D0] =	vst v1;
	v3 =	vshll.u32 v2, $0x2  }
0x317: {  	s25 =	simm.s32 $0x200;
	s24 =	simm.s32 $0x1000;
	p0 =	por $0x1, $0x1;
	v1 =	vand.u32 $0x7F, v2;
	v0 =	vld.idx.msk [tilespmem:v0+s2+$0x0], $0xffff;
	v2 =	vand.u32 $0xFFFFFE00, v3  }
.LBB2_25:
0x318: {  	p1 =	sne.s32 s24, $0xC000;
	v3 =	vld [tilespmem:s25+$0xD180];
	v1 =	vor.u32 v2, v1  }
0x319: {  	v1 =	vor.u32 $0x180, v1;
	_ =	sdelay $0x3  }
0x31a: {  	v2 =	vshll.u32 v3, $0x2;
	[tilespmem:s23+$0x135E0] =	vst v0  }
0x31b: {  	v0 =	vand.u32 $0x7F, v3;
	v2 =	vand.u32 $0xFFFFFE00, v2;
	v1 =	vld.idx.msk [tilespmem:v1+s2+$0x0], $0xffff  }
0x31c: {  	v0 =	vor.u32 v2, v0;
	v2 =	vld [tilespmem:s25+$0xD190]  }
0x31d: {  	v0 =	vor.u32 $0x180, v0;
	_ =	sdelay $0x3  }
0x31e: {  	v3 =	vshll.u32 v2, $0x2;
	[tilespmem:s23+$0x135F0] =	vst v1;
	s23 =	smov.u32 s25  }
0x31f: {  	v1 =	vand.u32 $0x7F, v2;
	v0 =	vld.idx.msk [tilespmem:v0+s2+$0x0], $0xffff;
	v2 =	vand.u32 $0xFFFFFE00, v3  }
0x320: {  	v1 =	vor.u32 v2, v1;
	v2 =	vld [tilespmem:s23+$0xD1A0]  }
0x321: {  	v1 =	vor.u32 $0x180, v1;
	_ =	sdelay $0x3  }
0x322: {  	[tilespmem:s23+$0x13580] =	vst v0;
	v0 =	vshll.u32 v2, $0x2  }
0x323: {  	v2 =	vand.u32 $0x7F, v2;
	v1 =	vld.idx.msk [tilespmem:v1+s2+$0x0], $0xffff;
	v0 =	vand.u32 $0xFFFFFE00, v0  }
0x324: {  	v0 =	vor.u32 v0, v2;
	v2 =	vld [tilespmem:s23+$0xD1B0]  }
0x325: {  	v0 =	vor.u32 $0x180, v0;
	_ =	sdelay $0x3  }
0x326: {  	[tilespmem:s23+$0x13590] =	vst v1;
	v1 =	vshll.u32 v2, $0x2  }
0x327: {  	v2 =	vand.u32 $0x7F, v2;
	v0 =	vld.idx.msk [tilespmem:v0+s2+$0x0], $0xffff;
	v1 =	vand.u32 $0xFFFFFE00, v1  }
0x328: {  	v1 =	vor.u32 v1, v2;
	v2 =	vld [tilespmem:s23+$0xD1C0]  }
0x329: {  	v1 =	vor.u32 $0x180, v1;
	_ =	sdelay $0x3  }
0x32a: {  	[tilespmem:s23+$0x135A0] =	vst v0;
	v0 =	vshll.u32 v2, $0x2  }
0x32b: {  	v2 =	vand.u32 $0x7F, v2;
	v1 =	vld.idx.msk [tilespmem:v1+s2+$0x0], $0xffff;
	v0 =	vand.u32 $0xFFFFFE00, v0  }
0x32c: {  	v0 =	vor.u32 v0, v2;
	v2 =	vld [tilespmem:s23+$0xD1D0]  }
0x32d: {  	v0 =	vor.u32 $0x180, v0;
	_ =	sdelay $0x3  }
0x32e: {  	[tilespmem:s23+$0x135B0] =	vst v1;
	v1 =	vshll.u32 v2, $0x2  }
0x32f: {  	v2 =	vand.u32 $0x7F, v2;
	v0 =	vld.idx.msk [tilespmem:v0+s2+$0x0], $0xffff;
	v1 =	vand.u32 $0xFFFFFE00, v1  }
0x330: {  	v1 =	vor.u32 v1, v2;
	v2 =	vld [tilespmem:s23+$0xD1E0]  }
0x331: {  	v1 =	vor.u32 $0x180, v1;
	_ =	sdelay $0x3  }
0x332: {  	[tilespmem:s23+$0x135C0] =	vst v0;
	v0 =	vshll.u32 v2, $0x2  }
0x333: {  	v2 =	vand.u32 $0x7F, v2;
	v1 =	vld.idx.msk [tilespmem:v1+s2+$0x0], $0xffff;
	v0 =	vand.u32 $0xFFFFFE00, v0  }
0x334: {  	v0 =	vor.u32 v0, v2;
	v2 =	vld [tilespmem:s23+$0xD1F0]  }
0x335: {  	v0 =	vor.u32 $0x180, v0  }
.Ltmp17:
0x336: {  	(pc) =	sbr.rel @p1 .LBB2_25-.Ltmp17, $3  }
0x337: {  	_ =	sdelay $0x1  }
0x338: {  	[tilespmem:s23+$0x135D0] =	vst v1;
	v3 =	vshll.u32 v2, $0x2  }
0x339: {  	s25 =	sshra.s32 s24, $0x2;
	s24 =	sadd.s32 $0x800, s24;
	v1 =	vand.u32 $0x7F, v2;
	v0 =	vld.idx.msk [tilespmem:v0+s2+$0x0], $0xffff;
	v2 =	vand.u32 $0xFFFFFE00, v3  }
.LBB2_26:
0x33a: {  	v3 =	vld [tilespmem:s25+$0xD180];
	v1 =	vor.u32 @p0 v2, v1  }
0x33b: {  	v1 =	vor.u32 @p0 $0x180, v1;
	_ =	sdelay $0x2  }
0x33c: {  	[tilespmem:s23+$0x135E0] =	vst @p0 v0  }
0x33d: {  	v43 =	vshll.u32 v3, $0x2;
	v45 =	vld [tilespmem:s25+$0xD190]  }
0x33e: {  	v44 =	vand.u32 $0x7F, v3;
	v2 =	vand.u32 $0xFFFFFE00, v43;
	v1 =	vld.idx.msk @p0 [tilespmem:v1+s2+$0x0], $0xffff  }
0x33f: {  	v0 =	vor.u32 v2, v44  }
0x340: {  	v0 =	vor.u32 $0x180, v0;
	_ =	sdelay $0x2  }
0x341: {  	v46 =	vshll.u32 v45, $0x2;
	[tilespmem:s23+$0x135F0] =	vst @p0 v1  }
0x342: {  	v47 =	vand.u32 $0x7F, v45;
	v2 =	vand.u32 $0xFFFFFE00, v46;
	v48 =	vld [tilespmem:s25+$0xD1A0]  }
0x343: {  	v1 =	vor.u32 v2, v47;
	v0 =	vld.idx.msk [tilespmem:v0+s2+$0x0], $0xffff  }
0x344: {  	v1 =	vor.u32 $0x180, v1;
	_ =	sdelay $0x2  }
0x345: {  	v49 =	vshll.u32 v48, $0x2  }
0x346: {  	v50 =	vld [tilespmem:s25+$0xD1B0];
	v2 =	vand.u32 $0x7F, v48;
	[tilespmem:s25+$0x13580] =	vst v0;
	v0 =	vand.u32 $0xFFFFFE00, v49  }
0x347: {  	v1 =	vld.idx.msk [tilespmem:v1+s2+$0x0], $0xffff;
	v0 =	vor.u32 v0, v2  }
0x348: {  	v0 =	vor.u32 $0x180, v0;
	_ =	sdelay $0x2  }
0x349: {  	v51 =	vshll.u32 v50, $0x2  }
0x34a: {  	v53 =	vld [tilespmem:s25+$0xD1C0];
	v52 =	vand.u32 $0x7F, v50;
	[tilespmem:s25+$0x13590] =	vst v1;
	v1 =	vand.u32 $0xFFFFFE00, v51  }
0x34b: {  	v0 =	vld.idx.msk [tilespmem:v0+s2+$0x0], $0xffff;
	v1 =	vor.u32 v1, v52  }
0x34c: {  	v1 =	vor.u32 $0x180, v1;
	_ =	sdelay $0x2  }
0x34d: {  	v54 =	vshll.u32 v53, $0x2  }
0x34e: {  	v56 =	vld [tilespmem:s25+$0xD1D0];
	v55 =	vand.u32 $0x7F, v53;
	v2 =	vand.u32 $0xFFFFFE00, v54;
	[tilespmem:s25+$0x135A0] =	vst v0  }
0x34f: {  	v0 =	vor.u32 v2, v55;
	v1 =	vld.idx.msk [tilespmem:v1+s2+$0x0], $0xffff  }
0x350: {  	v0 =	vor.u32 $0x180, v0;
	_ =	sdelay $0x2  }
0x351: {  	v57 =	vshll.u32 v56, $0x2  }
0x352: {  	v58 =	vld [tilespmem:s25+$0xD1E0];
	v2 =	vand.u32 $0x7F, v56;
	[tilespmem:s25+$0x135B0] =	vst v1;
	v1 =	vand.u32 $0xFFFFFE00, v57  }
0x353: {  	v0 =	vld.idx.msk [tilespmem:v0+s2+$0x0], $0xffff;
	v1 =	vor.u32 v1, v2  }
0x354: {  	v1 =	vor.u32 $0x180, v1;
	_ =	sdelay $0x2  }
0x355: {  	v59 =	vshll.u32 v58, $0x2  }
0x356: {  	v61 =	vld [tilespmem:s25+$0xD1F0];
	v60 =	vand.u32 $0x7F, v58;
	[tilespmem:s25+$0x135C0] =	vst v0;
	v0 =	vand.u32 $0xFFFFFE00, v59  }
0x357: {  	v1 =	vld.idx.msk [tilespmem:v1+s2+$0x0], $0xffff;
	v0 =	vor.u32 v0, v60  }
0x358: {  	v0 =	vor.u32 $0x180, v0;
	_ =	sdelay $0x2  }
0x359: {  	v62 =	vshll.u32 v61, $0x2  }
0x35a: {  	v63 =	vand.u32 $0x7F, v61;
	v2 =	vand.u32 $0xFFFFFE00, v62;
	[tilespmem:s25+$0x135D0] =	vst v1  }
0x35b: {  	v1 =	vor.u32 v2, v63;
	v0 =	vld.idx.msk [tilespmem:v0+s2+$0x0], $0xffff  }
0x35c: {  	v1 =	vor.u32 $0x180, v1;
	_ =	sdelay $0x3  }
0x35d: {  	[tilespmem:s25+$0x135E0] =	vst v0  }
0x35e: {  	s21 =	sadd.s32 $0x1, s21;
	v0 =	vld.idx.msk [tilespmem:v1+s2+$0x0], $0xffff  }
0x35f: {  	p0 =	sne.s32 s21, $0x19  }
.Ltmp18:
0x360: {  	_ = 	snop;
	(pc) =	sbr.rel @p0 .LBB2_2-.Ltmp18, $4  }
.Ltmp19:
0x361: {  	_ = 	snop;
	(pc) =	sbr.rel @!p0 .LBB2_27-.Ltmp19, $4  }
0x362: {  	_ = 	snop  }
0x363: {  	s22 =	sadd.s32 s4, s22;
	[tilespmem:s25+$0x135F0] =	vst v0  }
0x364: {  	[hbm4b:s22+s11] =	stream.strided.scatter [tilespmem:s18], [sflag:$0x2], $0x3200, s12, s11, $0x38;
	[tilespmem:$0x16600] =	vst v63  }
0x365: {  	_ = 	snop  }
.LBB2_11:
.Ltmp20:
0x366: {  	(pc) =	sbr.rel .LBB2_14-.Ltmp20, $2  }
0x367: {  	_ =	sdelay $0x2  }
0x368: {  	s26 =	simm.s32 $0x0  }
.LBB2_23:
.Ltmp21:
0x369: {  	(pc) =	sbr.rel .LBB2_26-.Ltmp21, $2  }
0x36a: {  	_ =	sdelay $0x2  }
0x36b: {  	s25 =	simm.s32 $0x0  }
.LBB2_8:
.Ltmp22:
0x36c: {  	(pc) =	sbr.rel .LBB2_10-.Ltmp22, $2  }
0x36d: {  	_ =	sdelay $0x2  }
0x36e: {  	s26 =	simm.s32 $0x0  }
.LBB2_20:
.Ltmp23:
0x36f: {  	(pc) =	sbr.rel .LBB2_22-.Ltmp23, $2  }
0x370: {  	_ =	sdelay $0x2  }
0x371: {  	s25 =	simm.s32 $0x0  }
.LBB2_28:
0x372: {  	_ =	sfence.sel $0x180000  }
0x373: {  	[bflag:$0x0] =	sbarrier.arrive $0xFFFF  }
0x374: {  	p0 =	sne.s32 s1, $0x0;
	_ =	strace $0x9000004D  }
0x375: {  	s0 =	sadd.s32 @!p0 $0x100000, s0;
	[bflag:$0x2] =	sbarrier.arrive $0xFFFF  }
0x376: {  	[sflag:s0] =	ssyncadd.tile.s32 @!p0 $0x1;
	_ =	shalt  }
.Lfunc_end2:
_tile_overlayer_lowered:
.L_overlay_start_2:
0x377: {  	(tag) =	ssettag $0x2  }
0x378: {  	s0 =	rddreg [dreg:$0x0];
	s2 =	stileid.u32  }
0x379: {  	s1 =	rddreg [dreg:$0x1];
	p0 =	sne.s32 s2, $0x0  }
0x37a: {  	s3 =	rddreg [dreg:$0x2];
	[bflag:$0x3] =	sbarrier.arrive $0xFFFF;
	s2 =	simm.s32 @!p0 $0x1C03  }
0x37b: {  	[timem:s3], [sflag:s2] =	dma.local @!p0 [hbm:s0], s1  }
0x37c: {  	s0 =	simm.s32 @!p0 $0x3  }
0x37d: {  	_ =	swait.ge @!p0 [sflag:s0], s1  }
0x37e: {  	s1 =	ssub.s32 @!p0 $0x0, s1;
	[sflag:s0] =	ssyncset.done @!p0 $0x0  }
0x37f: {  	[sflag:s0] =	ssyncadd.s32 @!p0 s1  }
0x380: {  	[bflag:$0x3] =	sbarrier.arrive $0xFFFF  }
0x381: {  	_ =	shalt  }

// kernel: sparse-core-data-format-call.cloned.1.call-start
scs
called_computation_lowered:
.L_overlay_start_0:
0x0: {  	s2 =	sld [smem:$0x3FD9]  }
0x1: {  	s3 =	sld [smem:$0x3FFE];
	_ =	sdelay $0x1  }
0x2: {  	s1 =	srdreg.scid  }
0x3: {  	s0 =	sand.u32 $0x1, s1  }
0x4: {  	s18 =	sshll.u32 s0, $0xA;
	s2 =	sadd.s32 s3, s2  }
0x5: {  	s2 =	sadd.s32 s2, s18  }
0x6: {  	[smem:$0x3FAA] =	sst s2  }
0x7: {  	_ = 	snop  }
0x8: {  	s2 =	sld [smem:$0x3FC7];
	(tm) =	ssettm $0x1  }
0x9: {  	s19 =	sld [smem:$0x3FFB];
	_ =	sdelay $0x3  }
0xa: {  	_ =	strace s19  }
0xb: {  	s3 =	sld [smem:$0x3FFC];
	_ =	sdelay $0x3  }
0xc: {  	_ =	strace s3  }
0xd: {  	s3 =	sld [smem:$0x3FFD];
	_ =	sdelay $0x3  }
0xe: {  	_ =	strace s3  }
0xf: {  	_ =	strace $0x8FFFFFFF  }
0x10: {  	s20 =	sld [smem:$0x3FDB];
	_ =	sdelay $0x1  }
0x11: {  	s4 =	simm.s32 $_scs_section_size  }
0x12: {  	s5 =	simm.s32 $_size__tile_overlayer_lowered;
	s6 =	simm.s32 $_tile_overlayer_lowered  }
0x13: {  	s23 =	simm.s32 $0x1BFF;
	s22 =	sshll.u32 s6, $0x1;
	s3 =	sadd.s32 s4, s20  }
0x14: {  	s7 =	simm.s32 $0x0;
	s21 =	sshll.u32 s5, $0x1;
	s5 =	sadd.s32 s22, s3  }
0x15: {  	[timem:s7], [sflag:s23] =	dma.local [hbm:s5], s21  }
0x16: {  	_ =	swait.ge [sflag:s23], s21  }
0x17: {  	s4 =	ssub.s32 $0x0, s21;
	[sflag:s23] =	ssyncset.done $0x0  }
0x18: {  	[sflag:s23] =	ssyncadd.s32 s4;
	_ =	sdelay $0x1  }
0x19: {  	s24 =	simm.s32 $0x1B8B  }
0x1a: {  	_ =	swait.ge [sflag:s24], $0x1  }
0x1b: {  	[sflag:s24] =	ssyncset.done $0x0  }
0x1c: {  	s26 =	simm.s32 $0x1B8E;
	s25 =	sld [smem:$0x3FFE];
	[sflag:s24] =	ssyncadd.s32 $0xFFFFFFFF  }
0x1d: {  	s27 =	simm.s32 $execute0_lowered;
	[smem:$0x3FD2] =	sst s26  }
0x1e: {  	s5 =	sshll.u32 s27, $0x1;
	_ =	strace $0x80000046;
	[dreg:$0x1] =	wrdreg $0xFFFFFFFF  }
0x1f: {  	s28 =	simm.s32 $_size_execute0_lowered;
	s3 =	sadd.s32 s3, s5;
	[dreg:$0x0] =	wrdreg $0x0  }
0x20: {  	s5 =	sshll.u32 s28, $0x1;
	[dreg:$0x2] =	wrdreg s3  }
0x21: {  	[dreg:$0x3] =	wrdreg s5  }
0x22: {  	[dreg:$0x4] =	wrdreg $0xC0  }
0x23: {  	_ =	task [dreg:s7], $0x5FFFF  }
0x24: {  	[dreg:$0x1] =	wrdreg $0xFFFFFFFF  }
0x25: {  	[dreg:$0x0] =	wrdreg $0x60  }
0x26: {  	[dreg:$0x2] =	wrdreg s2  }
0x27: {  	[dreg:$0x3] =	wrdreg s25  }
0x28: {  	[dreg:$0x4] =	wrdreg $0x9  }
0x29: {  	_ =	task.clear_ibuf [dreg:s7], $0x5FFFF;
	_ =	strace $0x90000046  }
0x2a: {  	s29 =	simm.s32 $0x9;
	_ =	strace $0x80000048  }
0x2b: {  	_ =	swait.ge [sflag:s29], $0x1  }
0x2c: {  	[sflag:s29] =	ssyncadd.s32 $0xFFFFFFFF  }
0x2d: {  	_ =	strace $0x90000048  }
0x2e: {  	_ =	sfence  }
0x2f: {  	s30 =	sld [smem:$0x0];
	_ =	sdelay $0x2  }
0x30: {  	s31 =	sshll.u32 s1, $0xD;
	s1 =	sshrl.u32 s1, $0x2  }
0x31: {  	s3 =	sand.u32 $0x4000, s31;
	s1 =	sadd.s32 s1, s30  }
0x32: {  	s0 =	sor.u32 s3, s0;
	s1 =	sshll.u32 s1, $0x11  }
0x33: {  	s0 =	sor.u32 s1, s0  }
0x34: {  	s0 =	sadd.s32 $0x8F2B, s0  }
0x35: {  	[sflag:s0] =	ssyncadd.remote.s32 $0x1  }
0x36: {  	_ =	sfence.sel $0xFFFF  }
0x37: {  	[dreg:$0x0] =	wrdreg $0xFFFFFFFF;
	(pc) =	sbr.abs _section_cstart, $3  }
0x38: {  	[dreg:$0x1] =	wrdreg $0xFFFFFFFF  }
0x39: {  	_ =	task.clear_ibuf [dreg:s7], $0x2FFFF;
	_ =	strace $0x9FFFFFFF  }
0x3a: {  	(tm) =	ssettm $0x7FFFFFFF  }
0x3b: {  	_ =	shalt  }
tec
execute0_lowered:
.L_overlay_start_1:
0x0: {  	(tag) =	ssettag $0x1  }
0x1: {  	s0 =	srdreg.scid  }
0x2: {  	s1 =	sshll.u32 s0, $0x4  }
0x3: {  	s2 =	rddreg [dreg:$0x0];
	s0 =	stileid.u32;
	s1 =	sand.u32 $0x10, s1  }
0x4: {  	s4 =	rddreg [dreg:$0x1];
	s7 =	simm.s32 $0x1;
	s1 =	sor.u32 s0, s1  }
0x5: {  	s8 =	simm.s32 $0x2;
	s11 =	simm.s32 $0x0;
	s3 =	sshll.u32 s1, $0x7  }
0x6: {  	s10 =	simm.s32 $0x0;
	s4 =	sadd.s32 $0x5200, s4;
	s6 =	ssub.s32 $0x27100, s3  }
.Ltmp0:
0x7: {  	s1 =	rddreg [dreg:$0x2];
	s5 =	sand.u32 $0xF80, s6;
	(pc) =	sbr.rel .LBB1_1-.Ltmp0, $4  }
0x8: {  	_ =	strace $0x80000047;
	s9 =	smov.u32 s3;
	p0 =	sne.s32 s5, $0x0  }
0x9: {  	s6 =	sshrl.u32 s6, $0xC;
	s5 =	simm.s32 $0x1;
	s7 =	simm.s32 @!p0 $0x0  }
0xa: {  	[sflag:s5] =	ssyncpa.u1 $0x0;
	p0 =	por $0x0, $0x0;
	s6 =	sadd.s32 s7, s6  }
0xb: {  	[sflag:s8] =	ssyncpa.u1 $0x0;
	s8 =	simm.s32 $0x138800;
	s7 =	sadd.s32 $0x1, s6  }
.LBB1_4:
0xc: {  	v5 =	vld [tilespmem:s15+$0xFFFFFFD0];
	[tilespmem:s14+$0x2040 ss:$0x81] =	vst.msk $0xffff, v3;
	s17 =	sshll.u32 s11, $0x3  }
0xd: {  	v58 =	vld [tilespmem:s15+$0xFFFFFFE0];
	[tilespmem:s14+$0x2850 ss:$0x81] =	vst.msk $0xffff, v4;
	s25 =	sand.u32 $0x7F, s11;
	s17 =	sand.u32 $0xFFFFFC00, s17  }
0xe: {  	s16 =	sshra.s32 s16, $0x2;
	v59 =	vld [tilespmem:s15+$0xFFFFFFF0];
	[tilespmem:s14+$0x3060 ss:$0x81] =	vst.msk $0xffff, v2;
	s11 =	sor.u32 s25, s17  }
0xf: {  	v60 =	vld [tilespmem:s15+$0x0];
	[tilespmem:s14+$0x0 ss:$0x81] =	vst.msk $0xffff, v0;
	s13 =	sadd.s32 s16, s13;
	s26 =	smulhi.u32 $0xD1B71759, s11  }
0x10: {  	v61 =	vld [tilespmem:s15+$0x10];
	[tilespmem:s13+$0x3870 ss:$0x81] =	vst.msk $0xffff, v1  }
0x11: {  	v62 =	vld [tilespmem:s15+$0x20];
	s27 =	smulhi.u32 $0xD1B71759, s17;
	[tilespmem:s13+$0x810 ss:$0x81] =	vst.msk $0xffff, v5;
	s14 =	sshrl.u32 s26, $0x11  }
0x12: {  	v63 =	vld [tilespmem:s15+$0xFFFFFFC0];
	[tilespmem:s13+$0x1020 ss:$0x81] =	vst.msk $0xffff, v58;
	s14 =	smul.u32 $0x27100, s14  }
0x13: {  	s28 =	sshrl.u32 s27, $0x11;
	[tilespmem:s13+$0x1830 ss:$0x81] =	vst.msk $0xffff, v59  }
0x14: {  	[tilespmem:s13+$0x2040 ss:$0x81] =	vst.msk $0xffff, v60;
	s29 =	sand.u32 $0x7F, s28;
	s11 =	ssub.s32 s11, s14  }
0x15: {  	[tilespmem:s13+$0x2850 ss:$0x81] =	vst.msk $0xffff, v61;
	s14 =	smul.u32 $0x4E20, s29;
	s30 =	sshrl.u32 s11, $0x3;
	s11 =	sand.u32 $0x7, s11  }
0x16: {  	[tilespmem:s13+$0x3060 ss:$0x81] =	vst.msk $0xffff, v62;
	s15 =	sadd.s32 s4, s30;
	s11 =	sshll.u32 s11, $0x12  }
0x17: {  	[tilespmem:s13+$0x0 ss:$0x81] =	vst.msk $0xffff, v63;
	s31 =	sadd.s32 s14, s15;
	s11 =	sor.u32 $0x400, s11  }
0x18: {  	[hbm4b:s31+s11] =	stream.strided.scatter [tilespmem:s12], [sflag:$0x2], $0x4000, s8, s11, $0x20;
	[tilespmem:$0x10100] =	vst v63  }
.LBB1_5:
0x19: {  	s13 =	sadd.s32 $0x1000, s9  }
0x1a: {  	p2 =	sgt.s32 s13, $0x270FF  }
0x1b: {  	s13 =	smov.u32 @p2 s3;
	p2 =	sne.s32 s10, s7  }
.Ltmp1:
0x1c: {  	p1 =	slt.u32 s10, $0x2;
	(pc) =	sbr.rel @!p2 .LBB1_6-.Ltmp1, $4  }
0x1d: {  	s12 =	simm.s32 @!p1 $0x2  }
0x1e: {  	s14 =	sadd.s32 $0x1, s10;
	_ =	swait.ge @!p1 [sflag:s12], $0x4000  }
0x1f: {  	s11 =	smov.u32 s9;
	p0 =	por !p0, !p0;
	[sflag:s12] =	ssyncset.done @!p1 $0x0  }
0x20: {  	s10 =	smov.u32 s14;
	s9 =	smov.u32 s13;
	[sflag:s12] =	ssyncadd.s32 @!p1 $0xFFFFC000  }
.LBB1_1:
0x21: {  	p1 =	sge.u32 s10, s6  }
0x22: {  	s12 =	sand.u32 @!p1 $0x1FFFFFF, s9  }
0x23: {  	s13 =	smulhi.u32 @!p1 $0x1A36E2F, s12;
	_ =	sdelay $0x1  }
0x24: {  	s13 =	sshrl.u32 @!p1 s13, $0xA  }
0x25: {  	s13 =	smul.u32 @!p1 $0x27100, s13;
	_ =	sdelay $0x1  }
0x26: {  	s14 =	sxor.u32 @!p1 $0xFFFFFFFF, s10;
	s12 =	ssub.s32 @!p1 s12, s13  }
0x27: {  	s31 =	sadd.s32 $0xFFFFFFFF, s10;
	s13 =	sshll.u32 @!p1 s14, $0xE;
	s12 =	sshll.u32 @!p1 s12, $0x4  }
0x28: {  	s14 =	simm.s32 @!p1 $0x0;
	s13 =	sand.u32 @!p1 $0x4000, s13;
	s12 =	sadd.s32 @!p1 s2, s12  }
0x29: {  	[tilespmem:s13], [sflag:$0x1] =	stream.linear.gather @!p1 [hbm4b:s12+s14], $0x4000, $0x38;
	[tilespmem:$0x10100] =	vst v63  }
0x2a: {  	p1 =	sge.u32 s31, s6  }
.Ltmp2:
0x2b: {  	_ = 	snop;
	(pc) =	sbr.rel @p1 .LBB1_5-.Ltmp2, $1  }
0x2c: {  	_ =	sdelay $0x3  }
0x2d: {  	s12 =	simm.s32 $0x1  }
0x2e: {  	_ =	swait.ge [sflag:s5], $0x4000;
	s12 =	simm.s32 @!p0 $0x0  }
0x2f: {  	[sflag:s5] =	ssyncset.done $0x0;
	s13 =	sshll.u32 s12, $0xE  }
0x30: {  	[sflag:s5] =	ssyncadd.s32 $0xFFFFC000;
	s15 =	sor.u32 $0x40, s13  }
0x31: {  	s12 =	smul.u32 $0x10200, s12;
	v0 =	vld [tilespmem:s15+$0x30]  }
0x32: {  	v1 =	vld [tilespmem:s15+$0xFFFFFFD0]  }
0x33: {  	s12 =	sshrl.u32 s12, $0x2;
	v5 =	vld [tilespmem:s15+$0xFFFFFFE0]  }
0x34: {  	v6 =	vld [tilespmem:s15+$0xFFFFFFF0];
	s13 =	sor.u32 $0x8000, s12  }
0x35: {  	s31 =	sand.u32 $0x1, s10;
	v3 =	vld [tilespmem:s15+$0x0];
	s14 =	sadd.s32 $0x0, s13  }
0x36: {  	v4 =	vld [tilespmem:s15+$0x10];
	s12 =	smul.u32 $0x10200, s31;
	[tilespmem:s14+$0x3870 ss:$0x81] =	vst.msk $0xffff, v0  }
0x37: {  	v2 =	vld [tilespmem:s15+$0x20];
	[tilespmem:s14+$0x810 ss:$0x81] =	vst.msk $0xffff, v1  }
0x38: {  	s12 =	sshrl.u32 s12, $0x2;
	v0 =	vld [tilespmem:s15+$0xFFFFFFC0];
	[tilespmem:s14+$0x1020 ss:$0x81] =	vst.msk $0xffff, v5;
	s15 =	sadd.s32 $0x80, s15  }
0x39: {  	s16 =	simm.s32 $0x4;
	s17 =	simm.s32 $0x8;
	s12 =	sor.u32 $0x8000, s12;
	[tilespmem:s14+$0x1830 ss:$0x81] =	vst.msk $0xffff, v6;
	v1 =	vld [tilespmem:s15+$0x30]  }
.LBB1_3:
0x3a: {  	p1 =	sne.s32 s17, $0x1FC;
	v5 =	vld [tilespmem:s15+$0xFFFFFFD0];
	[tilespmem:s14+$0x2040 ss:$0x81] =	vst.msk $0xffff, v3  }
0x3b: {  	v6 =	vld [tilespmem:s15+$0xFFFFFFE0];
	[tilespmem:s14+$0x2850 ss:$0x81] =	vst.msk $0xffff, v4  }
0x3c: {  	s18 =	sshra.s32 s16, $0x2;
	s16 =	smov.u32 s17;
	v7 =	vld [tilespmem:s15+$0xFFFFFFF0];
	[tilespmem:s14+$0x3060 ss:$0x81] =	vst.msk $0xffff, v2  }
.Ltmp3:
0x3d: {  	v3 =	vld [tilespmem:s15+$0x0];
	[tilespmem:s14+$0x0 ss:$0x81] =	vst.msk $0xffff, v0;
	s14 =	sadd.s32 s18, s13;
	(pc) =	sbr.rel @p1 .LBB1_3-.Ltmp3, $4  }
0x3e: {  	v4 =	vld [tilespmem:s15+$0x10];
	[tilespmem:s14+$0x3870 ss:$0x81] =	vst.msk $0xffff, v1  }
0x3f: {  	[tilespmem:s14+$0x810 ss:$0x81] =	vst.msk $0xffff, v5;
	v2 =	vld [tilespmem:s15+$0x20]  }
0x40: {  	v0 =	vld [tilespmem:s15+$0xFFFFFFC0];
	[tilespmem:s14+$0x1020 ss:$0x81] =	vst.msk $0xffff, v6;
	s15 =	sadd.s32 $0x80, s15  }
0x41: {  	s17 =	sadd.s32 $0x4, s17;
	v1 =	vld [tilespmem:s15+$0x30];
	[tilespmem:s14+$0x1830 ss:$0x81] =	vst.msk $0xffff, v7  }
.Ltmp4:
0x42: {  	_ = 	snop;
	(pc) =	sbr.rel .LBB1_4-.Ltmp4, $1  }
0x43: {  	_ =	sdelay $0x3  }
.LBB1_6:
0x44: {  	_ =	sfence.sel $0x180000  }
0x45: {  	s2 =	simm.s32 $0x1;
	[bflag:$0x0] =	sbarrier.arrive $0xFFFF  }
0x46: {  	s31 =	simm.s32 $0x2;
	[sflag:s2] =	ssyncpa.u1 $0x1  }
0x47: {  	[sflag:s31] =	ssyncpa.u1 $0x1  }
0x48: {  	p0 =	sne.s32 s0, $0x0;
	_ =	strace $0x90000047  }
0x49: {  	s0 =	sadd.s32 @!p0 $0x100000, s1;
	[bflag:$0x2] =	sbarrier.arrive $0xFFFF  }
0x4a: {  	[sflag:s0] =	ssyncadd.tile.s32 @!p0 $0x1;
	_ =	shalt  }
.Lfunc_end1:
_tile_overlayer_lowered:
.L_overlay_start_2:
0x4b: {  	(tag) =	ssettag $0x2  }
0x4c: {  	s0 =	rddreg [dreg:$0x0];
	s2 =	stileid.u32  }
0x4d: {  	s1 =	rddreg [dreg:$0x1];
	p0 =	sne.s32 s2, $0x0  }
0x4e: {  	s3 =	rddreg [dreg:$0x2];
	[bflag:$0x3] =	sbarrier.arrive $0xFFFF;
	s2 =	simm.s32 @!p0 $0x1C01  }
0x4f: {  	[timem:s3], [sflag:s2] =	dma.local @!p0 [hbm:s0], s1  }
0x50: {  	s0 =	simm.s32 @!p0 $0x1  }
0x51: {  	_ =	swait.ge @!p0 [sflag:s0], s1  }
0x52: {  	s1 =	ssub.s32 @!p0 $0x0, s1;
	[sflag:s0] =	ssyncset.done @!p0 $0x0  }
0x53: {  	[sflag:s0] =	ssyncadd.s32 @!p0 s1  }
0x54: {  	[bflag:$0x3] =	sbarrier.arrive $0xFFFF  }
0x55: {  	_ =	shalt  }

</sc_bundles>
